<compile_context>
chip_gen: v7x
topology: tpu7x:2x2x1
jax: 0.10.2.dev20260603
libtpu: 0.0.44.dev20260713+nightly
codegen_flags: <defaults>
</compile_context>

<pallas_src>
import jax
import jax.numpy as jnp
from jax import lax
from jax.experimental import pallas as pl
from jax.experimental.pallas import tpu as pltpu, tpu_sc as plsc

N = 10000
E = 320000
D = 128
H = 256
C = 64
SAMPLE = 2
ORDER = 4
P_DROP_NODE = 0.5

NS = 16
LANES = 16
EPS = E // NS
CH = 80
NCH = EPS // CH
RCH = 80
NRC = N // RCH
RITER = (NRC + NS - 1) // NS
DV = D // LANES


def _rsqrt16(x):
    y = jnp.full((LANES,), 1.0, jnp.float32)
    for k in range(1, 19):
        y = jnp.where(x >= float(1 << k), jnp.float32(2.0 ** (-k / 2.0)), y)
    for _ in range(5):
        y = y * (1.5 - 0.5 * x * y * y)
    return y


def _prop_body(x0_hbm, src2_hbm, dst_hbm,
               xs_hbm, nx1_hbm, nx2_hbm, nx3_hbm, nx4_hbm, nsh_hbm, ndh_hbm,
               acc, idxs, idxd, idxs2, idxd2, msg, msg2, rowbuf, nbuf, sem, sem2):
    c = lax.axis_index("c")
    s = lax.axis_index("s")
    nx_hbm = [nx1_hbm, nx2_hbm, nx3_hbm, nx4_hbm]

    def zero_rowbuf(r, _):
        for j in range(DV):
            rowbuf[r, pl.ds(LANES * j, LANES)] = jnp.zeros((LANES,), jnp.float32)
        return 0

    def srow(r, _c):
        nv = nbuf[r, :]
        for j in range(DV):
            sl = pl.ds(LANES * j, LANES)
            rowbuf[r, sl] = rowbuf[r, sl] * nv
        return 0

    def fill_body(r, _):
        zero_rowbuf(r, 0)
        for j in range(DV):
            msg[r, pl.ds(LANES * j, LANES)] = jnp.ones((LANES,), jnp.float32)
            msg2[r, pl.ds(LANES * j, LANES)] = jnp.ones((LANES,), jnp.float32)
        return 0

    lax.fori_loop(0, RCH, fill_body, 0)

    def zero_body(i, _):
        ch = i * NS + s

        @pl.when(ch < NRC)
        def _():
            pltpu.sync_copy(rowbuf, acc.at[pl.ds(ch * RCH, RCH)])

        return 0

    lax.fori_loop(0, RITER, zero_body, 0)
    plsc.subcore_barrier()

    for which, norm_hbm in ((0, nsh_hbm), (1, ndh_hbm)):
        eidx_hbm = src2_hbm if which == 0 else dst_hbm

        def dload(buf, chunk):
            pltpu.sync_copy(eidx_hbm.at[pl.ds(s * EPS + chunk * CH, CH)], buf)

        dload(idxs, 0)

        def dpair(p, _):
            a1 = pltpu.async_copy(msg, acc.at[idxs], add=True, sem=sem)
            dload(idxs2, 2 * p + 1)
            a2 = pltpu.async_copy(msg2, acc.at[idxs2], add=True, sem=sem2)
            pltpu.make_async_copy(msg, acc.at[idxs], sem).wait()

            @pl.when(p + 1 < NCH // 2)
            def _():
                dload(idxs, 2 * p + 2)

            pltpu.make_async_copy(msg2, acc.at[idxs2], sem2).wait()
            return 0

        lax.fori_loop(0, NCH // 2, dpair, 0)
        plsc.subcore_barrier()

        def extract_body(i, _):
            ch = i * NS + s

            @pl.when(ch < NRC)
            def _():
                row0 = ch * RCH
                pltpu.sync_copy(acc.at[pl.ds(row0, RCH)], rowbuf)

                def nrow(r, _c):
                    nbuf[r, :] = _rsqrt16(
                        jnp.maximum(rowbuf[r, pl.ds(0, LANES)], 1.0))
                    return 0

                lax.fori_loop(0, RCH, nrow, 0)
                pltpu.sync_copy(nbuf, norm_hbm.at[pl.ds(row0, RCH)])
                lax.fori_loop(0, RCH, zero_rowbuf, 0)
                pltpu.sync_copy(rowbuf, acc.at[pl.ds(row0, RCH)])

            return 0

        lax.fori_loop(0, RITER, extract_body, 0)
        plsc.subcore_barrier()

    def init_body(i, _):
        ch = i * NS + s

        @pl.when(ch < NRC)
        def _():
            row0 = ch * RCH
            grow0 = c * N + row0
            pltpu.sync_copy(nsh_hbm.at[pl.ds(row0, RCH)], nbuf)
            pltpu.sync_copy(x0_hbm.at[pl.ds(grow0, RCH)], rowbuf)
            lax.fori_loop(0, RCH, srow, 0)
            pltpu.sync_copy(rowbuf, xs_hbm.at[pl.ds(grow0, RCH)])

        return 0

    lax.fori_loop(0, RITER, init_body, 0)
    plsc.subcore_barrier()

    for k in range(ORDER):
        last = k == ORDER - 1

        ebase = s * EPS
        pltpu.sync_copy(src2_hbm.at[pl.ds(c * E + ebase, CH)], idxs)
        pltpu.sync_copy(dst_hbm.at[pl.ds(ebase, CH)], idxd)
        g0 = pltpu.async_copy(xs_hbm.at[idxs], msg, sem)

        def pair_body(p, _):
            off_b = ebase + (2 * p + 1) * CH
            pltpu.sync_copy(src2_hbm.at[pl.ds(c * E + off_b, CH)], idxs2)
            pltpu.sync_copy(dst_hbm.at[pl.ds(off_b, CH)], idxd2)
            gb = pltpu.async_copy(xs_hbm.at[idxs2], msg2, sem2)
            pltpu.make_async_copy(xs_hbm.at[idxs], msg, sem).wait()
            pltpu.sync_copy(msg, acc.at[idxd], add=True)

            @pl.when(p + 1 < NCH // 2)
            def _():
                off_a = ebase + (2 * p + 2) * CH
                pltpu.sync_copy(src2_hbm.at[pl.ds(c * E + off_a, CH)], idxs)
                pltpu.sync_copy(dst_hbm.at[pl.ds(off_a, CH)], idxd)
                pltpu.async_copy(xs_hbm.at[idxs], msg, sem)

            pltpu.make_async_copy(xs_hbm.at[idxs2], msg2, sem2).wait()
            pltpu.sync_copy(msg2, acc.at[idxd2], add=True)
            return 0

        lax.fori_loop(0, NCH // 2, pair_body, 0)
        plsc.subcore_barrier()

        def epi_body(i, _):
            ch = i * NS + s

            @pl.when(ch < NRC)
            def _():
                row0 = ch * RCH
                grow0 = c * N + row0
                pltpu.sync_copy(acc.at[pl.ds(row0, RCH)], rowbuf)
                pltpu.sync_copy(ndh_hbm.at[pl.ds(row0, RCH)], nbuf)
                lax.fori_loop(0, RCH, srow, 0)
                pltpu.sync_copy(rowbuf, nx_hbm[k].at[pl.ds(grow0, RCH)])
                if not last:
                    pltpu.sync_copy(nsh_hbm.at[pl.ds(row0, RCH)], nbuf)
                    lax.fori_loop(0, RCH, srow, 0)
                    pltpu.sync_copy(rowbuf, xs_hbm.at[pl.ds(grow0, RCH)])
                    lax.fori_loop(0, RCH, zero_rowbuf, 0)
                    pltpu.sync_copy(rowbuf, acc.at[pl.ds(row0, RCH)])

            return 0

        lax.fori_loop(0, RITER, epi_body, 0)
        if not last:
            plsc.subcore_barrier()


_propagate = pl.kernel(
    _prop_body,
    out_type=[jax.ShapeDtypeStruct((SAMPLE * N, D), jnp.float32)
              for _ in range(ORDER + 1)]
             + [jax.ShapeDtypeStruct((N, LANES), jnp.float32)
                for _ in range(2)],
    mesh=plsc.VectorSubcoreMesh(core_axis_name="c", subcore_axis_name="s"),
    scratch_types=[
        pltpu.VMEM_SHARED((N, D), jnp.float32),
        pltpu.VMEM((CH,), jnp.int32),
        pltpu.VMEM((CH,), jnp.int32),
        pltpu.VMEM((CH,), jnp.int32),
        pltpu.VMEM((CH,), jnp.int32),
        pltpu.VMEM((CH, D), jnp.float32),
        pltpu.VMEM((CH, D), jnp.float32),
        pltpu.VMEM((RCH, D), jnp.float32),
        pltpu.VMEM((RCH, LANES), jnp.float32),
        pltpu.SemaphoreType.DMA,
        pltpu.SemaphoreType.DMA,
    ],
)


def _mlp_body(x0_ref, x1_ref, x2_ref, x3_ref, x4_ref,
              w1_ref, b1_ref, w2_ref, b2_ref, out_ref):
    y = (x0_ref[...] + x1_ref[...] + x2_ref[...] + x3_ref[...] + x4_ref[...])
    y = y * (1.0 / (ORDER + 1))
    h = jnp.dot(y, w1_ref[...], preferred_element_type=jnp.float32) + b1_ref[...]
    h = jnp.maximum(h, 0.0)
    o = jnp.dot(h, w2_ref[...], preferred_element_type=jnp.float32) + b2_ref[...]
    m = jnp.max(o, axis=-1, keepdims=True)
    lse = jnp.log(jnp.sum(jnp.exp(o - m), axis=-1, keepdims=True)) + m
    out_ref[...] = o - lse


_MLP_ROWS = 2000

_mlp = pl.pallas_call(
    _mlp_body,
    grid=(SAMPLE * N // _MLP_ROWS,),
    in_specs=[
        pl.BlockSpec((_MLP_ROWS, D), lambda i: (i, 0)),
        pl.BlockSpec((_MLP_ROWS, D), lambda i: (i, 0)),
        pl.BlockSpec((_MLP_ROWS, D), lambda i: (i, 0)),
        pl.BlockSpec((_MLP_ROWS, D), lambda i: (i, 0)),
        pl.BlockSpec((_MLP_ROWS, D), lambda i: (i, 0)),
        pl.BlockSpec((D, H), lambda i: (0, 0)),
        pl.BlockSpec((1, H), lambda i: (0, 0)),
        pl.BlockSpec((H, C), lambda i: (0, 0)),
        pl.BlockSpec((1, C), lambda i: (0, 0)),
    ],
    out_specs=pl.BlockSpec((_MLP_ROWS, C), lambda i: (i, 0)),
    out_shape=jax.ShapeDtypeStruct((SAMPLE * N, C), jnp.float32),
)


@jax.jit
def kernel(feats, edge_index, W1, b1, W2, b2):
    src = edge_index[0]
    dst = edge_index[1]

    masks = []
    for sm in range(SAMPLE):
        mk = jax.random.fold_in(jax.random.key(1), sm)
        masks.append(
            jax.random.bernoulli(mk, 1.0 - P_DROP_NODE, (N, 1)).astype(jnp.float32)
        )
    x0 = jnp.concatenate([feats * m for m in masks], axis=0)

    src2 = jnp.concatenate([src, src + N], axis=0)

    _, nx1, nx2, nx3, nx4, _, _ = _propagate(x0, src2, dst)
    logits = _mlp(x0, nx1, nx2, nx3, nx4,
                  W1, b1.reshape(1, H), W2, b2.reshape(1, C))
    return logits.reshape(SAMPLE, N, C)

# --- scband reference (transcript-rebuilt; emitter-appended) ---
"""Pipeline reference for scband-grand-47184510714118 (READ-ONLY COPY).

The authoritative reference and input builder live on the scoring server;
editing this copy changes nothing except your own understanding.
"""

import jax, jax.numpy as jnp
import numpy as np

N = 10000
E = 320000
D = 128
H = 256
C = 64
SAMPLE = 2
ORDER = 4
P_DROP_NODE = 0.5


def setup_inputs(seed: int = 0) -> dict:
    key = jax.random.key(seed)
    k1, k2, k3, k4 = jax.random.split(key, 4)
    feats = jax.random.normal(k1, (N, D), dtype=jnp.float32)
    edge_index = jax.random.randint(k2, (2, E), 0, N, dtype=jnp.int32)
    W1 = jax.random.normal(k3, (D, H), dtype=jnp.float32) * 0.02
    b1 = jnp.zeros((H,), dtype=jnp.float32)
    W2 = jax.random.normal(k4, (H, C), dtype=jnp.float32) * 0.02
    b2 = jnp.zeros((C,), dtype=jnp.float32)
    return {"feats": feats, "edge_index": edge_index, "W1": W1, "b1": b1, "W2": W2, "b2": b2}


def _gcn_conv(x, src, dst, norm_src, norm_dst):
    # DGL GraphConv(norm='both', weight=False, bias=False):
    # out = D_in^{-1/2} A (D_out^{-1/2} x)
    xn = x * norm_src[:, None]
    msg = jnp.take(xn, src, axis=0)
    agg = jax.ops.segment_sum(msg, dst, num_segments=N)
    return agg * norm_dst[:, None]


def reference(feats, edge_index, W1, b1, W2, b2):
    src = edge_index[0]
    dst = edge_index[1]
    ones = jnp.ones((E,), dtype=jnp.float32)
    deg_out = jax.ops.segment_sum(ones, src, num_segments=N)
    deg_in = jax.ops.segment_sum(ones, dst, num_segments=N)
    norm_src = jax.lax.rsqrt(jnp.maximum(deg_out, 1.0))
    norm_dst = jax.lax.rsqrt(jnp.maximum(deg_in, 1.0))

    logits_list = []
    for s in range(SAMPLE):
        # drop_node: bernoulli node mask (deterministic jax key per sample)
        mk = jax.random.fold_in(jax.random.key(1), s)
        mask = jax.random.bernoulli(mk, 1.0 - P_DROP_NODE, (N, 1)).astype(jnp.float32)
        X = feats * mask
        # propagation: y = mean of powers of normalized adjacency applied to X
        y = X
        for _ in range(ORDER):
            X = _gcn_conv(X, src, dst, norm_src, norm_dst)
            y = y + X
        y = y / (ORDER + 1)
        # MLP (bn=False, dropouts p=0 -> identity in eval)
        h = jnp.maximum(y @ W1 + b1, 0.0)
        out = h @ W2 + b2
        logits_list.append(jax.nn.log_softmax(out, axis=-1))
    return jnp.stack(logits_list, axis=0)

if __name__ == "__main__":
    import jax
    _d = setup_inputs()
    print(jax.jit(kernel)(*tuple(_d.values())))

</pallas_src>

<mosaic_0001>
#map = affine_map<(d0, d1) -> (0, 0)>
#map1 = affine_map<(d0, d1) -> (0)>
module attributes {stable_mosaic.version = 14 : i64} {
  func.func @_prop_body(%arg0: i32, %arg1: i32, %arg2: memref<20000x128xf32, #tpu.memory_space<hbm>>, %arg3: memref<640000xi32, #tpu.memory_space<hbm>>, %arg4: memref<320000xi32, #tpu.memory_space<hbm>>, %arg5: memref<20000x128xf32, #tpu.memory_space<hbm>>, %arg6: memref<20000x128xf32, #tpu.memory_space<hbm>>, %arg7: memref<20000x128xf32, #tpu.memory_space<hbm>>, %arg8: memref<20000x128xf32, #tpu.memory_space<hbm>>, %arg9: memref<20000x128xf32, #tpu.memory_space<hbm>>, %arg10: memref<10000x16xf32, #tpu.memory_space<hbm>>, %arg11: memref<10000x16xf32, #tpu.memory_space<hbm>>, %arg12: memref<10000x128xf32, #tpu.memory_space<vmem_shared>>, %arg13: memref<80xi32, #tpu.memory_space<vmem>>, %arg14: memref<80xi32, #tpu.memory_space<vmem>>, %arg15: memref<80xi32, #tpu.memory_space<vmem>>, %arg16: memref<80xi32, #tpu.memory_space<vmem>>, %arg17: memref<80x128xf32, #tpu.memory_space<vmem>>, %arg18: memref<80x128xf32, #tpu.memory_space<vmem>>, %arg19: memref<80x128xf32, #tpu.memory_space<vmem>>, %arg20: memref<80x16xf32, #tpu.memory_space<vmem>>, %arg21: memref<!tpu.dma_semaphore, #tpu.memory_space<semaphore_mem>>, %arg22: memref<!tpu.dma_semaphore, #tpu.memory_space<semaphore_mem>>) attributes {dimension_semantics = [#tpu.dimension_semantics<core_parallel>, #tpu.dimension_semantics<subcore_parallel>], iteration_bounds = array<i64: 2, 16>, scalar_prefetch = 0 : i64, scratch_operands = 11 : i64, tpu.core_type = #tpu.core_type<sc_vector_subcore>, window_params = [{transform_indices = #map}, {transform_indices = #map1}, {transform_indices = #map1}, {transform_indices = #map}, {transform_indices = #map}, {transform_indices = #map}, {transform_indices = #map}, {transform_indices = #map}, {transform_indices = #map}, {transform_indices = #map}]} {
    %scan3A = arith.constant 0 : i32
    %scan3A_0 = arith.constant 0 : i32
    %scan3A_1 = arith.constant 80 : i32
    %scan3A_2 = arith.addi %scan3A_0, %scan3A_1 : i32
    %scan3A_3 = arith.constant 1 : i32
    %scan3A_4 = scf.for %scan3A_153 = %scan3A_0 to %scan3A_2 step %scan3A_3 iter_args(%scan3A_154 = %scan3A) -> (i32)  : i32 {
      %broadcast_in_dim3A = arith.constant 0.000000e+00 : f32
      %broadcast_in_dim3A_155 = vector.broadcast %broadcast_in_dim3A : f32 to vector<16xf32>
      %swap3A = arith.index_cast %scan3A_153 : i32 to index
      %swap3A_156 = arith.constant 0 : index
      %swap3A_157 = tpu.vector_load %arg19[%swap3A, %swap3A_156] {strides = array<i32>} : memref<80x128xf32, #tpu.memory_space<vmem>>, vector<1x16xf32>,
      %swap3A_158 = vector.shape_cast %swap3A_157 : vector<1x16xf32> to vector<16xf32>
      %swap3A_159 = vector.shape_cast %broadcast_in_dim3A_155 : vector<16xf32> to vector<1x16xf32>
      tpu.vector_store %arg19[%swap3A, %swap3A_156], %swap3A_159 {strides = array<i32>} : memref<80x128xf32, #tpu.memory_space<vmem>>, vector<1x16xf32>,
      %broadcast_in_dim3A_160 = arith.constant 0.000000e+00 : f32
      %broadcast_in_dim3A_161 = vector.broadcast %broadcast_in_dim3A_160 : f32 to vector<16xf32>
      %swap3A_162 = arith.index_cast %scan3A_153 : i32 to index
      %swap3A_163 = arith.constant 16 : index
      %swap3A_164 = tpu.vector_load %arg19[%swap3A_162, %swap3A_163] {strides = array<i32>} : memref<80x128xf32, #tpu.memory_space<vmem>>, vector<1x16xf32>,
      %swap3A_165 = vector.shape_cast %swap3A_164 : vector<1x16xf32> to vector<16xf32>
      %swap3A_166 = vector.shape_cast %broadcast_in_dim3A_161 : vector<16xf32> to vector<1x16xf32>
      tpu.vector_store %arg19[%swap3A_162, %swap3A_163], %swap3A_166 {strides = array<i32>} : memref<80x128xf32, #tpu.memory_space<vmem>>, vector<1x16xf32>,
      %broadcast_in_dim3A_167 = arith.constant 0.000000e+00 : f32
      %broadcast_in_dim3A_168 = vector.broadcast %broadcast_in_dim3A_167 : f32 to vector<16xf32>
      %swap3A_169 = arith.index_cast %scan3A_153 : i32 to index
      %swap3A_170 = arith.constant 32 : index
      %swap3A_171 = tpu.vector_load %arg19[%swap3A_169, %swap3A_170] {strides = array<i32>} : memref<80x128xf32, #tpu.memory_space<vmem>>, vector<1x16xf32>,
      %swap3A_172 = vector.shape_cast %swap3A_171 : vector<1x16xf32> to vector<16xf32>
      %swap3A_173 = vector.shape_cast %broadcast_in_dim3A_168 : vector<16xf32> to vector<1x16xf32>
      tpu.vector_store %arg19[%swap3A_169, %swap3A_170], %swap3A_173 {strides = array<i32>} : memref<80x128xf32, #tpu.memory_space<vmem>>, vector<1x16xf32>,
      %broadcast_in_dim3A_174 = arith.constant 0.000000e+00 : f32
      %broadcast_in_dim3A_175 = vector.broadcast %broadcast_in_dim3A_174 : f32 to vector<16xf32>
      %swap3A_176 = arith.index_cast %scan3A_153 : i32 to index
      %swap3A_177 = arith.constant 48 : index
      %swap3A_178 = tpu.vector_load %arg19[%swap3A_176, %swap3A_177] {strides = array<i32>} : memref<80x128xf32, #tpu.memory_space<vmem>>, vector<1x16xf32>,
      %swap3A_179 = vector.shape_cast %swap3A_178 : vector<1x16xf32> to vector<16xf32>
      %swap3A_180 = vector.shape_cast %broadcast_in_dim3A_175 : vector<16xf32> to vector<1x16xf32>
      tpu.vector_store %arg19[%swap3A_176, %swap3A_177], %swap3A_180 {strides = array<i32>} : memref<80x128xf32, #tpu.memory_space<vmem>>, vector<1x16xf32>,
      %broadcast_in_dim3A_181 = arith.constant 0.000000e+00 : f32
      %broadcast_in_dim3A_182 = vector.broadcast %broadcast_in_dim3A_181 : f32 to vector<16xf32>
      %swap3A_183 = arith.index_cast %scan3A_153 : i32 to index
      %swap3A_184 = arith.constant 64 : index
      %swap3A_185 = tpu.vector_load %arg19[%swap3A_183, %swap3A_184] {strides = array<i32>} : memref<80x128xf32, #tpu.memory_space<vmem>>, vector<1x16xf32>,
      %swap3A_186 = vector.shape_cast %swap3A_185 : vector<1x16xf32> to vector<16xf32>
      %swap3A_187 = vector.shape_cast %broadcast_in_dim3A_182 : vector<16xf32> to vector<1x16xf32>
      tpu.vector_store %arg19[%swap3A_183, %swap3A_184], %swap3A_187 {strides = array<i32>} : memref<80x128xf32, #tpu.memory_space<vmem>>, vector<1x16xf32>,
      %broadcast_in_dim3A_188 = arith.constant 0.000000e+00 : f32
      %broadcast_in_dim3A_189 = vector.broadcast %broadcast_in_dim3A_188 : f32 to vector<16xf32>
      %swap3A_190 = arith.index_cast %scan3A_153 : i32 to index
      %swap3A_191 = arith.constant 80 : index
      %swap3A_192 = tpu.vector_load %arg19[%swap3A_190, %swap3A_191] {strides = array<i32>} : memref<80x128xf32, #tpu.memory_space<vmem>>, vector<1x16xf32>,
      %swap3A_193 = vector.shape_cast %swap3A_192 : vector<1x16xf32> to vector<16xf32>
      %swap3A_194 = vector.shape_cast %broadcast_in_dim3A_189 : vector<16xf32> to vector<1x16xf32>
      tpu.vector_store %arg19[%swap3A_190, %swap3A_191], %swap3A_194 {strides = array<i32>} : memref<80x128xf32, #tpu.memory_space<vmem>>, vector<1x16xf32>,
      %broadcast_in_dim3A_195 = arith.constant 0.000000e+00 : f32
      %broadcast_in_dim3A_196 = vector.broadcast %broadcast_in_dim3A_195 : f32 to vector<16xf32>
      %swap3A_197 = arith.index_cast %scan3A_153 : i32 to index
      %swap3A_198 = arith.constant 96 : index
      %swap3A_199 = tpu.vector_load %arg19[%swap3A_197, %swap3A_198] {strides = array<i32>} : memref<80x128xf32, #tpu.memory_space<vmem>>, vector<1x16xf32>,
      %swap3A_200 = vector.shape_cast %swap3A_199 : vector<1x16xf32> to vector<16xf32>
      %swap3A_201 = vector.shape_cast %broadcast_in_dim3A_196 : vector<16xf32> to vector<1x16xf32>
      tpu.vector_store %arg19[%swap3A_197, %swap3A_198], %swap3A_201 {strides = array<i32>} : memref<80x128xf32, #tpu.memory_space<vmem>>, vector<1x16xf32>,
      %broadcast_in_dim3A_202 = arith.constant 0.000000e+00 : f32
      %broadcast_in_dim3A_203 = vector.broadcast %broadcast_in_dim3A_202 : f32 to vector<16xf32>
      %swap3A_204 = arith.index_cast %scan3A_153 : i32 to index
      %swap3A_205 = arith.constant 112 : index
      %swap3A_206 = tpu.vector_load %arg19[%swap3A_204, %swap3A_205] {strides = array<i32>} : memref<80x128xf32, #tpu.memory_space<vmem>>, vector<1x16xf32>,
      %swap3A_207 = vector.shape_cast %swap3A_206 : vector<1x16xf32> to vector<16xf32>
      %swap3A_208 = vector.shape_cast %broadcast_in_dim3A_203 : vector<16xf32> to vector<1x16xf32>
      tpu.vector_store %arg19[%swap3A_204, %swap3A_205], %swap3A_208 {strides = array<i32>} : memref<80x128xf32, #tpu.memory_space<vmem>>, vector<1x16xf32>,
      %broadcast_in_dim3A_209 = arith.constant 1.000000e+00 : f32
      %broadcast_in_dim3A_210 = vector.broadcast %broadcast_in_dim3A_209 : f32 to vector<16xf32>
      %swap3A_211 = arith.index_cast %scan3A_153 : i32 to index
      %swap3A_212 = arith.constant 0 : index
      %swap3A_213 = tpu.vector_load %arg17[%swap3A_211, %swap3A_212] {strides = array<i32>} : memref<80x128xf32, #tpu.memory_space<vmem>>, vector<1x16xf32>,
      %swap3A_214 = vector.shape_cast %swap3A_213 : vector<1x16xf32> to vector<16xf32>
      %swap3A_215 = vector.shape_cast %broadcast_in_dim3A_210 : vector<16xf32> to vector<1x16xf32>
      tpu.vector_store %arg17[%swap3A_211, %swap3A_212], %swap3A_215 {strides = array<i32>} : memref<80x128xf32, #tpu.memory_space<vmem>>, vector<1x16xf32>,
      %broadcast_in_dim3A_216 = arith.constant 1.000000e+00 : f32
      %broadcast_in_dim3A_217 = vector.broadcast %broadcast_in_dim3A_216 : f32 to vector<16xf32>
      %swap3A_218 = arith.index_cast %scan3A_153 : i32 to index
      %swap3A_219 = arith.constant 0 : index
      %swap3A_220 = tpu.vector_load %arg18[%swap3A_218, %swap3A_219] {strides = array<i32>} : memref<80x128xf32, #tpu.memory_space<vmem>>, vector<1x16xf32>,
      %swap3A_221 = vector.shape_cast %swap3A_220 : vector<1x16xf32> to vector<16xf32>
      %swap3A_222 = vector.shape_cast %broadcast_in_dim3A_217 : vector<16xf32> to vector<1x16xf32>
      tpu.vector_store %arg18[%swap3A_218, %swap3A_219], %swap3A_222 {strides = array<i32>} : memref<80x128xf32, #tpu.memory_space<vmem>>, vector<1x16xf32>,
      %broadcast_in_dim3A_223 = arith.constant 1.000000e+00 : f32
      %broadcast_in_dim3A_224 = vector.broadcast %broadcast_in_dim3A_223 : f32 to vector<16xf32>
      %swap3A_225 = arith.index_cast %scan3A_153 : i32 to index
      %swap3A_226 = arith.constant 16 : index
      %swap3A_227 = tpu.vector_load %arg17[%swap3A_225, %swap3A_226] {strides = array<i32>} : memref<80x128xf32, #tpu.memory_space<vmem>>, vector<1x16xf32>,
      %swap3A_228 = vector.shape_cast %swap3A_227 : vector<1x16xf32> to vector<16xf32>
      %swap3A_229 = vector.shape_cast %broadcast_in_dim3A_224 : vector<16xf32> to vector<1x16xf32>
      tpu.vector_store %arg17[%swap3A_225, %swap3A_226], %swap3A_229 {strides = array<i32>} : memref<80x128xf32, #tpu.memory_space<vmem>>, vector<1x16xf32>,
      %broadcast_in_dim3A_230 = arith.constant 1.000000e+00 : f32
      %broadcast_in_dim3A_231 = vector.broadcast %broadcast_in_dim3A_230 : f32 to vector<16xf32>
      %swap3A_232 = arith.index_cast %scan3A_153 : i32 to index
      %swap3A_233 = arith.constant 16 : index
      %swap3A_234 = tpu.vector_load %arg18[%swap3A_232, %swap3A_233] {strides = array<i32>} : memref<80x128xf32, #tpu.memory_space<vmem>>, vector<1x16xf32>,
      %swap3A_235 = vector.shape_cast %swap3A_234 : vector<1x16xf32> to vector<16xf32>
      %swap3A_236 = vector.shape_cast %broadcast_in_dim3A_231 : vector<16xf32> to vector<1x16xf32>
      tpu.vector_store %arg18[%swap3A_232, %swap3A_233], %swap3A_236 {strides = array<i32>} : memref<80x128xf32, #tpu.memory_space<vmem>>, vector<1x16xf32>,
      %broadcast_in_dim3A_237 = arith.constant 1.000000e+00 : f32
      %broadcast_in_dim3A_238 = vector.broadcast %broadcast_in_dim3A_237 : f32 to vector<16xf32>
      %swap3A_239 = arith.index_cast %scan3A_153 : i32 to index
      %swap3A_240 = arith.constant 32 : index
      %swap3A_241 = tpu.vector_load %arg17[%swap3A_239, %swap3A_240] {strides = array<i32>} : memref<80x128xf32, #tpu.memory_space<vmem>>, vector<1x16xf32>,
      %swap3A_242 = vector.shape_cast %swap3A_241 : vector<1x16xf32> to vector<16xf32>
      %swap3A_243 = vector.shape_cast %broadcast_in_dim3A_238 : vector<16xf32> to vector<1x16xf32>
      tpu.vector_store %arg17[%swap3A_239, %swap3A_240], %swap3A_243 {strides = array<i32>} : memref<80x128xf32, #tpu.memory_space<vmem>>, vector<1x16xf32>,
      %broadcast_in_dim3A_244 = arith.constant 1.000000e+00 : f32
      %broadcast_in_dim3A_245 = vector.broadcast %broadcast_in_dim3A_244 : f32 to vector<16xf32>
      %swap3A_246 = arith.index_cast %scan3A_153 : i32 to index
      %swap3A_247 = arith.constant 32 : index
      %swap3A_248 = tpu.vector_load %arg18[%swap3A_246, %swap3A_247] {strides = array<i32>} : memref<80x128xf32, #tpu.memory_space<vmem>>, vector<1x16xf32>,
      %swap3A_249 = vector.shape_cast %swap3A_248 : vector<1x16xf32> to vector<16xf32>
      %swap3A_250 = vector.shape_cast %broadcast_in_dim3A_245 : vector<16xf32> to vector<1x16xf32>
      tpu.vector_store %arg18[%swap3A_246, %swap3A_247], %swap3A_250 {strides = array<i32>} : memref<80x128xf32, #tpu.memory_space<vmem>>, vector<1x16xf32>,
      %broadcast_in_dim3A_251 = arith.constant 1.000000e+00 : f32
      %broadcast_in_dim3A_252 = vector.broadcast %broadcast_in_dim3A_251 : f32 to vector<16xf32>
      %swap3A_253 = arith.index_cast %scan3A_153 : i32 to index
      %swap3A_254 = arith.constant 48 : index
      %swap3A_255 = tpu.vector_load %arg17[%swap3A_253, %swap3A_254] {strides = array<i32>} : memref<80x128xf32, #tpu.memory_space<vmem>>, vector<1x16xf32>,
      %swap3A_256 = vector.shape_cast %swap3A_255 : vector<1x16xf32> to vector<16xf32>
      %swap3A_257 = vector.shape_cast %broadcast_in_dim3A_252 : vector<16xf32> to vector<1x16xf32>
      tpu.vector_store %arg17[%swap3A_253, %swap3A_254], %swap3A_257 {strides = array<i32>} : memref<80x128xf32, #tpu.memory_space<vmem>>, vector<1x16xf32>,
      %broadcast_in_dim3A_258 = arith.constant 1.000000e+00 : f32
      %broadcast_in_dim3A_259 = vector.broadcast %broadcast_in_dim3A_258 : f32 to vector<16xf32>
      %swap3A_260 = arith.index_cast %scan3A_153 : i32 to index
      %swap3A_261 = arith.constant 48 : index
      %swap3A_262 = tpu.vector_load %arg18[%swap3A_260, %swap3A_261] {strides = array<i32>} : memref<80x128xf32, #tpu.memory_space<vmem>>, vector<1x16xf32>,
      %swap3A_263 = vector.shape_cast %swap3A_262 : vector<1x16xf32> to vector<16xf32>
      %swap3A_264 = vector.shape_cast %broadcast_in_dim3A_259 : vector<16xf32> to vector<1x16xf32>
      tpu.vector_store %arg18[%swap3A_260, %swap3A_261], %swap3A_264 {strides = array<i32>} : memref<80x128xf32, #tpu.memory_space<vmem>>, vector<1x16xf32>,
      %broadcast_in_dim3A_265 = arith.constant 1.000000e+00 : f32
      %broadcast_in_dim3A_266 = vector.broadcast %broadcast_in_dim3A_265 : f32 to vector<16xf32>
      %swap3A_267 = arith.index_cast %scan3A_153 : i32 to index
      %swap3A_268 = arith.constant 64 : index
      %swap3A_269 = tpu.vector_load %arg17[%swap3A_267, %swap3A_268] {strides = array<i32>} : memref<80x128xf32, #tpu.memory_space<vmem>>, vector<1x16xf32>,
      %swap3A_270 = vector.shape_cast %swap3A_269 : vector<1x16xf32> to vector<16xf32>
      %swap3A_271 = vector.shape_cast %broadcast_in_dim3A_266 : vector<16xf32> to vector<1x16xf32>
      tpu.vector_store %arg17[%swap3A_267, %swap3A_268], %swap3A_271 {strides = array<i32>} : memref<80x128xf32, #tpu.memory_space<vmem>>, vector<1x16xf32>,
      %broadcast_in_dim3A_272 = arith.constant 1.000000e+00 : f32
      %broadcast_in_dim3A_273 = vector.broadcast %broadcast_in_dim3A_272 : f32 to vector<16xf32>
      %swap3A_274 = arith.index_cast %scan3A_153 : i32 to index
      %swap3A_275 = arith.constant 64 : index
      %swap3A_276 = tpu.vector_load %arg18[%swap3A_274, %swap3A_275] {strides = array<i32>} : memref<80x128xf32, #tpu.memory_space<vmem>>, vector<1x16xf32>,
      %swap3A_277 = vector.shape_cast %swap3A_276 : vector<1x16xf32> to vector<16xf32>
      %swap3A_278 = vector.shape_cast %broadcast_in_dim3A_273 : vector<16xf32> to vector<1x16xf32>
      tpu.vector_store %arg18[%swap3A_274, %swap3A_275], %swap3A_278 {strides = array<i32>} : memref<80x128xf32, #tpu.memory_space<vmem>>, vector<1x16xf32>,
      %broadcast_in_dim3A_279 = arith.constant 1.000000e+00 : f32
      %broadcast_in_dim3A_280 = vector.broadcast %broadcast_in_dim3A_279 : f32 to vector<16xf32>
      %swap3A_281 = arith.index_cast %scan3A_153 : i32 to index
      %swap3A_282 = arith.constant 80 : index
      %swap3A_283 = tpu.vector_load %arg17[%swap3A_281, %swap3A_282] {strides = array<i32>} : memref<80x128xf32, #tpu.memory_space<vmem>>, vector<1x16xf32>,
      %swap3A_284 = vector.shape_cast %swap3A_283 : vector<1x16xf32> to vector<16xf32>
      %swap3A_285 = vector.shape_cast %broadcast_in_dim3A_280 : vector<16xf32> to vector<1x16xf32>
      tpu.vector_store %arg17[%swap3A_281, %swap3A_282], %swap3A_285 {strides = array<i32>} : memref<80x128xf32, #tpu.memory_space<vmem>>, vector<1x16xf32>,
      %broadcast_in_dim3A_286 = arith.constant 1.000000e+00 : f32
      %broadcast_in_dim3A_287 = vector.broadcast %broadcast_in_dim3A_286 : f32 to vector<16xf32>
      %swap3A_288 = arith.index_cast %scan3A_153 : i32 to index
      %swap3A_289 = arith.constant 80 : index
      %swap3A_290 = tpu.vector_load %arg18[%swap3A_288, %swap3A_289] {strides = array<i32>} : memref<80x128xf32, #tpu.memory_space<vmem>>, vector<1x16xf32>,
      %swap3A_291 = vector.shape_cast %swap3A_290 : vector<1x16xf32> to vector<16xf32>
      %swap3A_292 = vector.shape_cast %broadcast_in_dim3A_287 : vector<16xf32> to vector<1x16xf32>
      tpu.vector_store %arg18[%swap3A_288, %swap3A_289], %swap3A_292 {strides = array<i32>} : memref<80x128xf32, #tpu.memory_space<vmem>>, vector<1x16xf32>,
      %broadcast_in_dim3A_293 = arith.constant 1.000000e+00 : f32
      %broadcast_in_dim3A_294 = vector.broadcast %broadcast_in_dim3A_293 : f32 to vector<16xf32>
      %swap3A_295 = arith.index_cast %scan3A_153 : i32 to index
      %swap3A_296 = arith.constant 96 : index
      %swap3A_297 = tpu.vector_load %arg17[%swap3A_295, %swap3A_296] {strides = array<i32>} : memref<80x128xf32, #tpu.memory_space<vmem>>, vector<1x16xf32>,
      %swap3A_298 = vector.shape_cast %swap3A_297 : vector<1x16xf32> to vector<16xf32>
      %swap3A_299 = vector.shape_cast %broadcast_in_dim3A_294 : vector<16xf32> to vector<1x16xf32>
      tpu.vector_store %arg17[%swap3A_295, %swap3A_296], %swap3A_299 {strides = array<i32>} : memref<80x128xf32, #tpu.memory_space<vmem>>, vector<1x16xf32>,
      %broadcast_in_dim3A_300 = arith.constant 1.000000e+00 : f32
      %broadcast_in_dim3A_301 = vector.broadcast %broadcast_in_dim3A_300 : f32 to vector<16xf32>
      %swap3A_302 = arith.index_cast %scan3A_153 : i32 to index
      %swap3A_303 = arith.constant 96 : index
      %swap3A_304 = tpu.vector_load %arg18[%swap3A_302, %swap3A_303] {strides = array<i32>} : memref<80x128xf32, #tpu.memory_space<vmem>>, vector<1x16xf32>,
      %swap3A_305 = vector.shape_cast %swap3A_304 : vector<1x16xf32> to vector<16xf32>
      %swap3A_306 = vector.shape_cast %broadcast_in_dim3A_301 : vector<16xf32> to vector<1x16xf32>
      tpu.vector_store %arg18[%swap3A_302, %swap3A_303], %swap3A_306 {strides = array<i32>} : memref<80x128xf32, #tpu.memory_space<vmem>>, vector<1x16xf32>,
      %broadcast_in_dim3A_307 = arith.constant 1.000000e+00 : f32
      %broadcast_in_dim3A_308 = vector.broadcast %broadcast_in_dim3A_307 : f32 to vector<16xf32>
      %swap3A_309 = arith.index_cast %scan3A_153 : i32 to index
      %swap3A_310 = arith.constant 112 : index
      %swap3A_311 = tpu.vector_load %arg17[%swap3A_309, %swap3A_310] {strides = array<i32>} : memref<80x128xf32, #tpu.memory_space<vmem>>, vector<1x16xf32>,
      %swap3A_312 = vector.shape_cast %swap3A_311 : vector<1x16xf32> to vector<16xf32>
      %swap3A_313 = vector.shape_cast %broadcast_in_dim3A_308 : vector<16xf32> to vector<1x16xf32>
      tpu.vector_store %arg17[%swap3A_309, %swap3A_310], %swap3A_313 {strides = array<i32>} : memref<80x128xf32, #tpu.memory_space<vmem>>, vector<1x16xf32>,
      %broadcast_in_dim3A_314 = arith.constant 1.000000e+00 : f32
      %broadcast_in_dim3A_315 = vector.broadcast %broadcast_in_dim3A_314 : f32 to vector<16xf32>
      %swap3A_316 = arith.index_cast %scan3A_153 : i32 to index
      %swap3A_317 = arith.constant 112 : index
      %swap3A_318 = tpu.vector_load %arg18[%swap3A_316, %swap3A_317] {strides = array<i32>} : memref<80x128xf32, #tpu.memory_space<vmem>>, vector<1x16xf32>,
      %swap3A_319 = vector.shape_cast %swap3A_318 : vector<1x16xf32> to vector<16xf32>
      %swap3A_320 = vector.shape_cast %broadcast_in_dim3A_315 : vector<16xf32> to vector<1x16xf32>
      tpu.vector_store %arg18[%swap3A_316, %swap3A_317], %swap3A_320 {strides = array<i32>} : memref<80x128xf32, #tpu.memory_space<vmem>>, vector<1x16xf32>,
      %scan3A_321 = arith.constant 0 : i32
      scf.yield %scan3A_321 : i32
    }
    %scan3A_5 = arith.constant 80 : i32
    %scan3A_6 = arith.constant 0 : i32
    %scan3A_7 = arith.constant 0 : i32
    %scan3A_8 = arith.constant 8 : i32
    %scan3A_9 = arith.addi %scan3A_7, %scan3A_8 : i32
    %scan3A_10 = arith.constant 1 : i32
    %scan3A_11 = scf.for %scan3A_153 = %scan3A_7 to %scan3A_9 step %scan3A_10 iter_args(%scan3A_154 = %scan3A_6) -> (i32)  : i32 {
      %mul3A_155 = arith.constant 16 : i32
      %mul3A_156 = arith.muli %scan3A_153, %mul3A_155 : i32
      %add3A_157 = arith.addi %mul3A_156, %arg1 : i32
      %lt3A = arith.constant 125 : i32
      %lt3A_158 = arith.cmpi slt, %add3A_157, %lt3A : i32
      %convert_element_type3A = arith.extui %lt3A_158 : i1 to i32
      %cond3A = arith.constant 0 : i32
      %cond3A_159 = arith.cmpi ne, %convert_element_type3A, %cond3A : i32
      scf.if %cond3A_159 {
        %mul3A_161 = arith.constant 80 : i32
        %mul3A_162 = arith.muli %add3A_157, %mul3A_161 : i32
        "tpu.region"() ({
          %run_scoped3A = tpu.sem_alloc : memref<!tpu.dma_semaphore, #tpu.memory_space<semaphore_mem>>
          %dma_start3A_163 = arith.constant 0 : i32
          %dma_start3A_164 = tpu.memref_slice %arg12[%mul3A_162, %dma_start3A_163] : memref<10000x128xf32, #tpu.memory_space<vmem_shared>> -> memref<80x128xf32, #tpu.memory_space<vmem_shared>>
          %dma_start3A_165 = arith.constant 0 : i32
          %dma_start3A_166 = tpu.memref_slice %arg12[%mul3A_162, %dma_start3A_165] : memref<10000x128xf32, #tpu.memory_space<vmem_shared>> -> memref<80x128xf32, #tpu.memory_space<vmem_shared>>
          tpu.enqueue_dma source(%arg19 : memref<80x128xf32, #tpu.memory_space<vmem>>) target(%dma_start3A_166 : memref<80x128xf32, #tpu.memory_space<vmem_shared>>) target_semaphore(%run_scoped3A : memref<!tpu.dma_semaphore, #tpu.memory_space<semaphore_mem>>)
          %dma_wait3A = arith.constant 0 : i32
          %dma_wait3A_167 = tpu.memref_slice %arg12[%mul3A_162, %dma_wait3A] : memref<10000x128xf32, #tpu.memory_space<vmem_shared>> -> memref<80x128xf32, #tpu.memory_space<vmem_shared>>
          %dma_wait3A_168 = arith.constant 0 : i32
          %dma_wait3A_169 = tpu.memref_slice %arg12[%mul3A_162, %dma_wait3A_168] : memref<10000x128xf32, #tpu.memory_space<vmem_shared>> -> memref<80x128xf32, #tpu.memory_space<vmem_shared>>
          tpu.wait_dma2 semaphore(%run_scoped3A : memref<!tpu.dma_semaphore, #tpu.memory_space<semaphore_mem>>) src(%arg19 : memref<80x128xf32, #tpu.memory_space<vmem>>) dst(%dma_wait3A_169 : memref<80x128xf32, #tpu.memory_space<vmem_shared>>)
          tpu.yield
        }) : () -> ()
      } else {
      }
      %scan3A_160 = arith.constant 0 : i32
      scf.yield %scan3A_160 : i32
    }
    %scan3A_12 = arith.constant 8 : i32
    %barrier3A = arith.constant 0 : index
    tpu.barrier barrier_id(%barrier3A)
    %mul3A = arith.constant 20000 : i32
    %mul3A_13 = arith.muli %arg1, %mul3A : i32
    %add3A = arith.constant 0 : i32
    %add3A_14 = arith.addi %mul3A_13, %add3A : i32
    "tpu.region"() ({
      %run_scoped3A = tpu.sem_alloc : memref<!tpu.dma_semaphore, #tpu.memory_space<semaphore_mem>>
      %dma_start3A_153 = tpu.memref_slice %arg3[%add3A_14] : memref<640000xi32, #tpu.memory_space<hbm>> -> memref<80xi32, #tpu.memory_space<hbm>>
      %dma_start3A_154 = tpu.memref_slice %arg3[%add3A_14] : memref<640000xi32, #tpu.memory_space<hbm>> -> memref<80xi32, #tpu.memory_space<hbm>>
      tpu.enqueue_dma source(%dma_start3A_154 : memref<80xi32, #tpu.memory_space<hbm>>) target(%arg13 : memref<80xi32, #tpu.memory_space<vmem>>) target_semaphore(%run_scoped3A : memref<!tpu.dma_semaphore, #tpu.memory_space<semaphore_mem>>)
      %dma_wait3A = tpu.memref_slice %arg3[%add3A_14] : memref<640000xi32, #tpu.memory_space<hbm>> -> memref<80xi32, #tpu.memory_space<hbm>>
      %dma_wait3A_155 = tpu.memref_slice %arg3[%add3A_14] : memref<640000xi32, #tpu.memory_space<hbm>> -> memref<80xi32, #tpu.memory_space<hbm>>
      tpu.wait_dma2 semaphore(%run_scoped3A : memref<!tpu.dma_semaphore, #tpu.memory_space<semaphore_mem>>) src(%dma_wait3A_155 : memref<80xi32, #tpu.memory_space<hbm>>) dst(%arg13 : memref<80xi32, #tpu.memory_space<vmem>>)
      tpu.yield
    }) : () -> ()
    %scan3A_15 = arith.constant 0 : i32
    %scan3A_16 = arith.constant 0 : i32
    %scan3A_17 = arith.constant 125 : i32
    %scan3A_18 = arith.addi %scan3A_16, %scan3A_17 : i32
    %scan3A_19 = arith.constant 1 : i32
    %scan3A_20 = scf.for %scan3A_153 = %scan3A_16 to %scan3A_18 step %scan3A_19 iter_args(%scan3A_154 = %scan3A_15) -> (i32)  : i32 {
      %dma_start3A_155 = arith.constant 0 : i32
      %dma_start3A_156 = arith.constant 0 : i32
      %dma_start3A_157 = tpu.memref_slice %arg12[%dma_start3A_155, %dma_start3A_156] : memref<10000x128xf32, #tpu.memory_space<vmem_shared>> -> memref<10000x128xf32, #tpu.memory_space<vmem_shared>>
      tpu.enqueue_indirect_dma source(%arg17 : memref<80x128xf32, #tpu.memory_space<vmem>>) target(%dma_start3A_157 : memref<10000x128xf32, #tpu.memory_space<vmem_shared>>) offsets(%arg13 : memref<80xi32, #tpu.memory_space<vmem>>) semaphore(%arg21 : memref<!tpu.dma_semaphore, #tpu.memory_space<semaphore_mem>>) {add = true}
      %mul3A_158 = arith.constant 2 : i32
      %mul3A_159 = arith.muli %mul3A_158, %scan3A_153 : i32
      %add3A_160 = arith.constant 1 : i32
      %add3A_161 = arith.addi %mul3A_159, %add3A_160 : i32
      %mul3A_162 = arith.constant 20000 : i32
      %mul3A_163 = arith.muli %arg1, %mul3A_162 : i32
      %mul3A_164 = arith.constant 80 : i32
      %mul3A_165 = arith.muli %add3A_161, %mul3A_164 : i32
      %add3A_166 = arith.addi %mul3A_163, %mul3A_165 : i32
      "tpu.region"() ({
        %run_scoped3A = tpu.sem_alloc : memref<!tpu.dma_semaphore, #tpu.memory_space<semaphore_mem>>
        %dma_start3A_180 = tpu.memref_slice %arg3[%add3A_166] : memref<640000xi32, #tpu.memory_space<hbm>> -> memref<80xi32, #tpu.memory_space<hbm>>
        %dma_start3A_181 = tpu.memref_slice %arg3[%add3A_166] : memref<640000xi32, #tpu.memory_space<hbm>> -> memref<80xi32, #tpu.memory_space<hbm>>
        tpu.enqueue_dma source(%dma_start3A_181 : memref<80xi32, #tpu.memory_space<hbm>>) target(%arg15 : memref<80xi32, #tpu.memory_space<vmem>>) target_semaphore(%run_scoped3A : memref<!tpu.dma_semaphore, #tpu.memory_space<semaphore_mem>>)
        %dma_wait3A_182 = tpu.memref_slice %arg3[%add3A_166] : memref<640000xi32, #tpu.memory_space<hbm>> -> memref<80xi32, #tpu.memory_space<hbm>>
        %dma_wait3A_183 = tpu.memref_slice %arg3[%add3A_166] : memref<640000xi32, #tpu.memory_space<hbm>> -> memref<80xi32, #tpu.memory_space<hbm>>
        tpu.wait_dma2 semaphore(%run_scoped3A : memref<!tpu.dma_semaphore, #tpu.memory_space<semaphore_mem>>) src(%dma_wait3A_183 : memref<80xi32, #tpu.memory_space<hbm>>) dst(%arg15 : memref<80xi32, #tpu.memory_space<vmem>>)
        tpu.yield
      }) : () -> ()
      %dma_start3A_167 = arith.constant 0 : i32
      %dma_start3A_168 = arith.constant 0 : i32
      %dma_start3A_169 = tpu.memref_slice %arg12[%dma_start3A_167, %dma_start3A_168] : memref<10000x128xf32, #tpu.memory_space<vmem_shared>> -> memref<10000x128xf32, #tpu.memory_space<vmem_shared>>
      tpu.enqueue_indirect_dma source(%arg18 : memref<80x128xf32, #tpu.memory_space<vmem>>) target(%dma_start3A_169 : memref<10000x128xf32, #tpu.memory_space<vmem_shared>>) offsets(%arg15 : memref<80xi32, #tpu.memory_space<vmem>>) semaphore(%arg22 : memref<!tpu.dma_semaphore, #tpu.memory_space<semaphore_mem>>) {add = true}
      %dma_wait3A = arith.constant 0 : i32
      %dma_wait3A_170 = arith.constant 0 : i32
      %dma_wait3A_171 = tpu.memref_slice %arg12[%dma_wait3A, %dma_wait3A_170] : memref<10000x128xf32, #tpu.memory_space<vmem_shared>> -> memref<10000x128xf32, #tpu.memory_space<vmem_shared>>
      tpu.wait_indirect_dma semaphore(%arg21 : memref<!tpu.dma_semaphore, #tpu.memory_space<semaphore_mem>>) src(%arg17 : memref<80x128xf32, #tpu.memory_space<vmem>>) dst(%dma_wait3A_171 : memref<10000x128xf32, #tpu.memory_space<vmem_shared>>)
      %add3A_172 = arith.constant 1 : i32
      %add3A_173 = arith.addi %scan3A_153, %add3A_172 : i32
      %lt3A = arith.constant 125 : i32
      %lt3A_174 = arith.cmpi slt, %add3A_173, %lt3A : i32
      %convert_element_type3A = arith.extui %lt3A_174 : i1 to i32
      %cond3A = arith.constant 0 : i32
      %cond3A_175 = arith.cmpi ne, %convert_element_type3A, %cond3A : i32
      scf.if %cond3A_175 {
        %mul3A_180 = arith.constant 2 : i32
        %mul3A_181 = arith.muli %mul3A_180, %scan3A_153 : i32
        %add3A_182 = arith.constant 2 : i32
        %add3A_183 = arith.addi %mul3A_181, %add3A_182 : i32
        %mul3A_184 = arith.constant 20000 : i32
        %mul3A_185 = arith.muli %arg1, %mul3A_184 : i32
        %mul3A_186 = arith.constant 80 : i32
        %mul3A_187 = arith.muli %add3A_183, %mul3A_186 : i32
        %add3A_188 = arith.addi %mul3A_185, %mul3A_187 : i32
        "tpu.region"() ({
          %run_scoped3A = tpu.sem_alloc : memref<!tpu.dma_semaphore, #tpu.memory_space<semaphore_mem>>
          %dma_start3A_189 = tpu.memref_slice %arg3[%add3A_188] : memref<640000xi32, #tpu.memory_space<hbm>> -> memref<80xi32, #tpu.memory_space<hbm>>
          %dma_start3A_190 = tpu.memref_slice %arg3[%add3A_188] : memref<640000xi32, #tpu.memory_space<hbm>> -> memref<80xi32, #tpu.memory_space<hbm>>
          tpu.enqueue_dma source(%dma_start3A_190 : memref<80xi32, #tpu.memory_space<hbm>>) target(%arg13 : memref<80xi32, #tpu.memory_space<vmem>>) target_semaphore(%run_scoped3A : memref<!tpu.dma_semaphore, #tpu.memory_space<semaphore_mem>>)
          %dma_wait3A_191 = tpu.memref_slice %arg3[%add3A_188] : memref<640000xi32, #tpu.memory_space<hbm>> -> memref<80xi32, #tpu.memory_space<hbm>>
          %dma_wait3A_192 = tpu.memref_slice %arg3[%add3A_188] : memref<640000xi32, #tpu.memory_space<hbm>> -> memref<80xi32, #tpu.memory_space<hbm>>
          tpu.wait_dma2 semaphore(%run_scoped3A : memref<!tpu.dma_semaphore, #tpu.memory_space<semaphore_mem>>) src(%dma_wait3A_192 : memref<80xi32, #tpu.memory_space<hbm>>) dst(%arg13 : memref<80xi32, #tpu.memory_space<vmem>>)
          tpu.yield
        }) : () -> ()
      } else {
      }
      %dma_wait3A_176 = arith.constant 0 : i32
      %dma_wait3A_177 = arith.constant 0 : i32
      %dma_wait3A_178 = tpu.memref_slice %arg12[%dma_wait3A_176, %dma_wait3A_177] : memref<10000x128xf32, #tpu.memory_space<vmem_shared>> -> memref<10000x128xf32, #tpu.memory_space<vmem_shared>>
      tpu.wait_indirect_dma semaphore(%arg22 : memref<!tpu.dma_semaphore, #tpu.memory_space<semaphore_mem>>) src(%arg18 : memref<80x128xf32, #tpu.memory_space<vmem>>) dst(%dma_wait3A_178 : memref<10000x128xf32, #tpu.memory_space<vmem_shared>>)
      %scan3A_179 = arith.constant 0 : i32
      scf.yield %scan3A_179 : i32
    }
    %scan3A_21 = arith.constant 125 : i32
    %barrier3A_22 = arith.constant 0 : index
    tpu.barrier barrier_id(%barrier3A_22)
    %scan3A_23 = arith.constant 0 : i32
    %scan3A_24 = arith.constant 0 : i32
    %scan3A_25 = arith.constant 8 : i32
    %scan3A_26 = arith.addi %scan3A_24, %scan3A_25 : i32
    %scan3A_27 = arith.constant 1 : i32
    %scan3A_28 = scf.for %scan3A_153 = %scan3A_24 to %scan3A_26 step %scan3A_27 iter_args(%scan3A_154 = %scan3A_23) -> (i32)  : i32 {
      %mul3A_155 = arith.constant 16 : i32
      %mul3A_156 = arith.muli %scan3A_153, %mul3A_155 : i32
      %add3A_157 = arith.addi %mul3A_156, %arg1 : i32
      %lt3A = arith.constant 125 : i32
      %lt3A_158 = arith.cmpi slt, %add3A_157, %lt3A : i32
      %convert_element_type3A = arith.extui %lt3A_158 : i1 to i32
      %cond3A = arith.constant 0 : i32
      %cond3A_159 = arith.cmpi ne, %convert_element_type3A, %cond3A : i32
      scf.if %cond3A_159 {
        %mul3A_161 = arith.constant 80 : i32
        %mul3A_162 = arith.muli %add3A_157, %mul3A_161 : i32
        "tpu.region"() ({
          %run_scoped3A = tpu.sem_alloc : memref<!tpu.dma_semaphore, #tpu.memory_space<semaphore_mem>>
          %dma_start3A_177 = arith.constant 0 : i32
          %dma_start3A_178 = tpu.memref_slice %arg12[%mul3A_162, %dma_start3A_177] : memref<10000x128xf32, #tpu.memory_space<vmem_shared>> -> memref<80x128xf32, #tpu.memory_space<vmem_shared>>
          %dma_start3A_179 = arith.constant 0 : i32
          %dma_start3A_180 = tpu.memref_slice %arg12[%mul3A_162, %dma_start3A_179] : memref<10000x128xf32, #tpu.memory_space<vmem_shared>> -> memref<80x128xf32, #tpu.memory_space<vmem_shared>>
          tpu.enqueue_dma source(%dma_start3A_180 : memref<80x128xf32, #tpu.memory_space<vmem_shared>>) target(%arg19 : memref<80x128xf32, #tpu.memory_space<vmem>>) target_semaphore(%run_scoped3A : memref<!tpu.dma_semaphore, #tpu.memory_space<semaphore_mem>>)
          %dma_wait3A = arith.constant 0 : i32
          %dma_wait3A_181 = tpu.memref_slice %arg12[%mul3A_162, %dma_wait3A] : memref<10000x128xf32, #tpu.memory_space<vmem_shared>> -> memref<80x128xf32, #tpu.memory_space<vmem_shared>>
          %dma_wait3A_182 = arith.constant 0 : i32
          %dma_wait3A_183 = tpu.memref_slice %arg12[%mul3A_162, %dma_wait3A_182] : memref<10000x128xf32, #tpu.memory_space<vmem_shared>> -> memref<80x128xf32, #tpu.memory_space<vmem_shared>>
          tpu.wait_dma2 semaphore(%run_scoped3A : memref<!tpu.dma_semaphore, #tpu.memory_space<semaphore_mem>>) src(%dma_wait3A_183 : memref<80x128xf32, #tpu.memory_space<vmem_shared>>) dst(%arg19 : memref<80x128xf32, #tpu.memory_space<vmem>>)
          tpu.yield
        }) : () -> ()
        %scan3A_163 = arith.constant 0 : i32
        %scan3A_164 = arith.constant 0 : i32
        %scan3A_165 = arith.constant 80 : i32
        %scan3A_166 = arith.addi %scan3A_164, %scan3A_165 : i32
        %scan3A_167 = arith.constant 1 : i32
        %scan3A_168 = scf.for %scan3A_177 = %scan3A_164 to %scan3A_166 step %scan3A_167 iter_args(%scan3A_178 = %scan3A_163) -> (i32)  : i32 {
          %get3A = arith.index_cast %scan3A_177 : i32 to index
          %get3A_179 = arith.constant 0 : index
          %get3A_180 = tpu.vector_load %arg19[%get3A, %get3A_179] {strides = array<i32>} : memref<80x128xf32, #tpu.memory_space<vmem>>, vector<1x16xf32>,
          %get3A_181 = vector.shape_cast %get3A_180 : vector<1x16xf32> to vector<16xf32>
          %max3A = arith.constant 1.000000e+00 : f32
          %max3A_182 = vector.broadcast %max3A : f32 to vector<16xf32>
          %max3A_183 = arith.maximumf %get3A_181, %max3A_182 : vector<16xf32>
          %broadcast_in_dim3A = arith.constant 1.000000e+00 : f32
          %broadcast_in_dim3A_184 = vector.broadcast %broadcast_in_dim3A : f32 to vector<16xf32>
          %ge3A = arith.constant 2.000000e+00 : f32
          %ge3A_185 = vector.broadcast %ge3A : f32 to vector<16xf32>
          %ge3A_186 = arith.cmpf oge, %max3A_183, %ge3A_185 : vector<16xf32>
          %jit3A = arith.constant 0.707106769 : f32
          %broadcast_in_dim3A_187 = vector.broadcast %jit3A : f32 to vector<16xf32>
          %select_n3A = arith.select %ge3A_186, %broadcast_in_dim3A_187, %broadcast_in_dim3A_184 : vector<16xi1>, vector<16xf32>
          %ge3A_188 = arith.constant 4.000000e+00 : f32
          %ge3A_189 = vector.broadcast %ge3A_188 : f32 to vector<16xf32>
          %ge3A_190 = arith.cmpf oge, %max3A_183, %ge3A_189 : vector<16xf32>
          %jit3A_191 = arith.constant 5.000000e-01 : f32
          %broadcast_in_dim3A_192 = vector.broadcast %jit3A_191 : f32 to vector<16xf32>
          %select_n3A_193 = arith.select %ge3A_190, %broadcast_in_dim3A_192, %select_n3A : vector<16xi1>, vector<16xf32>
          %ge3A_194 = arith.constant 8.000000e+00 : f32
          %ge3A_195 = vector.broadcast %ge3A_194 : f32 to vector<16xf32>
          %ge3A_196 = arith.cmpf oge, %max3A_183, %ge3A_195 : vector<16xf32>
          %jit3A_197 = arith.constant 0.353553385 : f32
          %broadcast_in_dim3A_198 = vector.broadcast %jit3A_197 : f32 to vector<16xf32>
          %select_n3A_199 = arith.select %ge3A_196, %broadcast_in_dim3A_198, %select_n3A_193 : vector<16xi1>, vector<16xf32>
          %ge3A_200 = arith.constant 1.600000e+01 : f32
          %ge3A_201 = vector.broadcast %ge3A_200 : f32 to vector<16xf32>
          %ge3A_202 = arith.cmpf oge, %max3A_183, %ge3A_201 : vector<16xf32>
          %jit3A_203 = arith.constant 2.500000e-01 : f32
          %broadcast_in_dim3A_204 = vector.broadcast %jit3A_203 : f32 to vector<16xf32>
          %select_n3A_205 = arith.select %ge3A_202, %broadcast_in_dim3A_204, %select_n3A_199 : vector<16xi1>, vector<16xf32>
          %ge3A_206 = arith.constant 3.200000e+01 : f32
          %ge3A_207 = vector.broadcast %ge3A_206 : f32 to vector<16xf32>
          %ge3A_208 = arith.cmpf oge, %max3A_183, %ge3A_207 : vector<16xf32>
          %jit3A_209 = arith.constant 0.176776692 : f32
          %broadcast_in_dim3A_210 = vector.broadcast %jit3A_209 : f32 to vector<16xf32>
          %select_n3A_211 = arith.select %ge3A_208, %broadcast_in_dim3A_210, %select_n3A_205 : vector<16xi1>, vector<16xf32>
          %ge3A_212 = arith.constant 6.400000e+01 : f32
          %ge3A_213 = vector.broadcast %ge3A_212 : f32 to vector<16xf32>
          %ge3A_214 = arith.cmpf oge, %max3A_183, %ge3A_213 : vector<16xf32>
          %jit3A_215 = arith.constant 1.250000e-01 : f32
          %broadcast_in_dim3A_216 = vector.broadcast %jit3A_215 : f32 to vector<16xf32>
          %select_n3A_217 = arith.select %ge3A_214, %broadcast_in_dim3A_216, %select_n3A_211 : vector<16xi1>, vector<16xf32>
          %ge3A_218 = arith.constant 1.280000e+02 : f32
          %ge3A_219 = vector.broadcast %ge3A_218 : f32 to vector<16xf32>
          %ge3A_220 = arith.cmpf oge, %max3A_183, %ge3A_219 : vector<16xf32>
          %jit3A_221 = arith.constant 0.0883883461 : f32
          %broadcast_in_dim3A_222 = vector.broadcast %jit3A_221 : f32 to vector<16xf32>
          %select_n3A_223 = arith.select %ge3A_220, %broadcast_in_dim3A_222, %select_n3A_217 : vector<16xi1>, vector<16xf32>
          %ge3A_224 = arith.constant 2.560000e+02 : f32
          %ge3A_225 = vector.broadcast %ge3A_224 : f32 to vector<16xf32>
          %ge3A_226 = arith.cmpf oge, %max3A_183, %ge3A_225 : vector<16xf32>
          %jit3A_227 = arith.constant 6.250000e-02 : f32
          %broadcast_in_dim3A_228 = vector.broadcast %jit3A_227 : f32 to vector<16xf32>
          %select_n3A_229 = arith.select %ge3A_226, %broadcast_in_dim3A_228, %select_n3A_223 : vector<16xi1>, vector<16xf32>
          %ge3A_230 = arith.constant 5.120000e+02 : f32
          %ge3A_231 = vector.broadcast %ge3A_230 : f32 to vector<16xf32>
          %ge3A_232 = arith.cmpf oge, %max3A_183, %ge3A_231 : vector<16xf32>
          %jit3A_233 = arith.constant 0.0441941731 : f32
          %broadcast_in_dim3A_234 = vector.broadcast %jit3A_233 : f32 to vector<16xf32>
          %select_n3A_235 = arith.select %ge3A_232, %broadcast_in_dim3A_234, %select_n3A_229 : vector<16xi1>, vector<16xf32>
          %ge3A_236 = arith.constant 1.024000e+03 : f32
          %ge3A_237 = vector.broadcast %ge3A_236 : f32 to vector<16xf32>
          %ge3A_238 = arith.cmpf oge, %max3A_183, %ge3A_237 : vector<16xf32>
          %jit3A_239 = arith.constant 3.125000e-02 : f32
          %broadcast_in_dim3A_240 = vector.broadcast %jit3A_239 : f32 to vector<16xf32>
          %select_n3A_241 = arith.select %ge3A_238, %broadcast_in_dim3A_240, %select_n3A_235 : vector<16xi1>, vector<16xf32>
          %ge3A_242 = arith.constant 2.048000e+03 : f32
          %ge3A_243 = vector.broadcast %ge3A_242 : f32 to vector<16xf32>
          %ge3A_244 = arith.cmpf oge, %max3A_183, %ge3A_243 : vector<16xf32>
          %jit3A_245 = arith.constant 0.0220970865 : f32
          %broadcast_in_dim3A_246 = vector.broadcast %jit3A_245 : f32 to vector<16xf32>
          %select_n3A_247 = arith.select %ge3A_244, %broadcast_in_dim3A_246, %select_n3A_241 : vector<16xi1>, vector<16xf32>
          %ge3A_248 = arith.constant 4.096000e+03 : f32
          %ge3A_249 = vector.broadcast %ge3A_248 : f32 to vector<16xf32>
          %ge3A_250 = arith.cmpf oge, %max3A_183, %ge3A_249 : vector<16xf32>
          %jit3A_251 = arith.constant 1.562500e-02 : f32
          %broadcast_in_dim3A_252 = vector.broadcast %jit3A_251 : f32 to vector<16xf32>
          %select_n3A_253 = arith.select %ge3A_250, %broadcast_in_dim3A_252, %select_n3A_247 : vector<16xi1>, vector<16xf32>
          %ge3A_254 = arith.constant 8.192000e+03 : f32
          %ge3A_255 = vector.broadcast %ge3A_254 : f32 to vector<16xf32>
          %ge3A_256 = arith.cmpf oge, %max3A_183, %ge3A_255 : vector<16xf32>
          %jit3A_257 = arith.constant 0.0110485433 : f32
          %broadcast_in_dim3A_258 = vector.broadcast %jit3A_257 : f32 to vector<16xf32>
          %select_n3A_259 = arith.select %ge3A_256, %broadcast_in_dim3A_258, %select_n3A_253 : vector<16xi1>, vector<16xf32>
          %ge3A_260 = arith.constant 1.638400e+04 : f32
          %ge3A_261 = vector.broadcast %ge3A_260 : f32 to vector<16xf32>
          %ge3A_262 = arith.cmpf oge, %max3A_183, %ge3A_261 : vector<16xf32>
          %jit3A_263 = arith.constant 7.812500e-03 : f32
          %broadcast_in_dim3A_264 = vector.broadcast %jit3A_263 : f32 to vector<16xf32>
          %select_n3A_265 = arith.select %ge3A_262, %broadcast_in_dim3A_264, %select_n3A_259 : vector<16xi1>, vector<16xf32>
          %ge3A_266 = arith.constant 3.276800e+04 : f32
          %ge3A_267 = vector.broadcast %ge3A_266 : f32 to vector<16xf32>
          %ge3A_268 = arith.cmpf oge, %max3A_183, %ge3A_267 : vector<16xf32>
          %jit3A_269 = arith.constant 0.00552427163 : f32
          %broadcast_in_dim3A_270 = vector.broadcast %jit3A_269 : f32 to vector<16xf32>
          %select_n3A_271 = arith.select %ge3A_268, %broadcast_in_dim3A_270, %select_n3A_265 : vector<16xi1>, vector<16xf32>
          %ge3A_272 = arith.constant 6.553600e+04 : f32
          %ge3A_273 = vector.broadcast %ge3A_272 : f32 to vector<16xf32>
          %ge3A_274 = arith.cmpf oge, %max3A_183, %ge3A_273 : vector<16xf32>
          %jit3A_275 = arith.constant 3.906250e-03 : f32
          %broadcast_in_dim3A_276 = vector.broadcast %jit3A_275 : f32 to vector<16xf32>
          %select_n3A_277 = arith.select %ge3A_274, %broadcast_in_dim3A_276, %select_n3A_271 : vector<16xi1>, vector<16xf32>
          %ge3A_278 = arith.constant 1.310720e+05 : f32
          %ge3A_279 = vector.broadcast %ge3A_278 : f32 to vector<16xf32>
          %ge3A_280 = arith.cmpf oge, %max3A_183, %ge3A_279 : vector<16xf32>
          %jit3A_281 = arith.constant 0.00276213582 : f32
          %broadcast_in_dim3A_282 = vector.broadcast %jit3A_281 : f32 to vector<16xf32>
          %select_n3A_283 = arith.select %ge3A_280, %broadcast_in_dim3A_282, %select_n3A_277 : vector<16xi1>, vector<16xf32>
          %ge3A_284 = arith.constant 2.621440e+05 : f32
          %ge3A_285 = vector.broadcast %ge3A_284 : f32 to vector<16xf32>
          %ge3A_286 = arith.cmpf oge, %max3A_183, %ge3A_285 : vector<16xf32>
          %jit3A_287 = arith.constant 0.001953125 : f32
          %broadcast_in_dim3A_288 = vector.broadcast %jit3A_287 : f32 to vector<16xf32>
          %select_n3A_289 = arith.select %ge3A_286, %broadcast_in_dim3A_288, %select_n3A_283 : vector<16xi1>, vector<16xf32>
          %mul3A_290 = arith.constant 5.000000e-01 : f32
          %mul3A_291 = vector.broadcast %mul3A_290 : f32 to vector<16xf32>
          %mul3A_292 = arith.mulf %mul3A_291, %max3A_183 : vector<16xf32>
          %mul3A_293 = arith.mulf %mul3A_292, %select_n3A_289 : vector<16xf32>
          %mul3A_294 = arith.mulf %mul3A_293, %select_n3A_289 : vector<16xf32>
          %sub3A = arith.constant 1.500000e+00 : f32
          %sub3A_295 = vector.broadcast %sub3A : f32 to vector<16xf32>
          %sub3A_296 = arith.subf %sub3A_295, %mul3A_294 : vector<16xf32>
          %mul3A_297 = arith.mulf %select_n3A_289, %sub3A_296 : vector<16xf32>
          %mul3A_298 = arith.constant 5.000000e-01 : f32
          %mul3A_299 = vector.broadcast %mul3A_298 : f32 to vector<16xf32>
          %mul3A_300 = arith.mulf %mul3A_299, %max3A_183 : vector<16xf32>
          %mul3A_301 = arith.mulf %mul3A_300, %mul3A_297 : vector<16xf32>
          %mul3A_302 = arith.mulf %mul3A_301, %mul3A_297 : vector<16xf32>
          %sub3A_303 = arith.constant 1.500000e+00 : f32
          %sub3A_304 = vector.broadcast %sub3A_303 : f32 to vector<16xf32>
          %sub3A_305 = arith.subf %sub3A_304, %mul3A_302 : vector<16xf32>
          %mul3A_306 = arith.mulf %mul3A_297, %sub3A_305 : vector<16xf32>
          %mul3A_307 = arith.constant 5.000000e-01 : f32
          %mul3A_308 = vector.broadcast %mul3A_307 : f32 to vector<16xf32>
          %mul3A_309 = arith.mulf %mul3A_308, %max3A_183 : vector<16xf32>
          %mul3A_310 = arith.mulf %mul3A_309, %mul3A_306 : vector<16xf32>
          %mul3A_311 = arith.mulf %mul3A_310, %mul3A_306 : vector<16xf32>
          %sub3A_312 = arith.constant 1.500000e+00 : f32
          %sub3A_313 = vector.broadcast %sub3A_312 : f32 to vector<16xf32>
          %sub3A_314 = arith.subf %sub3A_313, %mul3A_311 : vector<16xf32>
          %mul3A_315 = arith.mulf %mul3A_306, %sub3A_314 : vector<16xf32>
          %mul3A_316 = arith.constant 5.000000e-01 : f32
          %mul3A_317 = vector.broadcast %mul3A_316 : f32 to vector<16xf32>
          %mul3A_318 = arith.mulf %mul3A_317, %max3A_183 : vector<16xf32>
          %mul3A_319 = arith.mulf %mul3A_318, %mul3A_315 : vector<16xf32>
          %mul3A_320 = arith.mulf %mul3A_319, %mul3A_315 : vector<16xf32>
          %sub3A_321 = arith.constant 1.500000e+00 : f32
          %sub3A_322 = vector.broadcast %sub3A_321 : f32 to vector<16xf32>
          %sub3A_323 = arith.subf %sub3A_322, %mul3A_320 : vector<16xf32>
          %mul3A_324 = arith.mulf %mul3A_315, %sub3A_323 : vector<16xf32>
          %mul3A_325 = arith.constant 5.000000e-01 : f32
          %mul3A_326 = vector.broadcast %mul3A_325 : f32 to vector<16xf32>
          %mul3A_327 = arith.mulf %mul3A_326, %max3A_183 : vector<16xf32>
          %mul3A_328 = arith.mulf %mul3A_327, %mul3A_324 : vector<16xf32>
          %mul3A_329 = arith.mulf %mul3A_328, %mul3A_324 : vector<16xf32>
          %sub3A_330 = arith.constant 1.500000e+00 : f32
          %sub3A_331 = vector.broadcast %sub3A_330 : f32 to vector<16xf32>
          %sub3A_332 = arith.subf %sub3A_331, %mul3A_329 : vector<16xf32>
          %mul3A_333 = arith.mulf %mul3A_324, %sub3A_332 : vector<16xf32>
          %swap3A = arith.index_cast %scan3A_177 : i32 to index
          %swap3A_334 = arith.constant 0 : index
          %swap3A_335 = tpu.vector_load %arg20[%swap3A, %swap3A_334] {strides = array<i32>} : memref<80x16xf32, #tpu.memory_space<vmem>>, vector<1x16xf32>,
          %swap3A_336 = vector.shape_cast %swap3A_335 : vector<1x16xf32> to vector<16xf32>
          %swap3A_337 = vector.shape_cast %mul3A_333 : vector<16xf32> to vector<1x16xf32>
          tpu.vector_store %arg20[%swap3A, %swap3A_334], %swap3A_337 {strides = array<i32>} : memref<80x16xf32, #tpu.memory_space<vmem>>, vector<1x16xf32>,
          %scan3A_338 = arith.constant 0 : i32
          scf.yield %scan3A_338 : i32
        }
        %scan3A_169 = arith.constant 80 : i32
        "tpu.region"() ({
          %run_scoped3A = tpu.sem_alloc : memref<!tpu.dma_semaphore, #tpu.memory_space<semaphore_mem>>
          %dma_start3A_177 = arith.constant 0 : i32
          %dma_start3A_178 = tpu.memref_slice %arg10[%mul3A_162, %dma_start3A_177] : memref<10000x16xf32, #tpu.memory_space<hbm>> -> memref<80x16xf32, #tpu.memory_space<hbm>>
          %dma_start3A_179 = arith.constant 0 : i32
          %dma_start3A_180 = tpu.memref_slice %arg10[%mul3A_162, %dma_start3A_179] : memref<10000x16xf32, #tpu.memory_space<hbm>> -> memref<80x16xf32, #tpu.memory_space<hbm>>
          tpu.enqueue_dma source(%arg20 : memref<80x16xf32, #tpu.memory_space<vmem>>) target(%dma_start3A_180 : memref<80x16xf32, #tpu.memory_space<hbm>>) target_semaphore(%run_scoped3A : memref<!tpu.dma_semaphore, #tpu.memory_space<semaphore_mem>>)
          %dma_wait3A = arith.constant 0 : i32
          %dma_wait3A_181 = tpu.memref_slice %arg10[%mul3A_162, %dma_wait3A] : memref<10000x16xf32, #tpu.memory_space<hbm>> -> memref<80x16xf32, #tpu.memory_space<hbm>>
          %dma_wait3A_182 = arith.constant 0 : i32
          %dma_wait3A_183 = tpu.memref_slice %arg10[%mul3A_162, %dma_wait3A_182] : memref<10000x16xf32, #tpu.memory_space<hbm>> -> memref<80x16xf32, #tpu.memory_space<hbm>>
          tpu.wait_dma2 semaphore(%run_scoped3A : memref<!tpu.dma_semaphore, #tpu.memory_space<semaphore_mem>>) src(%arg20 : memref<80x16xf32, #tpu.memory_space<vmem>>) dst(%dma_wait3A_183 : memref<80x16xf32, #tpu.memory_space<hbm>>)
          tpu.yield
        }) : () -> ()
        %scan3A_170 = arith.constant 0 : i32
        %scan3A_171 = arith.constant 0 : i32
        %scan3A_172 = arith.constant 80 : i32
        %scan3A_173 = arith.addi %scan3A_171, %scan3A_172 : i32
        %scan3A_174 = arith.constant 1 : i32
        %scan3A_175 = scf.for %scan3A_177 = %scan3A_171 to %scan3A_173 step %scan3A_174 iter_args(%scan3A_178 = %scan3A_170) -> (i32)  : i32 {
          %broadcast_in_dim3A = arith.constant 0.000000e+00 : f32
          %broadcast_in_dim3A_179 = vector.broadcast %broadcast_in_dim3A : f32 to vector<16xf32>
          %swap3A = arith.index_cast %scan3A_177 : i32 to index
          %swap3A_180 = arith.constant 0 : index
          %swap3A_181 = tpu.vector_load %arg19[%swap3A, %swap3A_180] {strides = array<i32>} : memref<80x128xf32, #tpu.memory_space<vmem>>, vector<1x16xf32>,
          %swap3A_182 = vector.shape_cast %swap3A_181 : vector<1x16xf32> to vector<16xf32>
          %swap3A_183 = vector.shape_cast %broadcast_in_dim3A_179 : vector<16xf32> to vector<1x16xf32>
          tpu.vector_store %arg19[%swap3A, %swap3A_180], %swap3A_183 {strides = array<i32>} : memref<80x128xf32, #tpu.memory_space<vmem>>, vector<1x16xf32>,
          %broadcast_in_dim3A_184 = arith.constant 0.000000e+00 : f32
          %broadcast_in_dim3A_185 = vector.broadcast %broadcast_in_dim3A_184 : f32 to vector<16xf32>
          %swap3A_186 = arith.index_cast %scan3A_177 : i32 to index
          %swap3A_187 = arith.constant 16 : index
          %swap3A_188 = tpu.vector_load %arg19[%swap3A_186, %swap3A_187] {strides = array<i32>} : memref<80x128xf32, #tpu.memory_space<vmem>>, vector<1x16xf32>,
          %swap3A_189 = vector.shape_cast %swap3A_188 : vector<1x16xf32> to vector<16xf32>
          %swap3A_190 = vector.shape_cast %broadcast_in_dim3A_185 : vector<16xf32> to vector<1x16xf32>
          tpu.vector_store %arg19[%swap3A_186, %swap3A_187], %swap3A_190 {strides = array<i32>} : memref<80x128xf32, #tpu.memory_space<vmem>>, vector<1x16xf32>,
          %broadcast_in_dim3A_191 = arith.constant 0.000000e+00 : f32
          %broadcast_in_dim3A_192 = vector.broadcast %broadcast_in_dim3A_191 : f32 to vector<16xf32>
          %swap3A_193 = arith.index_cast %scan3A_177 : i32 to index
          %swap3A_194 = arith.constant 32 : index
          %swap3A_195 = tpu.vector_load %arg19[%swap3A_193, %swap3A_194] {strides = array<i32>} : memref<80x128xf32, #tpu.memory_space<vmem>>, vector<1x16xf32>,
          %swap3A_196 = vector.shape_cast %swap3A_195 : vector<1x16xf32> to vector<16xf32>
          %swap3A_197 = vector.shape_cast %broadcast_in_dim3A_192 : vector<16xf32> to vector<1x16xf32>
          tpu.vector_store %arg19[%swap3A_193, %swap3A_194], %swap3A_197 {strides = array<i32>} : memref<80x128xf32, #tpu.memory_space<vmem>>, vector<1x16xf32>,
          %broadcast_in_dim3A_198 = arith.constant 0.000000e+00 : f32
          %broadcast_in_dim3A_199 = vector.broadcast %broadcast_in_dim3A_198 : f32 to vector<16xf32>
          %swap3A_200 = arith.index_cast %scan3A_177 : i32 to index
          %swap3A_201 = arith.constant 48 : index
          %swap3A_202 = tpu.vector_load %arg19[%swap3A_200, %swap3A_201] {strides = array<i32>} : memref<80x128xf32, #tpu.memory_space<vmem>>, vector<1x16xf32>,
          %swap3A_203 = vector.shape_cast %swap3A_202 : vector<1x16xf32> to vector<16xf32>
          %swap3A_204 = vector.shape_cast %broadcast_in_dim3A_199 : vector<16xf32> to vector<1x16xf32>
          tpu.vector_store %arg19[%swap3A_200, %swap3A_201], %swap3A_204 {strides = array<i32>} : memref<80x128xf32, #tpu.memory_space<vmem>>, vector<1x16xf32>,
          %broadcast_in_dim3A_205 = arith.constant 0.000000e+00 : f32
          %broadcast_in_dim3A_206 = vector.broadcast %broadcast_in_dim3A_205 : f32 to vector<16xf32>
          %swap3A_207 = arith.index_cast %scan3A_177 : i32 to index
          %swap3A_208 = arith.constant 64 : index
          %swap3A_209 = tpu.vector_load %arg19[%swap3A_207, %swap3A_208] {strides = array<i32>} : memref<80x128xf32, #tpu.memory_space<vmem>>, vector<1x16xf32>,
          %swap3A_210 = vector.shape_cast %swap3A_209 : vector<1x16xf32> to vector<16xf32>
          %swap3A_211 = vector.shape_cast %broadcast_in_dim3A_206 : vector<16xf32> to vector<1x16xf32>
          tpu.vector_store %arg19[%swap3A_207, %swap3A_208], %swap3A_211 {strides = array<i32>} : memref<80x128xf32, #tpu.memory_space<vmem>>, vector<1x16xf32>,
          %broadcast_in_dim3A_212 = arith.constant 0.000000e+00 : f32
          %broadcast_in_dim3A_213 = vector.broadcast %broadcast_in_dim3A_212 : f32 to vector<16xf32>
          %swap3A_214 = arith.index_cast %scan3A_177 : i32 to index
          %swap3A_215 = arith.constant 80 : index
          %swap3A_216 = tpu.vector_load %arg19[%swap3A_214, %swap3A_215] {strides = array<i32>} : memref<80x128xf32, #tpu.memory_space<vmem>>, vector<1x16xf32>,
          %swap3A_217 = vector.shape_cast %swap3A_216 : vector<1x16xf32> to vector<16xf32>
          %swap3A_218 = vector.shape_cast %broadcast_in_dim3A_213 : vector<16xf32> to vector<1x16xf32>
          tpu.vector_store %arg19[%swap3A_214, %swap3A_215], %swap3A_218 {strides = array<i32>} : memref<80x128xf32, #tpu.memory_space<vmem>>, vector<1x16xf32>,
          %broadcast_in_dim3A_219 = arith.constant 0.000000e+00 : f32
          %broadcast_in_dim3A_220 = vector.broadcast %broadcast_in_dim3A_219 : f32 to vector<16xf32>
          %swap3A_221 = arith.index_cast %scan3A_177 : i32 to index
          %swap3A_222 = arith.constant 96 : index
          %swap3A_223 = tpu.vector_load %arg19[%swap3A_221, %swap3A_222] {strides = array<i32>} : memref<80x128xf32, #tpu.memory_space<vmem>>, vector<1x16xf32>,
          %swap3A_224 = vector.shape_cast %swap3A_223 : vector<1x16xf32> to vector<16xf32>
          %swap3A_225 = vector.shape_cast %broadcast_in_dim3A_220 : vector<16xf32> to vector<1x16xf32>
          tpu.vector_store %arg19[%swap3A_221, %swap3A_222], %swap3A_225 {strides = array<i32>} : memref<80x128xf32, #tpu.memory_space<vmem>>, vector<1x16xf32>,
          %broadcast_in_dim3A_226 = arith.constant 0.000000e+00 : f32
          %broadcast_in_dim3A_227 = vector.broadcast %broadcast_in_dim3A_226 : f32 to vector<16xf32>
          %swap3A_228 = arith.index_cast %scan3A_177 : i32 to index
          %swap3A_229 = arith.constant 112 : index
          %swap3A_230 = tpu.vector_load %arg19[%swap3A_228, %swap3A_229] {strides = array<i32>} : memref<80x128xf32, #tpu.memory_space<vmem>>, vector<1x16xf32>,
          %swap3A_231 = vector.shape_cast %swap3A_230 : vector<1x16xf32> to vector<16xf32>
          %swap3A_232 = vector.shape_cast %broadcast_in_dim3A_227 : vector<16xf32> to vector<1x16xf32>
          tpu.vector_store %arg19[%swap3A_228, %swap3A_229], %swap3A_232 {strides = array<i32>} : memref<80x128xf32, #tpu.memory_space<vmem>>, vector<1x16xf32>,
          %scan3A_233 = arith.constant 0 : i32
          scf.yield %scan3A_233 : i32
        }
        %scan3A_176 = arith.constant 80 : i32
        "tpu.region"() ({
          %run_scoped3A = tpu.sem_alloc : memref<!tpu.dma_semaphore, #tpu.memory_space<semaphore_mem>>
          %dma_start3A_177 = arith.constant 0 : i32
          %dma_start3A_178 = tpu.memref_slice %arg12[%mul3A_162, %dma_start3A_177] : memref<10000x128xf32, #tpu.memory_space<vmem_shared>> -> memref<80x128xf32, #tpu.memory_space<vmem_shared>>
          %dma_start3A_179 = arith.constant 0 : i32
          %dma_start3A_180 = tpu.memref_slice %arg12[%mul3A_162, %dma_start3A_179] : memref<10000x128xf32, #tpu.memory_space<vmem_shared>> -> memref<80x128xf32, #tpu.memory_space<vmem_shared>>
          tpu.enqueue_dma source(%arg19 : memref<80x128xf32, #tpu.memory_space<vmem>>) target(%dma_start3A_180 : memref<80x128xf32, #tpu.memory_space<vmem_shared>>) target_semaphore(%run_scoped3A : memref<!tpu.dma_semaphore, #tpu.memory_space<semaphore_mem>>)
          %dma_wait3A = arith.constant 0 : i32
          %dma_wait3A_181 = tpu.memref_slice %arg12[%mul3A_162, %dma_wait3A] : memref<10000x128xf32, #tpu.memory_space<vmem_shared>> -> memref<80x128xf32, #tpu.memory_space<vmem_shared>>
          %dma_wait3A_182 = arith.constant 0 : i32
          %dma_wait3A_183 = tpu.memref_slice %arg12[%mul3A_162, %dma_wait3A_182] : memref<10000x128xf32, #tpu.memory_space<vmem_shared>> -> memref<80x128xf32, #tpu.memory_space<vmem_shared>>
          tpu.wait_dma2 semaphore(%run_scoped3A : memref<!tpu.dma_semaphore, #tpu.memory_space<semaphore_mem>>) src(%arg19 : memref<80x128xf32, #tpu.memory_space<vmem>>) dst(%dma_wait3A_183 : memref<80x128xf32, #tpu.memory_space<vmem_shared>>)
          tpu.yield
        }) : () -> ()
      } else {
      }
      %scan3A_160 = arith.constant 0 : i32
      scf.yield %scan3A_160 : i32
    }
    %scan3A_29 = arith.constant 8 : i32
    %barrier3A_30 = arith.constant 0 : index
    tpu.barrier barrier_id(%barrier3A_30)
    %mul3A_31 = arith.constant 20000 : i32
    %mul3A_32 = arith.muli %arg1, %mul3A_31 : i32
    %add3A_33 = arith.constant 0 : i32
    %add3A_34 = arith.addi %mul3A_32, %add3A_33 : i32
    "tpu.region"() ({
      %run_scoped3A = tpu.sem_alloc : memref<!tpu.dma_semaphore, #tpu.memory_space<semaphore_mem>>
      %dma_start3A_153 = tpu.memref_slice %arg4[%add3A_34] : memref<320000xi32, #tpu.memory_space<hbm>> -> memref<80xi32, #tpu.memory_space<hbm>>
      %dma_start3A_154 = tpu.memref_slice %arg4[%add3A_34] : memref<320000xi32, #tpu.memory_space<hbm>> -> memref<80xi32, #tpu.memory_space<hbm>>
      tpu.enqueue_dma source(%dma_start3A_154 : memref<80xi32, #tpu.memory_space<hbm>>) target(%arg13 : memref<80xi32, #tpu.memory_space<vmem>>) target_semaphore(%run_scoped3A : memref<!tpu.dma_semaphore, #tpu.memory_space<semaphore_mem>>)
      %dma_wait3A = tpu.memref_slice %arg4[%add3A_34] : memref<320000xi32, #tpu.memory_space<hbm>> -> memref<80xi32, #tpu.memory_space<hbm>>
      %dma_wait3A_155 = tpu.memref_slice %arg4[%add3A_34] : memref<320000xi32, #tpu.memory_space<hbm>> -> memref<80xi32, #tpu.memory_space<hbm>>
      tpu.wait_dma2 semaphore(%run_scoped3A : memref<!tpu.dma_semaphore, #tpu.memory_space<semaphore_mem>>) src(%dma_wait3A_155 : memref<80xi32, #tpu.memory_space<hbm>>) dst(%arg13 : memref<80xi32, #tpu.memory_space<vmem>>)
      tpu.yield
    }) : () -> ()
    %scan3A_35 = arith.constant 0 : i32
    %scan3A_36 = arith.constant 0 : i32
    %scan3A_37 = arith.constant 125 : i32
    %scan3A_38 = arith.addi %scan3A_36, %scan3A_37 : i32
    %scan3A_39 = arith.constant 1 : i32
    %scan3A_40 = scf.for %scan3A_153 = %scan3A_36 to %scan3A_38 step %scan3A_39 iter_args(%scan3A_154 = %scan3A_35) -> (i32)  : i32 {
      %dma_start3A_155 = arith.constant 0 : i32
      %dma_start3A_156 = arith.constant 0 : i32
      %dma_start3A_157 = tpu.memref_slice %arg12[%dma_start3A_155, %dma_start3A_156] : memref<10000x128xf32, #tpu.memory_space<vmem_shared>> -> memref<10000x128xf32, #tpu.memory_space<vmem_shared>>
      tpu.enqueue_indirect_dma source(%arg17 : memref<80x128xf32, #tpu.memory_space<vmem>>) target(%dma_start3A_157 : memref<10000x128xf32, #tpu.memory_space<vmem_shared>>) offsets(%arg13 : memref<80xi32, #tpu.memory_space<vmem>>) semaphore(%arg21 : memref<!tpu.dma_semaphore, #tpu.memory_space<semaphore_mem>>) {add = true}
      %mul3A_158 = arith.constant 2 : i32
      %mul3A_159 = arith.muli %mul3A_158, %scan3A_153 : i32
      %add3A_160 = arith.constant 1 : i32
      %add3A_161 = arith.addi %mul3A_159, %add3A_160 : i32
      %mul3A_162 = arith.constant 20000 : i32
      %mul3A_163 = arith.muli %arg1, %mul3A_162 : i32
      %mul3A_164 = arith.constant 80 : i32
      %mul3A_165 = arith.muli %add3A_161, %mul3A_164 : i32
      %add3A_166 = arith.addi %mul3A_163, %mul3A_165 : i32
      "tpu.region"() ({
        %run_scoped3A = tpu.sem_alloc : memref<!tpu.dma_semaphore, #tpu.memory_space<semaphore_mem>>
        %dma_start3A_180 = tpu.memref_slice %arg4[%add3A_166] : memref<320000xi32, #tpu.memory_space<hbm>> -> memref<80xi32, #tpu.memory_space<hbm>>
        %dma_start3A_181 = tpu.memref_slice %arg4[%add3A_166] : memref<320000xi32, #tpu.memory_space<hbm>> -> memref<80xi32, #tpu.memory_space<hbm>>
        tpu.enqueue_dma source(%dma_start3A_181 : memref<80xi32, #tpu.memory_space<hbm>>) target(%arg15 : memref<80xi32, #tpu.memory_space<vmem>>) target_semaphore(%run_scoped3A : memref<!tpu.dma_semaphore, #tpu.memory_space<semaphore_mem>>)
        %dma_wait3A_182 = tpu.memref_slice %arg4[%add3A_166] : memref<320000xi32, #tpu.memory_space<hbm>> -> memref<80xi32, #tpu.memory_space<hbm>>
        %dma_wait3A_183 = tpu.memref_slice %arg4[%add3A_166] : memref<320000xi32, #tpu.memory_space<hbm>> -> memref<80xi32, #tpu.memory_space<hbm>>
        tpu.wait_dma2 semaphore(%run_scoped3A : memref<!tpu.dma_semaphore, #tpu.memory_space<semaphore_mem>>) src(%dma_wait3A_183 : memref<80xi32, #tpu.memory_space<hbm>>) dst(%arg15 : memref<80xi32, #tpu.memory_space<vmem>>)
        tpu.yield
      }) : () -> ()
      %dma_start3A_167 = arith.constant 0 : i32
      %dma_start3A_168 = arith.constant 0 : i32
      %dma_start3A_169 = tpu.memref_slice %arg12[%dma_start3A_167, %dma_start3A_168] : memref<10000x128xf32, #tpu.memory_space<vmem_shared>> -> memref<10000x128xf32, #tpu.memory_space<vmem_shared>>
      tpu.enqueue_indirect_dma source(%arg18 : memref<80x128xf32, #tpu.memory_space<vmem>>) target(%dma_start3A_169 : memref<10000x128xf32, #tpu.memory_space<vmem_shared>>) offsets(%arg15 : memref<80xi32, #tpu.memory_space<vmem>>) semaphore(%arg22 : memref<!tpu.dma_semaphore, #tpu.memory_space<semaphore_mem>>) {add = true}
      %dma_wait3A = arith.constant 0 : i32
      %dma_wait3A_170 = arith.constant 0 : i32
      %dma_wait3A_171 = tpu.memref_slice %arg12[%dma_wait3A, %dma_wait3A_170] : memref<10000x128xf32, #tpu.memory_space<vmem_shared>> -> memref<10000x128xf32, #tpu.memory_space<vmem_shared>>
      tpu.wait_indirect_dma semaphore(%arg21 : memref<!tpu.dma_semaphore, #tpu.memory_space<semaphore_mem>>) src(%arg17 : memref<80x128xf32, #tpu.memory_space<vmem>>) dst(%dma_wait3A_171 : memref<10000x128xf32, #tpu.memory_space<vmem_shared>>)
      %add3A_172 = arith.constant 1 : i32
      %add3A_173 = arith.addi %scan3A_153, %add3A_172 : i32
      %lt3A = arith.constant 125 : i32
      %lt3A_174 = arith.cmpi slt, %add3A_173, %lt3A : i32
      %convert_element_type3A = arith.extui %lt3A_174 : i1 to i32
      %cond3A = arith.constant 0 : i32
      %cond3A_175 = arith.cmpi ne, %convert_element_type3A, %cond3A : i32
      scf.if %cond3A_175 {
        %mul3A_180 = arith.constant 2 : i32
        %mul3A_181 = arith.muli %mul3A_180, %scan3A_153 : i32
        %add3A_182 = arith.constant 2 : i32
        %add3A_183 = arith.addi %mul3A_181, %add3A_182 : i32
        %mul3A_184 = arith.constant 20000 : i32
        %mul3A_185 = arith.muli %arg1, %mul3A_184 : i32
        %mul3A_186 = arith.constant 80 : i32
        %mul3A_187 = arith.muli %add3A_183, %mul3A_186 : i32
        %add3A_188 = arith.addi %mul3A_185, %mul3A_187 : i32
        "tpu.region"() ({
          %run_scoped3A = tpu.sem_alloc : memref<!tpu.dma_semaphore, #tpu.memory_space<semaphore_mem>>
          %dma_start3A_189 = tpu.memref_slice %arg4[%add3A_188] : memref<320000xi32, #tpu.memory_space<hbm>> -> memref<80xi32, #tpu.memory_space<hbm>>
          %dma_start3A_190 = tpu.memref_slice %arg4[%add3A_188] : memref<320000xi32, #tpu.memory_space<hbm>> -> memref<80xi32, #tpu.memory_space<hbm>>
          tpu.enqueue_dma source(%dma_start3A_190 : memref<80xi32, #tpu.memory_space<hbm>>) target(%arg13 : memref<80xi32, #tpu.memory_space<vmem>>) target_semaphore(%run_scoped3A : memref<!tpu.dma_semaphore, #tpu.memory_space<semaphore_mem>>)
          %dma_wait3A_191 = tpu.memref_slice %arg4[%add3A_188] : memref<320000xi32, #tpu.memory_space<hbm>> -> memref<80xi32, #tpu.memory_space<hbm>>
          %dma_wait3A_192 = tpu.memref_slice %arg4[%add3A_188] : memref<320000xi32, #tpu.memory_space<hbm>> -> memref<80xi32, #tpu.memory_space<hbm>>
          tpu.wait_dma2 semaphore(%run_scoped3A : memref<!tpu.dma_semaphore, #tpu.memory_space<semaphore_mem>>) src(%dma_wait3A_192 : memref<80xi32, #tpu.memory_space<hbm>>) dst(%arg13 : memref<80xi32, #tpu.memory_space<vmem>>)
          tpu.yield
        }) : () -> ()
      } else {
      }
      %dma_wait3A_176 = arith.constant 0 : i32
      %dma_wait3A_177 = arith.constant 0 : i32
      %dma_wait3A_178 = tpu.memref_slice %arg12[%dma_wait3A_176, %dma_wait3A_177] : memref<10000x128xf32, #tpu.memory_space<vmem_shared>> -> memref<10000x128xf32, #tpu.memory_space<vmem_shared>>
      tpu.wait_indirect_dma semaphore(%arg22 : memref<!tpu.dma_semaphore, #tpu.memory_space<semaphore_mem>>) src(%arg18 : memref<80x128xf32, #tpu.memory_space<vmem>>) dst(%dma_wait3A_178 : memref<10000x128xf32, #tpu.memory_space<vmem_shared>>)
      %scan3A_179 = arith.constant 0 : i32
      scf.yield %scan3A_179 : i32
    }
    %scan3A_41 = arith.constant 125 : i32
    %barrier3A_42 = arith.constant 0 : index
    tpu.barrier barrier_id(%barrier3A_42)
    %scan3A_43 = arith.constant 0 : i32
    %scan3A_44 = arith.constant 0 : i32
    %scan3A_45 = arith.constant 8 : i32
    %scan3A_46 = arith.addi %scan3A_44, %scan3A_45 : i32
    %scan3A_47 = arith.constant 1 : i32
    %scan3A_48 = scf.for %scan3A_153 = %scan3A_44 to %scan3A_46 step %scan3A_47 iter_args(%scan3A_154 = %scan3A_43) -> (i32)  : i32 {
      %mul3A_155 = arith.constant 16 : i32
      %mul3A_156 = arith.muli %scan3A_153, %mul3A_155 : i32
      %add3A_157 = arith.addi %mul3A_156, %arg1 : i32
      %lt3A = arith.constant 125 : i32
      %lt3A_158 = arith.cmpi slt, %add3A_157, %lt3A : i32
      %convert_element_type3A = arith.extui %lt3A_158 : i1 to i32
      %cond3A = arith.constant 0 : i32
      %cond3A_159 = arith.cmpi ne, %convert_element_type3A, %cond3A : i32
      scf.if %cond3A_159 {
        %mul3A_161 = arith.constant 80 : i32
        %mul3A_162 = arith.muli %add3A_157, %mul3A_161 : i32
        "tpu.region"() ({
          %run_scoped3A = tpu.sem_alloc : memref<!tpu.dma_semaphore, #tpu.memory_space<semaphore_mem>>
          %dma_start3A_177 = arith.constant 0 : i32
          %dma_start3A_178 = tpu.memref_slice %arg12[%mul3A_162, %dma_start3A_177] : memref<10000x128xf32, #tpu.memory_space<vmem_shared>> -> memref<80x128xf32, #tpu.memory_space<vmem_shared>>
          %dma_start3A_179 = arith.constant 0 : i32
          %dma_start3A_180 = tpu.memref_slice %arg12[%mul3A_162, %dma_start3A_179] : memref<10000x128xf32, #tpu.memory_space<vmem_shared>> -> memref<80x128xf32, #tpu.memory_space<vmem_shared>>
          tpu.enqueue_dma source(%dma_start3A_180 : memref<80x128xf32, #tpu.memory_space<vmem_shared>>) target(%arg19 : memref<80x128xf32, #tpu.memory_space<vmem>>) target_semaphore(%run_scoped3A : memref<!tpu.dma_semaphore, #tpu.memory_space<semaphore_mem>>)
          %dma_wait3A = arith.constant 0 : i32
          %dma_wait3A_181 = tpu.memref_slice %arg12[%mul3A_162, %dma_wait3A] : memref<10000x128xf32, #tpu.memory_space<vmem_shared>> -> memref<80x128xf32, #tpu.memory_space<vmem_shared>>
          %dma_wait3A_182 = arith.constant 0 : i32
          %dma_wait3A_183 = tpu.memref_slice %arg12[%mul3A_162, %dma_wait3A_182] : memref<10000x128xf32, #tpu.memory_space<vmem_shared>> -> memref<80x128xf32, #tpu.memory_space<vmem_shared>>
          tpu.wait_dma2 semaphore(%run_scoped3A : memref<!tpu.dma_semaphore, #tpu.memory_space<semaphore_mem>>) src(%dma_wait3A_183 : memref<80x128xf32, #tpu.memory_space<vmem_shared>>) dst(%arg19 : memref<80x128xf32, #tpu.memory_space<vmem>>)
          tpu.yield
        }) : () -> ()
        %scan3A_163 = arith.constant 0 : i32
        %scan3A_164 = arith.constant 0 : i32
        %scan3A_165 = arith.constant 80 : i32
        %scan3A_166 = arith.addi %scan3A_164, %scan3A_165 : i32
        %scan3A_167 = arith.constant 1 : i32
        %scan3A_168 = scf.for %scan3A_177 = %scan3A_164 to %scan3A_166 step %scan3A_167 iter_args(%scan3A_178 = %scan3A_163) -> (i32)  : i32 {
          %get3A = arith.index_cast %scan3A_177 : i32 to index
          %get3A_179 = arith.constant 0 : index
          %get3A_180 = tpu.vector_load %arg19[%get3A, %get3A_179] {strides = array<i32>} : memref<80x128xf32, #tpu.memory_space<vmem>>, vector<1x16xf32>,
          %get3A_181 = vector.shape_cast %get3A_180 : vector<1x16xf32> to vector<16xf32>
          %max3A = arith.constant 1.000000e+00 : f32
          %max3A_182 = vector.broadcast %max3A : f32 to vector<16xf32>
          %max3A_183 = arith.maximumf %get3A_181, %max3A_182 : vector<16xf32>
          %broadcast_in_dim3A = arith.constant 1.000000e+00 : f32
          %broadcast_in_dim3A_184 = vector.broadcast %broadcast_in_dim3A : f32 to vector<16xf32>
          %ge3A = arith.constant 2.000000e+00 : f32
          %ge3A_185 = vector.broadcast %ge3A : f32 to vector<16xf32>
          %ge3A_186 = arith.cmpf oge, %max3A_183, %ge3A_185 : vector<16xf32>
          %jit3A = arith.constant 0.707106769 : f32
          %broadcast_in_dim3A_187 = vector.broadcast %jit3A : f32 to vector<16xf32>
          %select_n3A = arith.select %ge3A_186, %broadcast_in_dim3A_187, %broadcast_in_dim3A_184 : vector<16xi1>, vector<16xf32>
          %ge3A_188 = arith.constant 4.000000e+00 : f32
          %ge3A_189 = vector.broadcast %ge3A_188 : f32 to vector<16xf32>
          %ge3A_190 = arith.cmpf oge, %max3A_183, %ge3A_189 : vector<16xf32>
          %jit3A_191 = arith.constant 5.000000e-01 : f32
          %broadcast_in_dim3A_192 = vector.broadcast %jit3A_191 : f32 to vector<16xf32>
          %select_n3A_193 = arith.select %ge3A_190, %broadcast_in_dim3A_192, %select_n3A : vector<16xi1>, vector<16xf32>
          %ge3A_194 = arith.constant 8.000000e+00 : f32
          %ge3A_195 = vector.broadcast %ge3A_194 : f32 to vector<16xf32>
          %ge3A_196 = arith.cmpf oge, %max3A_183, %ge3A_195 : vector<16xf32>
          %jit3A_197 = arith.constant 0.353553385 : f32
          %broadcast_in_dim3A_198 = vector.broadcast %jit3A_197 : f32 to vector<16xf32>
          %select_n3A_199 = arith.select %ge3A_196, %broadcast_in_dim3A_198, %select_n3A_193 : vector<16xi1>, vector<16xf32>
          %ge3A_200 = arith.constant 1.600000e+01 : f32
          %ge3A_201 = vector.broadcast %ge3A_200 : f32 to vector<16xf32>
          %ge3A_202 = arith.cmpf oge, %max3A_183, %ge3A_201 : vector<16xf32>
          %jit3A_203 = arith.constant 2.500000e-01 : f32
          %broadcast_in_dim3A_204 = vector.broadcast %jit3A_203 : f32 to vector<16xf32>
          %select_n3A_205 = arith.select %ge3A_202, %broadcast_in_dim3A_204, %select_n3A_199 : vector<16xi1>, vector<16xf32>
          %ge3A_206 = arith.constant 3.200000e+01 : f32
          %ge3A_207 = vector.broadcast %ge3A_206 : f32 to vector<16xf32>
          %ge3A_208 = arith.cmpf oge, %max3A_183, %ge3A_207 : vector<16xf32>
          %jit3A_209 = arith.constant 0.176776692 : f32
          %broadcast_in_dim3A_210 = vector.broadcast %jit3A_209 : f32 to vector<16xf32>
          %select_n3A_211 = arith.select %ge3A_208, %broadcast_in_dim3A_210, %select_n3A_205 : vector<16xi1>, vector<16xf32>
          %ge3A_212 = arith.constant 6.400000e+01 : f32
          %ge3A_213 = vector.broadcast %ge3A_212 : f32 to vector<16xf32>
          %ge3A_214 = arith.cmpf oge, %max3A_183, %ge3A_213 : vector<16xf32>
          %jit3A_215 = arith.constant 1.250000e-01 : f32
          %broadcast_in_dim3A_216 = vector.broadcast %jit3A_215 : f32 to vector<16xf32>
          %select_n3A_217 = arith.select %ge3A_214, %broadcast_in_dim3A_216, %select_n3A_211 : vector<16xi1>, vector<16xf32>
          %ge3A_218 = arith.constant 1.280000e+02 : f32
          %ge3A_219 = vector.broadcast %ge3A_218 : f32 to vector<16xf32>
          %ge3A_220 = arith.cmpf oge, %max3A_183, %ge3A_219 : vector<16xf32>
          %jit3A_221 = arith.constant 0.0883883461 : f32
          %broadcast_in_dim3A_222 = vector.broadcast %jit3A_221 : f32 to vector<16xf32>
          %select_n3A_223 = arith.select %ge3A_220, %broadcast_in_dim3A_222, %select_n3A_217 : vector<16xi1>, vector<16xf32>
          %ge3A_224 = arith.constant 2.560000e+02 : f32
          %ge3A_225 = vector.broadcast %ge3A_224 : f32 to vector<16xf32>
          %ge3A_226 = arith.cmpf oge, %max3A_183, %ge3A_225 : vector<16xf32>
          %jit3A_227 = arith.constant 6.250000e-02 : f32
          %broadcast_in_dim3A_228 = vector.broadcast %jit3A_227 : f32 to vector<16xf32>
          %select_n3A_229 = arith.select %ge3A_226, %broadcast_in_dim3A_228, %select_n3A_223 : vector<16xi1>, vector<16xf32>
          %ge3A_230 = arith.constant 5.120000e+02 : f32
          %ge3A_231 = vector.broadcast %ge3A_230 : f32 to vector<16xf32>
          %ge3A_232 = arith.cmpf oge, %max3A_183, %ge3A_231 : vector<16xf32>
          %jit3A_233 = arith.constant 0.0441941731 : f32
          %broadcast_in_dim3A_234 = vector.broadcast %jit3A_233 : f32 to vector<16xf32>
          %select_n3A_235 = arith.select %ge3A_232, %broadcast_in_dim3A_234, %select_n3A_229 : vector<16xi1>, vector<16xf32>
          %ge3A_236 = arith.constant 1.024000e+03 : f32
          %ge3A_237 = vector.broadcast %ge3A_236 : f32 to vector<16xf32>
          %ge3A_238 = arith.cmpf oge, %max3A_183, %ge3A_237 : vector<16xf32>
          %jit3A_239 = arith.constant 3.125000e-02 : f32
          %broadcast_in_dim3A_240 = vector.broadcast %jit3A_239 : f32 to vector<16xf32>
          %select_n3A_241 = arith.select %ge3A_238, %broadcast_in_dim3A_240, %select_n3A_235 : vector<16xi1>, vector<16xf32>
          %ge3A_242 = arith.constant 2.048000e+03 : f32
          %ge3A_243 = vector.broadcast %ge3A_242 : f32 to vector<16xf32>
          %ge3A_244 = arith.cmpf oge, %max3A_183, %ge3A_243 : vector<16xf32>
          %jit3A_245 = arith.constant 0.0220970865 : f32
          %broadcast_in_dim3A_246 = vector.broadcast %jit3A_245 : f32 to vector<16xf32>
          %select_n3A_247 = arith.select %ge3A_244, %broadcast_in_dim3A_246, %select_n3A_241 : vector<16xi1>, vector<16xf32>
          %ge3A_248 = arith.constant 4.096000e+03 : f32
          %ge3A_249 = vector.broadcast %ge3A_248 : f32 to vector<16xf32>
          %ge3A_250 = arith.cmpf oge, %max3A_183, %ge3A_249 : vector<16xf32>
          %jit3A_251 = arith.constant 1.562500e-02 : f32
          %broadcast_in_dim3A_252 = vector.broadcast %jit3A_251 : f32 to vector<16xf32>
          %select_n3A_253 = arith.select %ge3A_250, %broadcast_in_dim3A_252, %select_n3A_247 : vector<16xi1>, vector<16xf32>
          %ge3A_254 = arith.constant 8.192000e+03 : f32
          %ge3A_255 = vector.broadcast %ge3A_254 : f32 to vector<16xf32>
          %ge3A_256 = arith.cmpf oge, %max3A_183, %ge3A_255 : vector<16xf32>
          %jit3A_257 = arith.constant 0.0110485433 : f32
          %broadcast_in_dim3A_258 = vector.broadcast %jit3A_257 : f32 to vector<16xf32>
          %select_n3A_259 = arith.select %ge3A_256, %broadcast_in_dim3A_258, %select_n3A_253 : vector<16xi1>, vector<16xf32>
          %ge3A_260 = arith.constant 1.638400e+04 : f32
          %ge3A_261 = vector.broadcast %ge3A_260 : f32 to vector<16xf32>
          %ge3A_262 = arith.cmpf oge, %max3A_183, %ge3A_261 : vector<16xf32>
          %jit3A_263 = arith.constant 7.812500e-03 : f32
          %broadcast_in_dim3A_264 = vector.broadcast %jit3A_263 : f32 to vector<16xf32>
          %select_n3A_265 = arith.select %ge3A_262, %broadcast_in_dim3A_264, %select_n3A_259 : vector<16xi1>, vector<16xf32>
          %ge3A_266 = arith.constant 3.276800e+04 : f32
          %ge3A_267 = vector.broadcast %ge3A_266 : f32 to vector<16xf32>
          %ge3A_268 = arith.cmpf oge, %max3A_183, %ge3A_267 : vector<16xf32>
          %jit3A_269 = arith.constant 0.00552427163 : f32
          %broadcast_in_dim3A_270 = vector.broadcast %jit3A_269 : f32 to vector<16xf32>
          %select_n3A_271 = arith.select %ge3A_268, %broadcast_in_dim3A_270, %select_n3A_265 : vector<16xi1>, vector<16xf32>
          %ge3A_272 = arith.constant 6.553600e+04 : f32
          %ge3A_273 = vector.broadcast %ge3A_272 : f32 to vector<16xf32>
          %ge3A_274 = arith.cmpf oge, %max3A_183, %ge3A_273 : vector<16xf32>
          %jit3A_275 = arith.constant 3.906250e-03 : f32
          %broadcast_in_dim3A_276 = vector.broadcast %jit3A_275 : f32 to vector<16xf32>
          %select_n3A_277 = arith.select %ge3A_274, %broadcast_in_dim3A_276, %select_n3A_271 : vector<16xi1>, vector<16xf32>
          %ge3A_278 = arith.constant 1.310720e+05 : f32
          %ge3A_279 = vector.broadcast %ge3A_278 : f32 to vector<16xf32>
          %ge3A_280 = arith.cmpf oge, %max3A_183, %ge3A_279 : vector<16xf32>
          %jit3A_281 = arith.constant 0.00276213582 : f32
          %broadcast_in_dim3A_282 = vector.broadcast %jit3A_281 : f32 to vector<16xf32>
          %select_n3A_283 = arith.select %ge3A_280, %broadcast_in_dim3A_282, %select_n3A_277 : vector<16xi1>, vector<16xf32>
          %ge3A_284 = arith.constant 2.621440e+05 : f32
          %ge3A_285 = vector.broadcast %ge3A_284 : f32 to vector<16xf32>
          %ge3A_286 = arith.cmpf oge, %max3A_183, %ge3A_285 : vector<16xf32>
          %jit3A_287 = arith.constant 0.001953125 : f32
          %broadcast_in_dim3A_288 = vector.broadcast %jit3A_287 : f32 to vector<16xf32>
          %select_n3A_289 = arith.select %ge3A_286, %broadcast_in_dim3A_288, %select_n3A_283 : vector<16xi1>, vector<16xf32>
          %mul3A_290 = arith.constant 5.000000e-01 : f32
          %mul3A_291 = vector.broadcast %mul3A_290 : f32 to vector<16xf32>
          %mul3A_292 = arith.mulf %mul3A_291, %max3A_183 : vector<16xf32>
          %mul3A_293 = arith.mulf %mul3A_292, %select_n3A_289 : vector<16xf32>
          %mul3A_294 = arith.mulf %mul3A_293, %select_n3A_289 : vector<16xf32>
          %sub3A = arith.constant 1.500000e+00 : f32
          %sub3A_295 = vector.broadcast %sub3A : f32 to vector<16xf32>
          %sub3A_296 = arith.subf %sub3A_295, %mul3A_294 : vector<16xf32>
          %mul3A_297 = arith.mulf %select_n3A_289, %sub3A_296 : vector<16xf32>
          %mul3A_298 = arith.constant 5.000000e-01 : f32
          %mul3A_299 = vector.broadcast %mul3A_298 : f32 to vector<16xf32>
          %mul3A_300 = arith.mulf %mul3A_299, %max3A_183 : vector<16xf32>
          %mul3A_301 = arith.mulf %mul3A_300, %mul3A_297 : vector<16xf32>
          %mul3A_302 = arith.mulf %mul3A_301, %mul3A_297 : vector<16xf32>
          %sub3A_303 = arith.constant 1.500000e+00 : f32
          %sub3A_304 = vector.broadcast %sub3A_303 : f32 to vector<16xf32>
          %sub3A_305 = arith.subf %sub3A_304, %mul3A_302 : vector<16xf32>
          %mul3A_306 = arith.mulf %mul3A_297, %sub3A_305 : vector<16xf32>
          %mul3A_307 = arith.constant 5.000000e-01 : f32
          %mul3A_308 = vector.broadcast %mul3A_307 : f32 to vector<16xf32>
          %mul3A_309 = arith.mulf %mul3A_308, %max3A_183 : vector<16xf32>
          %mul3A_310 = arith.mulf %mul3A_309, %mul3A_306 : vector<16xf32>
          %mul3A_311 = arith.mulf %mul3A_310, %mul3A_306 : vector<16xf32>
          %sub3A_312 = arith.constant 1.500000e+00 : f32
          %sub3A_313 = vector.broadcast %sub3A_312 : f32 to vector<16xf32>
          %sub3A_314 = arith.subf %sub3A_313, %mul3A_311 : vector<16xf32>
          %mul3A_315 = arith.mulf %mul3A_306, %sub3A_314 : vector<16xf32>
          %mul3A_316 = arith.constant 5.000000e-01 : f32
          %mul3A_317 = vector.broadcast %mul3A_316 : f32 to vector<16xf32>
          %mul3A_318 = arith.mulf %mul3A_317, %max3A_183 : vector<16xf32>
          %mul3A_319 = arith.mulf %mul3A_318, %mul3A_315 : vector<16xf32>
          %mul3A_320 = arith.mulf %mul3A_319, %mul3A_315 : vector<16xf32>
          %sub3A_321 = arith.constant 1.500000e+00 : f32
          %sub3A_322 = vector.broadcast %sub3A_321 : f32 to vector<16xf32>
          %sub3A_323 = arith.subf %sub3A_322, %mul3A_320 : vector<16xf32>
          %mul3A_324 = arith.mulf %mul3A_315, %sub3A_323 : vector<16xf32>
          %mul3A_325 = arith.constant 5.000000e-01 : f32
          %mul3A_326 = vector.broadcast %mul3A_325 : f32 to vector<16xf32>
          %mul3A_327 = arith.mulf %mul3A_326, %max3A_183 : vector<16xf32>
          %mul3A_328 = arith.mulf %mul3A_327, %mul3A_324 : vector<16xf32>
          %mul3A_329 = arith.mulf %mul3A_328, %mul3A_324 : vector<16xf32>
          %sub3A_330 = arith.constant 1.500000e+00 : f32
          %sub3A_331 = vector.broadcast %sub3A_330 : f32 to vector<16xf32>
          %sub3A_332 = arith.subf %sub3A_331, %mul3A_329 : vector<16xf32>
          %mul3A_333 = arith.mulf %mul3A_324, %sub3A_332 : vector<16xf32>
          %swap3A = arith.index_cast %scan3A_177 : i32 to index
          %swap3A_334 = arith.constant 0 : index
          %swap3A_335 = tpu.vector_load %arg20[%swap3A, %swap3A_334] {strides = array<i32>} : memref<80x16xf32, #tpu.memory_space<vmem>>, vector<1x16xf32>,
          %swap3A_336 = vector.shape_cast %swap3A_335 : vector<1x16xf32> to vector<16xf32>
          %swap3A_337 = vector.shape_cast %mul3A_333 : vector<16xf32> to vector<1x16xf32>
          tpu.vector_store %arg20[%swap3A, %swap3A_334], %swap3A_337 {strides = array<i32>} : memref<80x16xf32, #tpu.memory_space<vmem>>, vector<1x16xf32>,
          %scan3A_338 = arith.constant 0 : i32
          scf.yield %scan3A_338 : i32
        }
        %scan3A_169 = arith.constant 80 : i32
        "tpu.region"() ({
          %run_scoped3A = tpu.sem_alloc : memref<!tpu.dma_semaphore, #tpu.memory_space<semaphore_mem>>
          %dma_start3A_177 = arith.constant 0 : i32
          %dma_start3A_178 = tpu.memref_slice %arg11[%mul3A_162, %dma_start3A_177] : memref<10000x16xf32, #tpu.memory_space<hbm>> -> memref<80x16xf32, #tpu.memory_space<hbm>>
          %dma_start3A_179 = arith.constant 0 : i32
          %dma_start3A_180 = tpu.memref_slice %arg11[%mul3A_162, %dma_start3A_179] : memref<10000x16xf32, #tpu.memory_space<hbm>> -> memref<80x16xf32, #tpu.memory_space<hbm>>
          tpu.enqueue_dma source(%arg20 : memref<80x16xf32, #tpu.memory_space<vmem>>) target(%dma_start3A_180 : memref<80x16xf32, #tpu.memory_space<hbm>>) target_semaphore(%run_scoped3A : memref<!tpu.dma_semaphore, #tpu.memory_space<semaphore_mem>>)
          %dma_wait3A = arith.constant 0 : i32
          %dma_wait3A_181 = tpu.memref_slice %arg11[%mul3A_162, %dma_wait3A] : memref<10000x16xf32, #tpu.memory_space<hbm>> -> memref<80x16xf32, #tpu.memory_space<hbm>>
          %dma_wait3A_182 = arith.constant 0 : i32
          %dma_wait3A_183 = tpu.memref_slice %arg11[%mul3A_162, %dma_wait3A_182] : memref<10000x16xf32, #tpu.memory_space<hbm>> -> memref<80x16xf32, #tpu.memory_space<hbm>>
          tpu.wait_dma2 semaphore(%run_scoped3A : memref<!tpu.dma_semaphore, #tpu.memory_space<semaphore_mem>>) src(%arg20 : memref<80x16xf32, #tpu.memory_space<vmem>>) dst(%dma_wait3A_183 : memref<80x16xf32, #tpu.memory_space<hbm>>)
          tpu.yield
        }) : () -> ()
        %scan3A_170 = arith.constant 0 : i32
        %scan3A_171 = arith.constant 0 : i32
        %scan3A_172 = arith.constant 80 : i32
        %scan3A_173 = arith.addi %scan3A_171, %scan3A_172 : i32
        %scan3A_174 = arith.constant 1 : i32
        %scan3A_175 = scf.for %scan3A_177 = %scan3A_171 to %scan3A_173 step %scan3A_174 iter_args(%scan3A_178 = %scan3A_170) -> (i32)  : i32 {
          %broadcast_in_dim3A = arith.constant 0.000000e+00 : f32
          %broadcast_in_dim3A_179 = vector.broadcast %broadcast_in_dim3A : f32 to vector<16xf32>
          %swap3A = arith.index_cast %scan3A_177 : i32 to index
          %swap3A_180 = arith.constant 0 : index
          %swap3A_181 = tpu.vector_load %arg19[%swap3A, %swap3A_180] {strides = array<i32>} : memref<80x128xf32, #tpu.memory_space<vmem>>, vector<1x16xf32>,
          %swap3A_182 = vector.shape_cast %swap3A_181 : vector<1x16xf32> to vector<16xf32>
          %swap3A_183 = vector.shape_cast %broadcast_in_dim3A_179 : vector<16xf32> to vector<1x16xf32>
          tpu.vector_store %arg19[%swap3A, %swap3A_180], %swap3A_183 {strides = array<i32>} : memref<80x128xf32, #tpu.memory_space<vmem>>, vector<1x16xf32>,
          %broadcast_in_dim3A_184 = arith.constant 0.000000e+00 : f32
          %broadcast_in_dim3A_185 = vector.broadcast %broadcast_in_dim3A_184 : f32 to vector<16xf32>
          %swap3A_186 = arith.index_cast %scan3A_177 : i32 to index
          %swap3A_187 = arith.constant 16 : index
          %swap3A_188 = tpu.vector_load %arg19[%swap3A_186, %swap3A_187] {strides = array<i32>} : memref<80x128xf32, #tpu.memory_space<vmem>>, vector<1x16xf32>,
          %swap3A_189 = vector.shape_cast %swap3A_188 : vector<1x16xf32> to vector<16xf32>
          %swap3A_190 = vector.shape_cast %broadcast_in_dim3A_185 : vector<16xf32> to vector<1x16xf32>
          tpu.vector_store %arg19[%swap3A_186, %swap3A_187], %swap3A_190 {strides = array<i32>} : memref<80x128xf32, #tpu.memory_space<vmem>>, vector<1x16xf32>,
          %broadcast_in_dim3A_191 = arith.constant 0.000000e+00 : f32
          %broadcast_in_dim3A_192 = vector.broadcast %broadcast_in_dim3A_191 : f32 to vector<16xf32>
          %swap3A_193 = arith.index_cast %scan3A_177 : i32 to index
          %swap3A_194 = arith.constant 32 : index
          %swap3A_195 = tpu.vector_load %arg19[%swap3A_193, %swap3A_194] {strides = array<i32>} : memref<80x128xf32, #tpu.memory_space<vmem>>, vector<1x16xf32>,
          %swap3A_196 = vector.shape_cast %swap3A_195 : vector<1x16xf32> to vector<16xf32>
          %swap3A_197 = vector.shape_cast %broadcast_in_dim3A_192 : vector<16xf32> to vector<1x16xf32>
          tpu.vector_store %arg19[%swap3A_193, %swap3A_194], %swap3A_197 {strides = array<i32>} : memref<80x128xf32, #tpu.memory_space<vmem>>, vector<1x16xf32>,
          %broadcast_in_dim3A_198 = arith.constant 0.000000e+00 : f32
          %broadcast_in_dim3A_199 = vector.broadcast %broadcast_in_dim3A_198 : f32 to vector<16xf32>
          %swap3A_200 = arith.index_cast %scan3A_177 : i32 to index
          %swap3A_201 = arith.constant 48 : index
          %swap3A_202 = tpu.vector_load %arg19[%swap3A_200, %swap3A_201] {strides = array<i32>} : memref<80x128xf32, #tpu.memory_space<vmem>>, vector<1x16xf32>,
          %swap3A_203 = vector.shape_cast %swap3A_202 : vector<1x16xf32> to vector<16xf32>
          %swap3A_204 = vector.shape_cast %broadcast_in_dim3A_199 : vector<16xf32> to vector<1x16xf32>
          tpu.vector_store %arg19[%swap3A_200, %swap3A_201], %swap3A_204 {strides = array<i32>} : memref<80x128xf32, #tpu.memory_space<vmem>>, vector<1x16xf32>,
          %broadcast_in_dim3A_205 = arith.constant 0.000000e+00 : f32
          %broadcast_in_dim3A_206 = vector.broadcast %broadcast_in_dim3A_205 : f32 to vector<16xf32>
          %swap3A_207 = arith.index_cast %scan3A_177 : i32 to index
          %swap3A_208 = arith.constant 64 : index
          %swap3A_209 = tpu.vector_load %arg19[%swap3A_207, %swap3A_208] {strides = array<i32>} : memref<80x128xf32, #tpu.memory_space<vmem>>, vector<1x16xf32>,
          %swap3A_210 = vector.shape_cast %swap3A_209 : vector<1x16xf32> to vector<16xf32>
          %swap3A_211 = vector.shape_cast %broadcast_in_dim3A_206 : vector<16xf32> to vector<1x16xf32>
          tpu.vector_store %arg19[%swap3A_207, %swap3A_208], %swap3A_211 {strides = array<i32>} : memref<80x128xf32, #tpu.memory_space<vmem>>, vector<1x16xf32>,
          %broadcast_in_dim3A_212 = arith.constant 0.000000e+00 : f32
          %broadcast_in_dim3A_213 = vector.broadcast %broadcast_in_dim3A_212 : f32 to vector<16xf32>
          %swap3A_214 = arith.index_cast %scan3A_177 : i32 to index
          %swap3A_215 = arith.constant 80 : index
          %swap3A_216 = tpu.vector_load %arg19[%swap3A_214, %swap3A_215] {strides = array<i32>} : memref<80x128xf32, #tpu.memory_space<vmem>>, vector<1x16xf32>,
          %swap3A_217 = vector.shape_cast %swap3A_216 : vector<1x16xf32> to vector<16xf32>
          %swap3A_218 = vector.shape_cast %broadcast_in_dim3A_213 : vector<16xf32> to vector<1x16xf32>
          tpu.vector_store %arg19[%swap3A_214, %swap3A_215], %swap3A_218 {strides = array<i32>} : memref<80x128xf32, #tpu.memory_space<vmem>>, vector<1x16xf32>,
          %broadcast_in_dim3A_219 = arith.constant 0.000000e+00 : f32
          %broadcast_in_dim3A_220 = vector.broadcast %broadcast_in_dim3A_219 : f32 to vector<16xf32>
          %swap3A_221 = arith.index_cast %scan3A_177 : i32 to index
          %swap3A_222 = arith.constant 96 : index
          %swap3A_223 = tpu.vector_load %arg19[%swap3A_221, %swap3A_222] {strides = array<i32>} : memref<80x128xf32, #tpu.memory_space<vmem>>, vector<1x16xf32>,
          %swap3A_224 = vector.shape_cast %swap3A_223 : vector<1x16xf32> to vector<16xf32>
          %swap3A_225 = vector.shape_cast %broadcast_in_dim3A_220 : vector<16xf32> to vector<1x16xf32>
          tpu.vector_store %arg19[%swap3A_221, %swap3A_222], %swap3A_225 {strides = array<i32>} : memref<80x128xf32, #tpu.memory_space<vmem>>, vector<1x16xf32>,
          %broadcast_in_dim3A_226 = arith.constant 0.000000e+00 : f32
          %broadcast_in_dim3A_227 = vector.broadcast %broadcast_in_dim3A_226 : f32 to vector<16xf32>
          %swap3A_228 = arith.index_cast %scan3A_177 : i32 to index
          %swap3A_229 = arith.constant 112 : index
          %swap3A_230 = tpu.vector_load %arg19[%swap3A_228, %swap3A_229] {strides = array<i32>} : memref<80x128xf32, #tpu.memory_space<vmem>>, vector<1x16xf32>,
          %swap3A_231 = vector.shape_cast %swap3A_230 : vector<1x16xf32> to vector<16xf32>
          %swap3A_232 = vector.shape_cast %broadcast_in_dim3A_227 : vector<16xf32> to vector<1x16xf32>
          tpu.vector_store %arg19[%swap3A_228, %swap3A_229], %swap3A_232 {strides = array<i32>} : memref<80x128xf32, #tpu.memory_space<vmem>>, vector<1x16xf32>,
          %scan3A_233 = arith.constant 0 : i32
          scf.yield %scan3A_233 : i32
        }
        %scan3A_176 = arith.constant 80 : i32
        "tpu.region"() ({
          %run_scoped3A = tpu.sem_alloc : memref<!tpu.dma_semaphore, #tpu.memory_space<semaphore_mem>>
          %dma_start3A_177 = arith.constant 0 : i32
          %dma_start3A_178 = tpu.memref_slice %arg12[%mul3A_162, %dma_start3A_177] : memref<10000x128xf32, #tpu.memory_space<vmem_shared>> -> memref<80x128xf32, #tpu.memory_space<vmem_shared>>
          %dma_start3A_179 = arith.constant 0 : i32
          %dma_start3A_180 = tpu.memref_slice %arg12[%mul3A_162, %dma_start3A_179] : memref<10000x128xf32, #tpu.memory_space<vmem_shared>> -> memref<80x128xf32, #tpu.memory_space<vmem_shared>>
          tpu.enqueue_dma source(%arg19 : memref<80x128xf32, #tpu.memory_space<vmem>>) target(%dma_start3A_180 : memref<80x128xf32, #tpu.memory_space<vmem_shared>>) target_semaphore(%run_scoped3A : memref<!tpu.dma_semaphore, #tpu.memory_space<semaphore_mem>>)
          %dma_wait3A = arith.constant 0 : i32
          %dma_wait3A_181 = tpu.memref_slice %arg12[%mul3A_162, %dma_wait3A] : memref<10000x128xf32, #tpu.memory_space<vmem_shared>> -> memref<80x128xf32, #tpu.memory_space<vmem_shared>>
          %dma_wait3A_182 = arith.constant 0 : i32
          %dma_wait3A_183 = tpu.memref_slice %arg12[%mul3A_162, %dma_wait3A_182] : memref<10000x128xf32, #tpu.memory_space<vmem_shared>> -> memref<80x128xf32, #tpu.memory_space<vmem_shared>>
          tpu.wait_dma2 semaphore(%run_scoped3A : memref<!tpu.dma_semaphore, #tpu.memory_space<semaphore_mem>>) src(%arg19 : memref<80x128xf32, #tpu.memory_space<vmem>>) dst(%dma_wait3A_183 : memref<80x128xf32, #tpu.memory_space<vmem_shared>>)
          tpu.yield
        }) : () -> ()
      } else {
      }
      %scan3A_160 = arith.constant 0 : i32
      scf.yield %scan3A_160 : i32
    }
    %scan3A_49 = arith.constant 8 : i32
    %barrier3A_50 = arith.constant 0 : index
    tpu.barrier barrier_id(%barrier3A_50)
    %scan3A_51 = arith.constant 0 : i32
    %scan3A_52 = arith.constant 0 : i32
    %scan3A_53 = arith.constant 8 : i32
    %scan3A_54 = arith.addi %scan3A_52, %scan3A_53 : i32
    %scan3A_55 = arith.constant 1 : i32
    %scan3A_56 = scf.for %scan3A_153 = %scan3A_52 to %scan3A_54 step %scan3A_55 iter_args(%scan3A_154 = %scan3A_51) -> (i32)  : i32 {
      %mul3A_155 = arith.constant 16 : i32
      %mul3A_156 = arith.muli %scan3A_153, %mul3A_155 : i32
      %add3A_157 = arith.addi %mul3A_156, %arg1 : i32
      %lt3A = arith.constant 125 : i32
      %lt3A_158 = arith.cmpi slt, %add3A_157, %lt3A : i32
      %convert_element_type3A = arith.extui %lt3A_158 : i1 to i32
      %cond3A = arith.constant 0 : i32
      %cond3A_159 = arith.cmpi ne, %convert_element_type3A, %cond3A : i32
      scf.if %cond3A_159 {
        %mul3A_161 = arith.constant 80 : i32
        %mul3A_162 = arith.muli %add3A_157, %mul3A_161 : i32
        %mul3A_163 = arith.constant 10000 : i32
        %mul3A_164 = arith.muli %arg0, %mul3A_163 : i32
        %add3A_165 = arith.addi %mul3A_164, %mul3A_162 : i32
        "tpu.region"() ({
          %run_scoped3A = tpu.sem_alloc : memref<!tpu.dma_semaphore, #tpu.memory_space<semaphore_mem>>
          %dma_start3A_173 = arith.constant 0 : i32
          %dma_start3A_174 = tpu.memref_slice %arg10[%mul3A_162, %dma_start3A_173] : memref<10000x16xf32, #tpu.memory_space<hbm>> -> memref<80x16xf32, #tpu.memory_space<hbm>>
          %dma_start3A_175 = arith.constant 0 : i32
          %dma_start3A_176 = tpu.memref_slice %arg10[%mul3A_162, %dma_start3A_175] : memref<10000x16xf32, #tpu.memory_space<hbm>> -> memref<80x16xf32, #tpu.memory_space<hbm>>
          tpu.enqueue_dma source(%dma_start3A_176 : memref<80x16xf32, #tpu.memory_space<hbm>>) target(%arg20 : memref<80x16xf32, #tpu.memory_space<vmem>>) target_semaphore(%run_scoped3A : memref<!tpu.dma_semaphore, #tpu.memory_space<semaphore_mem>>)
          %dma_wait3A = arith.constant 0 : i32
          %dma_wait3A_177 = tpu.memref_slice %arg10[%mul3A_162, %dma_wait3A] : memref<10000x16xf32, #tpu.memory_space<hbm>> -> memref<80x16xf32, #tpu.memory_space<hbm>>
          %dma_wait3A_178 = arith.constant 0 : i32
          %dma_wait3A_179 = tpu.memref_slice %arg10[%mul3A_162, %dma_wait3A_178] : memref<10000x16xf32, #tpu.memory_space<hbm>> -> memref<80x16xf32, #tpu.memory_space<hbm>>
          tpu.wait_dma2 semaphore(%run_scoped3A : memref<!tpu.dma_semaphore, #tpu.memory_space<semaphore_mem>>) src(%dma_wait3A_179 : memref<80x16xf32, #tpu.memory_space<hbm>>) dst(%arg20 : memref<80x16xf32, #tpu.memory_space<vmem>>)
          tpu.yield
        }) : () -> ()
        "tpu.region"() ({
          %run_scoped3A = tpu.sem_alloc : memref<!tpu.dma_semaphore, #tpu.memory_space<semaphore_mem>>
          %dma_start3A_173 = arith.constant 0 : i32
          %dma_start3A_174 = tpu.memref_slice %arg2[%add3A_165, %dma_start3A_173] : memref<20000x128xf32, #tpu.memory_space<hbm>> -> memref<80x128xf32, #tpu.memory_space<hbm>>
          %dma_start3A_175 = arith.constant 0 : i32
          %dma_start3A_176 = tpu.memref_slice %arg2[%add3A_165, %dma_start3A_175] : memref<20000x128xf32, #tpu.memory_space<hbm>> -> memref<80x128xf32, #tpu.memory_space<hbm>>
          tpu.enqueue_dma source(%dma_start3A_176 : memref<80x128xf32, #tpu.memory_space<hbm>>) target(%arg19 : memref<80x128xf32, #tpu.memory_space<vmem>>) target_semaphore(%run_scoped3A : memref<!tpu.dma_semaphore, #tpu.memory_space<semaphore_mem>>)
          %dma_wait3A = arith.constant 0 : i32
          %dma_wait3A_177 = tpu.memref_slice %arg2[%add3A_165, %dma_wait3A] : memref<20000x128xf32, #tpu.memory_space<hbm>> -> memref<80x128xf32, #tpu.memory_space<hbm>>
          %dma_wait3A_178 = arith.constant 0 : i32
          %dma_wait3A_179 = tpu.memref_slice %arg2[%add3A_165, %dma_wait3A_178] : memref<20000x128xf32, #tpu.memory_space<hbm>> -> memref<80x128xf32, #tpu.memory_space<hbm>>
          tpu.wait_dma2 semaphore(%run_scoped3A : memref<!tpu.dma_semaphore, #tpu.memory_space<semaphore_mem>>) src(%dma_wait3A_179 : memref<80x128xf32, #tpu.memory_space<hbm>>) dst(%arg19 : memref<80x128xf32, #tpu.memory_space<vmem>>)
          tpu.yield
        }) : () -> ()
        %scan3A_166 = arith.constant 0 : i32
        %scan3A_167 = arith.constant 0 : i32
        %scan3A_168 = arith.constant 80 : i32
        %scan3A_169 = arith.addi %scan3A_167, %scan3A_168 : i32
        %scan3A_170 = arith.constant 1 : i32
        %scan3A_171 = scf.for %scan3A_173 = %scan3A_167 to %scan3A_169 step %scan3A_170 iter_args(%scan3A_174 = %scan3A_166) -> (i32)  : i32 {
          %get3A = arith.index_cast %scan3A_173 : i32 to index
          %get3A_175 = arith.constant 0 : index
          %get3A_176 = tpu.vector_load %arg20[%get3A, %get3A_175] {strides = array<i32>} : memref<80x16xf32, #tpu.memory_space<vmem>>, vector<1x16xf32>,
          %get3A_177 = vector.shape_cast %get3A_176 : vector<1x16xf32> to vector<16xf32>
          %get3A_178 = arith.index_cast %scan3A_173 : i32 to index
          %get3A_179 = arith.constant 0 : index
          %get3A_180 = tpu.vector_load %arg19[%get3A_178, %get3A_179] {strides = array<i32>} : memref<80x128xf32, #tpu.memory_space<vmem>>, vector<1x16xf32>,
          %get3A_181 = vector.shape_cast %get3A_180 : vector<1x16xf32> to vector<16xf32>
          %mul3A_182 = arith.mulf %get3A_181, %get3A_177 : vector<16xf32>
          %swap3A = arith.index_cast %scan3A_173 : i32 to index
          %swap3A_183 = arith.constant 0 : index
          %swap3A_184 = tpu.vector_load %arg19[%swap3A, %swap3A_183] {strides = array<i32>} : memref<80x128xf32, #tpu.memory_space<vmem>>, vector<1x16xf32>,
          %swap3A_185 = vector.shape_cast %swap3A_184 : vector<1x16xf32> to vector<16xf32>
          %swap3A_186 = vector.shape_cast %mul3A_182 : vector<16xf32> to vector<1x16xf32>
          tpu.vector_store %arg19[%swap3A, %swap3A_183], %swap3A_186 {strides = array<i32>} : memref<80x128xf32, #tpu.memory_space<vmem>>, vector<1x16xf32>,
          %get3A_187 = arith.index_cast %scan3A_173 : i32 to index
          %get3A_188 = arith.constant 16 : index
          %get3A_189 = tpu.vector_load %arg19[%get3A_187, %get3A_188] {strides = array<i32>} : memref<80x128xf32, #tpu.memory_space<vmem>>, vector<1x16xf32>,
          %get3A_190 = vector.shape_cast %get3A_189 : vector<1x16xf32> to vector<16xf32>
          %mul3A_191 = arith.mulf %get3A_190, %get3A_177 : vector<16xf32>
          %swap3A_192 = arith.index_cast %scan3A_173 : i32 to index
          %swap3A_193 = arith.constant 16 : index
          %swap3A_194 = tpu.vector_load %arg19[%swap3A_192, %swap3A_193] {strides = array<i32>} : memref<80x128xf32, #tpu.memory_space<vmem>>, vector<1x16xf32>,
          %swap3A_195 = vector.shape_cast %swap3A_194 : vector<1x16xf32> to vector<16xf32>
          %swap3A_196 = vector.shape_cast %mul3A_191 : vector<16xf32> to vector<1x16xf32>
          tpu.vector_store %arg19[%swap3A_192, %swap3A_193], %swap3A_196 {strides = array<i32>} : memref<80x128xf32, #tpu.memory_space<vmem>>, vector<1x16xf32>,
          %get3A_197 = arith.index_cast %scan3A_173 : i32 to index
          %get3A_198 = arith.constant 32 : index
          %get3A_199 = tpu.vector_load %arg19[%get3A_197, %get3A_198] {strides = array<i32>} : memref<80x128xf32, #tpu.memory_space<vmem>>, vector<1x16xf32>,
          %get3A_200 = vector.shape_cast %get3A_199 : vector<1x16xf32> to vector<16xf32>
          %mul3A_201 = arith.mulf %get3A_200, %get3A_177 : vector<16xf32>
          %swap3A_202 = arith.index_cast %scan3A_173 : i32 to index
          %swap3A_203 = arith.constant 32 : index
          %swap3A_204 = tpu.vector_load %arg19[%swap3A_202, %swap3A_203] {strides = array<i32>} : memref<80x128xf32, #tpu.memory_space<vmem>>, vector<1x16xf32>,
          %swap3A_205 = vector.shape_cast %swap3A_204 : vector<1x16xf32> to vector<16xf32>
          %swap3A_206 = vector.shape_cast %mul3A_201 : vector<16xf32> to vector<1x16xf32>
          tpu.vector_store %arg19[%swap3A_202, %swap3A_203], %swap3A_206 {strides = array<i32>} : memref<80x128xf32, #tpu.memory_space<vmem>>, vector<1x16xf32>,
          %get3A_207 = arith.index_cast %scan3A_173 : i32 to index
          %get3A_208 = arith.constant 48 : index
          %get3A_209 = tpu.vector_load %arg19[%get3A_207, %get3A_208] {strides = array<i32>} : memref<80x128xf32, #tpu.memory_space<vmem>>, vector<1x16xf32>,
          %get3A_210 = vector.shape_cast %get3A_209 : vector<1x16xf32> to vector<16xf32>
          %mul3A_211 = arith.mulf %get3A_210, %get3A_177 : vector<16xf32>
          %swap3A_212 = arith.index_cast %scan3A_173 : i32 to index
          %swap3A_213 = arith.constant 48 : index
          %swap3A_214 = tpu.vector_load %arg19[%swap3A_212, %swap3A_213] {strides = array<i32>} : memref<80x128xf32, #tpu.memory_space<vmem>>, vector<1x16xf32>,
          %swap3A_215 = vector.shape_cast %swap3A_214 : vector<1x16xf32> to vector<16xf32>
          %swap3A_216 = vector.shape_cast %mul3A_211 : vector<16xf32> to vector<1x16xf32>
          tpu.vector_store %arg19[%swap3A_212, %swap3A_213], %swap3A_216 {strides = array<i32>} : memref<80x128xf32, #tpu.memory_space<vmem>>, vector<1x16xf32>,
          %get3A_217 = arith.index_cast %scan3A_173 : i32 to index
          %get3A_218 = arith.constant 64 : index
          %get3A_219 = tpu.vector_load %arg19[%get3A_217, %get3A_218] {strides = array<i32>} : memref<80x128xf32, #tpu.memory_space<vmem>>, vector<1x16xf32>,
          %get3A_220 = vector.shape_cast %get3A_219 : vector<1x16xf32> to vector<16xf32>
          %mul3A_221 = arith.mulf %get3A_220, %get3A_177 : vector<16xf32>
          %swap3A_222 = arith.index_cast %scan3A_173 : i32 to index
          %swap3A_223 = arith.constant 64 : index
          %swap3A_224 = tpu.vector_load %arg19[%swap3A_222, %swap3A_223] {strides = array<i32>} : memref<80x128xf32, #tpu.memory_space<vmem>>, vector<1x16xf32>,
          %swap3A_225 = vector.shape_cast %swap3A_224 : vector<1x16xf32> to vector<16xf32>
          %swap3A_226 = vector.shape_cast %mul3A_221 : vector<16xf32> to vector<1x16xf32>
          tpu.vector_store %arg19[%swap3A_222, %swap3A_223], %swap3A_226 {strides = array<i32>} : memref<80x128xf32, #tpu.memory_space<vmem>>, vector<1x16xf32>,
          %get3A_227 = arith.index_cast %scan3A_173 : i32 to index
          %get3A_228 = arith.constant 80 : index
          %get3A_229 = tpu.vector_load %arg19[%get3A_227, %get3A_228] {strides = array<i32>} : memref<80x128xf32, #tpu.memory_space<vmem>>, vector<1x16xf32>,
          %get3A_230 = vector.shape_cast %get3A_229 : vector<1x16xf32> to vector<16xf32>
          %mul3A_231 = arith.mulf %get3A_230, %get3A_177 : vector<16xf32>
          %swap3A_232 = arith.index_cast %scan3A_173 : i32 to index
          %swap3A_233 = arith.constant 80 : index
          %swap3A_234 = tpu.vector_load %arg19[%swap3A_232, %swap3A_233] {strides = array<i32>} : memref<80x128xf32, #tpu.memory_space<vmem>>, vector<1x16xf32>,
          %swap3A_235 = vector.shape_cast %swap3A_234 : vector<1x16xf32> to vector<16xf32>
          %swap3A_236 = vector.shape_cast %mul3A_231 : vector<16xf32> to vector<1x16xf32>
          tpu.vector_store %arg19[%swap3A_232, %swap3A_233], %swap3A_236 {strides = array<i32>} : memref<80x128xf32, #tpu.memory_space<vmem>>, vector<1x16xf32>,
          %get3A_237 = arith.index_cast %scan3A_173 : i32 to index
          %get3A_238 = arith.constant 96 : index
          %get3A_239 = tpu.vector_load %arg19[%get3A_237, %get3A_238] {strides = array<i32>} : memref<80x128xf32, #tpu.memory_space<vmem>>, vector<1x16xf32>,
          %get3A_240 = vector.shape_cast %get3A_239 : vector<1x16xf32> to vector<16xf32>
          %mul3A_241 = arith.mulf %get3A_240, %get3A_177 : vector<16xf32>
          %swap3A_242 = arith.index_cast %scan3A_173 : i32 to index
          %swap3A_243 = arith.constant 96 : index
          %swap3A_244 = tpu.vector_load %arg19[%swap3A_242, %swap3A_243] {strides = array<i32>} : memref<80x128xf32, #tpu.memory_space<vmem>>, vector<1x16xf32>,
          %swap3A_245 = vector.shape_cast %swap3A_244 : vector<1x16xf32> to vector<16xf32>
          %swap3A_246 = vector.shape_cast %mul3A_241 : vector<16xf32> to vector<1x16xf32>
          tpu.vector_store %arg19[%swap3A_242, %swap3A_243], %swap3A_246 {strides = array<i32>} : memref<80x128xf32, #tpu.memory_space<vmem>>, vector<1x16xf32>,
          %get3A_247 = arith.index_cast %scan3A_173 : i32 to index
          %get3A_248 = arith.constant 112 : index
          %get3A_249 = tpu.vector_load %arg19[%get3A_247, %get3A_248] {strides = array<i32>} : memref<80x128xf32, #tpu.memory_space<vmem>>, vector<1x16xf32>,
          %get3A_250 = vector.shape_cast %get3A_249 : vector<1x16xf32> to vector<16xf32>
          %mul3A_251 = arith.mulf %get3A_250, %get3A_177 : vector<16xf32>
          %swap3A_252 = arith.index_cast %scan3A_173 : i32 to index
          %swap3A_253 = arith.constant 112 : index
          %swap3A_254 = tpu.vector_load %arg19[%swap3A_252, %swap3A_253] {strides = array<i32>} : memref<80x128xf32, #tpu.memory_space<vmem>>, vector<1x16xf32>,
          %swap3A_255 = vector.shape_cast %swap3A_254 : vector<1x16xf32> to vector<16xf32>
          %swap3A_256 = vector.shape_cast %mul3A_251 : vector<16xf32> to vector<1x16xf32>
          tpu.vector_store %arg19[%swap3A_252, %swap3A_253], %swap3A_256 {strides = array<i32>} : memref<80x128xf32, #tpu.memory_space<vmem>>, vector<1x16xf32>,
          %scan3A_257 = arith.constant 0 : i32
          scf.yield %scan3A_257 : i32
        }
        %scan3A_172 = arith.constant 80 : i32
        "tpu.region"() ({
          %run_scoped3A = tpu.sem_alloc : memref<!tpu.dma_semaphore, #tpu.memory_space<semaphore_mem>>
          %dma_start3A_173 = arith.constant 0 : i32
          %dma_start3A_174 = tpu.memref_slice %arg5[%add3A_165, %dma_start3A_173] : memref<20000x128xf32, #tpu.memory_space<hbm>> -> memref<80x128xf32, #tpu.memory_space<hbm>>
          %dma_start3A_175 = arith.constant 0 : i32
          %dma_start3A_176 = tpu.memref_slice %arg5[%add3A_165, %dma_start3A_175] : memref<20000x128xf32, #tpu.memory_space<hbm>> -> memref<80x128xf32, #tpu.memory_space<hbm>>
          tpu.enqueue_dma source(%arg19 : memref<80x128xf32, #tpu.memory_space<vmem>>) target(%dma_start3A_176 : memref<80x128xf32, #tpu.memory_space<hbm>>) target_semaphore(%run_scoped3A : memref<!tpu.dma_semaphore, #tpu.memory_space<semaphore_mem>>)
          %dma_wait3A = arith.constant 0 : i32
          %dma_wait3A_177 = tpu.memref_slice %arg5[%add3A_165, %dma_wait3A] : memref<20000x128xf32, #tpu.memory_space<hbm>> -> memref<80x128xf32, #tpu.memory_space<hbm>>
          %dma_wait3A_178 = arith.constant 0 : i32
          %dma_wait3A_179 = tpu.memref_slice %arg5[%add3A_165, %dma_wait3A_178] : memref<20000x128xf32, #tpu.memory_space<hbm>> -> memref<80x128xf32, #tpu.memory_space<hbm>>
          tpu.wait_dma2 semaphore(%run_scoped3A : memref<!tpu.dma_semaphore, #tpu.memory_space<semaphore_mem>>) src(%arg19 : memref<80x128xf32, #tpu.memory_space<vmem>>) dst(%dma_wait3A_179 : memref<80x128xf32, #tpu.memory_space<hbm>>)
          tpu.yield
        }) : () -> ()
      } else {
      }
      %scan3A_160 = arith.constant 0 : i32
      scf.yield %scan3A_160 : i32
    }
    %scan3A_57 = arith.constant 8 : i32
    %barrier3A_58 = arith.constant 0 : index
    tpu.barrier barrier_id(%barrier3A_58)
    %mul3A_59 = arith.constant 20000 : i32
    %mul3A_60 = arith.muli %arg1, %mul3A_59 : i32
    %mul3A_61 = arith.constant 320000 : i32
    %mul3A_62 = arith.muli %arg0, %mul3A_61 : i32
    %add3A_63 = arith.addi %mul3A_62, %mul3A_60 : i32
    "tpu.region"() ({
      %run_scoped3A = tpu.sem_alloc : memref<!tpu.dma_semaphore, #tpu.memory_space<semaphore_mem>>
      %dma_start3A_153 = tpu.memref_slice %arg3[%add3A_63] : memref<640000xi32, #tpu.memory_space<hbm>> -> memref<80xi32, #tpu.memory_space<hbm>>
      %dma_start3A_154 = tpu.memref_slice %arg3[%add3A_63] : memref<640000xi32, #tpu.memory_space<hbm>> -> memref<80xi32, #tpu.memory_space<hbm>>
      tpu.enqueue_dma source(%dma_start3A_154 : memref<80xi32, #tpu.memory_space<hbm>>) target(%arg13 : memref<80xi32, #tpu.memory_space<vmem>>) target_semaphore(%run_scoped3A : memref<!tpu.dma_semaphore, #tpu.memory_space<semaphore_mem>>)
      %dma_wait3A = tpu.memref_slice %arg3[%add3A_63] : memref<640000xi32, #tpu.memory_space<hbm>> -> memref<80xi32, #tpu.memory_space<hbm>>
      %dma_wait3A_155 = tpu.memref_slice %arg3[%add3A_63] : memref<640000xi32, #tpu.memory_space<hbm>> -> memref<80xi32, #tpu.memory_space<hbm>>
      tpu.wait_dma2 semaphore(%run_scoped3A : memref<!tpu.dma_semaphore, #tpu.memory_space<semaphore_mem>>) src(%dma_wait3A_155 : memref<80xi32, #tpu.memory_space<hbm>>) dst(%arg13 : memref<80xi32, #tpu.memory_space<vmem>>)
      tpu.yield
    }) : () -> ()
    "tpu.region"() ({
      %run_scoped3A = tpu.sem_alloc : memref<!tpu.dma_semaphore, #tpu.memory_space<semaphore_mem>>
      %dma_start3A_153 = tpu.memref_slice %arg4[%mul3A_60] : memref<320000xi32, #tpu.memory_space<hbm>> -> memref<80xi32, #tpu.memory_space<hbm>>
      %dma_start3A_154 = tpu.memref_slice %arg4[%mul3A_60] : memref<320000xi32, #tpu.memory_space<hbm>> -> memref<80xi32, #tpu.memory_space<hbm>>
      tpu.enqueue_dma source(%dma_start3A_154 : memref<80xi32, #tpu.memory_space<hbm>>) target(%arg14 : memref<80xi32, #tpu.memory_space<vmem>>) target_semaphore(%run_scoped3A : memref<!tpu.dma_semaphore, #tpu.memory_space<semaphore_mem>>)
      %dma_wait3A = tpu.memref_slice %arg4[%mul3A_60] : memref<320000xi32, #tpu.memory_space<hbm>> -> memref<80xi32, #tpu.memory_space<hbm>>
      %dma_wait3A_155 = tpu.memref_slice %arg4[%mul3A_60] : memref<320000xi32, #tpu.memory_space<hbm>> -> memref<80xi32, #tpu.memory_space<hbm>>
      tpu.wait_dma2 semaphore(%run_scoped3A : memref<!tpu.dma_semaphore, #tpu.memory_space<semaphore_mem>>) src(%dma_wait3A_155 : memref<80xi32, #tpu.memory_space<hbm>>) dst(%arg14 : memref<80xi32, #tpu.memory_space<vmem>>)
      tpu.yield
    }) : () -> ()
    %dma_start3A = arith.constant 0 : i32
    %dma_start3A_64 = arith.constant 0 : i32
    %dma_start3A_65 = tpu.memref_slice %arg5[%dma_start3A, %dma_start3A_64] : memref<20000x128xf32, #tpu.memory_space<hbm>> -> memref<20000x128xf32, #tpu.memory_space<hbm>>
    tpu.enqueue_indirect_dma source(%dma_start3A_65 : memref<20000x128xf32, #tpu.memory_space<hbm>>) target(%arg17 : memref<80x128xf32, #tpu.memory_space<vmem>>) offsets(%arg13 : memref<80xi32, #tpu.memory_space<vmem>>) semaphore(%arg21 : memref<!tpu.dma_semaphore, #tpu.memory_space<semaphore_mem>>)
    %scan3A_66 = arith.constant 0 : i32
    %scan3A_67 = arith.constant 0 : i32
    %scan3A_68 = arith.constant 125 : i32
    %scan3A_69 = arith.addi %scan3A_67, %scan3A_68 : i32
    %scan3A_70 = arith.constant 1 : i32
    %scan3A_71 = scf.for %scan3A_153 = %scan3A_67 to %scan3A_69 step %scan3A_70 iter_args(%scan3A_154 = %scan3A_66) -> (i32)  : i32 {
      %mul3A_155 = arith.constant 2 : i32
      %mul3A_156 = arith.muli %mul3A_155, %scan3A_153 : i32
      %add3A_157 = arith.constant 1 : i32
      %add3A_158 = arith.addi %mul3A_156, %add3A_157 : i32
      %mul3A_159 = arith.constant 80 : i32
      %mul3A_160 = arith.muli %add3A_158, %mul3A_159 : i32
      %add3A_161 = arith.addi %mul3A_60, %mul3A_160 : i32
      %mul3A_162 = arith.constant 320000 : i32
      %mul3A_163 = arith.muli %arg0, %mul3A_162 : i32
      %add3A_164 = arith.addi %mul3A_163, %add3A_161 : i32
      "tpu.region"() ({
        %run_scoped3A = tpu.sem_alloc : memref<!tpu.dma_semaphore, #tpu.memory_space<semaphore_mem>>
        %dma_start3A_178 = tpu.memref_slice %arg3[%add3A_164] : memref<640000xi32, #tpu.memory_space<hbm>> -> memref<80xi32, #tpu.memory_space<hbm>>
        %dma_start3A_179 = tpu.memref_slice %arg3[%add3A_164] : memref<640000xi32, #tpu.memory_space<hbm>> -> memref<80xi32, #tpu.memory_space<hbm>>
        tpu.enqueue_dma source(%dma_start3A_179 : memref<80xi32, #tpu.memory_space<hbm>>) target(%arg15 : memref<80xi32, #tpu.memory_space<vmem>>) target_semaphore(%run_scoped3A : memref<!tpu.dma_semaphore, #tpu.memory_space<semaphore_mem>>)
        %dma_wait3A_180 = tpu.memref_slice %arg3[%add3A_164] : memref<640000xi32, #tpu.memory_space<hbm>> -> memref<80xi32, #tpu.memory_space<hbm>>
        %dma_wait3A_181 = tpu.memref_slice %arg3[%add3A_164] : memref<640000xi32, #tpu.memory_space<hbm>> -> memref<80xi32, #tpu.memory_space<hbm>>
        tpu.wait_dma2 semaphore(%run_scoped3A : memref<!tpu.dma_semaphore, #tpu.memory_space<semaphore_mem>>) src(%dma_wait3A_181 : memref<80xi32, #tpu.memory_space<hbm>>) dst(%arg15 : memref<80xi32, #tpu.memory_space<vmem>>)
        tpu.yield
      }) : () -> ()
      "tpu.region"() ({
        %run_scoped3A = tpu.sem_alloc : memref<!tpu.dma_semaphore, #tpu.memory_space<semaphore_mem>>
        %dma_start3A_178 = tpu.memref_slice %arg4[%add3A_161] : memref<320000xi32, #tpu.memory_space<hbm>> -> memref<80xi32, #tpu.memory_space<hbm>>
        %dma_start3A_179 = tpu.memref_slice %arg4[%add3A_161] : memref<320000xi32, #tpu.memory_space<hbm>> -> memref<80xi32, #tpu.memory_space<hbm>>
        tpu.enqueue_dma source(%dma_start3A_179 : memref<80xi32, #tpu.memory_space<hbm>>) target(%arg16 : memref<80xi32, #tpu.memory_space<vmem>>) target_semaphore(%run_scoped3A : memref<!tpu.dma_semaphore, #tpu.memory_space<semaphore_mem>>)
        %dma_wait3A_180 = tpu.memref_slice %arg4[%add3A_161] : memref<320000xi32, #tpu.memory_space<hbm>> -> memref<80xi32, #tpu.memory_space<hbm>>
        %dma_wait3A_181 = tpu.memref_slice %arg4[%add3A_161] : memref<320000xi32, #tpu.memory_space<hbm>> -> memref<80xi32, #tpu.memory_space<hbm>>
        tpu.wait_dma2 semaphore(%run_scoped3A : memref<!tpu.dma_semaphore, #tpu.memory_space<semaphore_mem>>) src(%dma_wait3A_181 : memref<80xi32, #tpu.memory_space<hbm>>) dst(%arg16 : memref<80xi32, #tpu.memory_space<vmem>>)
        tpu.yield
      }) : () -> ()
      %dma_start3A_165 = arith.constant 0 : i32
      %dma_start3A_166 = arith.constant 0 : i32
      %dma_start3A_167 = tpu.memref_slice %arg5[%dma_start3A_165, %dma_start3A_166] : memref<20000x128xf32, #tpu.memory_space<hbm>> -> memref<20000x128xf32, #tpu.memory_space<hbm>>
      tpu.enqueue_indirect_dma source(%dma_start3A_167 : memref<20000x128xf32, #tpu.memory_space<hbm>>) target(%arg18 : memref<80x128xf32, #tpu.memory_space<vmem>>) offsets(%arg15 : memref<80xi32, #tpu.memory_space<vmem>>) semaphore(%arg22 : memref<!tpu.dma_semaphore, #tpu.memory_space<semaphore_mem>>)
      %dma_wait3A = arith.constant 0 : i32
      %dma_wait3A_168 = arith.constant 0 : i32
      %dma_wait3A_169 = tpu.memref_slice %arg5[%dma_wait3A, %dma_wait3A_168] : memref<20000x128xf32, #tpu.memory_space<hbm>> -> memref<20000x128xf32, #tpu.memory_space<hbm>>
      tpu.wait_indirect_dma semaphore(%arg21 : memref<!tpu.dma_semaphore, #tpu.memory_space<semaphore_mem>>) src(%dma_wait3A_169 : memref<20000x128xf32, #tpu.memory_space<hbm>>) dst(%arg17 : memref<80x128xf32, #tpu.memory_space<vmem>>)
      "tpu.region"() ({
        %run_scoped3A = tpu.sem_alloc : memref<!tpu.dma_semaphore, #tpu.memory_space<semaphore_mem>>
        %dma_start3A_178 = arith.constant 0 : i32
        %dma_start3A_179 = arith.constant 0 : i32
        %dma_start3A_180 = tpu.memref_slice %arg12[%dma_start3A_178, %dma_start3A_179] : memref<10000x128xf32, #tpu.memory_space<vmem_shared>> -> memref<10000x128xf32, #tpu.memory_space<vmem_shared>>
        tpu.enqueue_indirect_dma source(%arg17 : memref<80x128xf32, #tpu.memory_space<vmem>>) target(%dma_start3A_180 : memref<10000x128xf32, #tpu.memory_space<vmem_shared>>) offsets(%arg14 : memref<80xi32, #tpu.memory_space<vmem>>) semaphore(%run_scoped3A : memref<!tpu.dma_semaphore, #tpu.memory_space<semaphore_mem>>) {add = true}
        %dma_wait3A_181 = arith.constant 0 : i32
        %dma_wait3A_182 = arith.constant 0 : i32
        %dma_wait3A_183 = tpu.memref_slice %arg12[%dma_wait3A_181, %dma_wait3A_182] : memref<10000x128xf32, #tpu.memory_space<vmem_shared>> -> memref<10000x128xf32, #tpu.memory_space<vmem_shared>>
        tpu.wait_indirect_dma semaphore(%run_scoped3A : memref<!tpu.dma_semaphore, #tpu.memory_space<semaphore_mem>>) src(%arg17 : memref<80x128xf32, #tpu.memory_space<vmem>>) dst(%dma_wait3A_183 : memref<10000x128xf32, #tpu.memory_space<vmem_shared>>)
        tpu.yield
      }) : () -> ()
      %add3A_170 = arith.constant 1 : i32
      %add3A_171 = arith.addi %scan3A_153, %add3A_170 : i32
      %lt3A = arith.constant 125 : i32
      %lt3A_172 = arith.cmpi slt, %add3A_171, %lt3A : i32
      %convert_element_type3A = arith.extui %lt3A_172 : i1 to i32
      %cond3A = arith.constant 0 : i32
      %cond3A_173 = arith.cmpi ne, %convert_element_type3A, %cond3A : i32
      scf.if %cond3A_173 {
        %mul3A_178 = arith.constant 2 : i32
        %mul3A_179 = arith.muli %mul3A_178, %scan3A_153 : i32
        %add3A_180 = arith.constant 2 : i32
        %add3A_181 = arith.addi %mul3A_179, %add3A_180 : i32
        %mul3A_182 = arith.constant 80 : i32
        %mul3A_183 = arith.muli %add3A_181, %mul3A_182 : i32
        %add3A_184 = arith.addi %mul3A_60, %mul3A_183 : i32
        %mul3A_185 = arith.constant 320000 : i32
        %mul3A_186 = arith.muli %arg0, %mul3A_185 : i32
        %add3A_187 = arith.addi %mul3A_186, %add3A_184 : i32
        "tpu.region"() ({
          %run_scoped3A = tpu.sem_alloc : memref<!tpu.dma_semaphore, #tpu.memory_space<semaphore_mem>>
          %dma_start3A_191 = tpu.memref_slice %arg3[%add3A_187] : memref<640000xi32, #tpu.memory_space<hbm>> -> memref<80xi32, #tpu.memory_space<hbm>>
          %dma_start3A_192 = tpu.memref_slice %arg3[%add3A_187] : memref<640000xi32, #tpu.memory_space<hbm>> -> memref<80xi32, #tpu.memory_space<hbm>>
          tpu.enqueue_dma source(%dma_start3A_192 : memref<80xi32, #tpu.memory_space<hbm>>) target(%arg13 : memref<80xi32, #tpu.memory_space<vmem>>) target_semaphore(%run_scoped3A : memref<!tpu.dma_semaphore, #tpu.memory_space<semaphore_mem>>)
          %dma_wait3A_193 = tpu.memref_slice %arg3[%add3A_187] : memref<640000xi32, #tpu.memory_space<hbm>> -> memref<80xi32, #tpu.memory_space<hbm>>
          %dma_wait3A_194 = tpu.memref_slice %arg3[%add3A_187] : memref<640000xi32, #tpu.memory_space<hbm>> -> memref<80xi32, #tpu.memory_space<hbm>>
          tpu.wait_dma2 semaphore(%run_scoped3A : memref<!tpu.dma_semaphore, #tpu.memory_space<semaphore_mem>>) src(%dma_wait3A_194 : memref<80xi32, #tpu.memory_space<hbm>>) dst(%arg13 : memref<80xi32, #tpu.memory_space<vmem>>)
          tpu.yield
        }) : () -> ()
        "tpu.region"() ({
          %run_scoped3A = tpu.sem_alloc : memref<!tpu.dma_semaphore, #tpu.memory_space<semaphore_mem>>
          %dma_start3A_191 = tpu.memref_slice %arg4[%add3A_184] : memref<320000xi32, #tpu.memory_space<hbm>> -> memref<80xi32, #tpu.memory_space<hbm>>
          %dma_start3A_192 = tpu.memref_slice %arg4[%add3A_184] : memref<320000xi32, #tpu.memory_space<hbm>> -> memref<80xi32, #tpu.memory_space<hbm>>
          tpu.enqueue_dma source(%dma_start3A_192 : memref<80xi32, #tpu.memory_space<hbm>>) target(%arg14 : memref<80xi32, #tpu.memory_space<vmem>>) target_semaphore(%run_scoped3A : memref<!tpu.dma_semaphore, #tpu.memory_space<semaphore_mem>>)
          %dma_wait3A_193 = tpu.memref_slice %arg4[%add3A_184] : memref<320000xi32, #tpu.memory_space<hbm>> -> memref<80xi32, #tpu.memory_space<hbm>>
          %dma_wait3A_194 = tpu.memref_slice %arg4[%add3A_184] : memref<320000xi32, #tpu.memory_space<hbm>> -> memref<80xi32, #tpu.memory_space<hbm>>
          tpu.wait_dma2 semaphore(%run_scoped3A : memref<!tpu.dma_semaphore, #tpu.memory_space<semaphore_mem>>) src(%dma_wait3A_194 : memref<80xi32, #tpu.memory_space<hbm>>) dst(%arg14 : memref<80xi32, #tpu.memory_space<vmem>>)
          tpu.yield
        }) : () -> ()
        %dma_start3A_188 = arith.constant 0 : i32
        %dma_start3A_189 = arith.constant 0 : i32
        %dma_start3A_190 = tpu.memref_slice %arg5[%dma_start3A_188, %dma_start3A_189] : memref<20000x128xf32, #tpu.memory_space<hbm>> -> memref<20000x128xf32, #tpu.memory_space<hbm>>
        tpu.enqueue_indirect_dma source(%dma_start3A_190 : memref<20000x128xf32, #tpu.memory_space<hbm>>) target(%arg17 : memref<80x128xf32, #tpu.memory_space<vmem>>) offsets(%arg13 : memref<80xi32, #tpu.memory_space<vmem>>) semaphore(%arg21 : memref<!tpu.dma_semaphore, #tpu.memory_space<semaphore_mem>>)
      } else {
      }
      %dma_wait3A_174 = arith.constant 0 : i32
      %dma_wait3A_175 = arith.constant 0 : i32
      %dma_wait3A_176 = tpu.memref_slice %arg5[%dma_wait3A_174, %dma_wait3A_175] : memref<20000x128xf32, #tpu.memory_space<hbm>> -> memref<20000x128xf32, #tpu.memory_space<hbm>>
      tpu.wait_indirect_dma semaphore(%arg22 : memref<!tpu.dma_semaphore, #tpu.memory_space<semaphore_mem>>) src(%dma_wait3A_176 : memref<20000x128xf32, #tpu.memory_space<hbm>>) dst(%arg18 : memref<80x128xf32, #tpu.memory_space<vmem>>)
      "tpu.region"() ({
        %run_scoped3A = tpu.sem_alloc : memref<!tpu.dma_semaphore, #tpu.memory_space<semaphore_mem>>
        %dma_start3A_178 = arith.constant 0 : i32
        %dma_start3A_179 = arith.constant 0 : i32
        %dma_start3A_180 = tpu.memref_slice %arg12[%dma_start3A_178, %dma_start3A_179] : memref<10000x128xf32, #tpu.memory_space<vmem_shared>> -> memref<10000x128xf32, #tpu.memory_space<vmem_shared>>
        tpu.enqueue_indirect_dma source(%arg18 : memref<80x128xf32, #tpu.memory_space<vmem>>) target(%dma_start3A_180 : memref<10000x128xf32, #tpu.memory_space<vmem_shared>>) offsets(%arg16 : memref<80xi32, #tpu.memory_space<vmem>>) semaphore(%run_scoped3A : memref<!tpu.dma_semaphore, #tpu.memory_space<semaphore_mem>>) {add = true}
        %dma_wait3A_181 = arith.constant 0 : i32
        %dma_wait3A_182 = arith.constant 0 : i32
        %dma_wait3A_183 = tpu.memref_slice %arg12[%dma_wait3A_181, %dma_wait3A_182] : memref<10000x128xf32, #tpu.memory_space<vmem_shared>> -> memref<10000x128xf32, #tpu.memory_space<vmem_shared>>
        tpu.wait_indirect_dma semaphore(%run_scoped3A : memref<!tpu.dma_semaphore, #tpu.memory_space<semaphore_mem>>) src(%arg18 : memref<80x128xf32, #tpu.memory_space<vmem>>) dst(%dma_wait3A_183 : memref<10000x128xf32, #tpu.memory_space<vmem_shared>>)
        tpu.yield
      }) : () -> ()
      %scan3A_177 = arith.constant 0 : i32
      scf.yield %scan3A_177 : i32
    }
    %scan3A_72 = arith.constant 125 : i32
    %barrier3A_73 = arith.constant 0 : index
    tpu.barrier barrier_id(%barrier3A_73)
    %scan3A_74 = arith.constant 0 : i32
    %scan3A_75 = arith.constant 0 : i32
    %scan3A_76 = arith.constant 8 : i32
    %scan3A_77 = arith.addi %scan3A_75, %scan3A_76 : i32
    %scan3A_78 = arith.constant 1 : i32
    %scan3A_79 = scf.for %scan3A_153 = %scan3A_75 to %scan3A_77 step %scan3A_78 iter_args(%scan3A_154 = %scan3A_74) -> (i32)  : i32 {
      %mul3A_155 = arith.constant 16 : i32
      %mul3A_156 = arith.muli %scan3A_153, %mul3A_155 : i32
      %add3A_157 = arith.addi %mul3A_156, %arg1 : i32
      %lt3A = arith.constant 125 : i32
      %lt3A_158 = arith.cmpi slt, %add3A_157, %lt3A : i32
      %convert_element_type3A = arith.extui %lt3A_158 : i1 to i32
      %cond3A = arith.constant 0 : i32
      %cond3A_159 = arith.cmpi ne, %convert_element_type3A, %cond3A : i32
      scf.if %cond3A_159 {
        %mul3A_161 = arith.constant 80 : i32
        %mul3A_162 = arith.muli %add3A_157, %mul3A_161 : i32
        %mul3A_163 = arith.constant 10000 : i32
        %mul3A_164 = arith.muli %arg0, %mul3A_163 : i32
        %add3A_165 = arith.addi %mul3A_164, %mul3A_162 : i32
        "tpu.region"() ({
          %run_scoped3A = tpu.sem_alloc : memref<!tpu.dma_semaphore, #tpu.memory_space<semaphore_mem>>
          %dma_start3A_187 = arith.constant 0 : i32
          %dma_start3A_188 = tpu.memref_slice %arg12[%mul3A_162, %dma_start3A_187] : memref<10000x128xf32, #tpu.memory_space<vmem_shared>> -> memref<80x128xf32, #tpu.memory_space<vmem_shared>>
          %dma_start3A_189 = arith.constant 0 : i32
          %dma_start3A_190 = tpu.memref_slice %arg12[%mul3A_162, %dma_start3A_189] : memref<10000x128xf32, #tpu.memory_space<vmem_shared>> -> memref<80x128xf32, #tpu.memory_space<vmem_shared>>
          tpu.enqueue_dma source(%dma_start3A_190 : memref<80x128xf32, #tpu.memory_space<vmem_shared>>) target(%arg19 : memref<80x128xf32, #tpu.memory_space<vmem>>) target_semaphore(%run_scoped3A : memref<!tpu.dma_semaphore, #tpu.memory_space<semaphore_mem>>)
          %dma_wait3A = arith.constant 0 : i32
          %dma_wait3A_191 = tpu.memref_slice %arg12[%mul3A_162, %dma_wait3A] : memref<10000x128xf32, #tpu.memory_space<vmem_shared>> -> memref<80x128xf32, #tpu.memory_space<vmem_shared>>
          %dma_wait3A_192 = arith.constant 0 : i32
          %dma_wait3A_193 = tpu.memref_slice %arg12[%mul3A_162, %dma_wait3A_192] : memref<10000x128xf32, #tpu.memory_space<vmem_shared>> -> memref<80x128xf32, #tpu.memory_space<vmem_shared>>
          tpu.wait_dma2 semaphore(%run_scoped3A : memref<!tpu.dma_semaphore, #tpu.memory_space<semaphore_mem>>) src(%dma_wait3A_193 : memref<80x128xf32, #tpu.memory_space<vmem_shared>>) dst(%arg19 : memref<80x128xf32, #tpu.memory_space<vmem>>)
          tpu.yield
        }) : () -> ()
        "tpu.region"() ({
          %run_scoped3A = tpu.sem_alloc : memref<!tpu.dma_semaphore, #tpu.memory_space<semaphore_mem>>
          %dma_start3A_187 = arith.constant 0 : i32
          %dma_start3A_188 = tpu.memref_slice %arg11[%mul3A_162, %dma_start3A_187] : memref<10000x16xf32, #tpu.memory_space<hbm>> -> memref<80x16xf32, #tpu.memory_space<hbm>>
          %dma_start3A_189 = arith.constant 0 : i32
          %dma_start3A_190 = tpu.memref_slice %arg11[%mul3A_162, %dma_start3A_189] : memref<10000x16xf32, #tpu.memory_space<hbm>> -> memref<80x16xf32, #tpu.memory_space<hbm>>
          tpu.enqueue_dma source(%dma_start3A_190 : memref<80x16xf32, #tpu.memory_space<hbm>>) target(%arg20 : memref<80x16xf32, #tpu.memory_space<vmem>>) target_semaphore(%run_scoped3A : memref<!tpu.dma_semaphore, #tpu.memory_space<semaphore_mem>>)
          %dma_wait3A = arith.constant 0 : i32
          %dma_wait3A_191 = tpu.memref_slice %arg11[%mul3A_162, %dma_wait3A] : memref<10000x16xf32, #tpu.memory_space<hbm>> -> memref<80x16xf32, #tpu.memory_space<hbm>>
          %dma_wait3A_192 = arith.constant 0 : i32
          %dma_wait3A_193 = tpu.memref_slice %arg11[%mul3A_162, %dma_wait3A_192] : memref<10000x16xf32, #tpu.memory_space<hbm>> -> memref<80x16xf32, #tpu.memory_space<hbm>>
          tpu.wait_dma2 semaphore(%run_scoped3A : memref<!tpu.dma_semaphore, #tpu.memory_space<semaphore_mem>>) src(%dma_wait3A_193 : memref<80x16xf32, #tpu.memory_space<hbm>>) dst(%arg20 : memref<80x16xf32, #tpu.memory_space<vmem>>)
          tpu.yield
        }) : () -> ()
        %scan3A_166 = arith.constant 0 : i32
        %scan3A_167 = arith.constant 0 : i32
        %scan3A_168 = arith.constant 80 : i32
        %scan3A_169 = arith.addi %scan3A_167, %scan3A_168 : i32
        %scan3A_170 = arith.constant 1 : i32
        %scan3A_171 = scf.for %scan3A_187 = %scan3A_167 to %scan3A_169 step %scan3A_170 iter_args(%scan3A_188 = %scan3A_166) -> (i32)  : i32 {
          %get3A = arith.index_cast %scan3A_187 : i32 to index
          %get3A_189 = arith.constant 0 : index
          %get3A_190 = tpu.vector_load %arg20[%get3A, %get3A_189] {strides = array<i32>} : memref<80x16xf32, #tpu.memory_space<vmem>>, vector<1x16xf32>,
          %get3A_191 = vector.shape_cast %get3A_190 : vector<1x16xf32> to vector<16xf32>
          %get3A_192 = arith.index_cast %scan3A_187 : i32 to index
          %get3A_193 = arith.constant 0 : index
          %get3A_194 = tpu.vector_load %arg19[%get3A_192, %get3A_193] {strides = array<i32>} : memref<80x128xf32, #tpu.memory_space<vmem>>, vector<1x16xf32>,
          %get3A_195 = vector.shape_cast %get3A_194 : vector<1x16xf32> to vector<16xf32>
          %mul3A_196 = arith.mulf %get3A_195, %get3A_191 : vector<16xf32>
          %swap3A = arith.index_cast %scan3A_187 : i32 to index
          %swap3A_197 = arith.constant 0 : index
          %swap3A_198 = tpu.vector_load %arg19[%swap3A, %swap3A_197] {strides = array<i32>} : memref<80x128xf32, #tpu.memory_space<vmem>>, vector<1x16xf32>,
          %swap3A_199 = vector.shape_cast %swap3A_198 : vector<1x16xf32> to vector<16xf32>
          %swap3A_200 = vector.shape_cast %mul3A_196 : vector<16xf32> to vector<1x16xf32>
          tpu.vector_store %arg19[%swap3A, %swap3A_197], %swap3A_200 {strides = array<i32>} : memref<80x128xf32, #tpu.memory_space<vmem>>, vector<1x16xf32>,
          %get3A_201 = arith.index_cast %scan3A_187 : i32 to index
          %get3A_202 = arith.constant 16 : index
          %get3A_203 = tpu.vector_load %arg19[%get3A_201, %get3A_202] {strides = array<i32>} : memref<80x128xf32, #tpu.memory_space<vmem>>, vector<1x16xf32>,
          %get3A_204 = vector.shape_cast %get3A_203 : vector<1x16xf32> to vector<16xf32>
          %mul3A_205 = arith.mulf %get3A_204, %get3A_191 : vector<16xf32>
          %swap3A_206 = arith.index_cast %scan3A_187 : i32 to index
          %swap3A_207 = arith.constant 16 : index
          %swap3A_208 = tpu.vector_load %arg19[%swap3A_206, %swap3A_207] {strides = array<i32>} : memref<80x128xf32, #tpu.memory_space<vmem>>, vector<1x16xf32>,
          %swap3A_209 = vector.shape_cast %swap3A_208 : vector<1x16xf32> to vector<16xf32>
          %swap3A_210 = vector.shape_cast %mul3A_205 : vector<16xf32> to vector<1x16xf32>
          tpu.vector_store %arg19[%swap3A_206, %swap3A_207], %swap3A_210 {strides = array<i32>} : memref<80x128xf32, #tpu.memory_space<vmem>>, vector<1x16xf32>,
          %get3A_211 = arith.index_cast %scan3A_187 : i32 to index
          %get3A_212 = arith.constant 32 : index
          %get3A_213 = tpu.vector_load %arg19[%get3A_211, %get3A_212] {strides = array<i32>} : memref<80x128xf32, #tpu.memory_space<vmem>>, vector<1x16xf32>,
          %get3A_214 = vector.shape_cast %get3A_213 : vector<1x16xf32> to vector<16xf32>
          %mul3A_215 = arith.mulf %get3A_214, %get3A_191 : vector<16xf32>
          %swap3A_216 = arith.index_cast %scan3A_187 : i32 to index
          %swap3A_217 = arith.constant 32 : index
          %swap3A_218 = tpu.vector_load %arg19[%swap3A_216, %swap3A_217] {strides = array<i32>} : memref<80x128xf32, #tpu.memory_space<vmem>>, vector<1x16xf32>,
          %swap3A_219 = vector.shape_cast %swap3A_218 : vector<1x16xf32> to vector<16xf32>
          %swap3A_220 = vector.shape_cast %mul3A_215 : vector<16xf32> to vector<1x16xf32>
          tpu.vector_store %arg19[%swap3A_216, %swap3A_217], %swap3A_220 {strides = array<i32>} : memref<80x128xf32, #tpu.memory_space<vmem>>, vector<1x16xf32>,
          %get3A_221 = arith.index_cast %scan3A_187 : i32 to index
          %get3A_222 = arith.constant 48 : index
          %get3A_223 = tpu.vector_load %arg19[%get3A_221, %get3A_222] {strides = array<i32>} : memref<80x128xf32, #tpu.memory_space<vmem>>, vector<1x16xf32>,
          %get3A_224 = vector.shape_cast %get3A_223 : vector<1x16xf32> to vector<16xf32>
          %mul3A_225 = arith.mulf %get3A_224, %get3A_191 : vector<16xf32>
          %swap3A_226 = arith.index_cast %scan3A_187 : i32 to index
          %swap3A_227 = arith.constant 48 : index
          %swap3A_228 = tpu.vector_load %arg19[%swap3A_226, %swap3A_227] {strides = array<i32>} : memref<80x128xf32, #tpu.memory_space<vmem>>, vector<1x16xf32>,
          %swap3A_229 = vector.shape_cast %swap3A_228 : vector<1x16xf32> to vector<16xf32>
          %swap3A_230 = vector.shape_cast %mul3A_225 : vector<16xf32> to vector<1x16xf32>
          tpu.vector_store %arg19[%swap3A_226, %swap3A_227], %swap3A_230 {strides = array<i32>} : memref<80x128xf32, #tpu.memory_space<vmem>>, vector<1x16xf32>,
          %get3A_231 = arith.index_cast %scan3A_187 : i32 to index
          %get3A_232 = arith.constant 64 : index
          %get3A_233 = tpu.vector_load %arg19[%get3A_231, %get3A_232] {strides = array<i32>} : memref<80x128xf32, #tpu.memory_space<vmem>>, vector<1x16xf32>,
          %get3A_234 = vector.shape_cast %get3A_233 : vector<1x16xf32> to vector<16xf32>
          %mul3A_235 = arith.mulf %get3A_234, %get3A_191 : vector<16xf32>
          %swap3A_236 = arith.index_cast %scan3A_187 : i32 to index
          %swap3A_237 = arith.constant 64 : index
          %swap3A_238 = tpu.vector_load %arg19[%swap3A_236, %swap3A_237] {strides = array<i32>} : memref<80x128xf32, #tpu.memory_space<vmem>>, vector<1x16xf32>,
          %swap3A_239 = vector.shape_cast %swap3A_238 : vector<1x16xf32> to vector<16xf32>
          %swap3A_240 = vector.shape_cast %mul3A_235 : vector<16xf32> to vector<1x16xf32>
          tpu.vector_store %arg19[%swap3A_236, %swap3A_237], %swap3A_240 {strides = array<i32>} : memref<80x128xf32, #tpu.memory_space<vmem>>, vector<1x16xf32>,
          %get3A_241 = arith.index_cast %scan3A_187 : i32 to index
          %get3A_242 = arith.constant 80 : index
          %get3A_243 = tpu.vector_load %arg19[%get3A_241, %get3A_242] {strides = array<i32>} : memref<80x128xf32, #tpu.memory_space<vmem>>, vector<1x16xf32>,
          %get3A_244 = vector.shape_cast %get3A_243 : vector<1x16xf32> to vector<16xf32>
          %mul3A_245 = arith.mulf %get3A_244, %get3A_191 : vector<16xf32>
          %swap3A_246 = arith.index_cast %scan3A_187 : i32 to index
          %swap3A_247 = arith.constant 80 : index
          %swap3A_248 = tpu.vector_load %arg19[%swap3A_246, %swap3A_247] {strides = array<i32>} : memref<80x128xf32, #tpu.memory_space<vmem>>, vector<1x16xf32>,
          %swap3A_249 = vector.shape_cast %swap3A_248 : vector<1x16xf32> to vector<16xf32>
          %swap3A_250 = vector.shape_cast %mul3A_245 : vector<16xf32> to vector<1x16xf32>
          tpu.vector_store %arg19[%swap3A_246, %swap3A_247], %swap3A_250 {strides = array<i32>} : memref<80x128xf32, #tpu.memory_space<vmem>>, vector<1x16xf32>,
          %get3A_251 = arith.index_cast %scan3A_187 : i32 to index
          %get3A_252 = arith.constant 96 : index
          %get3A_253 = tpu.vector_load %arg19[%get3A_251, %get3A_252] {strides = array<i32>} : memref<80x128xf32, #tpu.memory_space<vmem>>, vector<1x16xf32>,
          %get3A_254 = vector.shape_cast %get3A_253 : vector<1x16xf32> to vector<16xf32>
          %mul3A_255 = arith.mulf %get3A_254, %get3A_191 : vector<16xf32>
          %swap3A_256 = arith.index_cast %scan3A_187 : i32 to index
          %swap3A_257 = arith.constant 96 : index
          %swap3A_258 = tpu.vector_load %arg19[%swap3A_256, %swap3A_257] {strides = array<i32>} : memref<80x128xf32, #tpu.memory_space<vmem>>, vector<1x16xf32>,
          %swap3A_259 = vector.shape_cast %swap3A_258 : vector<1x16xf32> to vector<16xf32>
          %swap3A_260 = vector.shape_cast %mul3A_255 : vector<16xf32> to vector<1x16xf32>
          tpu.vector_store %arg19[%swap3A_256, %swap3A_257], %swap3A_260 {strides = array<i32>} : memref<80x128xf32, #tpu.memory_space<vmem>>, vector<1x16xf32>,
          %get3A_261 = arith.index_cast %scan3A_187 : i32 to index
          %get3A_262 = arith.constant 112 : index
          %get3A_263 = tpu.vector_load %arg19[%get3A_261, %get3A_262] {strides = array<i32>} : memref<80x128xf32, #tpu.memory_space<vmem>>, vector<1x16xf32>,
          %get3A_264 = vector.shape_cast %get3A_263 : vector<1x16xf32> to vector<16xf32>
          %mul3A_265 = arith.mulf %get3A_264, %get3A_191 : vector<16xf32>
          %swap3A_266 = arith.index_cast %scan3A_187 : i32 to index
          %swap3A_267 = arith.constant 112 : index
          %swap3A_268 = tpu.vector_load %arg19[%swap3A_266, %swap3A_267] {strides = array<i32>} : memref<80x128xf32, #tpu.memory_space<vmem>>, vector<1x16xf32>,
          %swap3A_269 = vector.shape_cast %swap3A_268 : vector<1x16xf32> to vector<16xf32>
          %swap3A_270 = vector.shape_cast %mul3A_265 : vector<16xf32> to vector<1x16xf32>
          tpu.vector_store %arg19[%swap3A_266, %swap3A_267], %swap3A_270 {strides = array<i32>} : memref<80x128xf32, #tpu.memory_space<vmem>>, vector<1x16xf32>,
          %scan3A_271 = arith.constant 0 : i32
          scf.yield %scan3A_271 : i32
        }
        %scan3A_172 = arith.constant 80 : i32
        "tpu.region"() ({
          %run_scoped3A = tpu.sem_alloc : memref<!tpu.dma_semaphore, #tpu.memory_space<semaphore_mem>>
          %dma_start3A_187 = arith.constant 0 : i32
          %dma_start3A_188 = tpu.memref_slice %arg6[%add3A_165, %dma_start3A_187] : memref<20000x128xf32, #tpu.memory_space<hbm>> -> memref<80x128xf32, #tpu.memory_space<hbm>>
          %dma_start3A_189 = arith.constant 0 : i32
          %dma_start3A_190 = tpu.memref_slice %arg6[%add3A_165, %dma_start3A_189] : memref<20000x128xf32, #tpu.memory_space<hbm>> -> memref<80x128xf32, #tpu.memory_space<hbm>>
          tpu.enqueue_dma source(%arg19 : memref<80x128xf32, #tpu.memory_space<vmem>>) target(%dma_start3A_190 : memref<80x128xf32, #tpu.memory_space<hbm>>) target_semaphore(%run_scoped3A : memref<!tpu.dma_semaphore, #tpu.memory_space<semaphore_mem>>)
          %dma_wait3A = arith.constant 0 : i32
          %dma_wait3A_191 = tpu.memref_slice %arg6[%add3A_165, %dma_wait3A] : memref<20000x128xf32, #tpu.memory_space<hbm>> -> memref<80x128xf32, #tpu.memory_space<hbm>>
          %dma_wait3A_192 = arith.constant 0 : i32
          %dma_wait3A_193 = tpu.memref_slice %arg6[%add3A_165, %dma_wait3A_192] : memref<20000x128xf32, #tpu.memory_space<hbm>> -> memref<80x128xf32, #tpu.memory_space<hbm>>
          tpu.wait_dma2 semaphore(%run_scoped3A : memref<!tpu.dma_semaphore, #tpu.memory_space<semaphore_mem>>) src(%arg19 : memref<80x128xf32, #tpu.memory_space<vmem>>) dst(%dma_wait3A_193 : memref<80x128xf32, #tpu.memory_space<hbm>>)
          tpu.yield
        }) : () -> ()
        "tpu.region"() ({
          %run_scoped3A = tpu.sem_alloc : memref<!tpu.dma_semaphore, #tpu.memory_space<semaphore_mem>>
          %dma_start3A_187 = arith.constant 0 : i32
          %dma_start3A_188 = tpu.memref_slice %arg10[%mul3A_162, %dma_start3A_187] : memref<10000x16xf32, #tpu.memory_space<hbm>> -> memref<80x16xf32, #tpu.memory_space<hbm>>
          %dma_start3A_189 = arith.constant 0 : i32
          %dma_start3A_190 = tpu.memref_slice %arg10[%mul3A_162, %dma_start3A_189] : memref<10000x16xf32, #tpu.memory_space<hbm>> -> memref<80x16xf32, #tpu.memory_space<hbm>>
          tpu.enqueue_dma source(%dma_start3A_190 : memref<80x16xf32, #tpu.memory_space<hbm>>) target(%arg20 : memref<80x16xf32, #tpu.memory_space<vmem>>) target_semaphore(%run_scoped3A : memref<!tpu.dma_semaphore, #tpu.memory_space<semaphore_mem>>)
          %dma_wait3A = arith.constant 0 : i32
          %dma_wait3A_191 = tpu.memref_slice %arg10[%mul3A_162, %dma_wait3A] : memref<10000x16xf32, #tpu.memory_space<hbm>> -> memref<80x16xf32, #tpu.memory_space<hbm>>
          %dma_wait3A_192 = arith.constant 0 : i32
          %dma_wait3A_193 = tpu.memref_slice %arg10[%mul3A_162, %dma_wait3A_192] : memref<10000x16xf32, #tpu.memory_space<hbm>> -> memref<80x16xf32, #tpu.memory_space<hbm>>
          tpu.wait_dma2 semaphore(%run_scoped3A : memref<!tpu.dma_semaphore, #tpu.memory_space<semaphore_mem>>) src(%dma_wait3A_193 : memref<80x16xf32, #tpu.memory_space<hbm>>) dst(%arg20 : memref<80x16xf32, #tpu.memory_space<vmem>>)
          tpu.yield
        }) : () -> ()
        %scan3A_173 = arith.constant 0 : i32
        %scan3A_174 = arith.constant 0 : i32
        %scan3A_175 = arith.constant 80 : i32
        %scan3A_176 = arith.addi %scan3A_174, %scan3A_175 : i32
        %scan3A_177 = arith.constant 1 : i32
        %scan3A_178 = scf.for %scan3A_187 = %scan3A_174 to %scan3A_176 step %scan3A_177 iter_args(%scan3A_188 = %scan3A_173) -> (i32)  : i32 {
          %get3A = arith.index_cast %scan3A_187 : i32 to index
          %get3A_189 = arith.constant 0 : index
          %get3A_190 = tpu.vector_load %arg20[%get3A, %get3A_189] {strides = array<i32>} : memref<80x16xf32, #tpu.memory_space<vmem>>, vector<1x16xf32>,
          %get3A_191 = vector.shape_cast %get3A_190 : vector<1x16xf32> to vector<16xf32>
          %get3A_192 = arith.index_cast %scan3A_187 : i32 to index
          %get3A_193 = arith.constant 0 : index
          %get3A_194 = tpu.vector_load %arg19[%get3A_192, %get3A_193] {strides = array<i32>} : memref<80x128xf32, #tpu.memory_space<vmem>>, vector<1x16xf32>,
          %get3A_195 = vector.shape_cast %get3A_194 : vector<1x16xf32> to vector<16xf32>
          %mul3A_196 = arith.mulf %get3A_195, %get3A_191 : vector<16xf32>
          %swap3A = arith.index_cast %scan3A_187 : i32 to index
          %swap3A_197 = arith.constant 0 : index
          %swap3A_198 = tpu.vector_load %arg19[%swap3A, %swap3A_197] {strides = array<i32>} : memref<80x128xf32, #tpu.memory_space<vmem>>, vector<1x16xf32>,
          %swap3A_199 = vector.shape_cast %swap3A_198 : vector<1x16xf32> to vector<16xf32>
          %swap3A_200 = vector.shape_cast %mul3A_196 : vector<16xf32> to vector<1x16xf32>
          tpu.vector_store %arg19[%swap3A, %swap3A_197], %swap3A_200 {strides = array<i32>} : memref<80x128xf32, #tpu.memory_space<vmem>>, vector<1x16xf32>,
          %get3A_201 = arith.index_cast %scan3A_187 : i32 to index
          %get3A_202 = arith.constant 16 : index
          %get3A_203 = tpu.vector_load %arg19[%get3A_201, %get3A_202] {strides = array<i32>} : memref<80x128xf32, #tpu.memory_space<vmem>>, vector<1x16xf32>,
          %get3A_204 = vector.shape_cast %get3A_203 : vector<1x16xf32> to vector<16xf32>
          %mul3A_205 = arith.mulf %get3A_204, %get3A_191 : vector<16xf32>
          %swap3A_206 = arith.index_cast %scan3A_187 : i32 to index
          %swap3A_207 = arith.constant 16 : index
          %swap3A_208 = tpu.vector_load %arg19[%swap3A_206, %swap3A_207] {strides = array<i32>} : memref<80x128xf32, #tpu.memory_space<vmem>>, vector<1x16xf32>,
          %swap3A_209 = vector.shape_cast %swap3A_208 : vector<1x16xf32> to vector<16xf32>
          %swap3A_210 = vector.shape_cast %mul3A_205 : vector<16xf32> to vector<1x16xf32>
          tpu.vector_store %arg19[%swap3A_206, %swap3A_207], %swap3A_210 {strides = array<i32>} : memref<80x128xf32, #tpu.memory_space<vmem>>, vector<1x16xf32>,
          %get3A_211 = arith.index_cast %scan3A_187 : i32 to index
          %get3A_212 = arith.constant 32 : index
          %get3A_213 = tpu.vector_load %arg19[%get3A_211, %get3A_212] {strides = array<i32>} : memref<80x128xf32, #tpu.memory_space<vmem>>, vector<1x16xf32>,
          %get3A_214 = vector.shape_cast %get3A_213 : vector<1x16xf32> to vector<16xf32>
          %mul3A_215 = arith.mulf %get3A_214, %get3A_191 : vector<16xf32>
          %swap3A_216 = arith.index_cast %scan3A_187 : i32 to index
          %swap3A_217 = arith.constant 32 : index
          %swap3A_218 = tpu.vector_load %arg19[%swap3A_216, %swap3A_217] {strides = array<i32>} : memref<80x128xf32, #tpu.memory_space<vmem>>, vector<1x16xf32>,
          %swap3A_219 = vector.shape_cast %swap3A_218 : vector<1x16xf32> to vector<16xf32>
          %swap3A_220 = vector.shape_cast %mul3A_215 : vector<16xf32> to vector<1x16xf32>
          tpu.vector_store %arg19[%swap3A_216, %swap3A_217], %swap3A_220 {strides = array<i32>} : memref<80x128xf32, #tpu.memory_space<vmem>>, vector<1x16xf32>,
          %get3A_221 = arith.index_cast %scan3A_187 : i32 to index
          %get3A_222 = arith.constant 48 : index
          %get3A_223 = tpu.vector_load %arg19[%get3A_221, %get3A_222] {strides = array<i32>} : memref<80x128xf32, #tpu.memory_space<vmem>>, vector<1x16xf32>,
          %get3A_224 = vector.shape_cast %get3A_223 : vector<1x16xf32> to vector<16xf32>
          %mul3A_225 = arith.mulf %get3A_224, %get3A_191 : vector<16xf32>
          %swap3A_226 = arith.index_cast %scan3A_187 : i32 to index
          %swap3A_227 = arith.constant 48 : index
          %swap3A_228 = tpu.vector_load %arg19[%swap3A_226, %swap3A_227] {strides = array<i32>} : memref<80x128xf32, #tpu.memory_space<vmem>>, vector<1x16xf32>,
          %swap3A_229 = vector.shape_cast %swap3A_228 : vector<1x16xf32> to vector<16xf32>
          %swap3A_230 = vector.shape_cast %mul3A_225 : vector<16xf32> to vector<1x16xf32>
          tpu.vector_store %arg19[%swap3A_226, %swap3A_227], %swap3A_230 {strides = array<i32>} : memref<80x128xf32, #tpu.memory_space<vmem>>, vector<1x16xf32>,
          %get3A_231 = arith.index_cast %scan3A_187 : i32 to index
          %get3A_232 = arith.constant 64 : index
          %get3A_233 = tpu.vector_load %arg19[%get3A_231, %get3A_232] {strides = array<i32>} : memref<80x128xf32, #tpu.memory_space<vmem>>, vector<1x16xf32>,
          %get3A_234 = vector.shape_cast %get3A_233 : vector<1x16xf32> to vector<16xf32>
          %mul3A_235 = arith.mulf %get3A_234, %get3A_191 : vector<16xf32>
          %swap3A_236 = arith.index_cast %scan3A_187 : i32 to index
          %swap3A_237 = arith.constant 64 : index
          %swap3A_238 = tpu.vector_load %arg19[%swap3A_236, %swap3A_237] {strides = array<i32>} : memref<80x128xf32, #tpu.memory_space<vmem>>, vector<1x16xf32>,
          %swap3A_239 = vector.shape_cast %swap3A_238 : vector<1x16xf32> to vector<16xf32>
          %swap3A_240 = vector.shape_cast %mul3A_235 : vector<16xf32> to vector<1x16xf32>
          tpu.vector_store %arg19[%swap3A_236, %swap3A_237], %swap3A_240 {strides = array<i32>} : memref<80x128xf32, #tpu.memory_space<vmem>>, vector<1x16xf32>,
          %get3A_241 = arith.index_cast %scan3A_187 : i32 to index
          %get3A_242 = arith.constant 80 : index
          %get3A_243 = tpu.vector_load %arg19[%get3A_241, %get3A_242] {strides = array<i32>} : memref<80x128xf32, #tpu.memory_space<vmem>>, vector<1x16xf32>,
          %get3A_244 = vector.shape_cast %get3A_243 : vector<1x16xf32> to vector<16xf32>
          %mul3A_245 = arith.mulf %get3A_244, %get3A_191 : vector<16xf32>
          %swap3A_246 = arith.index_cast %scan3A_187 : i32 to index
          %swap3A_247 = arith.constant 80 : index
          %swap3A_248 = tpu.vector_load %arg19[%swap3A_246, %swap3A_247] {strides = array<i32>} : memref<80x128xf32, #tpu.memory_space<vmem>>, vector<1x16xf32>,
          %swap3A_249 = vector.shape_cast %swap3A_248 : vector<1x16xf32> to vector<16xf32>
          %swap3A_250 = vector.shape_cast %mul3A_245 : vector<16xf32> to vector<1x16xf32>
          tpu.vector_store %arg19[%swap3A_246, %swap3A_247], %swap3A_250 {strides = array<i32>} : memref<80x128xf32, #tpu.memory_space<vmem>>, vector<1x16xf32>,
          %get3A_251 = arith.index_cast %scan3A_187 : i32 to index
          %get3A_252 = arith.constant 96 : index
          %get3A_253 = tpu.vector_load %arg19[%get3A_251, %get3A_252] {strides = array<i32>} : memref<80x128xf32, #tpu.memory_space<vmem>>, vector<1x16xf32>,
          %get3A_254 = vector.shape_cast %get3A_253 : vector<1x16xf32> to vector<16xf32>
          %mul3A_255 = arith.mulf %get3A_254, %get3A_191 : vector<16xf32>
          %swap3A_256 = arith.index_cast %scan3A_187 : i32 to index
          %swap3A_257 = arith.constant 96 : index
          %swap3A_258 = tpu.vector_load %arg19[%swap3A_256, %swap3A_257] {strides = array<i32>} : memref<80x128xf32, #tpu.memory_space<vmem>>, vector<1x16xf32>,
          %swap3A_259 = vector.shape_cast %swap3A_258 : vector<1x16xf32> to vector<16xf32>
          %swap3A_260 = vector.shape_cast %mul3A_255 : vector<16xf32> to vector<1x16xf32>
          tpu.vector_store %arg19[%swap3A_256, %swap3A_257], %swap3A_260 {strides = array<i32>} : memref<80x128xf32, #tpu.memory_space<vmem>>, vector<1x16xf32>,
          %get3A_261 = arith.index_cast %scan3A_187 : i32 to index
          %get3A_262 = arith.constant 112 : index
          %get3A_263 = tpu.vector_load %arg19[%get3A_261, %get3A_262] {strides = array<i32>} : memref<80x128xf32, #tpu.memory_space<vmem>>, vector<1x16xf32>,
          %get3A_264 = vector.shape_cast %get3A_263 : vector<1x16xf32> to vector<16xf32>
          %mul3A_265 = arith.mulf %get3A_264, %get3A_191 : vector<16xf32>
          %swap3A_266 = arith.index_cast %scan3A_187 : i32 to index
          %swap3A_267 = arith.constant 112 : index
          %swap3A_268 = tpu.vector_load %arg19[%swap3A_266, %swap3A_267] {strides = array<i32>} : memref<80x128xf32, #tpu.memory_space<vmem>>, vector<1x16xf32>,
          %swap3A_269 = vector.shape_cast %swap3A_268 : vector<1x16xf32> to vector<16xf32>
          %swap3A_270 = vector.shape_cast %mul3A_265 : vector<16xf32> to vector<1x16xf32>
          tpu.vector_store %arg19[%swap3A_266, %swap3A_267], %swap3A_270 {strides = array<i32>} : memref<80x128xf32, #tpu.memory_space<vmem>>, vector<1x16xf32>,
          %scan3A_271 = arith.constant 0 : i32
          scf.yield %scan3A_271 : i32
        }
        %scan3A_179 = arith.constant 80 : i32
        "tpu.region"() ({
          %run_scoped3A = tpu.sem_alloc : memref<!tpu.dma_semaphore, #tpu.memory_space<semaphore_mem>>
          %dma_start3A_187 = arith.constant 0 : i32
          %dma_start3A_188 = tpu.memref_slice %arg5[%add3A_165, %dma_start3A_187] : memref<20000x128xf32, #tpu.memory_space<hbm>> -> memref<80x128xf32, #tpu.memory_space<hbm>>
          %dma_start3A_189 = arith.constant 0 : i32
          %dma_start3A_190 = tpu.memref_slice %arg5[%add3A_165, %dma_start3A_189] : memref<20000x128xf32, #tpu.memory_space<hbm>> -> memref<80x128xf32, #tpu.memory_space<hbm>>
          tpu.enqueue_dma source(%arg19 : memref<80x128xf32, #tpu.memory_space<vmem>>) target(%dma_start3A_190 : memref<80x128xf32, #tpu.memory_space<hbm>>) target_semaphore(%run_scoped3A : memref<!tpu.dma_semaphore, #tpu.memory_space<semaphore_mem>>)
          %dma_wait3A = arith.constant 0 : i32
          %dma_wait3A_191 = tpu.memref_slice %arg5[%add3A_165, %dma_wait3A] : memref<20000x128xf32, #tpu.memory_space<hbm>> -> memref<80x128xf32, #tpu.memory_space<hbm>>
          %dma_wait3A_192 = arith.constant 0 : i32
          %dma_wait3A_193 = tpu.memref_slice %arg5[%add3A_165, %dma_wait3A_192] : memref<20000x128xf32, #tpu.memory_space<hbm>> -> memref<80x128xf32, #tpu.memory_space<hbm>>
          tpu.wait_dma2 semaphore(%run_scoped3A : memref<!tpu.dma_semaphore, #tpu.memory_space<semaphore_mem>>) src(%arg19 : memref<80x128xf32, #tpu.memory_space<vmem>>) dst(%dma_wait3A_193 : memref<80x128xf32, #tpu.memory_space<hbm>>)
          tpu.yield
        }) : () -> ()
        %scan3A_180 = arith.constant 0 : i32
        %scan3A_181 = arith.constant 0 : i32
        %scan3A_182 = arith.constant 80 : i32
        %scan3A_183 = arith.addi %scan3A_181, %scan3A_182 : i32
        %scan3A_184 = arith.constant 1 : i32
        %scan3A_185 = scf.for %scan3A_187 = %scan3A_181 to %scan3A_183 step %scan3A_184 iter_args(%scan3A_188 = %scan3A_180) -> (i32)  : i32 {
          %broadcast_in_dim3A = arith.constant 0.000000e+00 : f32
          %broadcast_in_dim3A_189 = vector.broadcast %broadcast_in_dim3A : f32 to vector<16xf32>
          %swap3A = arith.index_cast %scan3A_187 : i32 to index
          %swap3A_190 = arith.constant 0 : index
          %swap3A_191 = tpu.vector_load %arg19[%swap3A, %swap3A_190] {strides = array<i32>} : memref<80x128xf32, #tpu.memory_space<vmem>>, vector<1x16xf32>,
          %swap3A_192 = vector.shape_cast %swap3A_191 : vector<1x16xf32> to vector<16xf32>
          %swap3A_193 = vector.shape_cast %broadcast_in_dim3A_189 : vector<16xf32> to vector<1x16xf32>
          tpu.vector_store %arg19[%swap3A, %swap3A_190], %swap3A_193 {strides = array<i32>} : memref<80x128xf32, #tpu.memory_space<vmem>>, vector<1x16xf32>,
          %broadcast_in_dim3A_194 = arith.constant 0.000000e+00 : f32
          %broadcast_in_dim3A_195 = vector.broadcast %broadcast_in_dim3A_194 : f32 to vector<16xf32>
          %swap3A_196 = arith.index_cast %scan3A_187 : i32 to index
          %swap3A_197 = arith.constant 16 : index
          %swap3A_198 = tpu.vector_load %arg19[%swap3A_196, %swap3A_197] {strides = array<i32>} : memref<80x128xf32, #tpu.memory_space<vmem>>, vector<1x16xf32>,
          %swap3A_199 = vector.shape_cast %swap3A_198 : vector<1x16xf32> to vector<16xf32>
          %swap3A_200 = vector.shape_cast %broadcast_in_dim3A_195 : vector<16xf32> to vector<1x16xf32>
          tpu.vector_store %arg19[%swap3A_196, %swap3A_197], %swap3A_200 {strides = array<i32>} : memref<80x128xf32, #tpu.memory_space<vmem>>, vector<1x16xf32>,
          %broadcast_in_dim3A_201 = arith.constant 0.000000e+00 : f32
          %broadcast_in_dim3A_202 = vector.broadcast %broadcast_in_dim3A_201 : f32 to vector<16xf32>
          %swap3A_203 = arith.index_cast %scan3A_187 : i32 to index
          %swap3A_204 = arith.constant 32 : index
          %swap3A_205 = tpu.vector_load %arg19[%swap3A_203, %swap3A_204] {strides = array<i32>} : memref<80x128xf32, #tpu.memory_space<vmem>>, vector<1x16xf32>,
          %swap3A_206 = vector.shape_cast %swap3A_205 : vector<1x16xf32> to vector<16xf32>
          %swap3A_207 = vector.shape_cast %broadcast_in_dim3A_202 : vector<16xf32> to vector<1x16xf32>
          tpu.vector_store %arg19[%swap3A_203, %swap3A_204], %swap3A_207 {strides = array<i32>} : memref<80x128xf32, #tpu.memory_space<vmem>>, vector<1x16xf32>,
          %broadcast_in_dim3A_208 = arith.constant 0.000000e+00 : f32
          %broadcast_in_dim3A_209 = vector.broadcast %broadcast_in_dim3A_208 : f32 to vector<16xf32>
          %swap3A_210 = arith.index_cast %scan3A_187 : i32 to index
          %swap3A_211 = arith.constant 48 : index
          %swap3A_212 = tpu.vector_load %arg19[%swap3A_210, %swap3A_211] {strides = array<i32>} : memref<80x128xf32, #tpu.memory_space<vmem>>, vector<1x16xf32>,
          %swap3A_213 = vector.shape_cast %swap3A_212 : vector<1x16xf32> to vector<16xf32>
          %swap3A_214 = vector.shape_cast %broadcast_in_dim3A_209 : vector<16xf32> to vector<1x16xf32>
          tpu.vector_store %arg19[%swap3A_210, %swap3A_211], %swap3A_214 {strides = array<i32>} : memref<80x128xf32, #tpu.memory_space<vmem>>, vector<1x16xf32>,
          %broadcast_in_dim3A_215 = arith.constant 0.000000e+00 : f32
          %broadcast_in_dim3A_216 = vector.broadcast %broadcast_in_dim3A_215 : f32 to vector<16xf32>
          %swap3A_217 = arith.index_cast %scan3A_187 : i32 to index
          %swap3A_218 = arith.constant 64 : index
          %swap3A_219 = tpu.vector_load %arg19[%swap3A_217, %swap3A_218] {strides = array<i32>} : memref<80x128xf32, #tpu.memory_space<vmem>>, vector<1x16xf32>,
          %swap3A_220 = vector.shape_cast %swap3A_219 : vector<1x16xf32> to vector<16xf32>
          %swap3A_221 = vector.shape_cast %broadcast_in_dim3A_216 : vector<16xf32> to vector<1x16xf32>
          tpu.vector_store %arg19[%swap3A_217, %swap3A_218], %swap3A_221 {strides = array<i32>} : memref<80x128xf32, #tpu.memory_space<vmem>>, vector<1x16xf32>,
          %broadcast_in_dim3A_222 = arith.constant 0.000000e+00 : f32
          %broadcast_in_dim3A_223 = vector.broadcast %broadcast_in_dim3A_222 : f32 to vector<16xf32>
          %swap3A_224 = arith.index_cast %scan3A_187 : i32 to index
          %swap3A_225 = arith.constant 80 : index
          %swap3A_226 = tpu.vector_load %arg19[%swap3A_224, %swap3A_225] {strides = array<i32>} : memref<80x128xf32, #tpu.memory_space<vmem>>, vector<1x16xf32>,
          %swap3A_227 = vector.shape_cast %swap3A_226 : vector<1x16xf32> to vector<16xf32>
          %swap3A_228 = vector.shape_cast %broadcast_in_dim3A_223 : vector<16xf32> to vector<1x16xf32>
          tpu.vector_store %arg19[%swap3A_224, %swap3A_225], %swap3A_228 {strides = array<i32>} : memref<80x128xf32, #tpu.memory_space<vmem>>, vector<1x16xf32>,
          %broadcast_in_dim3A_229 = arith.constant 0.000000e+00 : f32
          %broadcast_in_dim3A_230 = vector.broadcast %broadcast_in_dim3A_229 : f32 to vector<16xf32>
          %swap3A_231 = arith.index_cast %scan3A_187 : i32 to index
          %swap3A_232 = arith.constant 96 : index
          %swap3A_233 = tpu.vector_load %arg19[%swap3A_231, %swap3A_232] {strides = array<i32>} : memref<80x128xf32, #tpu.memory_space<vmem>>, vector<1x16xf32>,
          %swap3A_234 = vector.shape_cast %swap3A_233 : vector<1x16xf32> to vector<16xf32>
          %swap3A_235 = vector.shape_cast %broadcast_in_dim3A_230 : vector<16xf32> to vector<1x16xf32>
          tpu.vector_store %arg19[%swap3A_231, %swap3A_232], %swap3A_235 {strides = array<i32>} : memref<80x128xf32, #tpu.memory_space<vmem>>, vector<1x16xf32>,
          %broadcast_in_dim3A_236 = arith.constant 0.000000e+00 : f32
          %broadcast_in_dim3A_237 = vector.broadcast %broadcast_in_dim3A_236 : f32 to vector<16xf32>
          %swap3A_238 = arith.index_cast %scan3A_187 : i32 to index
          %swap3A_239 = arith.constant 112 : index
          %swap3A_240 = tpu.vector_load %arg19[%swap3A_238, %swap3A_239] {strides = array<i32>} : memref<80x128xf32, #tpu.memory_space<vmem>>, vector<1x16xf32>,
          %swap3A_241 = vector.shape_cast %swap3A_240 : vector<1x16xf32> to vector<16xf32>
          %swap3A_242 = vector.shape_cast %broadcast_in_dim3A_237 : vector<16xf32> to vector<1x16xf32>
          tpu.vector_store %arg19[%swap3A_238, %swap3A_239], %swap3A_242 {strides = array<i32>} : memref<80x128xf32, #tpu.memory_space<vmem>>, vector<1x16xf32>,
          %scan3A_243 = arith.constant 0 : i32
          scf.yield %scan3A_243 : i32
        }
        %scan3A_186 = arith.constant 80 : i32
        "tpu.region"() ({
          %run_scoped3A = tpu.sem_alloc : memref<!tpu.dma_semaphore, #tpu.memory_space<semaphore_mem>>
          %dma_start3A_187 = arith.constant 0 : i32
          %dma_start3A_188 = tpu.memref_slice %arg12[%mul3A_162, %dma_start3A_187] : memref<10000x128xf32, #tpu.memory_space<vmem_shared>> -> memref<80x128xf32, #tpu.memory_space<vmem_shared>>
          %dma_start3A_189 = arith.constant 0 : i32
          %dma_start3A_190 = tpu.memref_slice %arg12[%mul3A_162, %dma_start3A_189] : memref<10000x128xf32, #tpu.memory_space<vmem_shared>> -> memref<80x128xf32, #tpu.memory_space<vmem_shared>>
          tpu.enqueue_dma source(%arg19 : memref<80x128xf32, #tpu.memory_space<vmem>>) target(%dma_start3A_190 : memref<80x128xf32, #tpu.memory_space<vmem_shared>>) target_semaphore(%run_scoped3A : memref<!tpu.dma_semaphore, #tpu.memory_space<semaphore_mem>>)
          %dma_wait3A = arith.constant 0 : i32
          %dma_wait3A_191 = tpu.memref_slice %arg12[%mul3A_162, %dma_wait3A] : memref<10000x128xf32, #tpu.memory_space<vmem_shared>> -> memref<80x128xf32, #tpu.memory_space<vmem_shared>>
          %dma_wait3A_192 = arith.constant 0 : i32
          %dma_wait3A_193 = tpu.memref_slice %arg12[%mul3A_162, %dma_wait3A_192] : memref<10000x128xf32, #tpu.memory_space<vmem_shared>> -> memref<80x128xf32, #tpu.memory_space<vmem_shared>>
          tpu.wait_dma2 semaphore(%run_scoped3A : memref<!tpu.dma_semaphore, #tpu.memory_space<semaphore_mem>>) src(%arg19 : memref<80x128xf32, #tpu.memory_space<vmem>>) dst(%dma_wait3A_193 : memref<80x128xf32, #tpu.memory_space<vmem_shared>>)
          tpu.yield
        }) : () -> ()
      } else {
      }
      %scan3A_160 = arith.constant 0 : i32
      scf.yield %scan3A_160 : i32
    }
    %scan3A_80 = arith.constant 8 : i32
    %barrier3A_81 = arith.constant 0 : index
    tpu.barrier barrier_id(%barrier3A_81)
    %mul3A_82 = arith.constant 20000 : i32
    %mul3A_83 = arith.muli %arg1, %mul3A_82 : i32
    %mul3A_84 = arith.constant 320000 : i32
    %mul3A_85 = arith.muli %arg0, %mul3A_84 : i32
    %add3A_86 = arith.addi %mul3A_85, %mul3A_83 : i32
    "tpu.region"() ({
      %run_scoped3A = tpu.sem_alloc : memref<!tpu.dma_semaphore, #tpu.memory_space<semaphore_mem>>
      %dma_start3A_153 = tpu.memref_slice %arg3[%add3A_86] : memref<640000xi32, #tpu.memory_space<hbm>> -> memref<80xi32, #tpu.memory_space<hbm>>
      %dma_start3A_154 = tpu.memref_slice %arg3[%add3A_86] : memref<640000xi32, #tpu.memory_space<hbm>> -> memref<80xi32, #tpu.memory_space<hbm>>
      tpu.enqueue_dma source(%dma_start3A_154 : memref<80xi32, #tpu.memory_space<hbm>>) target(%arg13 : memref<80xi32, #tpu.memory_space<vmem>>) target_semaphore(%run_scoped3A : memref<!tpu.dma_semaphore, #tpu.memory_space<semaphore_mem>>)
      %dma_wait3A = tpu.memref_slice %arg3[%add3A_86] : memref<640000xi32, #tpu.memory_space<hbm>> -> memref<80xi32, #tpu.memory_space<hbm>>
      %dma_wait3A_155 = tpu.memref_slice %arg3[%add3A_86] : memref<640000xi32, #tpu.memory_space<hbm>> -> memref<80xi32, #tpu.memory_space<hbm>>
      tpu.wait_dma2 semaphore(%run_scoped3A : memref<!tpu.dma_semaphore, #tpu.memory_space<semaphore_mem>>) src(%dma_wait3A_155 : memref<80xi32, #tpu.memory_space<hbm>>) dst(%arg13 : memref<80xi32, #tpu.memory_space<vmem>>)
      tpu.yield
    }) : () -> ()
    "tpu.region"() ({
      %run_scoped3A = tpu.sem_alloc : memref<!tpu.dma_semaphore, #tpu.memory_space<semaphore_mem>>
      %dma_start3A_153 = tpu.memref_slice %arg4[%mul3A_83] : memref<320000xi32, #tpu.memory_space<hbm>> -> memref<80xi32, #tpu.memory_space<hbm>>
      %dma_start3A_154 = tpu.memref_slice %arg4[%mul3A_83] : memref<320000xi32, #tpu.memory_space<hbm>> -> memref<80xi32, #tpu.memory_space<hbm>>
      tpu.enqueue_dma source(%dma_start3A_154 : memref<80xi32, #tpu.memory_space<hbm>>) target(%arg14 : memref<80xi32, #tpu.memory_space<vmem>>) target_semaphore(%run_scoped3A : memref<!tpu.dma_semaphore, #tpu.memory_space<semaphore_mem>>)
      %dma_wait3A = tpu.memref_slice %arg4[%mul3A_83] : memref<320000xi32, #tpu.memory_space<hbm>> -> memref<80xi32, #tpu.memory_space<hbm>>
      %dma_wait3A_155 = tpu.memref_slice %arg4[%mul3A_83] : memref<320000xi32, #tpu.memory_space<hbm>> -> memref<80xi32, #tpu.memory_space<hbm>>
      tpu.wait_dma2 semaphore(%run_scoped3A : memref<!tpu.dma_semaphore, #tpu.memory_space<semaphore_mem>>) src(%dma_wait3A_155 : memref<80xi32, #tpu.memory_space<hbm>>) dst(%arg14 : memref<80xi32, #tpu.memory_space<vmem>>)
      tpu.yield
    }) : () -> ()
    %dma_start3A_87 = arith.constant 0 : i32
    %dma_start3A_88 = arith.constant 0 : i32
    %dma_start3A_89 = tpu.memref_slice %arg5[%dma_start3A_87, %dma_start3A_88] : memref<20000x128xf32, #tpu.memory_space<hbm>> -> memref<20000x128xf32, #tpu.memory_space<hbm>>
    tpu.enqueue_indirect_dma source(%dma_start3A_89 : memref<20000x128xf32, #tpu.memory_space<hbm>>) target(%arg17 : memref<80x128xf32, #tpu.memory_space<vmem>>) offsets(%arg13 : memref<80xi32, #tpu.memory_space<vmem>>) semaphore(%arg21 : memref<!tpu.dma_semaphore, #tpu.memory_space<semaphore_mem>>)
    %scan3A_90 = arith.constant 0 : i32
    %scan3A_91 = arith.constant 0 : i32
    %scan3A_92 = arith.constant 125 : i32
    %scan3A_93 = arith.addi %scan3A_91, %scan3A_92 : i32
    %scan3A_94 = arith.constant 1 : i32
    %scan3A_95 = scf.for %scan3A_153 = %scan3A_91 to %scan3A_93 step %scan3A_94 iter_args(%scan3A_154 = %scan3A_90) -> (i32)  : i32 {
      %mul3A_155 = arith.constant 2 : i32
      %mul3A_156 = arith.muli %mul3A_155, %scan3A_153 : i32
      %add3A_157 = arith.constant 1 : i32
      %add3A_158 = arith.addi %mul3A_156, %add3A_157 : i32
      %mul3A_159 = arith.constant 80 : i32
      %mul3A_160 = arith.muli %add3A_158, %mul3A_159 : i32
      %add3A_161 = arith.addi %mul3A_83, %mul3A_160 : i32
      %mul3A_162 = arith.constant 320000 : i32
      %mul3A_163 = arith.muli %arg0, %mul3A_162 : i32
      %add3A_164 = arith.addi %mul3A_163, %add3A_161 : i32
      "tpu.region"() ({
        %run_scoped3A = tpu.sem_alloc : memref<!tpu.dma_semaphore, #tpu.memory_space<semaphore_mem>>
        %dma_start3A_178 = tpu.memref_slice %arg3[%add3A_164] : memref<640000xi32, #tpu.memory_space<hbm>> -> memref<80xi32, #tpu.memory_space<hbm>>
        %dma_start3A_179 = tpu.memref_slice %arg3[%add3A_164] : memref<640000xi32, #tpu.memory_space<hbm>> -> memref<80xi32, #tpu.memory_space<hbm>>
        tpu.enqueue_dma source(%dma_start3A_179 : memref<80xi32, #tpu.memory_space<hbm>>) target(%arg15 : memref<80xi32, #tpu.memory_space<vmem>>) target_semaphore(%run_scoped3A : memref<!tpu.dma_semaphore, #tpu.memory_space<semaphore_mem>>)
        %dma_wait3A_180 = tpu.memref_slice %arg3[%add3A_164] : memref<640000xi32, #tpu.memory_space<hbm>> -> memref<80xi32, #tpu.memory_space<hbm>>
        %dma_wait3A_181 = tpu.memref_slice %arg3[%add3A_164] : memref<640000xi32, #tpu.memory_space<hbm>> -> memref<80xi32, #tpu.memory_space<hbm>>
        tpu.wait_dma2 semaphore(%run_scoped3A : memref<!tpu.dma_semaphore, #tpu.memory_space<semaphore_mem>>) src(%dma_wait3A_181 : memref<80xi32, #tpu.memory_space<hbm>>) dst(%arg15 : memref<80xi32, #tpu.memory_space<vmem>>)
        tpu.yield
      }) : () -> ()
      "tpu.region"() ({
        %run_scoped3A = tpu.sem_alloc : memref<!tpu.dma_semaphore, #tpu.memory_space<semaphore_mem>>
        %dma_start3A_178 = tpu.memref_slice %arg4[%add3A_161] : memref<320000xi32, #tpu.memory_space<hbm>> -> memref<80xi32, #tpu.memory_space<hbm>>
        %dma_start3A_179 = tpu.memref_slice %arg4[%add3A_161] : memref<320000xi32, #tpu.memory_space<hbm>> -> memref<80xi32, #tpu.memory_space<hbm>>
        tpu.enqueue_dma source(%dma_start3A_179 : memref<80xi32, #tpu.memory_space<hbm>>) target(%arg16 : memref<80xi32, #tpu.memory_space<vmem>>) target_semaphore(%run_scoped3A : memref<!tpu.dma_semaphore, #tpu.memory_space<semaphore_mem>>)
        %dma_wait3A_180 = tpu.memref_slice %arg4[%add3A_161] : memref<320000xi32, #tpu.memory_space<hbm>> -> memref<80xi32, #tpu.memory_space<hbm>>
        %dma_wait3A_181 = tpu.memref_slice %arg4[%add3A_161] : memref<320000xi32, #tpu.memory_space<hbm>> -> memref<80xi32, #tpu.memory_space<hbm>>
        tpu.wait_dma2 semaphore(%run_scoped3A : memref<!tpu.dma_semaphore, #tpu.memory_space<semaphore_mem>>) src(%dma_wait3A_181 : memref<80xi32, #tpu.memory_space<hbm>>) dst(%arg16 : memref<80xi32, #tpu.memory_space<vmem>>)
        tpu.yield
      }) : () -> ()
      %dma_start3A_165 = arith.constant 0 : i32
      %dma_start3A_166 = arith.constant 0 : i32
      %dma_start3A_167 = tpu.memref_slice %arg5[%dma_start3A_165, %dma_start3A_166] : memref<20000x128xf32, #tpu.memory_space<hbm>> -> memref<20000x128xf32, #tpu.memory_space<hbm>>
      tpu.enqueue_indirect_dma source(%dma_start3A_167 : memref<20000x128xf32, #tpu.memory_space<hbm>>) target(%arg18 : memref<80x128xf32, #tpu.memory_space<vmem>>) offsets(%arg15 : memref<80xi32, #tpu.memory_space<vmem>>) semaphore(%arg22 : memref<!tpu.dma_semaphore, #tpu.memory_space<semaphore_mem>>)
      %dma_wait3A = arith.constant 0 : i32
      %dma_wait3A_168 = arith.constant 0 : i32
      %dma_wait3A_169 = tpu.memref_slice %arg5[%dma_wait3A, %dma_wait3A_168] : memref<20000x128xf32, #tpu.memory_space<hbm>> -> memref<20000x128xf32, #tpu.memory_space<hbm>>
      tpu.wait_indirect_dma semaphore(%arg21 : memref<!tpu.dma_semaphore, #tpu.memory_space<semaphore_mem>>) src(%dma_wait3A_169 : memref<20000x128xf32, #tpu.memory_space<hbm>>) dst(%arg17 : memref<80x128xf32, #tpu.memory_space<vmem>>)
      "tpu.region"() ({
        %run_scoped3A = tpu.sem_alloc : memref<!tpu.dma_semaphore, #tpu.memory_space<semaphore_mem>>
        %dma_start3A_178 = arith.constant 0 : i32
        %dma_start3A_179 = arith.constant 0 : i32
        %dma_start3A_180 = tpu.memref_slice %arg12[%dma_start3A_178, %dma_start3A_179] : memref<10000x128xf32, #tpu.memory_space<vmem_shared>> -> memref<10000x128xf32, #tpu.memory_space<vmem_shared>>
        tpu.enqueue_indirect_dma source(%arg17 : memref<80x128xf32, #tpu.memory_space<vmem>>) target(%dma_start3A_180 : memref<10000x128xf32, #tpu.memory_space<vmem_shared>>) offsets(%arg14 : memref<80xi32, #tpu.memory_space<vmem>>) semaphore(%run_scoped3A : memref<!tpu.dma_semaphore, #tpu.memory_space<semaphore_mem>>) {add = true}
        %dma_wait3A_181 = arith.constant 0 : i32
        %dma_wait3A_182 = arith.constant 0 : i32
        %dma_wait3A_183 = tpu.memref_slice %arg12[%dma_wait3A_181, %dma_wait3A_182] : memref<10000x128xf32, #tpu.memory_space<vmem_shared>> -> memref<10000x128xf32, #tpu.memory_space<vmem_shared>>
        tpu.wait_indirect_dma semaphore(%run_scoped3A : memref<!tpu.dma_semaphore, #tpu.memory_space<semaphore_mem>>) src(%arg17 : memref<80x128xf32, #tpu.memory_space<vmem>>) dst(%dma_wait3A_183 : memref<10000x128xf32, #tpu.memory_space<vmem_shared>>)
        tpu.yield
      }) : () -> ()
      %add3A_170 = arith.constant 1 : i32
      %add3A_171 = arith.addi %scan3A_153, %add3A_170 : i32
      %lt3A = arith.constant 125 : i32
      %lt3A_172 = arith.cmpi slt, %add3A_171, %lt3A : i32
      %convert_element_type3A = arith.extui %lt3A_172 : i1 to i32
      %cond3A = arith.constant 0 : i32
      %cond3A_173 = arith.cmpi ne, %convert_element_type3A, %cond3A : i32
      scf.if %cond3A_173 {
        %mul3A_178 = arith.constant 2 : i32
        %mul3A_179 = arith.muli %mul3A_178, %scan3A_153 : i32
        %add3A_180 = arith.constant 2 : i32
        %add3A_181 = arith.addi %mul3A_179, %add3A_180 : i32
        %mul3A_182 = arith.constant 80 : i32
        %mul3A_183 = arith.muli %add3A_181, %mul3A_182 : i32
        %add3A_184 = arith.addi %mul3A_83, %mul3A_183 : i32
        %mul3A_185 = arith.constant 320000 : i32
        %mul3A_186 = arith.muli %arg0, %mul3A_185 : i32
        %add3A_187 = arith.addi %mul3A_186, %add3A_184 : i32
        "tpu.region"() ({
          %run_scoped3A = tpu.sem_alloc : memref<!tpu.dma_semaphore, #tpu.memory_space<semaphore_mem>>
          %dma_start3A_191 = tpu.memref_slice %arg3[%add3A_187] : memref<640000xi32, #tpu.memory_space<hbm>> -> memref<80xi32, #tpu.memory_space<hbm>>
          %dma_start3A_192 = tpu.memref_slice %arg3[%add3A_187] : memref<640000xi32, #tpu.memory_space<hbm>> -> memref<80xi32, #tpu.memory_space<hbm>>
          tpu.enqueue_dma source(%dma_start3A_192 : memref<80xi32, #tpu.memory_space<hbm>>) target(%arg13 : memref<80xi32, #tpu.memory_space<vmem>>) target_semaphore(%run_scoped3A : memref<!tpu.dma_semaphore, #tpu.memory_space<semaphore_mem>>)
          %dma_wait3A_193 = tpu.memref_slice %arg3[%add3A_187] : memref<640000xi32, #tpu.memory_space<hbm>> -> memref<80xi32, #tpu.memory_space<hbm>>
          %dma_wait3A_194 = tpu.memref_slice %arg3[%add3A_187] : memref<640000xi32, #tpu.memory_space<hbm>> -> memref<80xi32, #tpu.memory_space<hbm>>
          tpu.wait_dma2 semaphore(%run_scoped3A : memref<!tpu.dma_semaphore, #tpu.memory_space<semaphore_mem>>) src(%dma_wait3A_194 : memref<80xi32, #tpu.memory_space<hbm>>) dst(%arg13 : memref<80xi32, #tpu.memory_space<vmem>>)
          tpu.yield
        }) : () -> ()
        "tpu.region"() ({
          %run_scoped3A = tpu.sem_alloc : memref<!tpu.dma_semaphore, #tpu.memory_space<semaphore_mem>>
          %dma_start3A_191 = tpu.memref_slice %arg4[%add3A_184] : memref<320000xi32, #tpu.memory_space<hbm>> -> memref<80xi32, #tpu.memory_space<hbm>>
          %dma_start3A_192 = tpu.memref_slice %arg4[%add3A_184] : memref<320000xi32, #tpu.memory_space<hbm>> -> memref<80xi32, #tpu.memory_space<hbm>>
          tpu.enqueue_dma source(%dma_start3A_192 : memref<80xi32, #tpu.memory_space<hbm>>) target(%arg14 : memref<80xi32, #tpu.memory_space<vmem>>) target_semaphore(%run_scoped3A : memref<!tpu.dma_semaphore, #tpu.memory_space<semaphore_mem>>)
          %dma_wait3A_193 = tpu.memref_slice %arg4[%add3A_184] : memref<320000xi32, #tpu.memory_space<hbm>> -> memref<80xi32, #tpu.memory_space<hbm>>
          %dma_wait3A_194 = tpu.memref_slice %arg4[%add3A_184] : memref<320000xi32, #tpu.memory_space<hbm>> -> memref<80xi32, #tpu.memory_space<hbm>>
          tpu.wait_dma2 semaphore(%run_scoped3A : memref<!tpu.dma_semaphore, #tpu.memory_space<semaphore_mem>>) src(%dma_wait3A_194 : memref<80xi32, #tpu.memory_space<hbm>>) dst(%arg14 : memref<80xi32, #tpu.memory_space<vmem>>)
          tpu.yield
        }) : () -> ()
        %dma_start3A_188 = arith.constant 0 : i32
        %dma_start3A_189 = arith.constant 0 : i32
        %dma_start3A_190 = tpu.memref_slice %arg5[%dma_start3A_188, %dma_start3A_189] : memref<20000x128xf32, #tpu.memory_space<hbm>> -> memref<20000x128xf32, #tpu.memory_space<hbm>>
        tpu.enqueue_indirect_dma source(%dma_start3A_190 : memref<20000x128xf32, #tpu.memory_space<hbm>>) target(%arg17 : memref<80x128xf32, #tpu.memory_space<vmem>>) offsets(%arg13 : memref<80xi32, #tpu.memory_space<vmem>>) semaphore(%arg21 : memref<!tpu.dma_semaphore, #tpu.memory_space<semaphore_mem>>)
      } else {
      }
      %dma_wait3A_174 = arith.constant 0 : i32
      %dma_wait3A_175 = arith.constant 0 : i32
      %dma_wait3A_176 = tpu.memref_slice %arg5[%dma_wait3A_174, %dma_wait3A_175] : memref<20000x128xf32, #tpu.memory_space<hbm>> -> memref<20000x128xf32, #tpu.memory_space<hbm>>
      tpu.wait_indirect_dma semaphore(%arg22 : memref<!tpu.dma_semaphore, #tpu.memory_space<semaphore_mem>>) src(%dma_wait3A_176 : memref<20000x128xf32, #tpu.memory_space<hbm>>) dst(%arg18 : memref<80x128xf32, #tpu.memory_space<vmem>>)
      "tpu.region"() ({
        %run_scoped3A = tpu.sem_alloc : memref<!tpu.dma_semaphore, #tpu.memory_space<semaphore_mem>>
        %dma_start3A_178 = arith.constant 0 : i32
        %dma_start3A_179 = arith.constant 0 : i32
        %dma_start3A_180 = tpu.memref_slice %arg12[%dma_start3A_178, %dma_start3A_179] : memref<10000x128xf32, #tpu.memory_space<vmem_shared>> -> memref<10000x128xf32, #tpu.memory_space<vmem_shared>>
        tpu.enqueue_indirect_dma source(%arg18 : memref<80x128xf32, #tpu.memory_space<vmem>>) target(%dma_start3A_180 : memref<10000x128xf32, #tpu.memory_space<vmem_shared>>) offsets(%arg16 : memref<80xi32, #tpu.memory_space<vmem>>) semaphore(%run_scoped3A : memref<!tpu.dma_semaphore, #tpu.memory_space<semaphore_mem>>) {add = true}
        %dma_wait3A_181 = arith.constant 0 : i32
        %dma_wait3A_182 = arith.constant 0 : i32
        %dma_wait3A_183 = tpu.memref_slice %arg12[%dma_wait3A_181, %dma_wait3A_182] : memref<10000x128xf32, #tpu.memory_space<vmem_shared>> -> memref<10000x128xf32, #tpu.memory_space<vmem_shared>>
        tpu.wait_indirect_dma semaphore(%run_scoped3A : memref<!tpu.dma_semaphore, #tpu.memory_space<semaphore_mem>>) src(%arg18 : memref<80x128xf32, #tpu.memory_space<vmem>>) dst(%dma_wait3A_183 : memref<10000x128xf32, #tpu.memory_space<vmem_shared>>)
        tpu.yield
      }) : () -> ()
      %scan3A_177 = arith.constant 0 : i32
      scf.yield %scan3A_177 : i32
    }
    %scan3A_96 = arith.constant 125 : i32
    %barrier3A_97 = arith.constant 0 : index
    tpu.barrier barrier_id(%barrier3A_97)
    %scan3A_98 = arith.constant 0 : i32
    %scan3A_99 = arith.constant 0 : i32
    %scan3A_100 = arith.constant 8 : i32
    %scan3A_101 = arith.addi %scan3A_99, %scan3A_100 : i32
    %scan3A_102 = arith.constant 1 : i32
    %scan3A_103 = scf.for %scan3A_153 = %scan3A_99 to %scan3A_101 step %scan3A_102 iter_args(%scan3A_154 = %scan3A_98) -> (i32)  : i32 {
      %mul3A_155 = arith.constant 16 : i32
      %mul3A_156 = arith.muli %scan3A_153, %mul3A_155 : i32
      %add3A_157 = arith.addi %mul3A_156, %arg1 : i32
      %lt3A = arith.constant 125 : i32
      %lt3A_158 = arith.cmpi slt, %add3A_157, %lt3A : i32
      %convert_element_type3A = arith.extui %lt3A_158 : i1 to i32
      %cond3A = arith.constant 0 : i32
      %cond3A_159 = arith.cmpi ne, %convert_element_type3A, %cond3A : i32
      scf.if %cond3A_159 {
        %mul3A_161 = arith.constant 80 : i32
        %mul3A_162 = arith.muli %add3A_157, %mul3A_161 : i32
        %mul3A_163 = arith.constant 10000 : i32
        %mul3A_164 = arith.muli %arg0, %mul3A_163 : i32
        %add3A_165 = arith.addi %mul3A_164, %mul3A_162 : i32
        "tpu.region"() ({
          %run_scoped3A = tpu.sem_alloc : memref<!tpu.dma_semaphore, #tpu.memory_space<semaphore_mem>>
          %dma_start3A_187 = arith.constant 0 : i32
          %dma_start3A_188 = tpu.memref_slice %arg12[%mul3A_162, %dma_start3A_187] : memref<10000x128xf32, #tpu.memory_space<vmem_shared>> -> memref<80x128xf32, #tpu.memory_space<vmem_shared>>
          %dma_start3A_189 = arith.constant 0 : i32
          %dma_start3A_190 = tpu.memref_slice %arg12[%mul3A_162, %dma_start3A_189] : memref<10000x128xf32, #tpu.memory_space<vmem_shared>> -> memref<80x128xf32, #tpu.memory_space<vmem_shared>>
          tpu.enqueue_dma source(%dma_start3A_190 : memref<80x128xf32, #tpu.memory_space<vmem_shared>>) target(%arg19 : memref<80x128xf32, #tpu.memory_space<vmem>>) target_semaphore(%run_scoped3A : memref<!tpu.dma_semaphore, #tpu.memory_space<semaphore_mem>>)
          %dma_wait3A = arith.constant 0 : i32
          %dma_wait3A_191 = tpu.memref_slice %arg12[%mul3A_162, %dma_wait3A] : memref<10000x128xf32, #tpu.memory_space<vmem_shared>> -> memref<80x128xf32, #tpu.memory_space<vmem_shared>>
          %dma_wait3A_192 = arith.constant 0 : i32
          %dma_wait3A_193 = tpu.memref_slice %arg12[%mul3A_162, %dma_wait3A_192] : memref<10000x128xf32, #tpu.memory_space<vmem_shared>> -> memref<80x128xf32, #tpu.memory_space<vmem_shared>>
          tpu.wait_dma2 semaphore(%run_scoped3A : memref<!tpu.dma_semaphore, #tpu.memory_space<semaphore_mem>>) src(%dma_wait3A_193 : memref<80x128xf32, #tpu.memory_space<vmem_shared>>) dst(%arg19 : memref<80x128xf32, #tpu.memory_space<vmem>>)
          tpu.yield
        }) : () -> ()
        "tpu.region"() ({
          %run_scoped3A = tpu.sem_alloc : memref<!tpu.dma_semaphore, #tpu.memory_space<semaphore_mem>>
          %dma_start3A_187 = arith.constant 0 : i32
          %dma_start3A_188 = tpu.memref_slice %arg11[%mul3A_162, %dma_start3A_187] : memref<10000x16xf32, #tpu.memory_space<hbm>> -> memref<80x16xf32, #tpu.memory_space<hbm>>
          %dma_start3A_189 = arith.constant 0 : i32
          %dma_start3A_190 = tpu.memref_slice %arg11[%mul3A_162, %dma_start3A_189] : memref<10000x16xf32, #tpu.memory_space<hbm>> -> memref<80x16xf32, #tpu.memory_space<hbm>>
          tpu.enqueue_dma source(%dma_start3A_190 : memref<80x16xf32, #tpu.memory_space<hbm>>) target(%arg20 : memref<80x16xf32, #tpu.memory_space<vmem>>) target_semaphore(%run_scoped3A : memref<!tpu.dma_semaphore, #tpu.memory_space<semaphore_mem>>)
          %dma_wait3A = arith.constant 0 : i32
          %dma_wait3A_191 = tpu.memref_slice %arg11[%mul3A_162, %dma_wait3A] : memref<10000x16xf32, #tpu.memory_space<hbm>> -> memref<80x16xf32, #tpu.memory_space<hbm>>
          %dma_wait3A_192 = arith.constant 0 : i32
          %dma_wait3A_193 = tpu.memref_slice %arg11[%mul3A_162, %dma_wait3A_192] : memref<10000x16xf32, #tpu.memory_space<hbm>> -> memref<80x16xf32, #tpu.memory_space<hbm>>
          tpu.wait_dma2 semaphore(%run_scoped3A : memref<!tpu.dma_semaphore, #tpu.memory_space<semaphore_mem>>) src(%dma_wait3A_193 : memref<80x16xf32, #tpu.memory_space<hbm>>) dst(%arg20 : memref<80x16xf32, #tpu.memory_space<vmem>>)
          tpu.yield
        }) : () -> ()
        %scan3A_166 = arith.constant 0 : i32
        %scan3A_167 = arith.constant 0 : i32
        %scan3A_168 = arith.constant 80 : i32
        %scan3A_169 = arith.addi %scan3A_167, %scan3A_168 : i32
        %scan3A_170 = arith.constant 1 : i32
        %scan3A_171 = scf.for %scan3A_187 = %scan3A_167 to %scan3A_169 step %scan3A_170 iter_args(%scan3A_188 = %scan3A_166) -> (i32)  : i32 {
          %get3A = arith.index_cast %scan3A_187 : i32 to index
          %get3A_189 = arith.constant 0 : index
          %get3A_190 = tpu.vector_load %arg20[%get3A, %get3A_189] {strides = array<i32>} : memref<80x16xf32, #tpu.memory_space<vmem>>, vector<1x16xf32>,
          %get3A_191 = vector.shape_cast %get3A_190 : vector<1x16xf32> to vector<16xf32>
          %get3A_192 = arith.index_cast %scan3A_187 : i32 to index
          %get3A_193 = arith.constant 0 : index
          %get3A_194 = tpu.vector_load %arg19[%get3A_192, %get3A_193] {strides = array<i32>} : memref<80x128xf32, #tpu.memory_space<vmem>>, vector<1x16xf32>,
          %get3A_195 = vector.shape_cast %get3A_194 : vector<1x16xf32> to vector<16xf32>
          %mul3A_196 = arith.mulf %get3A_195, %get3A_191 : vector<16xf32>
          %swap3A = arith.index_cast %scan3A_187 : i32 to index
          %swap3A_197 = arith.constant 0 : index
          %swap3A_198 = tpu.vector_load %arg19[%swap3A, %swap3A_197] {strides = array<i32>} : memref<80x128xf32, #tpu.memory_space<vmem>>, vector<1x16xf32>,
          %swap3A_199 = vector.shape_cast %swap3A_198 : vector<1x16xf32> to vector<16xf32>
          %swap3A_200 = vector.shape_cast %mul3A_196 : vector<16xf32> to vector<1x16xf32>
          tpu.vector_store %arg19[%swap3A, %swap3A_197], %swap3A_200 {strides = array<i32>} : memref<80x128xf32, #tpu.memory_space<vmem>>, vector<1x16xf32>,
          %get3A_201 = arith.index_cast %scan3A_187 : i32 to index
          %get3A_202 = arith.constant 16 : index
          %get3A_203 = tpu.vector_load %arg19[%get3A_201, %get3A_202] {strides = array<i32>} : memref<80x128xf32, #tpu.memory_space<vmem>>, vector<1x16xf32>,
          %get3A_204 = vector.shape_cast %get3A_203 : vector<1x16xf32> to vector<16xf32>
          %mul3A_205 = arith.mulf %get3A_204, %get3A_191 : vector<16xf32>
          %swap3A_206 = arith.index_cast %scan3A_187 : i32 to index
          %swap3A_207 = arith.constant 16 : index
          %swap3A_208 = tpu.vector_load %arg19[%swap3A_206, %swap3A_207] {strides = array<i32>} : memref<80x128xf32, #tpu.memory_space<vmem>>, vector<1x16xf32>,
          %swap3A_209 = vector.shape_cast %swap3A_208 : vector<1x16xf32> to vector<16xf32>
          %swap3A_210 = vector.shape_cast %mul3A_205 : vector<16xf32> to vector<1x16xf32>
          tpu.vector_store %arg19[%swap3A_206, %swap3A_207], %swap3A_210 {strides = array<i32>} : memref<80x128xf32, #tpu.memory_space<vmem>>, vector<1x16xf32>,
          %get3A_211 = arith.index_cast %scan3A_187 : i32 to index
          %get3A_212 = arith.constant 32 : index
          %get3A_213 = tpu.vector_load %arg19[%get3A_211, %get3A_212] {strides = array<i32>} : memref<80x128xf32, #tpu.memory_space<vmem>>, vector<1x16xf32>,
          %get3A_214 = vector.shape_cast %get3A_213 : vector<1x16xf32> to vector<16xf32>
          %mul3A_215 = arith.mulf %get3A_214, %get3A_191 : vector<16xf32>
          %swap3A_216 = arith.index_cast %scan3A_187 : i32 to index
          %swap3A_217 = arith.constant 32 : index
          %swap3A_218 = tpu.vector_load %arg19[%swap3A_216, %swap3A_217] {strides = array<i32>} : memref<80x128xf32, #tpu.memory_space<vmem>>, vector<1x16xf32>,
          %swap3A_219 = vector.shape_cast %swap3A_218 : vector<1x16xf32> to vector<16xf32>
          %swap3A_220 = vector.shape_cast %mul3A_215 : vector<16xf32> to vector<1x16xf32>
          tpu.vector_store %arg19[%swap3A_216, %swap3A_217], %swap3A_220 {strides = array<i32>} : memref<80x128xf32, #tpu.memory_space<vmem>>, vector<1x16xf32>,
          %get3A_221 = arith.index_cast %scan3A_187 : i32 to index
          %get3A_222 = arith.constant 48 : index
          %get3A_223 = tpu.vector_load %arg19[%get3A_221, %get3A_222] {strides = array<i32>} : memref<80x128xf32, #tpu.memory_space<vmem>>, vector<1x16xf32>,
          %get3A_224 = vector.shape_cast %get3A_223 : vector<1x16xf32> to vector<16xf32>
          %mul3A_225 = arith.mulf %get3A_224, %get3A_191 : vector<16xf32>
          %swap3A_226 = arith.index_cast %scan3A_187 : i32 to index
          %swap3A_227 = arith.constant 48 : index
          %swap3A_228 = tpu.vector_load %arg19[%swap3A_226, %swap3A_227] {strides = array<i32>} : memref<80x128xf32, #tpu.memory_space<vmem>>, vector<1x16xf32>,
          %swap3A_229 = vector.shape_cast %swap3A_228 : vector<1x16xf32> to vector<16xf32>
          %swap3A_230 = vector.shape_cast %mul3A_225 : vector<16xf32> to vector<1x16xf32>
          tpu.vector_store %arg19[%swap3A_226, %swap3A_227], %swap3A_230 {strides = array<i32>} : memref<80x128xf32, #tpu.memory_space<vmem>>, vector<1x16xf32>,
          %get3A_231 = arith.index_cast %scan3A_187 : i32 to index
          %get3A_232 = arith.constant 64 : index
          %get3A_233 = tpu.vector_load %arg19[%get3A_231, %get3A_232] {strides = array<i32>} : memref<80x128xf32, #tpu.memory_space<vmem>>, vector<1x16xf32>,
          %get3A_234 = vector.shape_cast %get3A_233 : vector<1x16xf32> to vector<16xf32>
          %mul3A_235 = arith.mulf %get3A_234, %get3A_191 : vector<16xf32>
          %swap3A_236 = arith.index_cast %scan3A_187 : i32 to index
          %swap3A_237 = arith.constant 64 : index
          %swap3A_238 = tpu.vector_load %arg19[%swap3A_236, %swap3A_237] {strides = array<i32>} : memref<80x128xf32, #tpu.memory_space<vmem>>, vector<1x16xf32>,
          %swap3A_239 = vector.shape_cast %swap3A_238 : vector<1x16xf32> to vector<16xf32>
          %swap3A_240 = vector.shape_cast %mul3A_235 : vector<16xf32> to vector<1x16xf32>
          tpu.vector_store %arg19[%swap3A_236, %swap3A_237], %swap3A_240 {strides = array<i32>} : memref<80x128xf32, #tpu.memory_space<vmem>>, vector<1x16xf32>,
          %get3A_241 = arith.index_cast %scan3A_187 : i32 to index
          %get3A_242 = arith.constant 80 : index
          %get3A_243 = tpu.vector_load %arg19[%get3A_241, %get3A_242] {strides = array<i32>} : memref<80x128xf32, #tpu.memory_space<vmem>>, vector<1x16xf32>,
          %get3A_244 = vector.shape_cast %get3A_243 : vector<1x16xf32> to vector<16xf32>
          %mul3A_245 = arith.mulf %get3A_244, %get3A_191 : vector<16xf32>
          %swap3A_246 = arith.index_cast %scan3A_187 : i32 to index
          %swap3A_247 = arith.constant 80 : index
          %swap3A_248 = tpu.vector_load %arg19[%swap3A_246, %swap3A_247] {strides = array<i32>} : memref<80x128xf32, #tpu.memory_space<vmem>>, vector<1x16xf32>,
          %swap3A_249 = vector.shape_cast %swap3A_248 : vector<1x16xf32> to vector<16xf32>
          %swap3A_250 = vector.shape_cast %mul3A_245 : vector<16xf32> to vector<1x16xf32>
          tpu.vector_store %arg19[%swap3A_246, %swap3A_247], %swap3A_250 {strides = array<i32>} : memref<80x128xf32, #tpu.memory_space<vmem>>, vector<1x16xf32>,
          %get3A_251 = arith.index_cast %scan3A_187 : i32 to index
          %get3A_252 = arith.constant 96 : index
          %get3A_253 = tpu.vector_load %arg19[%get3A_251, %get3A_252] {strides = array<i32>} : memref<80x128xf32, #tpu.memory_space<vmem>>, vector<1x16xf32>,
          %get3A_254 = vector.shape_cast %get3A_253 : vector<1x16xf32> to vector<16xf32>
          %mul3A_255 = arith.mulf %get3A_254, %get3A_191 : vector<16xf32>
          %swap3A_256 = arith.index_cast %scan3A_187 : i32 to index
          %swap3A_257 = arith.constant 96 : index
          %swap3A_258 = tpu.vector_load %arg19[%swap3A_256, %swap3A_257] {strides = array<i32>} : memref<80x128xf32, #tpu.memory_space<vmem>>, vector<1x16xf32>,
          %swap3A_259 = vector.shape_cast %swap3A_258 : vector<1x16xf32> to vector<16xf32>
          %swap3A_260 = vector.shape_cast %mul3A_255 : vector<16xf32> to vector<1x16xf32>
          tpu.vector_store %arg19[%swap3A_256, %swap3A_257], %swap3A_260 {strides = array<i32>} : memref<80x128xf32, #tpu.memory_space<vmem>>, vector<1x16xf32>,
          %get3A_261 = arith.index_cast %scan3A_187 : i32 to index
          %get3A_262 = arith.constant 112 : index
          %get3A_263 = tpu.vector_load %arg19[%get3A_261, %get3A_262] {strides = array<i32>} : memref<80x128xf32, #tpu.memory_space<vmem>>, vector<1x16xf32>,
          %get3A_264 = vector.shape_cast %get3A_263 : vector<1x16xf32> to vector<16xf32>
          %mul3A_265 = arith.mulf %get3A_264, %get3A_191 : vector<16xf32>
          %swap3A_266 = arith.index_cast %scan3A_187 : i32 to index
          %swap3A_267 = arith.constant 112 : index
          %swap3A_268 = tpu.vector_load %arg19[%swap3A_266, %swap3A_267] {strides = array<i32>} : memref<80x128xf32, #tpu.memory_space<vmem>>, vector<1x16xf32>,
          %swap3A_269 = vector.shape_cast %swap3A_268 : vector<1x16xf32> to vector<16xf32>
          %swap3A_270 = vector.shape_cast %mul3A_265 : vector<16xf32> to vector<1x16xf32>
          tpu.vector_store %arg19[%swap3A_266, %swap3A_267], %swap3A_270 {strides = array<i32>} : memref<80x128xf32, #tpu.memory_space<vmem>>, vector<1x16xf32>,
          %scan3A_271 = arith.constant 0 : i32
          scf.yield %scan3A_271 : i32
        }
        %scan3A_172 = arith.constant 80 : i32
        "tpu.region"() ({
          %run_scoped3A = tpu.sem_alloc : memref<!tpu.dma_semaphore, #tpu.memory_space<semaphore_mem>>
          %dma_start3A_187 = arith.constant 0 : i32
          %dma_start3A_188 = tpu.memref_slice %arg7[%add3A_165, %dma_start3A_187] : memref<20000x128xf32, #tpu.memory_space<hbm>> -> memref<80x128xf32, #tpu.memory_space<hbm>>
          %dma_start3A_189 = arith.constant 0 : i32
          %dma_start3A_190 = tpu.memref_slice %arg7[%add3A_165, %dma_start3A_189] : memref<20000x128xf32, #tpu.memory_space<hbm>> -> memref<80x128xf32, #tpu.memory_space<hbm>>
          tpu.enqueue_dma source(%arg19 : memref<80x128xf32, #tpu.memory_space<vmem>>) target(%dma_start3A_190 : memref<80x128xf32, #tpu.memory_space<hbm>>) target_semaphore(%run_scoped3A : memref<!tpu.dma_semaphore, #tpu.memory_space<semaphore_mem>>)
          %dma_wait3A = arith.constant 0 : i32
          %dma_wait3A_191 = tpu.memref_slice %arg7[%add3A_165, %dma_wait3A] : memref<20000x128xf32, #tpu.memory_space<hbm>> -> memref<80x128xf32, #tpu.memory_space<hbm>>
          %dma_wait3A_192 = arith.constant 0 : i32
          %dma_wait3A_193 = tpu.memref_slice %arg7[%add3A_165, %dma_wait3A_192] : memref<20000x128xf32, #tpu.memory_space<hbm>> -> memref<80x128xf32, #tpu.memory_space<hbm>>
          tpu.wait_dma2 semaphore(%run_scoped3A : memref<!tpu.dma_semaphore, #tpu.memory_space<semaphore_mem>>) src(%arg19 : memref<80x128xf32, #tpu.memory_space<vmem>>) dst(%dma_wait3A_193 : memref<80x128xf32, #tpu.memory_space<hbm>>)
          tpu.yield
        }) : () -> ()
        "tpu.region"() ({
          %run_scoped3A = tpu.sem_alloc : memref<!tpu.dma_semaphore, #tpu.memory_space<semaphore_mem>>
          %dma_start3A_187 = arith.constant 0 : i32
          %dma_start3A_188 = tpu.memref_slice %arg10[%mul3A_162, %dma_start3A_187] : memref<10000x16xf32, #tpu.memory_space<hbm>> -> memref<80x16xf32, #tpu.memory_space<hbm>>
          %dma_start3A_189 = arith.constant 0 : i32
          %dma_start3A_190 = tpu.memref_slice %arg10[%mul3A_162, %dma_start3A_189] : memref<10000x16xf32, #tpu.memory_space<hbm>> -> memref<80x16xf32, #tpu.memory_space<hbm>>
          tpu.enqueue_dma source(%dma_start3A_190 : memref<80x16xf32, #tpu.memory_space<hbm>>) target(%arg20 : memref<80x16xf32, #tpu.memory_space<vmem>>) target_semaphore(%run_scoped3A : memref<!tpu.dma_semaphore, #tpu.memory_space<semaphore_mem>>)
          %dma_wait3A = arith.constant 0 : i32
          %dma_wait3A_191 = tpu.memref_slice %arg10[%mul3A_162, %dma_wait3A] : memref<10000x16xf32, #tpu.memory_space<hbm>> -> memref<80x16xf32, #tpu.memory_space<hbm>>
          %dma_wait3A_192 = arith.constant 0 : i32
          %dma_wait3A_193 = tpu.memref_slice %arg10[%mul3A_162, %dma_wait3A_192] : memref<10000x16xf32, #tpu.memory_space<hbm>> -> memref<80x16xf32, #tpu.memory_space<hbm>>
          tpu.wait_dma2 semaphore(%run_scoped3A : memref<!tpu.dma_semaphore, #tpu.memory_space<semaphore_mem>>) src(%dma_wait3A_193 : memref<80x16xf32, #tpu.memory_space<hbm>>) dst(%arg20 : memref<80x16xf32, #tpu.memory_space<vmem>>)
          tpu.yield
        }) : () -> ()
        %scan3A_173 = arith.constant 0 : i32
        %scan3A_174 = arith.constant 0 : i32
        %scan3A_175 = arith.constant 80 : i32
        %scan3A_176 = arith.addi %scan3A_174, %scan3A_175 : i32
        %scan3A_177 = arith.constant 1 : i32
        %scan3A_178 = scf.for %scan3A_187 = %scan3A_174 to %scan3A_176 step %scan3A_177 iter_args(%scan3A_188 = %scan3A_173) -> (i32)  : i32 {
          %get3A = arith.index_cast %scan3A_187 : i32 to index
          %get3A_189 = arith.constant 0 : index
          %get3A_190 = tpu.vector_load %arg20[%get3A, %get3A_189] {strides = array<i32>} : memref<80x16xf32, #tpu.memory_space<vmem>>, vector<1x16xf32>,
          %get3A_191 = vector.shape_cast %get3A_190 : vector<1x16xf32> to vector<16xf32>
          %get3A_192 = arith.index_cast %scan3A_187 : i32 to index
          %get3A_193 = arith.constant 0 : index
          %get3A_194 = tpu.vector_load %arg19[%get3A_192, %get3A_193] {strides = array<i32>} : memref<80x128xf32, #tpu.memory_space<vmem>>, vector<1x16xf32>,
          %get3A_195 = vector.shape_cast %get3A_194 : vector<1x16xf32> to vector<16xf32>
          %mul3A_196 = arith.mulf %get3A_195, %get3A_191 : vector<16xf32>
          %swap3A = arith.index_cast %scan3A_187 : i32 to index
          %swap3A_197 = arith.constant 0 : index
          %swap3A_198 = tpu.vector_load %arg19[%swap3A, %swap3A_197] {strides = array<i32>} : memref<80x128xf32, #tpu.memory_space<vmem>>, vector<1x16xf32>,
          %swap3A_199 = vector.shape_cast %swap3A_198 : vector<1x16xf32> to vector<16xf32>
          %swap3A_200 = vector.shape_cast %mul3A_196 : vector<16xf32> to vector<1x16xf32>
          tpu.vector_store %arg19[%swap3A, %swap3A_197], %swap3A_200 {strides = array<i32>} : memref<80x128xf32, #tpu.memory_space<vmem>>, vector<1x16xf32>,
          %get3A_201 = arith.index_cast %scan3A_187 : i32 to index
          %get3A_202 = arith.constant 16 : index
          %get3A_203 = tpu.vector_load %arg19[%get3A_201, %get3A_202] {strides = array<i32>} : memref<80x128xf32, #tpu.memory_space<vmem>>, vector<1x16xf32>,
          %get3A_204 = vector.shape_cast %get3A_203 : vector<1x16xf32> to vector<16xf32>
          %mul3A_205 = arith.mulf %get3A_204, %get3A_191 : vector<16xf32>
          %swap3A_206 = arith.index_cast %scan3A_187 : i32 to index
          %swap3A_207 = arith.constant 16 : index
          %swap3A_208 = tpu.vector_load %arg19[%swap3A_206, %swap3A_207] {strides = array<i32>} : memref<80x128xf32, #tpu.memory_space<vmem>>, vector<1x16xf32>,
          %swap3A_209 = vector.shape_cast %swap3A_208 : vector<1x16xf32> to vector<16xf32>
          %swap3A_210 = vector.shape_cast %mul3A_205 : vector<16xf32> to vector<1x16xf32>
          tpu.vector_store %arg19[%swap3A_206, %swap3A_207], %swap3A_210 {strides = array<i32>} : memref<80x128xf32, #tpu.memory_space<vmem>>, vector<1x16xf32>,
          %get3A_211 = arith.index_cast %scan3A_187 : i32 to index
          %get3A_212 = arith.constant 32 : index
          %get3A_213 = tpu.vector_load %arg19[%get3A_211, %get3A_212] {strides = array<i32>} : memref<80x128xf32, #tpu.memory_space<vmem>>, vector<1x16xf32>,
          %get3A_214 = vector.shape_cast %get3A_213 : vector<1x16xf32> to vector<16xf32>
          %mul3A_215 = arith.mulf %get3A_214, %get3A_191 : vector<16xf32>
          %swap3A_216 = arith.index_cast %scan3A_187 : i32 to index
          %swap3A_217 = arith.constant 32 : index
          %swap3A_218 = tpu.vector_load %arg19[%swap3A_216, %swap3A_217] {strides = array<i32>} : memref<80x128xf32, #tpu.memory_space<vmem>>, vector<1x16xf32>,
          %swap3A_219 = vector.shape_cast %swap3A_218 : vector<1x16xf32> to vector<16xf32>
          %swap3A_220 = vector.shape_cast %mul3A_215 : vector<16xf32> to vector<1x16xf32>
          tpu.vector_store %arg19[%swap3A_216, %swap3A_217], %swap3A_220 {strides = array<i32>} : memref<80x128xf32, #tpu.memory_space<vmem>>, vector<1x16xf32>,
          %get3A_221 = arith.index_cast %scan3A_187 : i32 to index
          %get3A_222 = arith.constant 48 : index
          %get3A_223 = tpu.vector_load %arg19[%get3A_221, %get3A_222] {strides = array<i32>} : memref<80x128xf32, #tpu.memory_space<vmem>>, vector<1x16xf32>,
          %get3A_224 = vector.shape_cast %get3A_223 : vector<1x16xf32> to vector<16xf32>
          %mul3A_225 = arith.mulf %get3A_224, %get3A_191 : vector<16xf32>
          %swap3A_226 = arith.index_cast %scan3A_187 : i32 to index
          %swap3A_227 = arith.constant 48 : index
          %swap3A_228 = tpu.vector_load %arg19[%swap3A_226, %swap3A_227] {strides = array<i32>} : memref<80x128xf32, #tpu.memory_space<vmem>>, vector<1x16xf32>,
          %swap3A_229 = vector.shape_cast %swap3A_228 : vector<1x16xf32> to vector<16xf32>
          %swap3A_230 = vector.shape_cast %mul3A_225 : vector<16xf32> to vector<1x16xf32>
          tpu.vector_store %arg19[%swap3A_226, %swap3A_227], %swap3A_230 {strides = array<i32>} : memref<80x128xf32, #tpu.memory_space<vmem>>, vector<1x16xf32>,
          %get3A_231 = arith.index_cast %scan3A_187 : i32 to index
          %get3A_232 = arith.constant 64 : index
          %get3A_233 = tpu.vector_load %arg19[%get3A_231, %get3A_232] {strides = array<i32>} : memref<80x128xf32, #tpu.memory_space<vmem>>, vector<1x16xf32>,
          %get3A_234 = vector.shape_cast %get3A_233 : vector<1x16xf32> to vector<16xf32>
          %mul3A_235 = arith.mulf %get3A_234, %get3A_191 : vector<16xf32>
          %swap3A_236 = arith.index_cast %scan3A_187 : i32 to index
          %swap3A_237 = arith.constant 64 : index
          %swap3A_238 = tpu.vector_load %arg19[%swap3A_236, %swap3A_237] {strides = array<i32>} : memref<80x128xf32, #tpu.memory_space<vmem>>, vector<1x16xf32>,
          %swap3A_239 = vector.shape_cast %swap3A_238 : vector<1x16xf32> to vector<16xf32>
          %swap3A_240 = vector.shape_cast %mul3A_235 : vector<16xf32> to vector<1x16xf32>
          tpu.vector_store %arg19[%swap3A_236, %swap3A_237], %swap3A_240 {strides = array<i32>} : memref<80x128xf32, #tpu.memory_space<vmem>>, vector<1x16xf32>,
          %get3A_241 = arith.index_cast %scan3A_187 : i32 to index
          %get3A_242 = arith.constant 80 : index
          %get3A_243 = tpu.vector_load %arg19[%get3A_241, %get3A_242] {strides = array<i32>} : memref<80x128xf32, #tpu.memory_space<vmem>>, vector<1x16xf32>,
          %get3A_244 = vector.shape_cast %get3A_243 : vector<1x16xf32> to vector<16xf32>
          %mul3A_245 = arith.mulf %get3A_244, %get3A_191 : vector<16xf32>
          %swap3A_246 = arith.index_cast %scan3A_187 : i32 to index
          %swap3A_247 = arith.constant 80 : index
          %swap3A_248 = tpu.vector_load %arg19[%swap3A_246, %swap3A_247] {strides = array<i32>} : memref<80x128xf32, #tpu.memory_space<vmem>>, vector<1x16xf32>,
          %swap3A_249 = vector.shape_cast %swap3A_248 : vector<1x16xf32> to vector<16xf32>
          %swap3A_250 = vector.shape_cast %mul3A_245 : vector<16xf32> to vector<1x16xf32>
          tpu.vector_store %arg19[%swap3A_246, %swap3A_247], %swap3A_250 {strides = array<i32>} : memref<80x128xf32, #tpu.memory_space<vmem>>, vector<1x16xf32>,
          %get3A_251 = arith.index_cast %scan3A_187 : i32 to index
          %get3A_252 = arith.constant 96 : index
          %get3A_253 = tpu.vector_load %arg19[%get3A_251, %get3A_252] {strides = array<i32>} : memref<80x128xf32, #tpu.memory_space<vmem>>, vector<1x16xf32>,
          %get3A_254 = vector.shape_cast %get3A_253 : vector<1x16xf32> to vector<16xf32>
          %mul3A_255 = arith.mulf %get3A_254, %get3A_191 : vector<16xf32>
          %swap3A_256 = arith.index_cast %scan3A_187 : i32 to index
          %swap3A_257 = arith.constant 96 : index
          %swap3A_258 = tpu.vector_load %arg19[%swap3A_256, %swap3A_257] {strides = array<i32>} : memref<80x128xf32, #tpu.memory_space<vmem>>, vector<1x16xf32>,
          %swap3A_259 = vector.shape_cast %swap3A_258 : vector<1x16xf32> to vector<16xf32>
          %swap3A_260 = vector.shape_cast %mul3A_255 : vector<16xf32> to vector<1x16xf32>
          tpu.vector_store %arg19[%swap3A_256, %swap3A_257], %swap3A_260 {strides = array<i32>} : memref<80x128xf32, #tpu.memory_space<vmem>>, vector<1x16xf32>,
          %get3A_261 = arith.index_cast %scan3A_187 : i32 to index
          %get3A_262 = arith.constant 112 : index
          %get3A_263 = tpu.vector_load %arg19[%get3A_261, %get3A_262] {strides = array<i32>} : memref<80x128xf32, #tpu.memory_space<vmem>>, vector<1x16xf32>,
          %get3A_264 = vector.shape_cast %get3A_263 : vector<1x16xf32> to vector<16xf32>
          %mul3A_265 = arith.mulf %get3A_264, %get3A_191 : vector<16xf32>
          %swap3A_266 = arith.index_cast %scan3A_187 : i32 to index
          %swap3A_267 = arith.constant 112 : index
          %swap3A_268 = tpu.vector_load %arg19[%swap3A_266, %swap3A_267] {strides = array<i32>} : memref<80x128xf32, #tpu.memory_space<vmem>>, vector<1x16xf32>,
          %swap3A_269 = vector.shape_cast %swap3A_268 : vector<1x16xf32> to vector<16xf32>
          %swap3A_270 = vector.shape_cast %mul3A_265 : vector<16xf32> to vector<1x16xf32>
          tpu.vector_store %arg19[%swap3A_266, %swap3A_267], %swap3A_270 {strides = array<i32>} : memref<80x128xf32, #tpu.memory_space<vmem>>, vector<1x16xf32>,
          %scan3A_271 = arith.constant 0 : i32
          scf.yield %scan3A_271 : i32
        }
        %scan3A_179 = arith.constant 80 : i32
        "tpu.region"() ({
          %run_scoped3A = tpu.sem_alloc : memref<!tpu.dma_semaphore, #tpu.memory_space<semaphore_mem>>
          %dma_start3A_187 = arith.constant 0 : i32
          %dma_start3A_188 = tpu.memref_slice %arg5[%add3A_165, %dma_start3A_187] : memref<20000x128xf32, #tpu.memory_space<hbm>> -> memref<80x128xf32, #tpu.memory_space<hbm>>
          %dma_start3A_189 = arith.constant 0 : i32
          %dma_start3A_190 = tpu.memref_slice %arg5[%add3A_165, %dma_start3A_189] : memref<20000x128xf32, #tpu.memory_space<hbm>> -> memref<80x128xf32, #tpu.memory_space<hbm>>
          tpu.enqueue_dma source(%arg19 : memref<80x128xf32, #tpu.memory_space<vmem>>) target(%dma_start3A_190 : memref<80x128xf32, #tpu.memory_space<hbm>>) target_semaphore(%run_scoped3A : memref<!tpu.dma_semaphore, #tpu.memory_space<semaphore_mem>>)
          %dma_wait3A = arith.constant 0 : i32
          %dma_wait3A_191 = tpu.memref_slice %arg5[%add3A_165, %dma_wait3A] : memref<20000x128xf32, #tpu.memory_space<hbm>> -> memref<80x128xf32, #tpu.memory_space<hbm>>
          %dma_wait3A_192 = arith.constant 0 : i32
          %dma_wait3A_193 = tpu.memref_slice %arg5[%add3A_165, %dma_wait3A_192] : memref<20000x128xf32, #tpu.memory_space<hbm>> -> memref<80x128xf32, #tpu.memory_space<hbm>>
          tpu.wait_dma2 semaphore(%run_scoped3A : memref<!tpu.dma_semaphore, #tpu.memory_space<semaphore_mem>>) src(%arg19 : memref<80x128xf32, #tpu.memory_space<vmem>>) dst(%dma_wait3A_193 : memref<80x128xf32, #tpu.memory_space<hbm>>)
          tpu.yield
        }) : () -> ()
        %scan3A_180 = arith.constant 0 : i32
        %scan3A_181 = arith.constant 0 : i32
        %scan3A_182 = arith.constant 80 : i32
        %scan3A_183 = arith.addi %scan3A_181, %scan3A_182 : i32
        %scan3A_184 = arith.constant 1 : i32
        %scan3A_185 = scf.for %scan3A_187 = %scan3A_181 to %scan3A_183 step %scan3A_184 iter_args(%scan3A_188 = %scan3A_180) -> (i32)  : i32 {
          %broadcast_in_dim3A = arith.constant 0.000000e+00 : f32
          %broadcast_in_dim3A_189 = vector.broadcast %broadcast_in_dim3A : f32 to vector<16xf32>
          %swap3A = arith.index_cast %scan3A_187 : i32 to index
          %swap3A_190 = arith.constant 0 : index
          %swap3A_191 = tpu.vector_load %arg19[%swap3A, %swap3A_190] {strides = array<i32>} : memref<80x128xf32, #tpu.memory_space<vmem>>, vector<1x16xf32>,
          %swap3A_192 = vector.shape_cast %swap3A_191 : vector<1x16xf32> to vector<16xf32>
          %swap3A_193 = vector.shape_cast %broadcast_in_dim3A_189 : vector<16xf32> to vector<1x16xf32>
          tpu.vector_store %arg19[%swap3A, %swap3A_190], %swap3A_193 {strides = array<i32>} : memref<80x128xf32, #tpu.memory_space<vmem>>, vector<1x16xf32>,
          %broadcast_in_dim3A_194 = arith.constant 0.000000e+00 : f32
          %broadcast_in_dim3A_195 = vector.broadcast %broadcast_in_dim3A_194 : f32 to vector<16xf32>
          %swap3A_196 = arith.index_cast %scan3A_187 : i32 to index
          %swap3A_197 = arith.constant 16 : index
          %swap3A_198 = tpu.vector_load %arg19[%swap3A_196, %swap3A_197] {strides = array<i32>} : memref<80x128xf32, #tpu.memory_space<vmem>>, vector<1x16xf32>,
          %swap3A_199 = vector.shape_cast %swap3A_198 : vector<1x16xf32> to vector<16xf32>
          %swap3A_200 = vector.shape_cast %broadcast_in_dim3A_195 : vector<16xf32> to vector<1x16xf32>
          tpu.vector_store %arg19[%swap3A_196, %swap3A_197], %swap3A_200 {strides = array<i32>} : memref<80x128xf32, #tpu.memory_space<vmem>>, vector<1x16xf32>,
          %broadcast_in_dim3A_201 = arith.constant 0.000000e+00 : f32
          %broadcast_in_dim3A_202 = vector.broadcast %broadcast_in_dim3A_201 : f32 to vector<16xf32>
          %swap3A_203 = arith.index_cast %scan3A_187 : i32 to index
          %swap3A_204 = arith.constant 32 : index
          %swap3A_205 = tpu.vector_load %arg19[%swap3A_203, %swap3A_204] {strides = array<i32>} : memref<80x128xf32, #tpu.memory_space<vmem>>, vector<1x16xf32>,
          %swap3A_206 = vector.shape_cast %swap3A_205 : vector<1x16xf32> to vector<16xf32>
          %swap3A_207 = vector.shape_cast %broadcast_in_dim3A_202 : vector<16xf32> to vector<1x16xf32>
          tpu.vector_store %arg19[%swap3A_203, %swap3A_204], %swap3A_207 {strides = array<i32>} : memref<80x128xf32, #tpu.memory_space<vmem>>, vector<1x16xf32>,
          %broadcast_in_dim3A_208 = arith.constant 0.000000e+00 : f32
          %broadcast_in_dim3A_209 = vector.broadcast %broadcast_in_dim3A_208 : f32 to vector<16xf32>
          %swap3A_210 = arith.index_cast %scan3A_187 : i32 to index
          %swap3A_211 = arith.constant 48 : index
          %swap3A_212 = tpu.vector_load %arg19[%swap3A_210, %swap3A_211] {strides = array<i32>} : memref<80x128xf32, #tpu.memory_space<vmem>>, vector<1x16xf32>,
          %swap3A_213 = vector.shape_cast %swap3A_212 : vector<1x16xf32> to vector<16xf32>
          %swap3A_214 = vector.shape_cast %broadcast_in_dim3A_209 : vector<16xf32> to vector<1x16xf32>
          tpu.vector_store %arg19[%swap3A_210, %swap3A_211], %swap3A_214 {strides = array<i32>} : memref<80x128xf32, #tpu.memory_space<vmem>>, vector<1x16xf32>,
          %broadcast_in_dim3A_215 = arith.constant 0.000000e+00 : f32
          %broadcast_in_dim3A_216 = vector.broadcast %broadcast_in_dim3A_215 : f32 to vector<16xf32>
          %swap3A_217 = arith.index_cast %scan3A_187 : i32 to index
          %swap3A_218 = arith.constant 64 : index
          %swap3A_219 = tpu.vector_load %arg19[%swap3A_217, %swap3A_218] {strides = array<i32>} : memref<80x128xf32, #tpu.memory_space<vmem>>, vector<1x16xf32>,
          %swap3A_220 = vector.shape_cast %swap3A_219 : vector<1x16xf32> to vector<16xf32>
          %swap3A_221 = vector.shape_cast %broadcast_in_dim3A_216 : vector<16xf32> to vector<1x16xf32>
          tpu.vector_store %arg19[%swap3A_217, %swap3A_218], %swap3A_221 {strides = array<i32>} : memref<80x128xf32, #tpu.memory_space<vmem>>, vector<1x16xf32>,
          %broadcast_in_dim3A_222 = arith.constant 0.000000e+00 : f32
          %broadcast_in_dim3A_223 = vector.broadcast %broadcast_in_dim3A_222 : f32 to vector<16xf32>
          %swap3A_224 = arith.index_cast %scan3A_187 : i32 to index
          %swap3A_225 = arith.constant 80 : index
          %swap3A_226 = tpu.vector_load %arg19[%swap3A_224, %swap3A_225] {strides = array<i32>} : memref<80x128xf32, #tpu.memory_space<vmem>>, vector<1x16xf32>,
          %swap3A_227 = vector.shape_cast %swap3A_226 : vector<1x16xf32> to vector<16xf32>
          %swap3A_228 = vector.shape_cast %broadcast_in_dim3A_223 : vector<16xf32> to vector<1x16xf32>
          tpu.vector_store %arg19[%swap3A_224, %swap3A_225], %swap3A_228 {strides = array<i32>} : memref<80x128xf32, #tpu.memory_space<vmem>>, vector<1x16xf32>,
          %broadcast_in_dim3A_229 = arith.constant 0.000000e+00 : f32
          %broadcast_in_dim3A_230 = vector.broadcast %broadcast_in_dim3A_229 : f32 to vector<16xf32>
          %swap3A_231 = arith.index_cast %scan3A_187 : i32 to index
          %swap3A_232 = arith.constant 96 : index
          %swap3A_233 = tpu.vector_load %arg19[%swap3A_231, %swap3A_232] {strides = array<i32>} : memref<80x128xf32, #tpu.memory_space<vmem>>, vector<1x16xf32>,
          %swap3A_234 = vector.shape_cast %swap3A_233 : vector<1x16xf32> to vector<16xf32>
          %swap3A_235 = vector.shape_cast %broadcast_in_dim3A_230 : vector<16xf32> to vector<1x16xf32>
          tpu.vector_store %arg19[%swap3A_231, %swap3A_232], %swap3A_235 {strides = array<i32>} : memref<80x128xf32, #tpu.memory_space<vmem>>, vector<1x16xf32>,
          %broadcast_in_dim3A_236 = arith.constant 0.000000e+00 : f32
          %broadcast_in_dim3A_237 = vector.broadcast %broadcast_in_dim3A_236 : f32 to vector<16xf32>
          %swap3A_238 = arith.index_cast %scan3A_187 : i32 to index
          %swap3A_239 = arith.constant 112 : index
          %swap3A_240 = tpu.vector_load %arg19[%swap3A_238, %swap3A_239] {strides = array<i32>} : memref<80x128xf32, #tpu.memory_space<vmem>>, vector<1x16xf32>,
          %swap3A_241 = vector.shape_cast %swap3A_240 : vector<1x16xf32> to vector<16xf32>
          %swap3A_242 = vector.shape_cast %broadcast_in_dim3A_237 : vector<16xf32> to vector<1x16xf32>
          tpu.vector_store %arg19[%swap3A_238, %swap3A_239], %swap3A_242 {strides = array<i32>} : memref<80x128xf32, #tpu.memory_space<vmem>>, vector<1x16xf32>,
          %scan3A_243 = arith.constant 0 : i32
          scf.yield %scan3A_243 : i32
        }
        %scan3A_186 = arith.constant 80 : i32
        "tpu.region"() ({
          %run_scoped3A = tpu.sem_alloc : memref<!tpu.dma_semaphore, #tpu.memory_space<semaphore_mem>>
          %dma_start3A_187 = arith.constant 0 : i32
          %dma_start3A_188 = tpu.memref_slice %arg12[%mul3A_162, %dma_start3A_187] : memref<10000x128xf32, #tpu.memory_space<vmem_shared>> -> memref<80x128xf32, #tpu.memory_space<vmem_shared>>
          %dma_start3A_189 = arith.constant 0 : i32
          %dma_start3A_190 = tpu.memref_slice %arg12[%mul3A_162, %dma_start3A_189] : memref<10000x128xf32, #tpu.memory_space<vmem_shared>> -> memref<80x128xf32, #tpu.memory_space<vmem_shared>>
          tpu.enqueue_dma source(%arg19 : memref<80x128xf32, #tpu.memory_space<vmem>>) target(%dma_start3A_190 : memref<80x128xf32, #tpu.memory_space<vmem_shared>>) target_semaphore(%run_scoped3A : memref<!tpu.dma_semaphore, #tpu.memory_space<semaphore_mem>>)
          %dma_wait3A = arith.constant 0 : i32
          %dma_wait3A_191 = tpu.memref_slice %arg12[%mul3A_162, %dma_wait3A] : memref<10000x128xf32, #tpu.memory_space<vmem_shared>> -> memref<80x128xf32, #tpu.memory_space<vmem_shared>>
          %dma_wait3A_192 = arith.constant 0 : i32
          %dma_wait3A_193 = tpu.memref_slice %arg12[%mul3A_162, %dma_wait3A_192] : memref<10000x128xf32, #tpu.memory_space<vmem_shared>> -> memref<80x128xf32, #tpu.memory_space<vmem_shared>>
          tpu.wait_dma2 semaphore(%run_scoped3A : memref<!tpu.dma_semaphore, #tpu.memory_space<semaphore_mem>>) src(%arg19 : memref<80x128xf32, #tpu.memory_space<vmem>>) dst(%dma_wait3A_193 : memref<80x128xf32, #tpu.memory_space<vmem_shared>>)
          tpu.yield
        }) : () -> ()
      } else {
      }
      %scan3A_160 = arith.constant 0 : i32
      scf.yield %scan3A_160 : i32
    }
    %scan3A_104 = arith.constant 8 : i32
    %barrier3A_105 = arith.constant 0 : index
    tpu.barrier barrier_id(%barrier3A_105)
    %mul3A_106 = arith.constant 20000 : i32
    %mul3A_107 = arith.muli %arg1, %mul3A_106 : i32
    %mul3A_108 = arith.constant 320000 : i32
    %mul3A_109 = arith.muli %arg0, %mul3A_108 : i32
    %add3A_110 = arith.addi %mul3A_109, %mul3A_107 : i32
    "tpu.region"() ({
      %run_scoped3A = tpu.sem_alloc : memref<!tpu.dma_semaphore, #tpu.memory_space<semaphore_mem>>
      %dma_start3A_153 = tpu.memref_slice %arg3[%add3A_110] : memref<640000xi32, #tpu.memory_space<hbm>> -> memref<80xi32, #tpu.memory_space<hbm>>
      %dma_start3A_154 = tpu.memref_slice %arg3[%add3A_110] : memref<640000xi32, #tpu.memory_space<hbm>> -> memref<80xi32, #tpu.memory_space<hbm>>
      tpu.enqueue_dma source(%dma_start3A_154 : memref<80xi32, #tpu.memory_space<hbm>>) target(%arg13 : memref<80xi32, #tpu.memory_space<vmem>>) target_semaphore(%run_scoped3A : memref<!tpu.dma_semaphore, #tpu.memory_space<semaphore_mem>>)
      %dma_wait3A = tpu.memref_slice %arg3[%add3A_110] : memref<640000xi32, #tpu.memory_space<hbm>> -> memref<80xi32, #tpu.memory_space<hbm>>
      %dma_wait3A_155 = tpu.memref_slice %arg3[%add3A_110] : memref<640000xi32, #tpu.memory_space<hbm>> -> memref<80xi32, #tpu.memory_space<hbm>>
      tpu.wait_dma2 semaphore(%run_scoped3A : memref<!tpu.dma_semaphore, #tpu.memory_space<semaphore_mem>>) src(%dma_wait3A_155 : memref<80xi32, #tpu.memory_space<hbm>>) dst(%arg13 : memref<80xi32, #tpu.memory_space<vmem>>)
      tpu.yield
    }) : () -> ()
    "tpu.region"() ({
      %run_scoped3A = tpu.sem_alloc : memref<!tpu.dma_semaphore, #tpu.memory_space<semaphore_mem>>
      %dma_start3A_153 = tpu.memref_slice %arg4[%mul3A_107] : memref<320000xi32, #tpu.memory_space<hbm>> -> memref<80xi32, #tpu.memory_space<hbm>>
      %dma_start3A_154 = tpu.memref_slice %arg4[%mul3A_107] : memref<320000xi32, #tpu.memory_space<hbm>> -> memref<80xi32, #tpu.memory_space<hbm>>
      tpu.enqueue_dma source(%dma_start3A_154 : memref<80xi32, #tpu.memory_space<hbm>>) target(%arg14 : memref<80xi32, #tpu.memory_space<vmem>>) target_semaphore(%run_scoped3A : memref<!tpu.dma_semaphore, #tpu.memory_space<semaphore_mem>>)
      %dma_wait3A = tpu.memref_slice %arg4[%mul3A_107] : memref<320000xi32, #tpu.memory_space<hbm>> -> memref<80xi32, #tpu.memory_space<hbm>>
      %dma_wait3A_155 = tpu.memref_slice %arg4[%mul3A_107] : memref<320000xi32, #tpu.memory_space<hbm>> -> memref<80xi32, #tpu.memory_space<hbm>>
      tpu.wait_dma2 semaphore(%run_scoped3A : memref<!tpu.dma_semaphore, #tpu.memory_space<semaphore_mem>>) src(%dma_wait3A_155 : memref<80xi32, #tpu.memory_space<hbm>>) dst(%arg14 : memref<80xi32, #tpu.memory_space<vmem>>)
      tpu.yield
    }) : () -> ()
    %dma_start3A_111 = arith.constant 0 : i32
    %dma_start3A_112 = arith.constant 0 : i32
    %dma_start3A_113 = tpu.memref_slice %arg5[%dma_start3A_111, %dma_start3A_112] : memref<20000x128xf32, #tpu.memory_space<hbm>> -> memref<20000x128xf32, #tpu.memory_space<hbm>>
    tpu.enqueue_indirect_dma source(%dma_start3A_113 : memref<20000x128xf32, #tpu.memory_space<hbm>>) target(%arg17 : memref<80x128xf32, #tpu.memory_space<vmem>>) offsets(%arg13 : memref<80xi32, #tpu.memory_space<vmem>>) semaphore(%arg21 : memref<!tpu.dma_semaphore, #tpu.memory_space<semaphore_mem>>)
    %scan3A_114 = arith.constant 0 : i32
    %scan3A_115 = arith.constant 0 : i32
    %scan3A_116 = arith.constant 125 : i32
    %scan3A_117 = arith.addi %scan3A_115, %scan3A_116 : i32
    %scan3A_118 = arith.constant 1 : i32
    %scan3A_119 = scf.for %scan3A_153 = %scan3A_115 to %scan3A_117 step %scan3A_118 iter_args(%scan3A_154 = %scan3A_114) -> (i32)  : i32 {
      %mul3A_155 = arith.constant 2 : i32
      %mul3A_156 = arith.muli %mul3A_155, %scan3A_153 : i32
      %add3A_157 = arith.constant 1 : i32
      %add3A_158 = arith.addi %mul3A_156, %add3A_157 : i32
      %mul3A_159 = arith.constant 80 : i32
      %mul3A_160 = arith.muli %add3A_158, %mul3A_159 : i32
      %add3A_161 = arith.addi %mul3A_107, %mul3A_160 : i32
      %mul3A_162 = arith.constant 320000 : i32
      %mul3A_163 = arith.muli %arg0, %mul3A_162 : i32
      %add3A_164 = arith.addi %mul3A_163, %add3A_161 : i32
      "tpu.region"() ({
        %run_scoped3A = tpu.sem_alloc : memref<!tpu.dma_semaphore, #tpu.memory_space<semaphore_mem>>
        %dma_start3A_178 = tpu.memref_slice %arg3[%add3A_164] : memref<640000xi32, #tpu.memory_space<hbm>> -> memref<80xi32, #tpu.memory_space<hbm>>
        %dma_start3A_179 = tpu.memref_slice %arg3[%add3A_164] : memref<640000xi32, #tpu.memory_space<hbm>> -> memref<80xi32, #tpu.memory_space<hbm>>
        tpu.enqueue_dma source(%dma_start3A_179 : memref<80xi32, #tpu.memory_space<hbm>>) target(%arg15 : memref<80xi32, #tpu.memory_space<vmem>>) target_semaphore(%run_scoped3A : memref<!tpu.dma_semaphore, #tpu.memory_space<semaphore_mem>>)
        %dma_wait3A_180 = tpu.memref_slice %arg3[%add3A_164] : memref<640000xi32, #tpu.memory_space<hbm>> -> memref<80xi32, #tpu.memory_space<hbm>>
        %dma_wait3A_181 = tpu.memref_slice %arg3[%add3A_164] : memref<640000xi32, #tpu.memory_space<hbm>> -> memref<80xi32, #tpu.memory_space<hbm>>
        tpu.wait_dma2 semaphore(%run_scoped3A : memref<!tpu.dma_semaphore, #tpu.memory_space<semaphore_mem>>) src(%dma_wait3A_181 : memref<80xi32, #tpu.memory_space<hbm>>) dst(%arg15 : memref<80xi32, #tpu.memory_space<vmem>>)
        tpu.yield
      }) : () -> ()
      "tpu.region"() ({
        %run_scoped3A = tpu.sem_alloc : memref<!tpu.dma_semaphore, #tpu.memory_space<semaphore_mem>>
        %dma_start3A_178 = tpu.memref_slice %arg4[%add3A_161] : memref<320000xi32, #tpu.memory_space<hbm>> -> memref<80xi32, #tpu.memory_space<hbm>>
        %dma_start3A_179 = tpu.memref_slice %arg4[%add3A_161] : memref<320000xi32, #tpu.memory_space<hbm>> -> memref<80xi32, #tpu.memory_space<hbm>>
        tpu.enqueue_dma source(%dma_start3A_179 : memref<80xi32, #tpu.memory_space<hbm>>) target(%arg16 : memref<80xi32, #tpu.memory_space<vmem>>) target_semaphore(%run_scoped3A : memref<!tpu.dma_semaphore, #tpu.memory_space<semaphore_mem>>)
        %dma_wait3A_180 = tpu.memref_slice %arg4[%add3A_161] : memref<320000xi32, #tpu.memory_space<hbm>> -> memref<80xi32, #tpu.memory_space<hbm>>
        %dma_wait3A_181 = tpu.memref_slice %arg4[%add3A_161] : memref<320000xi32, #tpu.memory_space<hbm>> -> memref<80xi32, #tpu.memory_space<hbm>>
        tpu.wait_dma2 semaphore(%run_scoped3A : memref<!tpu.dma_semaphore, #tpu.memory_space<semaphore_mem>>) src(%dma_wait3A_181 : memref<80xi32, #tpu.memory_space<hbm>>) dst(%arg16 : memref<80xi32, #tpu.memory_space<vmem>>)
        tpu.yield
      }) : () -> ()
      %dma_start3A_165 = arith.constant 0 : i32
      %dma_start3A_166 = arith.constant 0 : i32
      %dma_start3A_167 = tpu.memref_slice %arg5[%dma_start3A_165, %dma_start3A_166] : memref<20000x128xf32, #tpu.memory_space<hbm>> -> memref<20000x128xf32, #tpu.memory_space<hbm>>
      tpu.enqueue_indirect_dma source(%dma_start3A_167 : memref<20000x128xf32, #tpu.memory_space<hbm>>) target(%arg18 : memref<80x128xf32, #tpu.memory_space<vmem>>) offsets(%arg15 : memref<80xi32, #tpu.memory_space<vmem>>) semaphore(%arg22 : memref<!tpu.dma_semaphore, #tpu.memory_space<semaphore_mem>>)
      %dma_wait3A = arith.constant 0 : i32
      %dma_wait3A_168 = arith.constant 0 : i32
      %dma_wait3A_169 = tpu.memref_slice %arg5[%dma_wait3A, %dma_wait3A_168] : memref<20000x128xf32, #tpu.memory_space<hbm>> -> memref<20000x128xf32, #tpu.memory_space<hbm>>
      tpu.wait_indirect_dma semaphore(%arg21 : memref<!tpu.dma_semaphore, #tpu.memory_space<semaphore_mem>>) src(%dma_wait3A_169 : memref<20000x128xf32, #tpu.memory_space<hbm>>) dst(%arg17 : memref<80x128xf32, #tpu.memory_space<vmem>>)
      "tpu.region"() ({
        %run_scoped3A = tpu.sem_alloc : memref<!tpu.dma_semaphore, #tpu.memory_space<semaphore_mem>>
        %dma_start3A_178 = arith.constant 0 : i32
        %dma_start3A_179 = arith.constant 0 : i32
        %dma_start3A_180 = tpu.memref_slice %arg12[%dma_start3A_178, %dma_start3A_179] : memref<10000x128xf32, #tpu.memory_space<vmem_shared>> -> memref<10000x128xf32, #tpu.memory_space<vmem_shared>>
        tpu.enqueue_indirect_dma source(%arg17 : memref<80x128xf32, #tpu.memory_space<vmem>>) target(%dma_start3A_180 : memref<10000x128xf32, #tpu.memory_space<vmem_shared>>) offsets(%arg14 : memref<80xi32, #tpu.memory_space<vmem>>) semaphore(%run_scoped3A : memref<!tpu.dma_semaphore, #tpu.memory_space<semaphore_mem>>) {add = true}
        %dma_wait3A_181 = arith.constant 0 : i32
        %dma_wait3A_182 = arith.constant 0 : i32
        %dma_wait3A_183 = tpu.memref_slice %arg12[%dma_wait3A_181, %dma_wait3A_182] : memref<10000x128xf32, #tpu.memory_space<vmem_shared>> -> memref<10000x128xf32, #tpu.memory_space<vmem_shared>>
        tpu.wait_indirect_dma semaphore(%run_scoped3A : memref<!tpu.dma_semaphore, #tpu.memory_space<semaphore_mem>>) src(%arg17 : memref<80x128xf32, #tpu.memory_space<vmem>>) dst(%dma_wait3A_183 : memref<10000x128xf32, #tpu.memory_space<vmem_shared>>)
        tpu.yield
      }) : () -> ()
      %add3A_170 = arith.constant 1 : i32
      %add3A_171 = arith.addi %scan3A_153, %add3A_170 : i32
      %lt3A = arith.constant 125 : i32
      %lt3A_172 = arith.cmpi slt, %add3A_171, %lt3A : i32
      %convert_element_type3A = arith.extui %lt3A_172 : i1 to i32
      %cond3A = arith.constant 0 : i32
      %cond3A_173 = arith.cmpi ne, %convert_element_type3A, %cond3A : i32
      scf.if %cond3A_173 {
        %mul3A_178 = arith.constant 2 : i32
        %mul3A_179 = arith.muli %mul3A_178, %scan3A_153 : i32
        %add3A_180 = arith.constant 2 : i32
        %add3A_181 = arith.addi %mul3A_179, %add3A_180 : i32
        %mul3A_182 = arith.constant 80 : i32
        %mul3A_183 = arith.muli %add3A_181, %mul3A_182 : i32
        %add3A_184 = arith.addi %mul3A_107, %mul3A_183 : i32
        %mul3A_185 = arith.constant 320000 : i32
        %mul3A_186 = arith.muli %arg0, %mul3A_185 : i32
        %add3A_187 = arith.addi %mul3A_186, %add3A_184 : i32
        "tpu.region"() ({
          %run_scoped3A = tpu.sem_alloc : memref<!tpu.dma_semaphore, #tpu.memory_space<semaphore_mem>>
          %dma_start3A_191 = tpu.memref_slice %arg3[%add3A_187] : memref<640000xi32, #tpu.memory_space<hbm>> -> memref<80xi32, #tpu.memory_space<hbm>>
          %dma_start3A_192 = tpu.memref_slice %arg3[%add3A_187] : memref<640000xi32, #tpu.memory_space<hbm>> -> memref<80xi32, #tpu.memory_space<hbm>>
          tpu.enqueue_dma source(%dma_start3A_192 : memref<80xi32, #tpu.memory_space<hbm>>) target(%arg13 : memref<80xi32, #tpu.memory_space<vmem>>) target_semaphore(%run_scoped3A : memref<!tpu.dma_semaphore, #tpu.memory_space<semaphore_mem>>)
          %dma_wait3A_193 = tpu.memref_slice %arg3[%add3A_187] : memref<640000xi32, #tpu.memory_space<hbm>> -> memref<80xi32, #tpu.memory_space<hbm>>
          %dma_wait3A_194 = tpu.memref_slice %arg3[%add3A_187] : memref<640000xi32, #tpu.memory_space<hbm>> -> memref<80xi32, #tpu.memory_space<hbm>>
          tpu.wait_dma2 semaphore(%run_scoped3A : memref<!tpu.dma_semaphore, #tpu.memory_space<semaphore_mem>>) src(%dma_wait3A_194 : memref<80xi32, #tpu.memory_space<hbm>>) dst(%arg13 : memref<80xi32, #tpu.memory_space<vmem>>)
          tpu.yield
        }) : () -> ()
        "tpu.region"() ({
          %run_scoped3A = tpu.sem_alloc : memref<!tpu.dma_semaphore, #tpu.memory_space<semaphore_mem>>
          %dma_start3A_191 = tpu.memref_slice %arg4[%add3A_184] : memref<320000xi32, #tpu.memory_space<hbm>> -> memref<80xi32, #tpu.memory_space<hbm>>
          %dma_start3A_192 = tpu.memref_slice %arg4[%add3A_184] : memref<320000xi32, #tpu.memory_space<hbm>> -> memref<80xi32, #tpu.memory_space<hbm>>
          tpu.enqueue_dma source(%dma_start3A_192 : memref<80xi32, #tpu.memory_space<hbm>>) target(%arg14 : memref<80xi32, #tpu.memory_space<vmem>>) target_semaphore(%run_scoped3A : memref<!tpu.dma_semaphore, #tpu.memory_space<semaphore_mem>>)
          %dma_wait3A_193 = tpu.memref_slice %arg4[%add3A_184] : memref<320000xi32, #tpu.memory_space<hbm>> -> memref<80xi32, #tpu.memory_space<hbm>>
          %dma_wait3A_194 = tpu.memref_slice %arg4[%add3A_184] : memref<320000xi32, #tpu.memory_space<hbm>> -> memref<80xi32, #tpu.memory_space<hbm>>
          tpu.wait_dma2 semaphore(%run_scoped3A : memref<!tpu.dma_semaphore, #tpu.memory_space<semaphore_mem>>) src(%dma_wait3A_194 : memref<80xi32, #tpu.memory_space<hbm>>) dst(%arg14 : memref<80xi32, #tpu.memory_space<vmem>>)
          tpu.yield
        }) : () -> ()
        %dma_start3A_188 = arith.constant 0 : i32
        %dma_start3A_189 = arith.constant 0 : i32
        %dma_start3A_190 = tpu.memref_slice %arg5[%dma_start3A_188, %dma_start3A_189] : memref<20000x128xf32, #tpu.memory_space<hbm>> -> memref<20000x128xf32, #tpu.memory_space<hbm>>
        tpu.enqueue_indirect_dma source(%dma_start3A_190 : memref<20000x128xf32, #tpu.memory_space<hbm>>) target(%arg17 : memref<80x128xf32, #tpu.memory_space<vmem>>) offsets(%arg13 : memref<80xi32, #tpu.memory_space<vmem>>) semaphore(%arg21 : memref<!tpu.dma_semaphore, #tpu.memory_space<semaphore_mem>>)
      } else {
      }
      %dma_wait3A_174 = arith.constant 0 : i32
      %dma_wait3A_175 = arith.constant 0 : i32
      %dma_wait3A_176 = tpu.memref_slice %arg5[%dma_wait3A_174, %dma_wait3A_175] : memref<20000x128xf32, #tpu.memory_space<hbm>> -> memref<20000x128xf32, #tpu.memory_space<hbm>>
      tpu.wait_indirect_dma semaphore(%arg22 : memref<!tpu.dma_semaphore, #tpu.memory_space<semaphore_mem>>) src(%dma_wait3A_176 : memref<20000x128xf32, #tpu.memory_space<hbm>>) dst(%arg18 : memref<80x128xf32, #tpu.memory_space<vmem>>)
      "tpu.region"() ({
        %run_scoped3A = tpu.sem_alloc : memref<!tpu.dma_semaphore, #tpu.memory_space<semaphore_mem>>
        %dma_start3A_178 = arith.constant 0 : i32
        %dma_start3A_179 = arith.constant 0 : i32
        %dma_start3A_180 = tpu.memref_slice %arg12[%dma_start3A_178, %dma_start3A_179] : memref<10000x128xf32, #tpu.memory_space<vmem_shared>> -> memref<10000x128xf32, #tpu.memory_space<vmem_shared>>
        tpu.enqueue_indirect_dma source(%arg18 : memref<80x128xf32, #tpu.memory_space<vmem>>) target(%dma_start3A_180 : memref<10000x128xf32, #tpu.memory_space<vmem_shared>>) offsets(%arg16 : memref<80xi32, #tpu.memory_space<vmem>>) semaphore(%run_scoped3A : memref<!tpu.dma_semaphore, #tpu.memory_space<semaphore_mem>>) {add = true}
        %dma_wait3A_181 = arith.constant 0 : i32
        %dma_wait3A_182 = arith.constant 0 : i32
        %dma_wait3A_183 = tpu.memref_slice %arg12[%dma_wait3A_181, %dma_wait3A_182] : memref<10000x128xf32, #tpu.memory_space<vmem_shared>> -> memref<10000x128xf32, #tpu.memory_space<vmem_shared>>
        tpu.wait_indirect_dma semaphore(%run_scoped3A : memref<!tpu.dma_semaphore, #tpu.memory_space<semaphore_mem>>) src(%arg18 : memref<80x128xf32, #tpu.memory_space<vmem>>) dst(%dma_wait3A_183 : memref<10000x128xf32, #tpu.memory_space<vmem_shared>>)
        tpu.yield
      }) : () -> ()
      %scan3A_177 = arith.constant 0 : i32
      scf.yield %scan3A_177 : i32
    }
    %scan3A_120 = arith.constant 125 : i32
    %barrier3A_121 = arith.constant 0 : index
    tpu.barrier barrier_id(%barrier3A_121)
    %scan3A_122 = arith.constant 0 : i32
    %scan3A_123 = arith.constant 0 : i32
    %scan3A_124 = arith.constant 8 : i32
    %scan3A_125 = arith.addi %scan3A_123, %scan3A_124 : i32
    %scan3A_126 = arith.constant 1 : i32
    %scan3A_127 = scf.for %scan3A_153 = %scan3A_123 to %scan3A_125 step %scan3A_126 iter_args(%scan3A_154 = %scan3A_122) -> (i32)  : i32 {
      %mul3A_155 = arith.constant 16 : i32
      %mul3A_156 = arith.muli %scan3A_153, %mul3A_155 : i32
      %add3A_157 = arith.addi %mul3A_156, %arg1 : i32
      %lt3A = arith.constant 125 : i32
      %lt3A_158 = arith.cmpi slt, %add3A_157, %lt3A : i32
      %convert_element_type3A = arith.extui %lt3A_158 : i1 to i32
      %cond3A = arith.constant 0 : i32
      %cond3A_159 = arith.cmpi ne, %convert_element_type3A, %cond3A : i32
      scf.if %cond3A_159 {
        %mul3A_161 = arith.constant 80 : i32
        %mul3A_162 = arith.muli %add3A_157, %mul3A_161 : i32
        %mul3A_163 = arith.constant 10000 : i32
        %mul3A_164 = arith.muli %arg0, %mul3A_163 : i32
        %add3A_165 = arith.addi %mul3A_164, %mul3A_162 : i32
        "tpu.region"() ({
          %run_scoped3A = tpu.sem_alloc : memref<!tpu.dma_semaphore, #tpu.memory_space<semaphore_mem>>
          %dma_start3A_187 = arith.constant 0 : i32
          %dma_start3A_188 = tpu.memref_slice %arg12[%mul3A_162, %dma_start3A_187] : memref<10000x128xf32, #tpu.memory_space<vmem_shared>> -> memref<80x128xf32, #tpu.memory_space<vmem_shared>>
          %dma_start3A_189 = arith.constant 0 : i32
          %dma_start3A_190 = tpu.memref_slice %arg12[%mul3A_162, %dma_start3A_189] : memref<10000x128xf32, #tpu.memory_space<vmem_shared>> -> memref<80x128xf32, #tpu.memory_space<vmem_shared>>
          tpu.enqueue_dma source(%dma_start3A_190 : memref<80x128xf32, #tpu.memory_space<vmem_shared>>) target(%arg19 : memref<80x128xf32, #tpu.memory_space<vmem>>) target_semaphore(%run_scoped3A : memref<!tpu.dma_semaphore, #tpu.memory_space<semaphore_mem>>)
          %dma_wait3A = arith.constant 0 : i32
          %dma_wait3A_191 = tpu.memref_slice %arg12[%mul3A_162, %dma_wait3A] : memref<10000x128xf32, #tpu.memory_space<vmem_shared>> -> memref<80x128xf32, #tpu.memory_space<vmem_shared>>
          %dma_wait3A_192 = arith.constant 0 : i32
          %dma_wait3A_193 = tpu.memref_slice %arg12[%mul3A_162, %dma_wait3A_192] : memref<10000x128xf32, #tpu.memory_space<vmem_shared>> -> memref<80x128xf32, #tpu.memory_space<vmem_shared>>
          tpu.wait_dma2 semaphore(%run_scoped3A : memref<!tpu.dma_semaphore, #tpu.memory_space<semaphore_mem>>) src(%dma_wait3A_193 : memref<80x128xf32, #tpu.memory_space<vmem_shared>>) dst(%arg19 : memref<80x128xf32, #tpu.memory_space<vmem>>)
          tpu.yield
        }) : () -> ()
        "tpu.region"() ({
          %run_scoped3A = tpu.sem_alloc : memref<!tpu.dma_semaphore, #tpu.memory_space<semaphore_mem>>
          %dma_start3A_187 = arith.constant 0 : i32
          %dma_start3A_188 = tpu.memref_slice %arg11[%mul3A_162, %dma_start3A_187] : memref<10000x16xf32, #tpu.memory_space<hbm>> -> memref<80x16xf32, #tpu.memory_space<hbm>>
          %dma_start3A_189 = arith.constant 0 : i32
          %dma_start3A_190 = tpu.memref_slice %arg11[%mul3A_162, %dma_start3A_189] : memref<10000x16xf32, #tpu.memory_space<hbm>> -> memref<80x16xf32, #tpu.memory_space<hbm>>
          tpu.enqueue_dma source(%dma_start3A_190 : memref<80x16xf32, #tpu.memory_space<hbm>>) target(%arg20 : memref<80x16xf32, #tpu.memory_space<vmem>>) target_semaphore(%run_scoped3A : memref<!tpu.dma_semaphore, #tpu.memory_space<semaphore_mem>>)
          %dma_wait3A = arith.constant 0 : i32
          %dma_wait3A_191 = tpu.memref_slice %arg11[%mul3A_162, %dma_wait3A] : memref<10000x16xf32, #tpu.memory_space<hbm>> -> memref<80x16xf32, #tpu.memory_space<hbm>>
          %dma_wait3A_192 = arith.constant 0 : i32
          %dma_wait3A_193 = tpu.memref_slice %arg11[%mul3A_162, %dma_wait3A_192] : memref<10000x16xf32, #tpu.memory_space<hbm>> -> memref<80x16xf32, #tpu.memory_space<hbm>>
          tpu.wait_dma2 semaphore(%run_scoped3A : memref<!tpu.dma_semaphore, #tpu.memory_space<semaphore_mem>>) src(%dma_wait3A_193 : memref<80x16xf32, #tpu.memory_space<hbm>>) dst(%arg20 : memref<80x16xf32, #tpu.memory_space<vmem>>)
          tpu.yield
        }) : () -> ()
        %scan3A_166 = arith.constant 0 : i32
        %scan3A_167 = arith.constant 0 : i32
        %scan3A_168 = arith.constant 80 : i32
        %scan3A_169 = arith.addi %scan3A_167, %scan3A_168 : i32
        %scan3A_170 = arith.constant 1 : i32
        %scan3A_171 = scf.for %scan3A_187 = %scan3A_167 to %scan3A_169 step %scan3A_170 iter_args(%scan3A_188 = %scan3A_166) -> (i32)  : i32 {
          %get3A = arith.index_cast %scan3A_187 : i32 to index
          %get3A_189 = arith.constant 0 : index
          %get3A_190 = tpu.vector_load %arg20[%get3A, %get3A_189] {strides = array<i32>} : memref<80x16xf32, #tpu.memory_space<vmem>>, vector<1x16xf32>,
          %get3A_191 = vector.shape_cast %get3A_190 : vector<1x16xf32> to vector<16xf32>
          %get3A_192 = arith.index_cast %scan3A_187 : i32 to index
          %get3A_193 = arith.constant 0 : index
          %get3A_194 = tpu.vector_load %arg19[%get3A_192, %get3A_193] {strides = array<i32>} : memref<80x128xf32, #tpu.memory_space<vmem>>, vector<1x16xf32>,
          %get3A_195 = vector.shape_cast %get3A_194 : vector<1x16xf32> to vector<16xf32>
          %mul3A_196 = arith.mulf %get3A_195, %get3A_191 : vector<16xf32>
          %swap3A = arith.index_cast %scan3A_187 : i32 to index
          %swap3A_197 = arith.constant 0 : index
          %swap3A_198 = tpu.vector_load %arg19[%swap3A, %swap3A_197] {strides = array<i32>} : memref<80x128xf32, #tpu.memory_space<vmem>>, vector<1x16xf32>,
          %swap3A_199 = vector.shape_cast %swap3A_198 : vector<1x16xf32> to vector<16xf32>
          %swap3A_200 = vector.shape_cast %mul3A_196 : vector<16xf32> to vector<1x16xf32>
          tpu.vector_store %arg19[%swap3A, %swap3A_197], %swap3A_200 {strides = array<i32>} : memref<80x128xf32, #tpu.memory_space<vmem>>, vector<1x16xf32>,
          %get3A_201 = arith.index_cast %scan3A_187 : i32 to index
          %get3A_202 = arith.constant 16 : index
          %get3A_203 = tpu.vector_load %arg19[%get3A_201, %get3A_202] {strides = array<i32>} : memref<80x128xf32, #tpu.memory_space<vmem>>, vector<1x16xf32>,
          %get3A_204 = vector.shape_cast %get3A_203 : vector<1x16xf32> to vector<16xf32>
          %mul3A_205 = arith.mulf %get3A_204, %get3A_191 : vector<16xf32>
          %swap3A_206 = arith.index_cast %scan3A_187 : i32 to index
          %swap3A_207 = arith.constant 16 : index
          %swap3A_208 = tpu.vector_load %arg19[%swap3A_206, %swap3A_207] {strides = array<i32>} : memref<80x128xf32, #tpu.memory_space<vmem>>, vector<1x16xf32>,
          %swap3A_209 = vector.shape_cast %swap3A_208 : vector<1x16xf32> to vector<16xf32>
          %swap3A_210 = vector.shape_cast %mul3A_205 : vector<16xf32> to vector<1x16xf32>
          tpu.vector_store %arg19[%swap3A_206, %swap3A_207], %swap3A_210 {strides = array<i32>} : memref<80x128xf32, #tpu.memory_space<vmem>>, vector<1x16xf32>,
          %get3A_211 = arith.index_cast %scan3A_187 : i32 to index
          %get3A_212 = arith.constant 32 : index
          %get3A_213 = tpu.vector_load %arg19[%get3A_211, %get3A_212] {strides = array<i32>} : memref<80x128xf32, #tpu.memory_space<vmem>>, vector<1x16xf32>,
          %get3A_214 = vector.shape_cast %get3A_213 : vector<1x16xf32> to vector<16xf32>
          %mul3A_215 = arith.mulf %get3A_214, %get3A_191 : vector<16xf32>
          %swap3A_216 = arith.index_cast %scan3A_187 : i32 to index
          %swap3A_217 = arith.constant 32 : index
          %swap3A_218 = tpu.vector_load %arg19[%swap3A_216, %swap3A_217] {strides = array<i32>} : memref<80x128xf32, #tpu.memory_space<vmem>>, vector<1x16xf32>,
          %swap3A_219 = vector.shape_cast %swap3A_218 : vector<1x16xf32> to vector<16xf32>
          %swap3A_220 = vector.shape_cast %mul3A_215 : vector<16xf32> to vector<1x16xf32>
          tpu.vector_store %arg19[%swap3A_216, %swap3A_217], %swap3A_220 {strides = array<i32>} : memref<80x128xf32, #tpu.memory_space<vmem>>, vector<1x16xf32>,
          %get3A_221 = arith.index_cast %scan3A_187 : i32 to index
          %get3A_222 = arith.constant 48 : index
          %get3A_223 = tpu.vector_load %arg19[%get3A_221, %get3A_222] {strides = array<i32>} : memref<80x128xf32, #tpu.memory_space<vmem>>, vector<1x16xf32>,
          %get3A_224 = vector.shape_cast %get3A_223 : vector<1x16xf32> to vector<16xf32>
          %mul3A_225 = arith.mulf %get3A_224, %get3A_191 : vector<16xf32>
          %swap3A_226 = arith.index_cast %scan3A_187 : i32 to index
          %swap3A_227 = arith.constant 48 : index
          %swap3A_228 = tpu.vector_load %arg19[%swap3A_226, %swap3A_227] {strides = array<i32>} : memref<80x128xf32, #tpu.memory_space<vmem>>, vector<1x16xf32>,
          %swap3A_229 = vector.shape_cast %swap3A_228 : vector<1x16xf32> to vector<16xf32>
          %swap3A_230 = vector.shape_cast %mul3A_225 : vector<16xf32> to vector<1x16xf32>
          tpu.vector_store %arg19[%swap3A_226, %swap3A_227], %swap3A_230 {strides = array<i32>} : memref<80x128xf32, #tpu.memory_space<vmem>>, vector<1x16xf32>,
          %get3A_231 = arith.index_cast %scan3A_187 : i32 to index
          %get3A_232 = arith.constant 64 : index
          %get3A_233 = tpu.vector_load %arg19[%get3A_231, %get3A_232] {strides = array<i32>} : memref<80x128xf32, #tpu.memory_space<vmem>>, vector<1x16xf32>,
          %get3A_234 = vector.shape_cast %get3A_233 : vector<1x16xf32> to vector<16xf32>
          %mul3A_235 = arith.mulf %get3A_234, %get3A_191 : vector<16xf32>
          %swap3A_236 = arith.index_cast %scan3A_187 : i32 to index
          %swap3A_237 = arith.constant 64 : index
          %swap3A_238 = tpu.vector_load %arg19[%swap3A_236, %swap3A_237] {strides = array<i32>} : memref<80x128xf32, #tpu.memory_space<vmem>>, vector<1x16xf32>,
          %swap3A_239 = vector.shape_cast %swap3A_238 : vector<1x16xf32> to vector<16xf32>
          %swap3A_240 = vector.shape_cast %mul3A_235 : vector<16xf32> to vector<1x16xf32>
          tpu.vector_store %arg19[%swap3A_236, %swap3A_237], %swap3A_240 {strides = array<i32>} : memref<80x128xf32, #tpu.memory_space<vmem>>, vector<1x16xf32>,
          %get3A_241 = arith.index_cast %scan3A_187 : i32 to index
          %get3A_242 = arith.constant 80 : index
          %get3A_243 = tpu.vector_load %arg19[%get3A_241, %get3A_242] {strides = array<i32>} : memref<80x128xf32, #tpu.memory_space<vmem>>, vector<1x16xf32>,
          %get3A_244 = vector.shape_cast %get3A_243 : vector<1x16xf32> to vector<16xf32>
          %mul3A_245 = arith.mulf %get3A_244, %get3A_191 : vector<16xf32>
          %swap3A_246 = arith.index_cast %scan3A_187 : i32 to index
          %swap3A_247 = arith.constant 80 : index
          %swap3A_248 = tpu.vector_load %arg19[%swap3A_246, %swap3A_247] {strides = array<i32>} : memref<80x128xf32, #tpu.memory_space<vmem>>, vector<1x16xf32>,
          %swap3A_249 = vector.shape_cast %swap3A_248 : vector<1x16xf32> to vector<16xf32>
          %swap3A_250 = vector.shape_cast %mul3A_245 : vector<16xf32> to vector<1x16xf32>
          tpu.vector_store %arg19[%swap3A_246, %swap3A_247], %swap3A_250 {strides = array<i32>} : memref<80x128xf32, #tpu.memory_space<vmem>>, vector<1x16xf32>,
          %get3A_251 = arith.index_cast %scan3A_187 : i32 to index
          %get3A_252 = arith.constant 96 : index
          %get3A_253 = tpu.vector_load %arg19[%get3A_251, %get3A_252] {strides = array<i32>} : memref<80x128xf32, #tpu.memory_space<vmem>>, vector<1x16xf32>,
          %get3A_254 = vector.shape_cast %get3A_253 : vector<1x16xf32> to vector<16xf32>
          %mul3A_255 = arith.mulf %get3A_254, %get3A_191 : vector<16xf32>
          %swap3A_256 = arith.index_cast %scan3A_187 : i32 to index
          %swap3A_257 = arith.constant 96 : index
          %swap3A_258 = tpu.vector_load %arg19[%swap3A_256, %swap3A_257] {strides = array<i32>} : memref<80x128xf32, #tpu.memory_space<vmem>>, vector<1x16xf32>,
          %swap3A_259 = vector.shape_cast %swap3A_258 : vector<1x16xf32> to vector<16xf32>
          %swap3A_260 = vector.shape_cast %mul3A_255 : vector<16xf32> to vector<1x16xf32>
          tpu.vector_store %arg19[%swap3A_256, %swap3A_257], %swap3A_260 {strides = array<i32>} : memref<80x128xf32, #tpu.memory_space<vmem>>, vector<1x16xf32>,
          %get3A_261 = arith.index_cast %scan3A_187 : i32 to index
          %get3A_262 = arith.constant 112 : index
          %get3A_263 = tpu.vector_load %arg19[%get3A_261, %get3A_262] {strides = array<i32>} : memref<80x128xf32, #tpu.memory_space<vmem>>, vector<1x16xf32>,
          %get3A_264 = vector.shape_cast %get3A_263 : vector<1x16xf32> to vector<16xf32>
          %mul3A_265 = arith.mulf %get3A_264, %get3A_191 : vector<16xf32>
          %swap3A_266 = arith.index_cast %scan3A_187 : i32 to index
          %swap3A_267 = arith.constant 112 : index
          %swap3A_268 = tpu.vector_load %arg19[%swap3A_266, %swap3A_267] {strides = array<i32>} : memref<80x128xf32, #tpu.memory_space<vmem>>, vector<1x16xf32>,
          %swap3A_269 = vector.shape_cast %swap3A_268 : vector<1x16xf32> to vector<16xf32>
          %swap3A_270 = vector.shape_cast %mul3A_265 : vector<16xf32> to vector<1x16xf32>
          tpu.vector_store %arg19[%swap3A_266, %swap3A_267], %swap3A_270 {strides = array<i32>} : memref<80x128xf32, #tpu.memory_space<vmem>>, vector<1x16xf32>,
          %scan3A_271 = arith.constant 0 : i32
          scf.yield %scan3A_271 : i32
        }
        %scan3A_172 = arith.constant 80 : i32
        "tpu.region"() ({
          %run_scoped3A = tpu.sem_alloc : memref<!tpu.dma_semaphore, #tpu.memory_space<semaphore_mem>>
          %dma_start3A_187 = arith.constant 0 : i32
          %dma_start3A_188 = tpu.memref_slice %arg8[%add3A_165, %dma_start3A_187] : memref<20000x128xf32, #tpu.memory_space<hbm>> -> memref<80x128xf32, #tpu.memory_space<hbm>>
          %dma_start3A_189 = arith.constant 0 : i32
          %dma_start3A_190 = tpu.memref_slice %arg8[%add3A_165, %dma_start3A_189] : memref<20000x128xf32, #tpu.memory_space<hbm>> -> memref<80x128xf32, #tpu.memory_space<hbm>>
          tpu.enqueue_dma source(%arg19 : memref<80x128xf32, #tpu.memory_space<vmem>>) target(%dma_start3A_190 : memref<80x128xf32, #tpu.memory_space<hbm>>) target_semaphore(%run_scoped3A : memref<!tpu.dma_semaphore, #tpu.memory_space<semaphore_mem>>)
          %dma_wait3A = arith.constant 0 : i32
          %dma_wait3A_191 = tpu.memref_slice %arg8[%add3A_165, %dma_wait3A] : memref<20000x128xf32, #tpu.memory_space<hbm>> -> memref<80x128xf32, #tpu.memory_space<hbm>>
          %dma_wait3A_192 = arith.constant 0 : i32
          %dma_wait3A_193 = tpu.memref_slice %arg8[%add3A_165, %dma_wait3A_192] : memref<20000x128xf32, #tpu.memory_space<hbm>> -> memref<80x128xf32, #tpu.memory_space<hbm>>
          tpu.wait_dma2 semaphore(%run_scoped3A : memref<!tpu.dma_semaphore, #tpu.memory_space<semaphore_mem>>) src(%arg19 : memref<80x128xf32, #tpu.memory_space<vmem>>) dst(%dma_wait3A_193 : memref<80x128xf32, #tpu.memory_space<hbm>>)
          tpu.yield
        }) : () -> ()
        "tpu.region"() ({
          %run_scoped3A = tpu.sem_alloc : memref<!tpu.dma_semaphore, #tpu.memory_space<semaphore_mem>>
          %dma_start3A_187 = arith.constant 0 : i32
          %dma_start3A_188 = tpu.memref_slice %arg10[%mul3A_162, %dma_start3A_187] : memref<10000x16xf32, #tpu.memory_space<hbm>> -> memref<80x16xf32, #tpu.memory_space<hbm>>
          %dma_start3A_189 = arith.constant 0 : i32
          %dma_start3A_190 = tpu.memref_slice %arg10[%mul3A_162, %dma_start3A_189] : memref<10000x16xf32, #tpu.memory_space<hbm>> -> memref<80x16xf32, #tpu.memory_space<hbm>>
          tpu.enqueue_dma source(%dma_start3A_190 : memref<80x16xf32, #tpu.memory_space<hbm>>) target(%arg20 : memref<80x16xf32, #tpu.memory_space<vmem>>) target_semaphore(%run_scoped3A : memref<!tpu.dma_semaphore, #tpu.memory_space<semaphore_mem>>)
          %dma_wait3A = arith.constant 0 : i32
          %dma_wait3A_191 = tpu.memref_slice %arg10[%mul3A_162, %dma_wait3A] : memref<10000x16xf32, #tpu.memory_space<hbm>> -> memref<80x16xf32, #tpu.memory_space<hbm>>
          %dma_wait3A_192 = arith.constant 0 : i32
          %dma_wait3A_193 = tpu.memref_slice %arg10[%mul3A_162, %dma_wait3A_192] : memref<10000x16xf32, #tpu.memory_space<hbm>> -> memref<80x16xf32, #tpu.memory_space<hbm>>
          tpu.wait_dma2 semaphore(%run_scoped3A : memref<!tpu.dma_semaphore, #tpu.memory_space<semaphore_mem>>) src(%dma_wait3A_193 : memref<80x16xf32, #tpu.memory_space<hbm>>) dst(%arg20 : memref<80x16xf32, #tpu.memory_space<vmem>>)
          tpu.yield
        }) : () -> ()
        %scan3A_173 = arith.constant 0 : i32
        %scan3A_174 = arith.constant 0 : i32
        %scan3A_175 = arith.constant 80 : i32
        %scan3A_176 = arith.addi %scan3A_174, %scan3A_175 : i32
        %scan3A_177 = arith.constant 1 : i32
        %scan3A_178 = scf.for %scan3A_187 = %scan3A_174 to %scan3A_176 step %scan3A_177 iter_args(%scan3A_188 = %scan3A_173) -> (i32)  : i32 {
          %get3A = arith.index_cast %scan3A_187 : i32 to index
          %get3A_189 = arith.constant 0 : index
          %get3A_190 = tpu.vector_load %arg20[%get3A, %get3A_189] {strides = array<i32>} : memref<80x16xf32, #tpu.memory_space<vmem>>, vector<1x16xf32>,
          %get3A_191 = vector.shape_cast %get3A_190 : vector<1x16xf32> to vector<16xf32>
          %get3A_192 = arith.index_cast %scan3A_187 : i32 to index
          %get3A_193 = arith.constant 0 : index
          %get3A_194 = tpu.vector_load %arg19[%get3A_192, %get3A_193] {strides = array<i32>} : memref<80x128xf32, #tpu.memory_space<vmem>>, vector<1x16xf32>,
          %get3A_195 = vector.shape_cast %get3A_194 : vector<1x16xf32> to vector<16xf32>
          %mul3A_196 = arith.mulf %get3A_195, %get3A_191 : vector<16xf32>
          %swap3A = arith.index_cast %scan3A_187 : i32 to index
          %swap3A_197 = arith.constant 0 : index
          %swap3A_198 = tpu.vector_load %arg19[%swap3A, %swap3A_197] {strides = array<i32>} : memref<80x128xf32, #tpu.memory_space<vmem>>, vector<1x16xf32>,
          %swap3A_199 = vector.shape_cast %swap3A_198 : vector<1x16xf32> to vector<16xf32>
          %swap3A_200 = vector.shape_cast %mul3A_196 : vector<16xf32> to vector<1x16xf32>
          tpu.vector_store %arg19[%swap3A, %swap3A_197], %swap3A_200 {strides = array<i32>} : memref<80x128xf32, #tpu.memory_space<vmem>>, vector<1x16xf32>,
          %get3A_201 = arith.index_cast %scan3A_187 : i32 to index
          %get3A_202 = arith.constant 16 : index
          %get3A_203 = tpu.vector_load %arg19[%get3A_201, %get3A_202] {strides = array<i32>} : memref<80x128xf32, #tpu.memory_space<vmem>>, vector<1x16xf32>,
          %get3A_204 = vector.shape_cast %get3A_203 : vector<1x16xf32> to vector<16xf32>
          %mul3A_205 = arith.mulf %get3A_204, %get3A_191 : vector<16xf32>
          %swap3A_206 = arith.index_cast %scan3A_187 : i32 to index
          %swap3A_207 = arith.constant 16 : index
          %swap3A_208 = tpu.vector_load %arg19[%swap3A_206, %swap3A_207] {strides = array<i32>} : memref<80x128xf32, #tpu.memory_space<vmem>>, vector<1x16xf32>,
          %swap3A_209 = vector.shape_cast %swap3A_208 : vector<1x16xf32> to vector<16xf32>
          %swap3A_210 = vector.shape_cast %mul3A_205 : vector<16xf32> to vector<1x16xf32>
          tpu.vector_store %arg19[%swap3A_206, %swap3A_207], %swap3A_210 {strides = array<i32>} : memref<80x128xf32, #tpu.memory_space<vmem>>, vector<1x16xf32>,
          %get3A_211 = arith.index_cast %scan3A_187 : i32 to index
          %get3A_212 = arith.constant 32 : index
          %get3A_213 = tpu.vector_load %arg19[%get3A_211, %get3A_212] {strides = array<i32>} : memref<80x128xf32, #tpu.memory_space<vmem>>, vector<1x16xf32>,
          %get3A_214 = vector.shape_cast %get3A_213 : vector<1x16xf32> to vector<16xf32>
          %mul3A_215 = arith.mulf %get3A_214, %get3A_191 : vector<16xf32>
          %swap3A_216 = arith.index_cast %scan3A_187 : i32 to index
          %swap3A_217 = arith.constant 32 : index
          %swap3A_218 = tpu.vector_load %arg19[%swap3A_216, %swap3A_217] {strides = array<i32>} : memref<80x128xf32, #tpu.memory_space<vmem>>, vector<1x16xf32>,
          %swap3A_219 = vector.shape_cast %swap3A_218 : vector<1x16xf32> to vector<16xf32>
          %swap3A_220 = vector.shape_cast %mul3A_215 : vector<16xf32> to vector<1x16xf32>
          tpu.vector_store %arg19[%swap3A_216, %swap3A_217], %swap3A_220 {strides = array<i32>} : memref<80x128xf32, #tpu.memory_space<vmem>>, vector<1x16xf32>,
          %get3A_221 = arith.index_cast %scan3A_187 : i32 to index
          %get3A_222 = arith.constant 48 : index
          %get3A_223 = tpu.vector_load %arg19[%get3A_221, %get3A_222] {strides = array<i32>} : memref<80x128xf32, #tpu.memory_space<vmem>>, vector<1x16xf32>,
          %get3A_224 = vector.shape_cast %get3A_223 : vector<1x16xf32> to vector<16xf32>
          %mul3A_225 = arith.mulf %get3A_224, %get3A_191 : vector<16xf32>
          %swap3A_226 = arith.index_cast %scan3A_187 : i32 to index
          %swap3A_227 = arith.constant 48 : index
          %swap3A_228 = tpu.vector_load %arg19[%swap3A_226, %swap3A_227] {strides = array<i32>} : memref<80x128xf32, #tpu.memory_space<vmem>>, vector<1x16xf32>,
          %swap3A_229 = vector.shape_cast %swap3A_228 : vector<1x16xf32> to vector<16xf32>
          %swap3A_230 = vector.shape_cast %mul3A_225 : vector<16xf32> to vector<1x16xf32>
          tpu.vector_store %arg19[%swap3A_226, %swap3A_227], %swap3A_230 {strides = array<i32>} : memref<80x128xf32, #tpu.memory_space<vmem>>, vector<1x16xf32>,
          %get3A_231 = arith.index_cast %scan3A_187 : i32 to index
          %get3A_232 = arith.constant 64 : index
          %get3A_233 = tpu.vector_load %arg19[%get3A_231, %get3A_232] {strides = array<i32>} : memref<80x128xf32, #tpu.memory_space<vmem>>, vector<1x16xf32>,
          %get3A_234 = vector.shape_cast %get3A_233 : vector<1x16xf32> to vector<16xf32>
          %mul3A_235 = arith.mulf %get3A_234, %get3A_191 : vector<16xf32>
          %swap3A_236 = arith.index_cast %scan3A_187 : i32 to index
          %swap3A_237 = arith.constant 64 : index
          %swap3A_238 = tpu.vector_load %arg19[%swap3A_236, %swap3A_237] {strides = array<i32>} : memref<80x128xf32, #tpu.memory_space<vmem>>, vector<1x16xf32>,
          %swap3A_239 = vector.shape_cast %swap3A_238 : vector<1x16xf32> to vector<16xf32>
          %swap3A_240 = vector.shape_cast %mul3A_235 : vector<16xf32> to vector<1x16xf32>
          tpu.vector_store %arg19[%swap3A_236, %swap3A_237], %swap3A_240 {strides = array<i32>} : memref<80x128xf32, #tpu.memory_space<vmem>>, vector<1x16xf32>,
          %get3A_241 = arith.index_cast %scan3A_187 : i32 to index
          %get3A_242 = arith.constant 80 : index
          %get3A_243 = tpu.vector_load %arg19[%get3A_241, %get3A_242] {strides = array<i32>} : memref<80x128xf32, #tpu.memory_space<vmem>>, vector<1x16xf32>,
          %get3A_244 = vector.shape_cast %get3A_243 : vector<1x16xf32> to vector<16xf32>
          %mul3A_245 = arith.mulf %get3A_244, %get3A_191 : vector<16xf32>
          %swap3A_246 = arith.index_cast %scan3A_187 : i32 to index
          %swap3A_247 = arith.constant 80 : index
          %swap3A_248 = tpu.vector_load %arg19[%swap3A_246, %swap3A_247] {strides = array<i32>} : memref<80x128xf32, #tpu.memory_space<vmem>>, vector<1x16xf32>,
          %swap3A_249 = vector.shape_cast %swap3A_248 : vector<1x16xf32> to vector<16xf32>
          %swap3A_250 = vector.shape_cast %mul3A_245 : vector<16xf32> to vector<1x16xf32>
          tpu.vector_store %arg19[%swap3A_246, %swap3A_247], %swap3A_250 {strides = array<i32>} : memref<80x128xf32, #tpu.memory_space<vmem>>, vector<1x16xf32>,
          %get3A_251 = arith.index_cast %scan3A_187 : i32 to index
          %get3A_252 = arith.constant 96 : index
          %get3A_253 = tpu.vector_load %arg19[%get3A_251, %get3A_252] {strides = array<i32>} : memref<80x128xf32, #tpu.memory_space<vmem>>, vector<1x16xf32>,
          %get3A_254 = vector.shape_cast %get3A_253 : vector<1x16xf32> to vector<16xf32>
          %mul3A_255 = arith.mulf %get3A_254, %get3A_191 : vector<16xf32>
          %swap3A_256 = arith.index_cast %scan3A_187 : i32 to index
          %swap3A_257 = arith.constant 96 : index
          %swap3A_258 = tpu.vector_load %arg19[%swap3A_256, %swap3A_257] {strides = array<i32>} : memref<80x128xf32, #tpu.memory_space<vmem>>, vector<1x16xf32>,
          %swap3A_259 = vector.shape_cast %swap3A_258 : vector<1x16xf32> to vector<16xf32>
          %swap3A_260 = vector.shape_cast %mul3A_255 : vector<16xf32> to vector<1x16xf32>
          tpu.vector_store %arg19[%swap3A_256, %swap3A_257], %swap3A_260 {strides = array<i32>} : memref<80x128xf32, #tpu.memory_space<vmem>>, vector<1x16xf32>,
          %get3A_261 = arith.index_cast %scan3A_187 : i32 to index
          %get3A_262 = arith.constant 112 : index
          %get3A_263 = tpu.vector_load %arg19[%get3A_261, %get3A_262] {strides = array<i32>} : memref<80x128xf32, #tpu.memory_space<vmem>>, vector<1x16xf32>,
          %get3A_264 = vector.shape_cast %get3A_263 : vector<1x16xf32> to vector<16xf32>
          %mul3A_265 = arith.mulf %get3A_264, %get3A_191 : vector<16xf32>
          %swap3A_266 = arith.index_cast %scan3A_187 : i32 to index
          %swap3A_267 = arith.constant 112 : index
          %swap3A_268 = tpu.vector_load %arg19[%swap3A_266, %swap3A_267] {strides = array<i32>} : memref<80x128xf32, #tpu.memory_space<vmem>>, vector<1x16xf32>,
          %swap3A_269 = vector.shape_cast %swap3A_268 : vector<1x16xf32> to vector<16xf32>
          %swap3A_270 = vector.shape_cast %mul3A_265 : vector<16xf32> to vector<1x16xf32>
          tpu.vector_store %arg19[%swap3A_266, %swap3A_267], %swap3A_270 {strides = array<i32>} : memref<80x128xf32, #tpu.memory_space<vmem>>, vector<1x16xf32>,
          %scan3A_271 = arith.constant 0 : i32
          scf.yield %scan3A_271 : i32
        }
        %scan3A_179 = arith.constant 80 : i32
        "tpu.region"() ({
          %run_scoped3A = tpu.sem_alloc : memref<!tpu.dma_semaphore, #tpu.memory_space<semaphore_mem>>
          %dma_start3A_187 = arith.constant 0 : i32
          %dma_start3A_188 = tpu.memref_slice %arg5[%add3A_165, %dma_start3A_187] : memref<20000x128xf32, #tpu.memory_space<hbm>> -> memref<80x128xf32, #tpu.memory_space<hbm>>
          %dma_start3A_189 = arith.constant 0 : i32
          %dma_start3A_190 = tpu.memref_slice %arg5[%add3A_165, %dma_start3A_189] : memref<20000x128xf32, #tpu.memory_space<hbm>> -> memref<80x128xf32, #tpu.memory_space<hbm>>
          tpu.enqueue_dma source(%arg19 : memref<80x128xf32, #tpu.memory_space<vmem>>) target(%dma_start3A_190 : memref<80x128xf32, #tpu.memory_space<hbm>>) target_semaphore(%run_scoped3A : memref<!tpu.dma_semaphore, #tpu.memory_space<semaphore_mem>>)
          %dma_wait3A = arith.constant 0 : i32
          %dma_wait3A_191 = tpu.memref_slice %arg5[%add3A_165, %dma_wait3A] : memref<20000x128xf32, #tpu.memory_space<hbm>> -> memref<80x128xf32, #tpu.memory_space<hbm>>
          %dma_wait3A_192 = arith.constant 0 : i32
          %dma_wait3A_193 = tpu.memref_slice %arg5[%add3A_165, %dma_wait3A_192] : memref<20000x128xf32, #tpu.memory_space<hbm>> -> memref<80x128xf32, #tpu.memory_space<hbm>>
          tpu.wait_dma2 semaphore(%run_scoped3A : memref<!tpu.dma_semaphore, #tpu.memory_space<semaphore_mem>>) src(%arg19 : memref<80x128xf32, #tpu.memory_space<vmem>>) dst(%dma_wait3A_193 : memref<80x128xf32, #tpu.memory_space<hbm>>)
          tpu.yield
        }) : () -> ()
        %scan3A_180 = arith.constant 0 : i32
        %scan3A_181 = arith.constant 0 : i32
        %scan3A_182 = arith.constant 80 : i32
        %scan3A_183 = arith.addi %scan3A_181, %scan3A_182 : i32
        %scan3A_184 = arith.constant 1 : i32
        %scan3A_185 = scf.for %scan3A_187 = %scan3A_181 to %scan3A_183 step %scan3A_184 iter_args(%scan3A_188 = %scan3A_180) -> (i32)  : i32 {
          %broadcast_in_dim3A = arith.constant 0.000000e+00 : f32
          %broadcast_in_dim3A_189 = vector.broadcast %broadcast_in_dim3A : f32 to vector<16xf32>
          %swap3A = arith.index_cast %scan3A_187 : i32 to index
          %swap3A_190 = arith.constant 0 : index
          %swap3A_191 = tpu.vector_load %arg19[%swap3A, %swap3A_190] {strides = array<i32>} : memref<80x128xf32, #tpu.memory_space<vmem>>, vector<1x16xf32>,
          %swap3A_192 = vector.shape_cast %swap3A_191 : vector<1x16xf32> to vector<16xf32>
          %swap3A_193 = vector.shape_cast %broadcast_in_dim3A_189 : vector<16xf32> to vector<1x16xf32>
          tpu.vector_store %arg19[%swap3A, %swap3A_190], %swap3A_193 {strides = array<i32>} : memref<80x128xf32, #tpu.memory_space<vmem>>, vector<1x16xf32>,
          %broadcast_in_dim3A_194 = arith.constant 0.000000e+00 : f32
          %broadcast_in_dim3A_195 = vector.broadcast %broadcast_in_dim3A_194 : f32 to vector<16xf32>
          %swap3A_196 = arith.index_cast %scan3A_187 : i32 to index
          %swap3A_197 = arith.constant 16 : index
          %swap3A_198 = tpu.vector_load %arg19[%swap3A_196, %swap3A_197] {strides = array<i32>} : memref<80x128xf32, #tpu.memory_space<vmem>>, vector<1x16xf32>,
          %swap3A_199 = vector.shape_cast %swap3A_198 : vector<1x16xf32> to vector<16xf32>
          %swap3A_200 = vector.shape_cast %broadcast_in_dim3A_195 : vector<16xf32> to vector<1x16xf32>
          tpu.vector_store %arg19[%swap3A_196, %swap3A_197], %swap3A_200 {strides = array<i32>} : memref<80x128xf32, #tpu.memory_space<vmem>>, vector<1x16xf32>,
          %broadcast_in_dim3A_201 = arith.constant 0.000000e+00 : f32
          %broadcast_in_dim3A_202 = vector.broadcast %broadcast_in_dim3A_201 : f32 to vector<16xf32>
          %swap3A_203 = arith.index_cast %scan3A_187 : i32 to index
          %swap3A_204 = arith.constant 32 : index
          %swap3A_205 = tpu.vector_load %arg19[%swap3A_203, %swap3A_204] {strides = array<i32>} : memref<80x128xf32, #tpu.memory_space<vmem>>, vector<1x16xf32>,
          %swap3A_206 = vector.shape_cast %swap3A_205 : vector<1x16xf32> to vector<16xf32>
          %swap3A_207 = vector.shape_cast %broadcast_in_dim3A_202 : vector<16xf32> to vector<1x16xf32>
          tpu.vector_store %arg19[%swap3A_203, %swap3A_204], %swap3A_207 {strides = array<i32>} : memref<80x128xf32, #tpu.memory_space<vmem>>, vector<1x16xf32>,
          %broadcast_in_dim3A_208 = arith.constant 0.000000e+00 : f32
          %broadcast_in_dim3A_209 = vector.broadcast %broadcast_in_dim3A_208 : f32 to vector<16xf32>
          %swap3A_210 = arith.index_cast %scan3A_187 : i32 to index
          %swap3A_211 = arith.constant 48 : index
          %swap3A_212 = tpu.vector_load %arg19[%swap3A_210, %swap3A_211] {strides = array<i32>} : memref<80x128xf32, #tpu.memory_space<vmem>>, vector<1x16xf32>,
          %swap3A_213 = vector.shape_cast %swap3A_212 : vector<1x16xf32> to vector<16xf32>
          %swap3A_214 = vector.shape_cast %broadcast_in_dim3A_209 : vector<16xf32> to vector<1x16xf32>
          tpu.vector_store %arg19[%swap3A_210, %swap3A_211], %swap3A_214 {strides = array<i32>} : memref<80x128xf32, #tpu.memory_space<vmem>>, vector<1x16xf32>,
          %broadcast_in_dim3A_215 = arith.constant 0.000000e+00 : f32
          %broadcast_in_dim3A_216 = vector.broadcast %broadcast_in_dim3A_215 : f32 to vector<16xf32>
          %swap3A_217 = arith.index_cast %scan3A_187 : i32 to index
          %swap3A_218 = arith.constant 64 : index
          %swap3A_219 = tpu.vector_load %arg19[%swap3A_217, %swap3A_218] {strides = array<i32>} : memref<80x128xf32, #tpu.memory_space<vmem>>, vector<1x16xf32>,
          %swap3A_220 = vector.shape_cast %swap3A_219 : vector<1x16xf32> to vector<16xf32>
          %swap3A_221 = vector.shape_cast %broadcast_in_dim3A_216 : vector<16xf32> to vector<1x16xf32>
          tpu.vector_store %arg19[%swap3A_217, %swap3A_218], %swap3A_221 {strides = array<i32>} : memref<80x128xf32, #tpu.memory_space<vmem>>, vector<1x16xf32>,
          %broadcast_in_dim3A_222 = arith.constant 0.000000e+00 : f32
          %broadcast_in_dim3A_223 = vector.broadcast %broadcast_in_dim3A_222 : f32 to vector<16xf32>
          %swap3A_224 = arith.index_cast %scan3A_187 : i32 to index
          %swap3A_225 = arith.constant 80 : index
          %swap3A_226 = tpu.vector_load %arg19[%swap3A_224, %swap3A_225] {strides = array<i32>} : memref<80x128xf32, #tpu.memory_space<vmem>>, vector<1x16xf32>,
          %swap3A_227 = vector.shape_cast %swap3A_226 : vector<1x16xf32> to vector<16xf32>
          %swap3A_228 = vector.shape_cast %broadcast_in_dim3A_223 : vector<16xf32> to vector<1x16xf32>
          tpu.vector_store %arg19[%swap3A_224, %swap3A_225], %swap3A_228 {strides = array<i32>} : memref<80x128xf32, #tpu.memory_space<vmem>>, vector<1x16xf32>,
          %broadcast_in_dim3A_229 = arith.constant 0.000000e+00 : f32
          %broadcast_in_dim3A_230 = vector.broadcast %broadcast_in_dim3A_229 : f32 to vector<16xf32>
          %swap3A_231 = arith.index_cast %scan3A_187 : i32 to index
          %swap3A_232 = arith.constant 96 : index
          %swap3A_233 = tpu.vector_load %arg19[%swap3A_231, %swap3A_232] {strides = array<i32>} : memref<80x128xf32, #tpu.memory_space<vmem>>, vector<1x16xf32>,
          %swap3A_234 = vector.shape_cast %swap3A_233 : vector<1x16xf32> to vector<16xf32>
          %swap3A_235 = vector.shape_cast %broadcast_in_dim3A_230 : vector<16xf32> to vector<1x16xf32>
          tpu.vector_store %arg19[%swap3A_231, %swap3A_232], %swap3A_235 {strides = array<i32>} : memref<80x128xf32, #tpu.memory_space<vmem>>, vector<1x16xf32>,
          %broadcast_in_dim3A_236 = arith.constant 0.000000e+00 : f32
          %broadcast_in_dim3A_237 = vector.broadcast %broadcast_in_dim3A_236 : f32 to vector<16xf32>
          %swap3A_238 = arith.index_cast %scan3A_187 : i32 to index
          %swap3A_239 = arith.constant 112 : index
          %swap3A_240 = tpu.vector_load %arg19[%swap3A_238, %swap3A_239] {strides = array<i32>} : memref<80x128xf32, #tpu.memory_space<vmem>>, vector<1x16xf32>,
          %swap3A_241 = vector.shape_cast %swap3A_240 : vector<1x16xf32> to vector<16xf32>
          %swap3A_242 = vector.shape_cast %broadcast_in_dim3A_237 : vector<16xf32> to vector<1x16xf32>
          tpu.vector_store %arg19[%swap3A_238, %swap3A_239], %swap3A_242 {strides = array<i32>} : memref<80x128xf32, #tpu.memory_space<vmem>>, vector<1x16xf32>,
          %scan3A_243 = arith.constant 0 : i32
          scf.yield %scan3A_243 : i32
        }
        %scan3A_186 = arith.constant 80 : i32
        "tpu.region"() ({
          %run_scoped3A = tpu.sem_alloc : memref<!tpu.dma_semaphore, #tpu.memory_space<semaphore_mem>>
          %dma_start3A_187 = arith.constant 0 : i32
          %dma_start3A_188 = tpu.memref_slice %arg12[%mul3A_162, %dma_start3A_187] : memref<10000x128xf32, #tpu.memory_space<vmem_shared>> -> memref<80x128xf32, #tpu.memory_space<vmem_shared>>
          %dma_start3A_189 = arith.constant 0 : i32
          %dma_start3A_190 = tpu.memref_slice %arg12[%mul3A_162, %dma_start3A_189] : memref<10000x128xf32, #tpu.memory_space<vmem_shared>> -> memref<80x128xf32, #tpu.memory_space<vmem_shared>>
          tpu.enqueue_dma source(%arg19 : memref<80x128xf32, #tpu.memory_space<vmem>>) target(%dma_start3A_190 : memref<80x128xf32, #tpu.memory_space<vmem_shared>>) target_semaphore(%run_scoped3A : memref<!tpu.dma_semaphore, #tpu.memory_space<semaphore_mem>>)
          %dma_wait3A = arith.constant 0 : i32
          %dma_wait3A_191 = tpu.memref_slice %arg12[%mul3A_162, %dma_wait3A] : memref<10000x128xf32, #tpu.memory_space<vmem_shared>> -> memref<80x128xf32, #tpu.memory_space<vmem_shared>>
          %dma_wait3A_192 = arith.constant 0 : i32
          %dma_wait3A_193 = tpu.memref_slice %arg12[%mul3A_162, %dma_wait3A_192] : memref<10000x128xf32, #tpu.memory_space<vmem_shared>> -> memref<80x128xf32, #tpu.memory_space<vmem_shared>>
          tpu.wait_dma2 semaphore(%run_scoped3A : memref<!tpu.dma_semaphore, #tpu.memory_space<semaphore_mem>>) src(%arg19 : memref<80x128xf32, #tpu.memory_space<vmem>>) dst(%dma_wait3A_193 : memref<80x128xf32, #tpu.memory_space<vmem_shared>>)
          tpu.yield
        }) : () -> ()
      } else {
      }
      %scan3A_160 = arith.constant 0 : i32
      scf.yield %scan3A_160 : i32
    }
    %scan3A_128 = arith.constant 8 : i32
    %barrier3A_129 = arith.constant 0 : index
    tpu.barrier barrier_id(%barrier3A_129)
    %mul3A_130 = arith.constant 20000 : i32
    %mul3A_131 = arith.muli %arg1, %mul3A_130 : i32
    %mul3A_132 = arith.constant 320000 : i32
    %mul3A_133 = arith.muli %arg0, %mul3A_132 : i32
    %add3A_134 = arith.addi %mul3A_133, %mul3A_131 : i32
    "tpu.region"() ({
      %run_scoped3A = tpu.sem_alloc : memref<!tpu.dma_semaphore, #tpu.memory_space<semaphore_mem>>
      %dma_start3A_153 = tpu.memref_slice %arg3[%add3A_134] : memref<640000xi32, #tpu.memory_space<hbm>> -> memref<80xi32, #tpu.memory_space<hbm>>
      %dma_start3A_154 = tpu.memref_slice %arg3[%add3A_134] : memref<640000xi32, #tpu.memory_space<hbm>> -> memref<80xi32, #tpu.memory_space<hbm>>
      tpu.enqueue_dma source(%dma_start3A_154 : memref<80xi32, #tpu.memory_space<hbm>>) target(%arg13 : memref<80xi32, #tpu.memory_space<vmem>>) target_semaphore(%run_scoped3A : memref<!tpu.dma_semaphore, #tpu.memory_space<semaphore_mem>>)
      %dma_wait3A = tpu.memref_slice %arg3[%add3A_134] : memref<640000xi32, #tpu.memory_space<hbm>> -> memref<80xi32, #tpu.memory_space<hbm>>
      %dma_wait3A_155 = tpu.memref_slice %arg3[%add3A_134] : memref<640000xi32, #tpu.memory_space<hbm>> -> memref<80xi32, #tpu.memory_space<hbm>>
      tpu.wait_dma2 semaphore(%run_scoped3A : memref<!tpu.dma_semaphore, #tpu.memory_space<semaphore_mem>>) src(%dma_wait3A_155 : memref<80xi32, #tpu.memory_space<hbm>>) dst(%arg13 : memref<80xi32, #tpu.memory_space<vmem>>)
      tpu.yield
    }) : () -> ()
    "tpu.region"() ({
      %run_scoped3A = tpu.sem_alloc : memref<!tpu.dma_semaphore, #tpu.memory_space<semaphore_mem>>
      %dma_start3A_153 = tpu.memref_slice %arg4[%mul3A_131] : memref<320000xi32, #tpu.memory_space<hbm>> -> memref<80xi32, #tpu.memory_space<hbm>>
      %dma_start3A_154 = tpu.memref_slice %arg4[%mul3A_131] : memref<320000xi32, #tpu.memory_space<hbm>> -> memref<80xi32, #tpu.memory_space<hbm>>
      tpu.enqueue_dma source(%dma_start3A_154 : memref<80xi32, #tpu.memory_space<hbm>>) target(%arg14 : memref<80xi32, #tpu.memory_space<vmem>>) target_semaphore(%run_scoped3A : memref<!tpu.dma_semaphore, #tpu.memory_space<semaphore_mem>>)
      %dma_wait3A = tpu.memref_slice %arg4[%mul3A_131] : memref<320000xi32, #tpu.memory_space<hbm>> -> memref<80xi32, #tpu.memory_space<hbm>>
      %dma_wait3A_155 = tpu.memref_slice %arg4[%mul3A_131] : memref<320000xi32, #tpu.memory_space<hbm>> -> memref<80xi32, #tpu.memory_space<hbm>>
      tpu.wait_dma2 semaphore(%run_scoped3A : memref<!tpu.dma_semaphore, #tpu.memory_space<semaphore_mem>>) src(%dma_wait3A_155 : memref<80xi32, #tpu.memory_space<hbm>>) dst(%arg14 : memref<80xi32, #tpu.memory_space<vmem>>)
      tpu.yield
    }) : () -> ()
    %dma_start3A_135 = arith.constant 0 : i32
    %dma_start3A_136 = arith.constant 0 : i32
    %dma_start3A_137 = tpu.memref_slice %arg5[%dma_start3A_135, %dma_start3A_136] : memref<20000x128xf32, #tpu.memory_space<hbm>> -> memref<20000x128xf32, #tpu.memory_space<hbm>>
    tpu.enqueue_indirect_dma source(%dma_start3A_137 : memref<20000x128xf32, #tpu.memory_space<hbm>>) target(%arg17 : memref<80x128xf32, #tpu.memory_space<vmem>>) offsets(%arg13 : memref<80xi32, #tpu.memory_space<vmem>>) semaphore(%arg21 : memref<!tpu.dma_semaphore, #tpu.memory_space<semaphore_mem>>)
    %scan3A_138 = arith.constant 0 : i32
    %scan3A_139 = arith.constant 0 : i32
    %scan3A_140 = arith.constant 125 : i32
    %scan3A_141 = arith.addi %scan3A_139, %scan3A_140 : i32
    %scan3A_142 = arith.constant 1 : i32
    %scan3A_143 = scf.for %scan3A_153 = %scan3A_139 to %scan3A_141 step %scan3A_142 iter_args(%scan3A_154 = %scan3A_138) -> (i32)  : i32 {
      %mul3A_155 = arith.constant 2 : i32
      %mul3A_156 = arith.muli %mul3A_155, %scan3A_153 : i32
      %add3A_157 = arith.constant 1 : i32
      %add3A_158 = arith.addi %mul3A_156, %add3A_157 : i32
      %mul3A_159 = arith.constant 80 : i32
      %mul3A_160 = arith.muli %add3A_158, %mul3A_159 : i32
      %add3A_161 = arith.addi %mul3A_131, %mul3A_160 : i32
      %mul3A_162 = arith.constant 320000 : i32
      %mul3A_163 = arith.muli %arg0, %mul3A_162 : i32
      %add3A_164 = arith.addi %mul3A_163, %add3A_161 : i32
      "tpu.region"() ({
        %run_scoped3A = tpu.sem_alloc : memref<!tpu.dma_semaphore, #tpu.memory_space<semaphore_mem>>
        %dma_start3A_178 = tpu.memref_slice %arg3[%add3A_164] : memref<640000xi32, #tpu.memory_space<hbm>> -> memref<80xi32, #tpu.memory_space<hbm>>
        %dma_start3A_179 = tpu.memref_slice %arg3[%add3A_164] : memref<640000xi32, #tpu.memory_space<hbm>> -> memref<80xi32, #tpu.memory_space<hbm>>
        tpu.enqueue_dma source(%dma_start3A_179 : memref<80xi32, #tpu.memory_space<hbm>>) target(%arg15 : memref<80xi32, #tpu.memory_space<vmem>>) target_semaphore(%run_scoped3A : memref<!tpu.dma_semaphore, #tpu.memory_space<semaphore_mem>>)
        %dma_wait3A_180 = tpu.memref_slice %arg3[%add3A_164] : memref<640000xi32, #tpu.memory_space<hbm>> -> memref<80xi32, #tpu.memory_space<hbm>>
        %dma_wait3A_181 = tpu.memref_slice %arg3[%add3A_164] : memref<640000xi32, #tpu.memory_space<hbm>> -> memref<80xi32, #tpu.memory_space<hbm>>
        tpu.wait_dma2 semaphore(%run_scoped3A : memref<!tpu.dma_semaphore, #tpu.memory_space<semaphore_mem>>) src(%dma_wait3A_181 : memref<80xi32, #tpu.memory_space<hbm>>) dst(%arg15 : memref<80xi32, #tpu.memory_space<vmem>>)
        tpu.yield
      }) : () -> ()
      "tpu.region"() ({
        %run_scoped3A = tpu.sem_alloc : memref<!tpu.dma_semaphore, #tpu.memory_space<semaphore_mem>>
        %dma_start3A_178 = tpu.memref_slice %arg4[%add3A_161] : memref<320000xi32, #tpu.memory_space<hbm>> -> memref<80xi32, #tpu.memory_space<hbm>>
        %dma_start3A_179 = tpu.memref_slice %arg4[%add3A_161] : memref<320000xi32, #tpu.memory_space<hbm>> -> memref<80xi32, #tpu.memory_space<hbm>>
        tpu.enqueue_dma source(%dma_start3A_179 : memref<80xi32, #tpu.memory_space<hbm>>) target(%arg16 : memref<80xi32, #tpu.memory_space<vmem>>) target_semaphore(%run_scoped3A : memref<!tpu.dma_semaphore, #tpu.memory_space<semaphore_mem>>)
        %dma_wait3A_180 = tpu.memref_slice %arg4[%add3A_161] : memref<320000xi32, #tpu.memory_space<hbm>> -> memref<80xi32, #tpu.memory_space<hbm>>
        %dma_wait3A_181 = tpu.memref_slice %arg4[%add3A_161] : memref<320000xi32, #tpu.memory_space<hbm>> -> memref<80xi32, #tpu.memory_space<hbm>>
        tpu.wait_dma2 semaphore(%run_scoped3A : memref<!tpu.dma_semaphore, #tpu.memory_space<semaphore_mem>>) src(%dma_wait3A_181 : memref<80xi32, #tpu.memory_space<hbm>>) dst(%arg16 : memref<80xi32, #tpu.memory_space<vmem>>)
        tpu.yield
      }) : () -> ()
      %dma_start3A_165 = arith.constant 0 : i32
      %dma_start3A_166 = arith.constant 0 : i32
      %dma_start3A_167 = tpu.memref_slice %arg5[%dma_start3A_165, %dma_start3A_166] : memref<20000x128xf32, #tpu.memory_space<hbm>> -> memref<20000x128xf32, #tpu.memory_space<hbm>>
      tpu.enqueue_indirect_dma source(%dma_start3A_167 : memref<20000x128xf32, #tpu.memory_space<hbm>>) target(%arg18 : memref<80x128xf32, #tpu.memory_space<vmem>>) offsets(%arg15 : memref<80xi32, #tpu.memory_space<vmem>>) semaphore(%arg22 : memref<!tpu.dma_semaphore, #tpu.memory_space<semaphore_mem>>)
      %dma_wait3A = arith.constant 0 : i32
      %dma_wait3A_168 = arith.constant 0 : i32
      %dma_wait3A_169 = tpu.memref_slice %arg5[%dma_wait3A, %dma_wait3A_168] : memref<20000x128xf32, #tpu.memory_space<hbm>> -> memref<20000x128xf32, #tpu.memory_space<hbm>>
      tpu.wait_indirect_dma semaphore(%arg21 : memref<!tpu.dma_semaphore, #tpu.memory_space<semaphore_mem>>) src(%dma_wait3A_169 : memref<20000x128xf32, #tpu.memory_space<hbm>>) dst(%arg17 : memref<80x128xf32, #tpu.memory_space<vmem>>)
      "tpu.region"() ({
        %run_scoped3A = tpu.sem_alloc : memref<!tpu.dma_semaphore, #tpu.memory_space<semaphore_mem>>
        %dma_start3A_178 = arith.constant 0 : i32
        %dma_start3A_179 = arith.constant 0 : i32
        %dma_start3A_180 = tpu.memref_slice %arg12[%dma_start3A_178, %dma_start3A_179] : memref<10000x128xf32, #tpu.memory_space<vmem_shared>> -> memref<10000x128xf32, #tpu.memory_space<vmem_shared>>
        tpu.enqueue_indirect_dma source(%arg17 : memref<80x128xf32, #tpu.memory_space<vmem>>) target(%dma_start3A_180 : memref<10000x128xf32, #tpu.memory_space<vmem_shared>>) offsets(%arg14 : memref<80xi32, #tpu.memory_space<vmem>>) semaphore(%run_scoped3A : memref<!tpu.dma_semaphore, #tpu.memory_space<semaphore_mem>>) {add = true}
        %dma_wait3A_181 = arith.constant 0 : i32
        %dma_wait3A_182 = arith.constant 0 : i32
        %dma_wait3A_183 = tpu.memref_slice %arg12[%dma_wait3A_181, %dma_wait3A_182] : memref<10000x128xf32, #tpu.memory_space<vmem_shared>> -> memref<10000x128xf32, #tpu.memory_space<vmem_shared>>
        tpu.wait_indirect_dma semaphore(%run_scoped3A : memref<!tpu.dma_semaphore, #tpu.memory_space<semaphore_mem>>) src(%arg17 : memref<80x128xf32, #tpu.memory_space<vmem>>) dst(%dma_wait3A_183 : memref<10000x128xf32, #tpu.memory_space<vmem_shared>>)
        tpu.yield
      }) : () -> ()
      %add3A_170 = arith.constant 1 : i32
      %add3A_171 = arith.addi %scan3A_153, %add3A_170 : i32
      %lt3A = arith.constant 125 : i32
      %lt3A_172 = arith.cmpi slt, %add3A_171, %lt3A : i32
      %convert_element_type3A = arith.extui %lt3A_172 : i1 to i32
      %cond3A = arith.constant 0 : i32
      %cond3A_173 = arith.cmpi ne, %convert_element_type3A, %cond3A : i32
      scf.if %cond3A_173 {
        %mul3A_178 = arith.constant 2 : i32
        %mul3A_179 = arith.muli %mul3A_178, %scan3A_153 : i32
        %add3A_180 = arith.constant 2 : i32
        %add3A_181 = arith.addi %mul3A_179, %add3A_180 : i32
        %mul3A_182 = arith.constant 80 : i32
        %mul3A_183 = arith.muli %add3A_181, %mul3A_182 : i32
        %add3A_184 = arith.addi %mul3A_131, %mul3A_183 : i32
        %mul3A_185 = arith.constant 320000 : i32
        %mul3A_186 = arith.muli %arg0, %mul3A_185 : i32
        %add3A_187 = arith.addi %mul3A_186, %add3A_184 : i32
        "tpu.region"() ({
          %run_scoped3A = tpu.sem_alloc : memref<!tpu.dma_semaphore, #tpu.memory_space<semaphore_mem>>
          %dma_start3A_191 = tpu.memref_slice %arg3[%add3A_187] : memref<640000xi32, #tpu.memory_space<hbm>> -> memref<80xi32, #tpu.memory_space<hbm>>
          %dma_start3A_192 = tpu.memref_slice %arg3[%add3A_187] : memref<640000xi32, #tpu.memory_space<hbm>> -> memref<80xi32, #tpu.memory_space<hbm>>
          tpu.enqueue_dma source(%dma_start3A_192 : memref<80xi32, #tpu.memory_space<hbm>>) target(%arg13 : memref<80xi32, #tpu.memory_space<vmem>>) target_semaphore(%run_scoped3A : memref<!tpu.dma_semaphore, #tpu.memory_space<semaphore_mem>>)
          %dma_wait3A_193 = tpu.memref_slice %arg3[%add3A_187] : memref<640000xi32, #tpu.memory_space<hbm>> -> memref<80xi32, #tpu.memory_space<hbm>>
          %dma_wait3A_194 = tpu.memref_slice %arg3[%add3A_187] : memref<640000xi32, #tpu.memory_space<hbm>> -> memref<80xi32, #tpu.memory_space<hbm>>
          tpu.wait_dma2 semaphore(%run_scoped3A : memref<!tpu.dma_semaphore, #tpu.memory_space<semaphore_mem>>) src(%dma_wait3A_194 : memref<80xi32, #tpu.memory_space<hbm>>) dst(%arg13 : memref<80xi32, #tpu.memory_space<vmem>>)
          tpu.yield
        }) : () -> ()
        "tpu.region"() ({
          %run_scoped3A = tpu.sem_alloc : memref<!tpu.dma_semaphore, #tpu.memory_space<semaphore_mem>>
          %dma_start3A_191 = tpu.memref_slice %arg4[%add3A_184] : memref<320000xi32, #tpu.memory_space<hbm>> -> memref<80xi32, #tpu.memory_space<hbm>>
          %dma_start3A_192 = tpu.memref_slice %arg4[%add3A_184] : memref<320000xi32, #tpu.memory_space<hbm>> -> memref<80xi32, #tpu.memory_space<hbm>>
          tpu.enqueue_dma source(%dma_start3A_192 : memref<80xi32, #tpu.memory_space<hbm>>) target(%arg14 : memref<80xi32, #tpu.memory_space<vmem>>) target_semaphore(%run_scoped3A : memref<!tpu.dma_semaphore, #tpu.memory_space<semaphore_mem>>)
          %dma_wait3A_193 = tpu.memref_slice %arg4[%add3A_184] : memref<320000xi32, #tpu.memory_space<hbm>> -> memref<80xi32, #tpu.memory_space<hbm>>
          %dma_wait3A_194 = tpu.memref_slice %arg4[%add3A_184] : memref<320000xi32, #tpu.memory_space<hbm>> -> memref<80xi32, #tpu.memory_space<hbm>>
          tpu.wait_dma2 semaphore(%run_scoped3A : memref<!tpu.dma_semaphore, #tpu.memory_space<semaphore_mem>>) src(%dma_wait3A_194 : memref<80xi32, #tpu.memory_space<hbm>>) dst(%arg14 : memref<80xi32, #tpu.memory_space<vmem>>)
          tpu.yield
        }) : () -> ()
        %dma_start3A_188 = arith.constant 0 : i32
        %dma_start3A_189 = arith.constant 0 : i32
        %dma_start3A_190 = tpu.memref_slice %arg5[%dma_start3A_188, %dma_start3A_189] : memref<20000x128xf32, #tpu.memory_space<hbm>> -> memref<20000x128xf32, #tpu.memory_space<hbm>>
        tpu.enqueue_indirect_dma source(%dma_start3A_190 : memref<20000x128xf32, #tpu.memory_space<hbm>>) target(%arg17 : memref<80x128xf32, #tpu.memory_space<vmem>>) offsets(%arg13 : memref<80xi32, #tpu.memory_space<vmem>>) semaphore(%arg21 : memref<!tpu.dma_semaphore, #tpu.memory_space<semaphore_mem>>)
      } else {
      }
      %dma_wait3A_174 = arith.constant 0 : i32
      %dma_wait3A_175 = arith.constant 0 : i32
      %dma_wait3A_176 = tpu.memref_slice %arg5[%dma_wait3A_174, %dma_wait3A_175] : memref<20000x128xf32, #tpu.memory_space<hbm>> -> memref<20000x128xf32, #tpu.memory_space<hbm>>
      tpu.wait_indirect_dma semaphore(%arg22 : memref<!tpu.dma_semaphore, #tpu.memory_space<semaphore_mem>>) src(%dma_wait3A_176 : memref<20000x128xf32, #tpu.memory_space<hbm>>) dst(%arg18 : memref<80x128xf32, #tpu.memory_space<vmem>>)
      "tpu.region"() ({
        %run_scoped3A = tpu.sem_alloc : memref<!tpu.dma_semaphore, #tpu.memory_space<semaphore_mem>>
        %dma_start3A_178 = arith.constant 0 : i32
        %dma_start3A_179 = arith.constant 0 : i32
        %dma_start3A_180 = tpu.memref_slice %arg12[%dma_start3A_178, %dma_start3A_179] : memref<10000x128xf32, #tpu.memory_space<vmem_shared>> -> memref<10000x128xf32, #tpu.memory_space<vmem_shared>>
        tpu.enqueue_indirect_dma source(%arg18 : memref<80x128xf32, #tpu.memory_space<vmem>>) target(%dma_start3A_180 : memref<10000x128xf32, #tpu.memory_space<vmem_shared>>) offsets(%arg16 : memref<80xi32, #tpu.memory_space<vmem>>) semaphore(%run_scoped3A : memref<!tpu.dma_semaphore, #tpu.memory_space<semaphore_mem>>) {add = true}
        %dma_wait3A_181 = arith.constant 0 : i32
        %dma_wait3A_182 = arith.constant 0 : i32
        %dma_wait3A_183 = tpu.memref_slice %arg12[%dma_wait3A_181, %dma_wait3A_182] : memref<10000x128xf32, #tpu.memory_space<vmem_shared>> -> memref<10000x128xf32, #tpu.memory_space<vmem_shared>>
        tpu.wait_indirect_dma semaphore(%run_scoped3A : memref<!tpu.dma_semaphore, #tpu.memory_space<semaphore_mem>>) src(%arg18 : memref<80x128xf32, #tpu.memory_space<vmem>>) dst(%dma_wait3A_183 : memref<10000x128xf32, #tpu.memory_space<vmem_shared>>)
        tpu.yield
      }) : () -> ()
      %scan3A_177 = arith.constant 0 : i32
      scf.yield %scan3A_177 : i32
    }
    %scan3A_144 = arith.constant 125 : i32
    %barrier3A_145 = arith.constant 0 : index
    tpu.barrier barrier_id(%barrier3A_145)
    %scan3A_146 = arith.constant 0 : i32
    %scan3A_147 = arith.constant 0 : i32
    %scan3A_148 = arith.constant 8 : i32
    %scan3A_149 = arith.addi %scan3A_147, %scan3A_148 : i32
    %scan3A_150 = arith.constant 1 : i32
    %scan3A_151 = scf.for %scan3A_153 = %scan3A_147 to %scan3A_149 step %scan3A_150 iter_args(%scan3A_154 = %scan3A_146) -> (i32)  : i32 {
      %mul3A_155 = arith.constant 16 : i32
      %mul3A_156 = arith.muli %scan3A_153, %mul3A_155 : i32
      %add3A_157 = arith.addi %mul3A_156, %arg1 : i32
      %lt3A = arith.constant 125 : i32
      %lt3A_158 = arith.cmpi slt, %add3A_157, %lt3A : i32
      %convert_element_type3A = arith.extui %lt3A_158 : i1 to i32
      %cond3A = arith.constant 0 : i32
      %cond3A_159 = arith.cmpi ne, %convert_element_type3A, %cond3A : i32
      scf.if %cond3A_159 {
        %mul3A_161 = arith.constant 80 : i32
        %mul3A_162 = arith.muli %add3A_157, %mul3A_161 : i32
        %mul3A_163 = arith.constant 10000 : i32
        %mul3A_164 = arith.muli %arg0, %mul3A_163 : i32
        %add3A_165 = arith.addi %mul3A_164, %mul3A_162 : i32
        "tpu.region"() ({
          %run_scoped3A = tpu.sem_alloc : memref<!tpu.dma_semaphore, #tpu.memory_space<semaphore_mem>>
          %dma_start3A_173 = arith.constant 0 : i32
          %dma_start3A_174 = tpu.memref_slice %arg12[%mul3A_162, %dma_start3A_173] : memref<10000x128xf32, #tpu.memory_space<vmem_shared>> -> memref<80x128xf32, #tpu.memory_space<vmem_shared>>
          %dma_start3A_175 = arith.constant 0 : i32
          %dma_start3A_176 = tpu.memref_slice %arg12[%mul3A_162, %dma_start3A_175] : memref<10000x128xf32, #tpu.memory_space<vmem_shared>> -> memref<80x128xf32, #tpu.memory_space<vmem_shared>>
          tpu.enqueue_dma source(%dma_start3A_176 : memref<80x128xf32, #tpu.memory_space<vmem_shared>>) target(%arg19 : memref<80x128xf32, #tpu.memory_space<vmem>>) target_semaphore(%run_scoped3A : memref<!tpu.dma_semaphore, #tpu.memory_space<semaphore_mem>>)
          %dma_wait3A = arith.constant 0 : i32
          %dma_wait3A_177 = tpu.memref_slice %arg12[%mul3A_162, %dma_wait3A] : memref<10000x128xf32, #tpu.memory_space<vmem_shared>> -> memref<80x128xf32, #tpu.memory_space<vmem_shared>>
          %dma_wait3A_178 = arith.constant 0 : i32
          %dma_wait3A_179 = tpu.memref_slice %arg12[%mul3A_162, %dma_wait3A_178] : memref<10000x128xf32, #tpu.memory_space<vmem_shared>> -> memref<80x128xf32, #tpu.memory_space<vmem_shared>>
          tpu.wait_dma2 semaphore(%run_scoped3A : memref<!tpu.dma_semaphore, #tpu.memory_space<semaphore_mem>>) src(%dma_wait3A_179 : memref<80x128xf32, #tpu.memory_space<vmem_shared>>) dst(%arg19 : memref<80x128xf32, #tpu.memory_space<vmem>>)
          tpu.yield
        }) : () -> ()
        "tpu.region"() ({
          %run_scoped3A = tpu.sem_alloc : memref<!tpu.dma_semaphore, #tpu.memory_space<semaphore_mem>>
          %dma_start3A_173 = arith.constant 0 : i32
          %dma_start3A_174 = tpu.memref_slice %arg11[%mul3A_162, %dma_start3A_173] : memref<10000x16xf32, #tpu.memory_space<hbm>> -> memref<80x16xf32, #tpu.memory_space<hbm>>
          %dma_start3A_175 = arith.constant 0 : i32
          %dma_start3A_176 = tpu.memref_slice %arg11[%mul3A_162, %dma_start3A_175] : memref<10000x16xf32, #tpu.memory_space<hbm>> -> memref<80x16xf32, #tpu.memory_space<hbm>>
          tpu.enqueue_dma source(%dma_start3A_176 : memref<80x16xf32, #tpu.memory_space<hbm>>) target(%arg20 : memref<80x16xf32, #tpu.memory_space<vmem>>) target_semaphore(%run_scoped3A : memref<!tpu.dma_semaphore, #tpu.memory_space<semaphore_mem>>)
          %dma_wait3A = arith.constant 0 : i32
          %dma_wait3A_177 = tpu.memref_slice %arg11[%mul3A_162, %dma_wait3A] : memref<10000x16xf32, #tpu.memory_space<hbm>> -> memref<80x16xf32, #tpu.memory_space<hbm>>
          %dma_wait3A_178 = arith.constant 0 : i32
          %dma_wait3A_179 = tpu.memref_slice %arg11[%mul3A_162, %dma_wait3A_178] : memref<10000x16xf32, #tpu.memory_space<hbm>> -> memref<80x16xf32, #tpu.memory_space<hbm>>
          tpu.wait_dma2 semaphore(%run_scoped3A : memref<!tpu.dma_semaphore, #tpu.memory_space<semaphore_mem>>) src(%dma_wait3A_179 : memref<80x16xf32, #tpu.memory_space<hbm>>) dst(%arg20 : memref<80x16xf32, #tpu.memory_space<vmem>>)
          tpu.yield
        }) : () -> ()
        %scan3A_166 = arith.constant 0 : i32
        %scan3A_167 = arith.constant 0 : i32
        %scan3A_168 = arith.constant 80 : i32
        %scan3A_169 = arith.addi %scan3A_167, %scan3A_168 : i32
        %scan3A_170 = arith.constant 1 : i32
        %scan3A_171 = scf.for %scan3A_173 = %scan3A_167 to %scan3A_169 step %scan3A_170 iter_args(%scan3A_174 = %scan3A_166) -> (i32)  : i32 {
          %get3A = arith.index_cast %scan3A_173 : i32 to index
          %get3A_175 = arith.constant 0 : index
          %get3A_176 = tpu.vector_load %arg20[%get3A, %get3A_175] {strides = array<i32>} : memref<80x16xf32, #tpu.memory_space<vmem>>, vector<1x16xf32>,
          %get3A_177 = vector.shape_cast %get3A_176 : vector<1x16xf32> to vector<16xf32>
          %get3A_178 = arith.index_cast %scan3A_173 : i32 to index
          %get3A_179 = arith.constant 0 : index
          %get3A_180 = tpu.vector_load %arg19[%get3A_178, %get3A_179] {strides = array<i32>} : memref<80x128xf32, #tpu.memory_space<vmem>>, vector<1x16xf32>,
          %get3A_181 = vector.shape_cast %get3A_180 : vector<1x16xf32> to vector<16xf32>
          %mul3A_182 = arith.mulf %get3A_181, %get3A_177 : vector<16xf32>
          %swap3A = arith.index_cast %scan3A_173 : i32 to index
          %swap3A_183 = arith.constant 0 : index
          %swap3A_184 = tpu.vector_load %arg19[%swap3A, %swap3A_183] {strides = array<i32>} : memref<80x128xf32, #tpu.memory_space<vmem>>, vector<1x16xf32>,
          %swap3A_185 = vector.shape_cast %swap3A_184 : vector<1x16xf32> to vector<16xf32>
          %swap3A_186 = vector.shape_cast %mul3A_182 : vector<16xf32> to vector<1x16xf32>
          tpu.vector_store %arg19[%swap3A, %swap3A_183], %swap3A_186 {strides = array<i32>} : memref<80x128xf32, #tpu.memory_space<vmem>>, vector<1x16xf32>,
          %get3A_187 = arith.index_cast %scan3A_173 : i32 to index
          %get3A_188 = arith.constant 16 : index
          %get3A_189 = tpu.vector_load %arg19[%get3A_187, %get3A_188] {strides = array<i32>} : memref<80x128xf32, #tpu.memory_space<vmem>>, vector<1x16xf32>,
          %get3A_190 = vector.shape_cast %get3A_189 : vector<1x16xf32> to vector<16xf32>
          %mul3A_191 = arith.mulf %get3A_190, %get3A_177 : vector<16xf32>
          %swap3A_192 = arith.index_cast %scan3A_173 : i32 to index
          %swap3A_193 = arith.constant 16 : index
          %swap3A_194 = tpu.vector_load %arg19[%swap3A_192, %swap3A_193] {strides = array<i32>} : memref<80x128xf32, #tpu.memory_space<vmem>>, vector<1x16xf32>,
          %swap3A_195 = vector.shape_cast %swap3A_194 : vector<1x16xf32> to vector<16xf32>
          %swap3A_196 = vector.shape_cast %mul3A_191 : vector<16xf32> to vector<1x16xf32>
          tpu.vector_store %arg19[%swap3A_192, %swap3A_193], %swap3A_196 {strides = array<i32>} : memref<80x128xf32, #tpu.memory_space<vmem>>, vector<1x16xf32>,
          %get3A_197 = arith.index_cast %scan3A_173 : i32 to index
          %get3A_198 = arith.constant 32 : index
          %get3A_199 = tpu.vector_load %arg19[%get3A_197, %get3A_198] {strides = array<i32>} : memref<80x128xf32, #tpu.memory_space<vmem>>, vector<1x16xf32>,
          %get3A_200 = vector.shape_cast %get3A_199 : vector<1x16xf32> to vector<16xf32>
          %mul3A_201 = arith.mulf %get3A_200, %get3A_177 : vector<16xf32>
          %swap3A_202 = arith.index_cast %scan3A_173 : i32 to index
          %swap3A_203 = arith.constant 32 : index
          %swap3A_204 = tpu.vector_load %arg19[%swap3A_202, %swap3A_203] {strides = array<i32>} : memref<80x128xf32, #tpu.memory_space<vmem>>, vector<1x16xf32>,
          %swap3A_205 = vector.shape_cast %swap3A_204 : vector<1x16xf32> to vector<16xf32>
          %swap3A_206 = vector.shape_cast %mul3A_201 : vector<16xf32> to vector<1x16xf32>
          tpu.vector_store %arg19[%swap3A_202, %swap3A_203], %swap3A_206 {strides = array<i32>} : memref<80x128xf32, #tpu.memory_space<vmem>>, vector<1x16xf32>,
          %get3A_207 = arith.index_cast %scan3A_173 : i32 to index
          %get3A_208 = arith.constant 48 : index
          %get3A_209 = tpu.vector_load %arg19[%get3A_207, %get3A_208] {strides = array<i32>} : memref<80x128xf32, #tpu.memory_space<vmem>>, vector<1x16xf32>,
          %get3A_210 = vector.shape_cast %get3A_209 : vector<1x16xf32> to vector<16xf32>
          %mul3A_211 = arith.mulf %get3A_210, %get3A_177 : vector<16xf32>
          %swap3A_212 = arith.index_cast %scan3A_173 : i32 to index
          %swap3A_213 = arith.constant 48 : index
          %swap3A_214 = tpu.vector_load %arg19[%swap3A_212, %swap3A_213] {strides = array<i32>} : memref<80x128xf32, #tpu.memory_space<vmem>>, vector<1x16xf32>,
          %swap3A_215 = vector.shape_cast %swap3A_214 : vector<1x16xf32> to vector<16xf32>
          %swap3A_216 = vector.shape_cast %mul3A_211 : vector<16xf32> to vector<1x16xf32>
          tpu.vector_store %arg19[%swap3A_212, %swap3A_213], %swap3A_216 {strides = array<i32>} : memref<80x128xf32, #tpu.memory_space<vmem>>, vector<1x16xf32>,
          %get3A_217 = arith.index_cast %scan3A_173 : i32 to index
          %get3A_218 = arith.constant 64 : index
          %get3A_219 = tpu.vector_load %arg19[%get3A_217, %get3A_218] {strides = array<i32>} : memref<80x128xf32, #tpu.memory_space<vmem>>, vector<1x16xf32>,
          %get3A_220 = vector.shape_cast %get3A_219 : vector<1x16xf32> to vector<16xf32>
          %mul3A_221 = arith.mulf %get3A_220, %get3A_177 : vector<16xf32>
          %swap3A_222 = arith.index_cast %scan3A_173 : i32 to index
          %swap3A_223 = arith.constant 64 : index
          %swap3A_224 = tpu.vector_load %arg19[%swap3A_222, %swap3A_223] {strides = array<i32>} : memref<80x128xf32, #tpu.memory_space<vmem>>, vector<1x16xf32>,
          %swap3A_225 = vector.shape_cast %swap3A_224 : vector<1x16xf32> to vector<16xf32>
          %swap3A_226 = vector.shape_cast %mul3A_221 : vector<16xf32> to vector<1x16xf32>
          tpu.vector_store %arg19[%swap3A_222, %swap3A_223], %swap3A_226 {strides = array<i32>} : memref<80x128xf32, #tpu.memory_space<vmem>>, vector<1x16xf32>,
          %get3A_227 = arith.index_cast %scan3A_173 : i32 to index
          %get3A_228 = arith.constant 80 : index
          %get3A_229 = tpu.vector_load %arg19[%get3A_227, %get3A_228] {strides = array<i32>} : memref<80x128xf32, #tpu.memory_space<vmem>>, vector<1x16xf32>,
          %get3A_230 = vector.shape_cast %get3A_229 : vector<1x16xf32> to vector<16xf32>
          %mul3A_231 = arith.mulf %get3A_230, %get3A_177 : vector<16xf32>
          %swap3A_232 = arith.index_cast %scan3A_173 : i32 to index
          %swap3A_233 = arith.constant 80 : index
          %swap3A_234 = tpu.vector_load %arg19[%swap3A_232, %swap3A_233] {strides = array<i32>} : memref<80x128xf32, #tpu.memory_space<vmem>>, vector<1x16xf32>,
          %swap3A_235 = vector.shape_cast %swap3A_234 : vector<1x16xf32> to vector<16xf32>
          %swap3A_236 = vector.shape_cast %mul3A_231 : vector<16xf32> to vector<1x16xf32>
          tpu.vector_store %arg19[%swap3A_232, %swap3A_233], %swap3A_236 {strides = array<i32>} : memref<80x128xf32, #tpu.memory_space<vmem>>, vector<1x16xf32>,
          %get3A_237 = arith.index_cast %scan3A_173 : i32 to index
          %get3A_238 = arith.constant 96 : index
          %get3A_239 = tpu.vector_load %arg19[%get3A_237, %get3A_238] {strides = array<i32>} : memref<80x128xf32, #tpu.memory_space<vmem>>, vector<1x16xf32>,
          %get3A_240 = vector.shape_cast %get3A_239 : vector<1x16xf32> to vector<16xf32>
          %mul3A_241 = arith.mulf %get3A_240, %get3A_177 : vector<16xf32>
          %swap3A_242 = arith.index_cast %scan3A_173 : i32 to index
          %swap3A_243 = arith.constant 96 : index
          %swap3A_244 = tpu.vector_load %arg19[%swap3A_242, %swap3A_243] {strides = array<i32>} : memref<80x128xf32, #tpu.memory_space<vmem>>, vector<1x16xf32>,
          %swap3A_245 = vector.shape_cast %swap3A_244 : vector<1x16xf32> to vector<16xf32>
          %swap3A_246 = vector.shape_cast %mul3A_241 : vector<16xf32> to vector<1x16xf32>
          tpu.vector_store %arg19[%swap3A_242, %swap3A_243], %swap3A_246 {strides = array<i32>} : memref<80x128xf32, #tpu.memory_space<vmem>>, vector<1x16xf32>,
          %get3A_247 = arith.index_cast %scan3A_173 : i32 to index
          %get3A_248 = arith.constant 112 : index
          %get3A_249 = tpu.vector_load %arg19[%get3A_247, %get3A_248] {strides = array<i32>} : memref<80x128xf32, #tpu.memory_space<vmem>>, vector<1x16xf32>,
          %get3A_250 = vector.shape_cast %get3A_249 : vector<1x16xf32> to vector<16xf32>
          %mul3A_251 = arith.mulf %get3A_250, %get3A_177 : vector<16xf32>
          %swap3A_252 = arith.index_cast %scan3A_173 : i32 to index
          %swap3A_253 = arith.constant 112 : index
          %swap3A_254 = tpu.vector_load %arg19[%swap3A_252, %swap3A_253] {strides = array<i32>} : memref<80x128xf32, #tpu.memory_space<vmem>>, vector<1x16xf32>,
          %swap3A_255 = vector.shape_cast %swap3A_254 : vector<1x16xf32> to vector<16xf32>
          %swap3A_256 = vector.shape_cast %mul3A_251 : vector<16xf32> to vector<1x16xf32>
          tpu.vector_store %arg19[%swap3A_252, %swap3A_253], %swap3A_256 {strides = array<i32>} : memref<80x128xf32, #tpu.memory_space<vmem>>, vector<1x16xf32>,
          %scan3A_257 = arith.constant 0 : i32
          scf.yield %scan3A_257 : i32
        }
        %scan3A_172 = arith.constant 80 : i32
        "tpu.region"() ({
          %run_scoped3A = tpu.sem_alloc : memref<!tpu.dma_semaphore, #tpu.memory_space<semaphore_mem>>
          %dma_start3A_173 = arith.constant 0 : i32
          %dma_start3A_174 = tpu.memref_slice %arg9[%add3A_165, %dma_start3A_173] : memref<20000x128xf32, #tpu.memory_space<hbm>> -> memref<80x128xf32, #tpu.memory_space<hbm>>
          %dma_start3A_175 = arith.constant 0 : i32
          %dma_start3A_176 = tpu.memref_slice %arg9[%add3A_165, %dma_start3A_175] : memref<20000x128xf32, #tpu.memory_space<hbm>> -> memref<80x128xf32, #tpu.memory_space<hbm>>
          tpu.enqueue_dma source(%arg19 : memref<80x128xf32, #tpu.memory_space<vmem>>) target(%dma_start3A_176 : memref<80x128xf32, #tpu.memory_space<hbm>>) target_semaphore(%run_scoped3A : memref<!tpu.dma_semaphore, #tpu.memory_space<semaphore_mem>>)
          %dma_wait3A = arith.constant 0 : i32
          %dma_wait3A_177 = tpu.memref_slice %arg9[%add3A_165, %dma_wait3A] : memref<20000x128xf32, #tpu.memory_space<hbm>> -> memref<80x128xf32, #tpu.memory_space<hbm>>
          %dma_wait3A_178 = arith.constant 0 : i32
          %dma_wait3A_179 = tpu.memref_slice %arg9[%add3A_165, %dma_wait3A_178] : memref<20000x128xf32, #tpu.memory_space<hbm>> -> memref<80x128xf32, #tpu.memory_space<hbm>>
          tpu.wait_dma2 semaphore(%run_scoped3A : memref<!tpu.dma_semaphore, #tpu.memory_space<semaphore_mem>>) src(%arg19 : memref<80x128xf32, #tpu.memory_space<vmem>>) dst(%dma_wait3A_179 : memref<80x128xf32, #tpu.memory_space<hbm>>)
          tpu.yield
        }) : () -> ()
      } else {
      }
      %scan3A_160 = arith.constant 0 : i32
      scf.yield %scan3A_160 : i32
    }
    %scan3A_152 = arith.constant 8 : i32
    return
  }
}

module attributes {stable_mosaic.version = 14 : i64} {
  func.func @_mlp_body(%arg0: i32, %arg1: memref<2000x128xf32, #tpu.memory_space<vmem>>, %arg2: memref<2000x128xf32, #tpu.memory_space<vmem>>, %arg3: memref<2000x128xf32, #tpu.memory_space<vmem>>, %arg4: memref<2000x128xf32, #tpu.memory_space<vmem>>, %arg5: memref<2000x128xf32, #tpu.memory_space<vmem>>, %arg6: memref<128x256xf32, #tpu.memory_space<vmem>>, %arg7: memref<1x256xf32, #tpu.memory_space<vmem>>, %arg8: memref<256x64xf32, #tpu.memory_space<vmem>>, %arg9: memref<1x64xf32, #tpu.memory_space<vmem>>, %arg10: memref<2000x64xf32, #tpu.memory_space<vmem>>) attributes {dimension_semantics = [#tpu.dimension_semantics<arbitrary>], iteration_bounds = array<i64: 10>, scalar_prefetch = 0 : i64, scratch_operands = 0 : i64, tpu.core_type = #tpu.core_type<tc>, window_params = [{transform_indices = @transform_0, window_bounds = array<i64: 2000, 128>}, {transform_indices = @transform_1, window_bounds = array<i64: 2000, 128>}, {transform_indices = @transform_2, window_bounds = array<i64: 2000, 128>}, {transform_indices = @transform_3, window_bounds = array<i64: 2000, 128>}, {transform_indices = @transform_4, window_bounds = array<i64: 2000, 128>}, {pipeline_mode = #tpu.pipeline_mode<synchronous>, transform_indices = @transform_5, window_bounds = array<i64: 128, 256>}, {pipeline_mode = #tpu.pipeline_mode<synchronous>, transform_indices = @transform_6, window_bounds = array<i64: 1, 256>}, {pipeline_mode = #tpu.pipeline_mode<synchronous>, transform_indices = @transform_7, window_bounds = array<i64: 256, 64>}, {pipeline_mode = #tpu.pipeline_mode<synchronous>, transform_indices = @transform_8, window_bounds = array<i64: 1, 64>}, {transform_indices = @transform_9, window_bounds = array<i64: 2000, 64>}]} {
    %get3A = arith.constant 0 : index
    %get3A_0 = arith.constant 0 : index
    %get3A_1 = vector.load %arg1[%get3A, %get3A_0] : memref<2000x128xf32, #tpu.memory_space<vmem>>, vector<2000x128xf32>
    %get3A_2 = arith.constant 0 : index
    %get3A_3 = arith.constant 0 : index
    %get3A_4 = vector.load %arg2[%get3A_2, %get3A_3] : memref<2000x128xf32, #tpu.memory_space<vmem>>, vector<2000x128xf32>
    %add3A = arith.addf %get3A_1, %get3A_4 : vector<2000x128xf32>
    %get3A_5 = arith.constant 0 : index
    %get3A_6 = arith.constant 0 : index
    %get3A_7 = vector.load %arg3[%get3A_5, %get3A_6] : memref<2000x128xf32, #tpu.memory_space<vmem>>, vector<2000x128xf32>
    %add3A_8 = arith.addf %add3A, %get3A_7 : vector<2000x128xf32>
    %get3A_9 = arith.constant 0 : index
    %get3A_10 = arith.constant 0 : index
    %get3A_11 = vector.load %arg4[%get3A_9, %get3A_10] : memref<2000x128xf32, #tpu.memory_space<vmem>>, vector<2000x128xf32>
    %add3A_12 = arith.addf %add3A_8, %get3A_11 : vector<2000x128xf32>
    %get3A_13 = arith.constant 0 : index
    %get3A_14 = arith.constant 0 : index
    %get3A_15 = vector.load %arg5[%get3A_13, %get3A_14] : memref<2000x128xf32, #tpu.memory_space<vmem>>, vector<2000x128xf32>
    %add3A_16 = arith.addf %add3A_12, %get3A_15 : vector<2000x128xf32>
    %mul3A = arith.constant 2.000000e-01 : f32
    %mul3A_17 = vector.broadcast %mul3A : f32 to vector<2000x128xf32>
    %mul3A_18 = arith.mulf %add3A_16, %mul3A_17 : vector<2000x128xf32>
    %get3A_19 = arith.constant 0 : index
    %get3A_20 = arith.constant 0 : index
    %get3A_21 = vector.load %arg6[%get3A_19, %get3A_20] : memref<128x256xf32, #tpu.memory_space<vmem>>, vector<128x256xf32>
    %dot_general3A = arith.constant dense<0.000000e+00> : vector<2000x256xf32>
    %dot_general3A_22 = tpu.matmul %mul3A_18, %get3A_21, %dot_general3A {dimension_numbers = #tpu.dot_dimension_numbers<[1], [0], [0], [1], [0, 0, 1, 1], [], []>, transpose_lhs_hint = false} : vector<2000x128xf32>, vector<128x256xf32>, vector<2000x256xf32> -> vector<2000x256xf32>
    %get3A_23 = arith.constant 0 : index
    %get3A_24 = arith.constant 0 : index
    %get3A_25 = vector.load %arg7[%get3A_23, %get3A_24] : memref<1x256xf32, #tpu.memory_space<vmem>>, vector<1x256xf32>
    %add3A_26 = vector.broadcast %get3A_25 : vector<1x256xf32> to vector<2000x256xf32>
    %add3A_27 = arith.addf %dot_general3A_22, %add3A_26 : vector<2000x256xf32>
    %max3A = arith.constant 0.000000e+00 : f32
    %max3A_28 = vector.broadcast %max3A : f32 to vector<2000x256xf32>
    %max3A_29 = arith.maximumf %add3A_27, %max3A_28 : vector<2000x256xf32>
    %get3A_30 = arith.constant 0 : index
    %get3A_31 = arith.constant 0 : index
    %get3A_32 = vector.load %arg8[%get3A_30, %get3A_31] : memref<256x64xf32, #tpu.memory_space<vmem>>, vector<256x64xf32>
    %dot_general3A_33 = arith.constant dense<0.000000e+00> : vector<2000x64xf32>
    %dot_general3A_34 = tpu.matmul %max3A_29, %get3A_32, %dot_general3A_33 {dimension_numbers = #tpu.dot_dimension_numbers<[1], [0], [0], [1], [0, 0, 1, 1], [], []>, transpose_lhs_hint = false} : vector<2000x256xf32>, vector<256x64xf32>, vector<2000x64xf32> -> vector<2000x64xf32>
    %get3A_35 = arith.constant 0 : index
    %get3A_36 = arith.constant 0 : index
    %get3A_37 = vector.load %arg9[%get3A_35, %get3A_36] : memref<1x64xf32, #tpu.memory_space<vmem>>, vector<1x64xf32>
    %add3A_38 = vector.broadcast %get3A_37 : vector<1x64xf32> to vector<2000x64xf32>
    %add3A_39 = arith.addf %dot_general3A_34, %add3A_38 : vector<2000x64xf32>
    %reduce_max3A = arith.constant dense<0xFF800000> : vector<2000xf32>
    %reduce_max3A_40 = vector.multi_reduction <maximumf>, %add3A_39, %reduce_max3A [1] : vector<2000x64xf32> to vector<2000xf32>
    %broadcast_in_dim3A = vector.shape_cast %reduce_max3A_40 : vector<2000xf32> to vector<2000x1xf32>
    %sub3A = vector.broadcast %broadcast_in_dim3A : vector<2000x1xf32> to vector<2000x64xf32>
    %sub3A_41 = arith.subf %add3A_39, %sub3A : vector<2000x64xf32>
    %exp3A = math.exp %sub3A_41 : vector<2000x64xf32>
    %reduce_sum3A = arith.constant dense<0.000000e+00> : vector<2000xf32>
    %reduce_sum3A_42 = vector.multi_reduction <add>, %exp3A, %reduce_sum3A [1] : vector<2000x64xf32> to vector<2000xf32>
    %broadcast_in_dim3A_43 = vector.shape_cast %reduce_sum3A_42 : vector<2000xf32> to vector<2000x1xf32>
    %log3A = math.log %broadcast_in_dim3A_43 : vector<2000x1xf32>
    %add3A_44 = arith.addf %log3A, %broadcast_in_dim3A : vector<2000x1xf32>
    %sub3A_45 = vector.broadcast %add3A_44 : vector<2000x1xf32> to vector<2000x64xf32>
    %sub3A_46 = arith.subf %add3A_39, %sub3A_45 : vector<2000x64xf32>
    %swap3A = arith.constant 0 : index
    %swap3A_47 = arith.constant 0 : index
    %swap3A_48 = vector.load %arg10[%swap3A, %swap3A_47] : memref<2000x64xf32, #tpu.memory_space<vmem>>, vector<2000x64xf32>
    tpu.vector_store %arg10[%swap3A, %swap3A_47], %sub3A_46 {strides = array<i32>} : memref<2000x64xf32, #tpu.memory_space<vmem>>, vector<2000x64xf32>,
    return
  }
  func.func @transform_0(%arg0: i32) -> (i32, i32) {
    %c0_i32 = arith.constant 0 : i32
    %c0_i32_0 = arith.constant 0 : i32
    return %arg0, %c0_i32 : i32, i32
  }
  func.func @transform_1(%arg0: i32) -> (i32, i32) {
    %c0_i32 = arith.constant 0 : i32
    %c0_i32_0 = arith.constant 0 : i32
    return %arg0, %c0_i32 : i32, i32
  }
  func.func @transform_2(%arg0: i32) -> (i32, i32) {
    %c0_i32 = arith.constant 0 : i32
    %c0_i32_0 = arith.constant 0 : i32
    return %arg0, %c0_i32 : i32, i32
  }
  func.func @transform_3(%arg0: i32) -> (i32, i32) {
    %c0_i32 = arith.constant 0 : i32
    %c0_i32_0 = arith.constant 0 : i32
    return %arg0, %c0_i32 : i32, i32
  }
  func.func @transform_4(%arg0: i32) -> (i32, i32) {
    %c0_i32 = arith.constant 0 : i32
    %c0_i32_0 = arith.constant 0 : i32
    return %arg0, %c0_i32 : i32, i32
  }
  func.func @transform_5(%arg0: i32) -> (i32, i32) {
    %c0_i32 = arith.constant 0 : i32
    %c0_i32_0 = arith.constant 0 : i32
    %c0_i32_1 = arith.constant 0 : i32
    return %c0_i32, %c0_i32_0 : i32, i32
  }
  func.func @transform_6(%arg0: i32) -> (i32, i32) {
    %c0_i32 = arith.constant 0 : i32
    %c0_i32_0 = arith.constant 0 : i32
    %c0_i32_1 = arith.constant 0 : i32
    return %c0_i32, %c0_i32_0 : i32, i32
  }
  func.func @transform_7(%arg0: i32) -> (i32, i32) {
    %c0_i32 = arith.constant 0 : i32
    %c0_i32_0 = arith.constant 0 : i32
    %c0_i32_1 = arith.constant 0 : i32
    return %c0_i32, %c0_i32_0 : i32, i32
  }
  func.func @transform_8(%arg0: i32) -> (i32, i32) {
    %c0_i32 = arith.constant 0 : i32
    %c0_i32_0 = arith.constant 0 : i32
    %c0_i32_1 = arith.constant 0 : i32
    return %c0_i32, %c0_i32_0 : i32, i32
  }
  func.func @transform_9(%arg0: i32) -> (i32, i32) {
    %c0_i32 = arith.constant 0 : i32
    %c0_i32_0 = arith.constant 0 : i32
    return %arg0, %c0_i32 : i32, i32
  }
}

</mosaic_0001>

<sc_bundles>
// kernel: kernel.4.cloned.1.call-start
scs
__scs_entry_jumppad:
0x0: {  	(pc) =	sbr.rel $0x88, $3  }
0x1: {  	(tag) =	ssettag $0x0;
	lr =	simm.s32 $0x1  }
0x2: {  	[smem:$0x3F9B] =	sst lr;
	_ =	strace $0xD0000000  }
0x3: {  	_ = 	snop  }
0x4: {  	_ = 	snop  }
0x5: {  	_ = 	snop  }
0x6: {  	_ = 	snop  }
0x7: {  	_ = 	snop  }
__scs_overlays_trampoline_lowered:
0x8: {  	[smem:$0x3FAA] =	sst s0  }
0x9: {  	[smem:$0x3FAB] =	sst s1  }
0xa: {  	[smem:$0x3FAC] =	sst s2  }
0xb: {  	[smem:$0x3FAD] =	sst s3  }
0xc: {  	[smem:$0x3FAE] =	sst s4  }
0xd: {  	[smem:$0x3FAF] =	sst s5  }
0xe: {  	[smem:$0x3FB0] =	sst s6  }
0xf: {  	[smem:$0x3FB1] =	sst s7  }
0x10: {  	[smem:$0x3FB2] =	sst s8  }
0x11: {  	[smem:$0x3FB3] =	sst s9;
	s0 =	simm.s32 @!p0 $0x0  }
0x12: {  	s1 =	sld [smem:$0x3F99];
	s0 =	simm.s32 @p0 $0x1  }
0x13: {  	[smem:$0x3FB4] =	sst s0;
	s0 =	simm.s32 @!p1 $0x0  }
0x14: {  	s2 =	sld [smem:$0x3F98];
	s0 =	simm.s32 @p1 $0x1  }
0x15: {  	[smem:$0x3FB5] =	sst s0;
	s0 =	simm.s32 @!p2 $0x0  }
0x16: {  	s3 =	sld [smem:$0x3FDB];
	s0 =	simm.s32 @p2 $0x1  }
0x17: {  	s4 =	simm.s32 $0x1BF5;
	[smem:$0x3FB7] =	sst s0  }
0x18: {  	s0 =	sld [smem:$0x3F9A];
	_ =	swait.ge [sflag:s4], $0x0  }
0x19: {  	s7 =	sld [smem:$0x3F9B]  }
0x1a: {  	s8 =	sadd.s32 $0xFFFFE003, lr  }
0x1b: {  	s9 =	sadd.s32 $0xFFFFFEF7, lr;
	s5 =	simm.s32 $0xFFFFFFFF;
	p2 =	slt.u32 s8, $0xFFFFF086  }
0x1c: {  	p1 =	slt.u32 s9, $0xF7A;
	s5 =	simm.s32 @!p2 $0x0  }
0x1d: {  	s5 =	simm.s32 @p1 $0x1;
	p0 =	seq.s32 s7, s2  }
0x1e: {  	s7 =	smul.u32 @!p0 $0xF7A, s2;
	p2 =	seq.s32 @!p0 s5, $0x0  }
0x1f: {  	s9 =	smul.u32 $0xF7A, s1;
	s8 =	simm.s32 @!p0 $0x1BF5;
	p2 =	por !p2, p0  }
0x20: {  	[sflag:s8] =	ssyncset.s32 @!p0 $0xFFFFF086;
	s6 =	sadd.s32 @!p0 s3, s7;
	s7 =	simm.s32 @!p0 $0x108  }
0x21: {  	s3 =	sadd.s32 s3, s9;
	s6 =	sadd.s32 @!p0 $0x88, s6;
	s7 =	simm.s32 @p2 $0x1082  }
0x22: {  	[simem:s7], [sflag:s8] =	dma.local @!p0 [hbm:s6], $0xF7A  }
0x23: {  	s9 =	sor.u32 $0xD0000000, s2;
	s6 =	simm.s32 $0x108;
	_ =	swait.ge @!p0 [sflag:s8], $0x0  }
0x24: {  	s3 =	sadd.s32 $0x88, s3;
	s6 =	simm.s32 @!p1 $0x1082;
	[sflag:s4] =	ssyncset.s32 $0xFFFFF086  }
0x25: {  	[simem:s6], [sflag:s4] =	dma.local [hbm:s3], $0xF7A  }
0x26: {  	[smem:$0x3F9B] =	sst s1;
	(tag) =	ssettag s2;
	_ =	strace s9  }
0x27: {  	s1 =	sld [smem:$0x3FAB]  }
0x28: {  	s2 =	sld [smem:$0x3FAC]  }
0x29: {  	s4 =	sld [smem:$0x3FAE]  }
0x2a: {  	p0 =	seq.s32 s5, $0x0;
	s5 =	sld [smem:$0x3FAF]  }
0x2b: {  	s6 =	sld [smem:$0x3FB0]  }
0x2c: {  	s7 =	sld [smem:$0x3FB1]  }
0x2d: {  	s3 =	simm.s32 $0x108;
	s8 =	sld [smem:$0x3FB2]  }
0x2e: {  	s3 =	simm.s32 @!p0 $0x1082;
	s9 =	sld [smem:$0x3FB3]  }
0x2f: {  	lr =	sadd.s32 s0, s3;
	s0 =	sld [smem:$0x3FAA]  }
0x30: {  	s3 =	sld [smem:$0x3FAD]  }
0x31: {  	[smem:$0x3FB6] =	sst s10  }
0x32: {  	s10 =	sld [smem:$0x3FB4];
	_ =	sdelay $0x3  }
0x33: {  	p0 =	seq.s32 s10, $0x1;
	s10 =	sld [smem:$0x3FB6];
	_ =	sdelay $0x3  }
0x34: {  	[smem:$0x3FB6] =	sst s10  }
0x35: {  	s10 =	sld [smem:$0x3FB5];
	_ =	sdelay $0x3  }
0x36: {  	p1 =	seq.s32 s10, $0x1;
	s10 =	sld [smem:$0x3FB6];
	_ =	sdelay $0x3  }
0x37: {  	[smem:$0x3FB6] =	sst s10  }
0x38: {  	s10 =	sld [smem:$0x3FB7]  }
0x39: {  	_ = 	snop;
	(pc) =	sbr.ind lr, $3  }
0x3a: {  	_ = 	snop  }
0x3b: {  	_ = 	snop  }
0x3c: {  	p2 =	seq.s32 s10, $0x1;
	s10 =	sld [smem:$0x3FB6]  }
0x3d: {  	_ =	shalt  }
0x3e: {  	_ =	shalt  }
0x3f: {  	_ =	shalt  }
0x40: {  	_ =	shalt  }
0x41: {  	_ =	shalt  }
0x42: {  	_ =	shalt  }
0x43: {  	_ =	shalt  }
0x44: {  	_ =	shalt  }
0x45: {  	_ =	shalt  }
0x46: {  	_ =	shalt  }
0x47: {  	_ =	shalt  }
0x48: {  	_ =	shalt  }
0x49: {  	_ =	shalt  }
0x4a: {  	_ =	shalt  }
0x4b: {  	_ =	shalt  }
0x4c: {  	_ =	shalt  }
0x4d: {  	_ =	shalt  }
0x4e: {  	_ =	shalt  }
0x4f: {  	_ =	shalt  }
0x50: {  	_ =	shalt  }
0x51: {  	_ =	shalt  }
0x52: {  	_ =	shalt  }
0x53: {  	_ =	shalt  }
0x54: {  	_ =	shalt  }
0x55: {  	_ =	shalt  }
0x56: {  	_ =	shalt  }
0x57: {  	_ =	shalt  }
0x58: {  	_ =	shalt  }
0x59: {  	_ =	shalt  }
0x5a: {  	_ =	shalt  }
0x5b: {  	_ =	shalt  }
0x5c: {  	_ =	shalt  }
0x5d: {  	_ =	shalt  }
0x5e: {  	_ =	shalt  }
0x5f: {  	_ =	shalt  }
0x60: {  	_ =	shalt  }
0x61: {  	_ =	shalt  }
0x62: {  	_ =	shalt  }
0x63: {  	_ =	shalt  }
0x64: {  	_ =	shalt  }
0x65: {  	_ =	shalt  }
0x66: {  	_ =	shalt  }
0x67: {  	_ =	shalt  }
0x68: {  	_ =	shalt  }
0x69: {  	_ =	shalt  }
0x6a: {  	_ =	shalt  }
0x6b: {  	_ =	shalt  }
0x6c: {  	_ =	shalt  }
0x6d: {  	_ =	shalt  }
0x6e: {  	_ =	shalt  }
0x6f: {  	_ =	shalt  }
0x70: {  	_ =	shalt  }
0x71: {  	_ =	shalt  }
0x72: {  	_ =	shalt  }
0x73: {  	_ =	shalt  }
0x74: {  	_ =	shalt  }
0x75: {  	_ =	shalt  }
0x76: {  	_ =	shalt  }
0x77: {  	_ =	shalt  }
0x78: {  	_ =	shalt  }
0x79: {  	_ =	shalt  }
0x7a: {  	_ =	shalt  }
0x7b: {  	_ =	shalt  }
0x7c: {  	_ =	shalt  }
0x7d: {  	_ =	shalt  }
0x7e: {  	_ =	shalt  }
0x7f: {  	_ =	shalt  }
0x80: {  	_ =	shalt  }
0x81: {  	_ =	shalt  }
0x82: {  	_ =	shalt  }
0x83: {  	_ =	shalt  }
0x84: {  	_ =	shalt  }
0x85: {  	_ =	shalt  }
0x86: {  	_ =	shalt  }
0x87: {  	_ =	shalt  }
.Lfunc_end0:
.L_simem_size_0:
called_computation_lowered:
.L_overlay_start_0:
0x88: {  	s2 =	sld [smem:$0x3FD9]  }
0x89: {  	s3 =	sld [smem:$0x3FFE];
	_ =	sdelay $0x1  }
0x8a: {  	s1 =	srdreg.scid  }
0x8b: {  	s0 =	sand.u32 $0x1, s1  }
0x8c: {  	s17 =	sshll.u32 s0, $0xA;
	s2 =	sadd.s32 s3, s2  }
0x8d: {  	s2 =	sadd.s32 s2, s17  }
0x8e: {  	[smem:$0x3FC2] =	sst s2  }
0x8f: {  	_ = 	snop  }
0x90: {  	s2 =	sld [smem:$0x3FD0];
	(tm) =	ssettm $0x1  }
0x91: {  	s18 =	sld [smem:$0x3FFB];
	_ =	sdelay $0x3  }
0x92: {  	_ =	strace s18  }
0x93: {  	s3 =	sld [smem:$0x3FFC];
	_ =	sdelay $0x3  }
0x94: {  	_ =	strace s3  }
0x95: {  	s3 =	sld [smem:$0x3FFD];
	_ =	sdelay $0x3  }
0x96: {  	_ =	strace s3  }
0x97: {  	_ =	strace $0x8FFFFFFF  }
0x98: {  	s19 =	sld [smem:$0x3FDB];
	_ =	sdelay $0x1  }
0x99: {  	s4 =	simm.s32 $_scs_section_size  }
0x9a: {  	s5 =	simm.s32 $_size__tile_overlayer_lowered;
	s6 =	simm.s32 $_tile_overlayer_lowered  }
0x9b: {  	s22 =	simm.s32 $0x1BFF;
	s21 =	sshll.u32 s6, $0x1;
	s3 =	sadd.s32 s4, s19  }
0x9c: {  	s7 =	simm.s32 $0x0;
	s20 =	sshll.u32 s5, $0x1;
	s5 =	sadd.s32 s21, s3  }
0x9d: {  	[timem:s7], [sflag:s22] =	dma.local [hbm:s5], s20  }
0x9e: {  	_ =	swait.ge [sflag:s22], s20  }
0x9f: {  	s4 =	ssub.s32 $0x0, s20;
	[sflag:s22] =	ssyncset.done $0x0  }
0xa0: {  	[sflag:s22] =	ssyncadd.s32 s4;
	_ =	sdelay $0x1  }
0xa1: {  	s23 =	simm.s32 $0x1B8B  }
0xa2: {  	_ =	swait.ge [sflag:s23], $0x1  }
0xa3: {  	[sflag:s23] =	ssyncset.done $0x0  }
0xa4: {  	s25 =	simm.s32 $0x1B8E;
	s24 =	sld [smem:$0x3FFE];
	[sflag:s23] =	ssyncadd.s32 $0xFFFFFFFF  }
0xa5: {  	s26 =	simm.s32 $execute0_lowered;
	[smem:$0x3FD2] =	sst s25  }
0xa6: {  	s5 =	sshll.u32 s26, $0x1;
	_ =	strace $0x80000046;
	[dreg:$0x1] =	wrdreg $0xFFFFFFFF  }
0xa7: {  	s28 =	simm.s32 $_size_execute0_lowered;
	s3 =	sadd.s32 s3, s5;
	[dreg:$0x0] =	wrdreg $0x0  }
0xa8: {  	s5 =	sshll.u32 s28, $0x1;
	[dreg:$0x2] =	wrdreg s3  }
0xa9: {  	[dreg:$0x3] =	wrdreg s5  }
0xaa: {  	[dreg:$0x4] =	wrdreg $0xC0  }
0xab: {  	_ =	task [dreg:s7], $0x5FFFF  }
0xac: {  	[dreg:$0x1] =	wrdreg $0xFFFFFFFF  }
0xad: {  	[dreg:$0x0] =	wrdreg $0x60  }
0xae: {  	[dreg:$0x2] =	wrdreg s24  }
0xaf: {  	[dreg:$0x3] =	wrdreg s2  }
0xb0: {  	[dreg:$0x4] =	wrdreg $0x0  }
0xb1: {  	[dreg:$0x5] =	wrdreg $0x9  }
0xb2: {  	_ =	task.clear_ibuf [dreg:s7], $0x6FFFF;
	_ =	strace $0x90000046  }
0xb3: {  	s29 =	simm.s32 $0x9;
	_ =	strace $0x80000048  }
0xb4: {  	_ =	swait.ge [sflag:s29], $0x1  }
0xb5: {  	[sflag:s29] =	ssyncadd.s32 $0xFFFFFFFF  }
0xb6: {  	_ =	strace $0x90000048  }
0xb7: {  	_ =	sfence  }
0xb8: {  	s30 =	sld [smem:$0x0];
	_ =	sdelay $0x2  }
0xb9: {  	s31 =	sshll.u32 s1, $0xD;
	s1 =	sshrl.u32 s1, $0x2  }
0xba: {  	s3 =	sand.u32 $0x4000, s31;
	s1 =	sadd.s32 s1, s30  }
0xbb: {  	s0 =	sor.u32 s3, s0;
	s1 =	sshll.u32 s1, $0x11  }
0xbc: {  	s0 =	sor.u32 s1, s0  }
0xbd: {  	s0 =	sadd.s32 $0x8F2B, s0  }
0xbe: {  	[sflag:s0] =	ssyncadd.remote.s32 $0x1  }
0xbf: {  	_ =	sfence.sel $0xFFFF  }
0xc0: {  	[dreg:$0x0] =	wrdreg $0xFFFFFFFF;
	(pc) =	sbr.abs _section_cstart, $3  }
0xc1: {  	[dreg:$0x1] =	wrdreg $0xFFFFFFFF  }
0xc2: {  	_ =	task.clear_ibuf [dreg:s7], $0x2FFFF;
	_ =	strace $0x9FFFFFFF  }
0xc3: {  	(tm) =	ssettm $0x7FFFFFFF  }
tec
execute0_lowered:
.L_overlay_start_1:
0x0: {  	(tag) =	ssettag $0x1  }
0x1: {  	s0 =	rddreg [dreg:$0x0]  }
0x2: {  	s2 =	rddreg [dreg:$0x2];
	s3 =	simm.s32 $0x0  }
0x3: {  	s1 =	srdreg.scid;
	s28 =	simm.s32 $0x50;
	s29 =	simm.s32 $0x13A80  }
0x4: {  	s30 =	simm.s32 $0x13980;
	s31 =	simm.s32 $0x16280;
	[smem:$0x7FF] =	sst s3  }
0x5: {  	s21 =	sadd.s32 $0x1F600, s0;
	s5 =	sadd.s32 $0xBC00, s0;
	s4 =	sadd.s32 $0x1E00, s0  }
0x6: {  	s7 =	sadd.s32 $0x6D800, s0;
	s1 =	sand.u32 $0x1, s1;
	s6 =	sadd.s32 $0xE2C00, s0  }
0x7: {  	s9 =	sadd.s32 $0x130E00, s0;
	_ =	strace $0x80000047;
	[dreg:$0x5] =	wrdreg s6  }
0x8: {  	s22 =	sadd.s32 $0x17F000, s0;
	s8 =	smul.u32 $0x27100, s1;
	s6 =	stileid.u32  }
0x9: {  	s11 =	sadd.s32 $0xBBA00, s0;
	[dreg:$0x6] =	wrdreg s9;
	s14 =	smul.u32 $0x4E200, s1  }
0xa: {  	[dreg:$0x7] =	wrdreg s22;
	s24 =	ssub.s32 $0x2, s1;
	s13 =	smul.u32 $0x2710, s1  }
0xb: {  	[dreg:$0x4] =	wrdreg s21;
	s23 =	smul.u32 $0x4E20, s6;
	s10 =	sshrl.u32 s24, $0x1  }
0xc: {  	s26 =	smul.u32 $0xA000, s6;
	s15 =	sor.u32 $0x70, s6;
	s8 =	sadd.s32 s8, s0  }
0xd: {  	s0 =	ssub.s32 s24, s10;
	s16 =	smul.u32 $0xA000, s15;
	p0 =	sgt.u32 s15, $0x7C  }
0xe: {  	s12 =	sshrl.u32 s23, $0x3;
	s1 =	sadd.s32 s23, s14;
	s0 =	smax.u32 s0, $0x1  }
0xf: {  	s18 =	sshrl.u32 s26, $0x2;
	s25 =	sadd.s32 s5, s12;
	[dreg:$0xc] =	wrdreg s0  }
0x10: {  	s12 =	sadd.s32 s4, s12;
	s17 =	sshrl.u32 s1, $0x3;
	[dreg:$0x8] =	wrdreg s25  }
0x11: {  	s15 =	sadd.s32 $0x50, s1;
	s1 =	sadd.s32 $0xA0, s1;
	[dreg:$0x9] =	wrdreg s12  }
0x12: {  	s9 =	sadd.s32 $0x4DD0, s23;
	s10 =	sadd.s32 s18, s2;
	[dreg:$0x12] =	wrdreg s1  }
0x13: {  	s19 =	sshrl.u32 s16, $0x2;
	s12 =	sadd.s32 s5, s17;
	[dreg:$0xd] =	wrdreg s10  }
0x14: {  	s22 =	sshrl.u32 s9, $0x3;
	s20 =	sadd.s32 s19, s2;
	[dreg:$0xa] =	wrdreg s12  }
0x15: {  	s24 =	smul.u32 $0x9C4, s6;
	s26 =	sadd.s32 s5, s22;
	[dreg:$0xe] =	wrdreg s20  }
0x16: {  	s23 =	sadd.s32 s14, s9;
	s0 =	sadd.s32 s4, s22;
	[dreg:$0xf] =	wrdreg s26  }
0x17: {  	s25 =	sadd.s32 $0x1CD200, s8;
	s16 =	sadd.s32 $0x28000, s10;
	[dreg:$0x10] =	wrdreg s0  }
0x18: {  	s14 =	sshrl.u32 s23, $0x3;
	s17 =	sadd.s32 $0x50000, s10;
	[dreg:$0x13] =	wrdreg s16  }
0x19: {  	s23 =	sadd.s32 s24, s4;
	s18 =	sadd.s32 $0x78000, s10;
	[dreg:$0x14] =	wrdreg s17  }
0x1a: {  	s24 =	sadd.s32 s24, s5;
	s19 =	sadd.s32 $0xA0000, s10;
	[dreg:$0x15] =	wrdreg s18  }
0x1b: {  	s22 =	sadd.s32 $0xF0000, s10;
	s4 =	simm.s32 $0x0;
	[dreg:$0x16] =	wrdreg s19  }
0x1c: {  	s0 =	sadd.s32 s5, s14;
	s20 =	sadd.s32 $0xC8000, s10;
	[dreg:$0x18] =	wrdreg s22  }
.Ltmp0:
0x1d: {  	s17 =	simm.s32 $0x18A80;
	s19 =	simm.s32 $0x3;
	(pc) =	sbr.rel .LBB2_1-.Ltmp0, $4  }
0x1e: {  	s12 =	simm.s32 $0x2;
	s18 =	simm.s32 $0x4;
	[dreg:$0xb] =	wrdreg s25  }
0x1f: {  	s22 =	simm.s32 $0x13900;
	s14 =	simm.s32 $0x13A00;
	[dreg:$0x11] =	wrdreg s0  }
0x20: {  	s0 =	sshrl.u32 s15, $0x3;
	[dreg:$0x17] =	wrdreg s20;
	s20 =	simm.s32 $0x13880  }
0x21: {  	v0 =	vimm.f32 $0.0e+00;
	v1 =	vimm.f32 $1.000000000e+00;
	s15 =	simm.s32 $0x1B280;
	s26 =	sadd.s32 s0, s5;
	s0 =	simm.s32 $0x1  }
.LBB2_73:
0x22: {  	s4 =	rddreg [dreg:$0x19]  }
0x23: {  	s1 =	rddreg [dreg:$0xc];
	s4 =	sadd.s32 $0x1, s4  }
0x24: {  	p1 =	sne.s32 s4, s1  }
.Ltmp1:
0x25: {  	_ = 	snop;
	(pc) =	sbr.rel @!p1 .LBB2_74-.Ltmp1, $1  }
0x26: {  	_ =	sdelay $0x3  }
.LBB2_1:
0x27: {  	[dreg:$0x19] =	wrdreg s4;
	s1 =	simm.s32 $0x0;
	s4 =	simm.s32 $0x200  }
.LBB2_2:
0x28: {  	p1 =	sne.s32 s4, $0x9E00;
	[tilespmem:s1+$0x162F0] =	vst v1  }
0x29: {  	[tilespmem:s1+$0x18A80] =	vst v0  }
0x2a: {  	[tilespmem:s1+$0x18A90] =	vst v0  }
0x2b: {  	[tilespmem:s1+$0x18AA0] =	vst v0  }
0x2c: {  	[tilespmem:s1+$0x18AB0] =	vst v0  }
0x2d: {  	[tilespmem:s1+$0x18AC0] =	vst v0  }
0x2e: {  	[tilespmem:s1+$0x18AD0] =	vst v0  }
0x2f: {  	[tilespmem:s1+$0x18AE0] =	vst v0  }
0x30: {  	[tilespmem:s1+$0x18AF0] =	vst v0  }
0x31: {  	[tilespmem:s1+$0x13A80] =	vst v1  }
0x32: {  	[tilespmem:s1+$0x16280] =	vst v1  }
0x33: {  	[tilespmem:s1+$0x13A90] =	vst v1  }
0x34: {  	[tilespmem:s1+$0x16290] =	vst v1  }
0x35: {  	[tilespmem:s1+$0x13AA0] =	vst v1  }
0x36: {  	[tilespmem:s1+$0x162A0] =	vst v1  }
0x37: {  	[tilespmem:s1+$0x13AB0] =	vst v1  }
0x38: {  	[tilespmem:s1+$0x162B0] =	vst v1  }
0x39: {  	[tilespmem:s1+$0x13AC0] =	vst v1  }
0x3a: {  	[tilespmem:s1+$0x162C0] =	vst v1  }
.Ltmp2:
0x3b: {  	[tilespmem:s1+$0x13AD0] =	vst v1;
	(pc) =	sbr.rel @p1 .LBB2_2-.Ltmp2, $4  }
0x3c: {  	[tilespmem:s1+$0x162D0] =	vst v1  }
0x3d: {  	[tilespmem:s1+$0x13AE0] =	vst v1  }
0x3e: {  	[tilespmem:s1+$0x162E0] =	vst v1  }
0x3f: {  	[tilespmem:s1+$0x13AF0] =	vst v1;
	s1 =	sshra.s32 s4, $0x2;
	s4 =	sadd.s32 $0x200, s4  }
0x40: {  	[tilespmem:s1+$0x162F0] =	vst v1  }
0x41: {  	[tilespmem:s1+$0x18A80] =	vst v0  }
0x42: {  	[tilespmem:s1+$0x18A90] =	vst v0  }
0x43: {  	[tilespmem:s1+$0x18AA0] =	vst v0  }
0x44: {  	[tilespmem:s1+$0x18AB0] =	vst v0  }
0x45: {  	[tilespmem:s1+$0x18AC0] =	vst v0  }
0x46: {  	[tilespmem:s1+$0x18AD0] =	vst v0  }
0x47: {  	[tilespmem:s1+$0x18AE0] =	vst v0  }
0x48: {  	[tilespmem:s1+$0x18AF0] =	vst v0  }
0x49: {  	[tilespmem:s1+$0x13A80] =	vst v1  }
0x4a: {  	[tilespmem:s1+$0x16280] =	vst v1  }
0x4b: {  	[tilespmem:s1+$0x13A90] =	vst v1  }
0x4c: {  	[tilespmem:s1+$0x16290] =	vst v1  }
0x4d: {  	[tilespmem:s1+$0x13AA0] =	vst v1  }
0x4e: {  	[tilespmem:s1+$0x162A0] =	vst v1  }
0x4f: {  	[tilespmem:s1+$0x13AB0] =	vst v1  }
0x50: {  	[tilespmem:s1+$0x162B0] =	vst v1  }
0x51: {  	[tilespmem:s1+$0x13AC0] =	vst v1  }
0x52: {  	[tilespmem:s1+$0x162C0] =	vst v1  }
0x53: {  	[tilespmem:s1+$0x13AD0] =	vst v1  }
0x54: {  	[tilespmem:s1+$0x162D0] =	vst v1  }
0x55: {  	[tilespmem:s1+$0x13AE0] =	vst v1  }
0x56: {  	[tilespmem:s1+$0x162E0] =	vst v1  }
0x57: {  	[tilespmem:s1+$0x13AF0] =	vst v1;
	s16 =	rddreg [dreg:$0xd]  }
0x58: {  	[spmem:s16] =	stream.linear.scatter [tilespmem:s17], [sflag:$0x3], $0x2800, $0x38;
	[tilespmem:$0x1DA80] =	vst v63  }
0x59: {  	_ =	swait.ge [sflag:s19], $0x2800  }
0x5a: {  	[sflag:s19] =	ssyncset.done $0x0  }
0x5b: {  	s21 =	rddreg [dreg:$0x13];
	[sflag:s19] =	ssyncadd.s32 $0xFFFFD800  }
0x5c: {  	[spmem:s21] =	stream.linear.scatter [tilespmem:s17], [sflag:$0x3], $0x2800, $0x38;
	[tilespmem:$0x1DA80] =	vst v63  }
0x5d: {  	_ =	swait.ge [sflag:s19], $0x2800  }
0x5e: {  	[sflag:s19] =	ssyncset.done $0x0  }
0x5f: {  	s25 =	rddreg [dreg:$0x14];
	[sflag:s19] =	ssyncadd.s32 $0xFFFFD800  }
0x60: {  	[spmem:s25] =	stream.linear.scatter [tilespmem:s17], [sflag:$0x3], $0x2800, $0x38;
	[tilespmem:$0x1DA80] =	vst v63  }
0x61: {  	_ =	swait.ge [sflag:s19], $0x2800  }
0x62: {  	[sflag:s19] =	ssyncset.done $0x0  }
0x63: {  	s4 =	rddreg [dreg:$0x15];
	[sflag:s19] =	ssyncadd.s32 $0xFFFFD800  }
0x64: {  	[spmem:s4] =	stream.linear.scatter [tilespmem:s17], [sflag:$0x3], $0x2800, $0x38;
	[tilespmem:$0x1DA80] =	vst v63  }
0x65: {  	_ =	swait.ge [sflag:s19], $0x2800  }
0x66: {  	[sflag:s19] =	ssyncset.done $0x0  }
0x67: {  	s8 =	rddreg [dreg:$0x16];
	[sflag:s19] =	ssyncadd.s32 $0xFFFFD800  }
0x68: {  	[spmem:s8] =	stream.linear.scatter [tilespmem:s17], [sflag:$0x3], $0x2800, $0x38;
	[tilespmem:$0x1DA80] =	vst v63  }
0x69: {  	_ =	swait.ge [sflag:s19], $0x2800  }
0x6a: {  	[sflag:s19] =	ssyncset.done $0x0  }
0x6b: {  	s9 =	rddreg [dreg:$0x17];
	[sflag:s19] =	ssyncadd.s32 $0xFFFFD800  }
0x6c: {  	[spmem:s9] =	stream.linear.scatter [tilespmem:s17], [sflag:$0x3], $0x2800, $0x38;
	[tilespmem:$0x1DA80] =	vst v63  }
0x6d: {  	_ =	swait.ge [sflag:s19], $0x2800  }
0x6e: {  	[sflag:s19] =	ssyncset.done $0x0  }
0x6f: {  	s10 =	rddreg [dreg:$0x18];
	[sflag:s19] =	ssyncadd.s32 $0xFFFFD800  }
0x70: {  	[spmem:s10] =	stream.linear.scatter [tilespmem:s17], [sflag:$0x3], $0x2800, $0x38;
	[tilespmem:$0x1DA80] =	vst v63  }
0x71: {  	_ =	swait.ge [sflag:s19], $0x2800  }
0x72: {  	[sflag:s19] =	ssyncset.done $0x0  }
0x73: {  	s1 =	simm.s32 @!p0 $0x18A80;
	s4 =	rddreg [dreg:$0xe];
	[sflag:s19] =	ssyncadd.s32 $0xFFFFD800  }
0x74: {  	[spmem:s4] =	stream.linear.scatter @!p0 [tilespmem:s1], [sflag:$0x3], $0x2800, $0x38;
	[tilespmem:$0x1DA80] =	vst v63  }
0x75: {  	s1 =	simm.s32 @!p0 $0x3  }
0x76: {  	_ =	swait.ge @!p0 [sflag:s1], $0x2800  }
0x77: {  	[sflag:s1] =	ssyncset.done @!p0 $0x0  }
0x78: {  	[sflag:s1] =	ssyncadd.s32 @!p0 $0xFFFFD800  }
0x79: {  	[bflag:$0x0] =	sbarrier.arrive $0xFFFF  }
0x7a: {  	s16 =	rddreg [dreg:$0x8]  }
0x7b: {  	[tilespmem:s20], [sflag:$0x3] =	stream.linear.gather [hbm4b:s16+s3], $0x50, $0x38;
	[tilespmem:$0x1DA80] =	vst v63  }
0x7c: {  	_ =	swait.ge [sflag:s19], $0x50  }
0x7d: {  	[sflag:s19] =	ssyncset.done $0x0  }
0x7e: {  	s21 =	sadd.s32 $0xFFFFF650, s24;
	[sflag:s19] =	ssyncadd.s32 $0xFFFFFFB0  }
0x7f: {  	[spmem:s2] =	stream.indirect.scatter.add.f32 [tilespmem:s29], [sflag:$0x1], $0x80, s20, s28, $0xb8;
	[tilespmem:$0x1DA80] =	vst v63  }
0x80: {  	s25 =	sadd.s32 $0x9BA, s21  }
0x81: {  	[tilespmem:s30], [sflag:$0x3] =	stream.linear.gather [hbm4b:s25+s3], $0x50, $0x38;
	[tilespmem:$0x1DA80] =	vst v63  }
0x82: {  	_ =	swait.ge [sflag:s19], $0x50  }
0x83: {  	[sflag:s19] =	ssyncset.done $0x0  }
0x84: {  	[sflag:s19] =	ssyncadd.s32 $0xFFFFFFB0  }
0x85: {  	[spmem:s2] =	stream.indirect.scatter.add.f32 [tilespmem:s31], [sflag:$0x2], $0x80, s30, s28, $0xb8;
	[tilespmem:$0x1DA80] =	vst v63  }
0x86: {  	_ =	swait.ge [sflag:s0], $0x2800  }
0x87: {  	[sflag:s0] =	ssyncset.done $0x0  }
0x88: {  	s1 =	sadd.s32 $0x9C4, s21;
	[sflag:s0] =	ssyncadd.s32 $0xFFFFD800  }
0x89: {  	[tilespmem:s20], [sflag:$0x3] =	stream.linear.gather [hbm4b:s1+s3], $0x50, $0x38;
	[tilespmem:$0x1DA80] =	vst v63  }
0x8a: {  	_ =	swait.ge [sflag:s19], $0x50  }
0x8b: {  	[sflag:s19] =	ssyncset.done $0x0  }
0x8c: {  	[sflag:s19] =	ssyncadd.s32 $0xFFFFFFB0  }
0x8d: {  	_ =	swait.ge [sflag:s12], $0x2800  }
0x8e: {  	s1 =	simm.s32 $0xFFFFF664;
	[sflag:s12] =	ssyncset.done $0x0  }
.LBB2_4:
0x8f: {  	s8 =	smov.u32 s1  }
0x90: {  	s4 =	sadd.s32 s1, s24;
	[sflag:s12] =	ssyncadd.s32 $0xFFFFD800;
	s8 =	sadd.s32 $0x14, s1  }
0x91: {  	[spmem:s2] =	stream.indirect.scatter.add.f32 [tilespmem:s29], [sflag:$0x1], $0x80, s20, s28, $0xb8;
	[tilespmem:$0x1DA80] =	vst v63  }
0x92: {  	p1 =	sne.s32 s1, $0xFFFFFFEC;
	s9 =	sadd.s32 $0x9BA, s4  }
0x93: {  	[tilespmem:s30], [sflag:$0x3] =	stream.linear.gather [hbm4b:s9+s3], $0x50, $0x38;
	[tilespmem:$0x1DA80] =	vst v63  }
0x94: {  	_ =	swait.ge [sflag:s19], $0x50  }
0x95: {  	[sflag:s19] =	ssyncset.done $0x0  }
0x96: {  	[sflag:s19] =	ssyncadd.s32 $0xFFFFFFB0  }
0x97: {  	[spmem:s2] =	stream.indirect.scatter.add.f32 [tilespmem:s31], [sflag:$0x2], $0x80, s30, s28, $0xb8;
	[tilespmem:$0x1DA80] =	vst v63  }
0x98: {  	_ =	swait.ge [sflag:s0], $0x2800  }
0x99: {  	[sflag:s0] =	ssyncset.done $0x0  }
0x9a: {  	s1 =	sadd.s32 $0x9C4, s4;
	[sflag:s0] =	ssyncadd.s32 $0xFFFFD800  }
0x9b: {  	[tilespmem:s20], [sflag:$0x3] =	stream.linear.gather [hbm4b:s1+s3], $0x50, $0x38;
	[tilespmem:$0x1DA80] =	vst v63  }
.Ltmp3:
0x9c: {  	_ =	swait.ge [sflag:s19], $0x50;
	(pc) =	sbr.rel @p1 .LBB2_4-.Ltmp3, $4  }
0x9d: {  	[sflag:s19] =	ssyncset.done $0x0  }
0x9e: {  	[sflag:s19] =	ssyncadd.s32 $0xFFFFFFB0  }
0x9f: {  	_ =	swait.ge [sflag:s12], $0x2800  }
0xa0: {  	s1 =	smov.u32 s8;
	[sflag:s12] =	ssyncset.done $0x0  }
0xa1: {  	[sflag:s12] =	ssyncadd.s32 $0xFFFFD800  }
0xa2: {  	[spmem:s2] =	stream.indirect.scatter.add.f32 [tilespmem:s29], [sflag:$0x1], $0x80, s20, s28, $0xb8;
	[tilespmem:$0x1DA80] =	vst v63  }
0xa3: {  	s25 =	simm.s32 $0x0;
	s1 =	rddreg [dreg:$0xf]  }
0xa4: {  	[tilespmem:s30], [sflag:$0x3] =	stream.linear.gather [hbm4b:s1+s25], $0x50, $0x38;
	[tilespmem:$0x1DA80] =	vst v63  }
0xa5: {  	_ =	swait.ge [sflag:s19], $0x50  }
0xa6: {  	[sflag:s19] =	ssyncset.done $0x0  }
0xa7: {  	[sflag:s19] =	ssyncadd.s32 $0xFFFFFFB0  }
0xa8: {  	[spmem:s2] =	stream.indirect.scatter.add.f32 [tilespmem:s31], [sflag:$0x2], $0x80, s30, s28, $0xb8;
	[tilespmem:$0x1DA80] =	vst v63  }
0xa9: {  	_ =	swait.ge [sflag:s0], $0x2800  }
0xaa: {  	[sflag:s0] =	ssyncset.done $0x0  }
0xab: {  	[sflag:s0] =	ssyncadd.s32 $0xFFFFD800  }
.Ltmp4:
0xac: {  	_ =	swait.ge [sflag:s12], $0x2800;
	(pc) =	sbr.rel .LBB2_6-.Ltmp4, $3  }
0xad: {  	[sflag:s12] =	ssyncset.done $0x0  }
0xae: {  	[sflag:s12] =	ssyncadd.s32 $0xFFFFD800  }
0xaf: {  	[bflag:$0x0] =	sbarrier.arrive $0xFFFF;
	_ =	sdelay $0x1  }
.LBB2_12:
0xb0: {  	s25 =	sadd.s32 $0x1, s25  }
0xb1: {  	p1 =	sne.s32 s25, $0x8  }
.Ltmp5:
0xb2: {  	_ = 	snop;
	(pc) =	sbr.rel @!p1 .LBB2_13-.Ltmp5, $1  }
0xb3: {  	_ =	sdelay $0x3  }
.LBB2_6:
0xb4: {  	s1 =	sshll.u32 s25, $0x4  }
0xb5: {  	s4 =	sor.u32 s6, s1  }
0xb6: {  	p1 =	sgt.u32 s4, $0x7C  }
.Ltmp6:
0xb7: {  	_ = 	snop;
	(pc) =	sbr.rel @p1 .LBB2_12-.Ltmp6, $1  }
0xb8: {  	_ =	sdelay $0x3  }
0xb9: {  	s1 =	smul.u32 $0xA000, s4;
	_ =	sdelay $0x1  }
0xba: {  	s1 =	sshra.s32 s1, $0x2  }
0xbb: {  	s21 =	sadd.s32 s1, s2  }
0xbc: {  	[tilespmem:s17], [sflag:$0x4] =	stream.linear.gather [spmem:s21], $0x2800, $0x38;
	[tilespmem:$0x1DA80] =	vst v63  }
0xbd: {  	_ =	swait.ge [sflag:s18], $0x2800  }
0xbe: {  	[sflag:s18] =	ssyncset.done $0x0  }
0xbf: {  	s8 =	simm.s32 $0x0;
	[sflag:s18] =	ssyncadd.s32 $0xFFFFD800  }
0xc0: {  	v2 =	vld [tilespmem:s8+$0x18A80];
	_ =	sdelay $0x4  }
0xc1: {  	v2 =	vmax.f32 v2, $1.000000000e+00  }
0xc2: {  	vm0 =	vge.f32 v2, $2.000000000e+00  }
0xc3: {  	vm1 =	vge.f32 v2, $4.000000000e+00;
	v3 =	vsel vm0, $0x3F3504F3, v1  }
0xc4: {  	vm0 =	vge.f32 v2, $8.000000000e+00;
	v3 =	vsel vm1, $0x3F000000, v3  }
0xc5: {  	vm1 =	vge.f32 v2, $1.600000000e+01;
	v3 =	vsel vm0, $0x3EB504F3, v3  }
0xc6: {  	vm0 =	vge.f32 v2, $3.200000000e+01;
	v3 =	vsel vm1, $0x3E800000, v3  }
0xc7: {  	vm1 =	vge.f32 v2, $6.400000000e+01;
	v3 =	vsel vm0, $0x3E3504F3, v3  }
0xc8: {  	vm0 =	vge.f32 v2, $1.280000000e+02;
	v3 =	vsel vm1, $0x3E000000, v3  }
0xc9: {  	vm1 =	vge.f32 v2, $2.560000000e+02;
	v3 =	vsel vm0, $0x3DB504F3, v3  }
0xca: {  	vm0 =	vge.f32 v2, $5.120000000e+02;
	v3 =	vsel vm1, $0x3D800000, v3  }
0xcb: {  	vm1 =	vge.f32 v2, $1.024000000e+03;
	v3 =	vsel vm0, $0x3D3504F3, v3  }
0xcc: {  	vm0 =	vge.f32 v2, $2.048000000e+03;
	v3 =	vsel vm1, $0x3D000000, v3  }
0xcd: {  	vm1 =	vge.f32 v2, $4.096000000e+03;
	v3 =	vsel vm0, $0x3CB504F3, v3  }
0xce: {  	vm0 =	vge.f32 v2, $8.192000000e+03;
	v3 =	vsel vm1, $0x3C800000, v3  }
0xcf: {  	s9 =	simm.s32 $0x80;
	vm1 =	vge.f32 v2, $1.638400000e+04;
	v3 =	vsel vm0, $0x3C3504F3, v3  }
0xd0: {  	v4 =	vld [tilespmem:s9+$0x18A80];
	vm0 =	vge.f32 v2, $3.276800000e+04;
	v3 =	vsel vm1, $0x3C000000, v3  }
0xd1: {  	vm1 =	vge.f32 v2, $6.553600000e+04;
	v3 =	vsel vm0, $0x3BB504F3, v3  }
0xd2: {  	vm0 =	vge.f32 v2, $1.310720000e+05;
	v3 =	vsel vm1, $0x3B800000, v3  }
0xd3: {  	v5 =	vmul.f32 $5.000000000e-01, v2;
	vm1 =	vge.f32 v2, $2.621440000e+05;
	v2 =	vsel vm0, $0x3B3504F3, v3  }
0xd4: {  	v2 =	vsel vm1, $0x3B000000, v2  }
0xd5: {  	v3 =	vmax.f32 v4, $1.000000000e+00;
	v4 =	vmul.f32 v2, v5  }
0xd6: {  	vm0 =	vge.f32 v3, $2.000000000e+00  }
0xd7: {  	vm1 =	vge.f32 v3, $4.000000000e+00;
	v6 =	vsel vm0, $0x3F3504F3, v1;
	v4 =	vmul.f32 v4, v2  }
0xd8: {  	vm0 =	vge.f32 v3, $8.000000000e+00;
	v6 =	vsel vm1, $0x3F000000, v6  }
0xd9: {  	vm1 =	vge.f32 v3, $1.600000000e+01;
	v6 =	vsel vm0, $0x3EB504F3, v6;
	v4 =	vsub.f32 $1.500000000e+00, v4  }
0xda: {  	vm0 =	vge.f32 v3, $3.200000000e+01;
	v6 =	vsel vm1, $0x3E800000, v6  }
0xdb: {  	vm1 =	vge.f32 v3, $6.400000000e+01;
	v6 =	vsel vm0, $0x3E3504F3, v6;
	v2 =	vmul.f32 v4, v2  }
0xdc: {  	vm0 =	vge.f32 v3, $1.280000000e+02;
	v4 =	vsel vm1, $0x3E000000, v6  }
0xdd: {  	vm1 =	vge.f32 v3, $2.560000000e+02;
	v4 =	vsel vm0, $0x3DB504F3, v4;
	v6 =	vmul.f32 v2, v5  }
0xde: {  	vm0 =	vge.f32 v3, $5.120000000e+02;
	v4 =	vsel vm1, $0x3D800000, v4  }
0xdf: {  	vm1 =	vge.f32 v3, $1.024000000e+03;
	v4 =	vsel vm0, $0x3D3504F3, v4;
	v6 =	vmul.f32 v6, v2  }
0xe0: {  	vm0 =	vge.f32 v3, $2.048000000e+03;
	v4 =	vsel vm1, $0x3D000000, v4  }
0xe1: {  	vm1 =	vge.f32 v3, $4.096000000e+03;
	v4 =	vsel vm0, $0x3CB504F3, v4;
	v6 =	vsub.f32 $1.500000000e+00, v6  }
0xe2: {  	vm0 =	vge.f32 v3, $8.192000000e+03;
	v4 =	vsel vm1, $0x3C800000, v4  }
0xe3: {  	s10 =	simm.s32 $0x100;
	vm1 =	vge.f32 v3, $1.638400000e+04;
	v4 =	vsel vm0, $0x3C3504F3, v4;
	v6 =	vmul.f32 v6, v2  }
0xe4: {  	v7 =	vld [tilespmem:s10+$0x18A80];
	vm0 =	vge.f32 v3, $3.276800000e+04;
	v2 =	vsel vm1, $0x3C000000, v4  }
0xe5: {  	vm1 =	vge.f32 v3, $6.553600000e+04;
	v2 =	vsel vm0, $0x3BB504F3, v2;
	v4 =	vmul.f32 v6, v5  }
0xe6: {  	vm0 =	vge.f32 v3, $2.621440000e+05;
	v8 =	vsel vm1, $0x3B800000, v2;
	vm1 =	vge.f32 v3, $1.310720000e+05  }
0xe7: {  	v2 =	vmul.f32 $5.000000000e-01, v3;
	v3 =	vsel vm1, $0x3B3504F3, v8;
	v4 =	vmul.f32 v4, v6  }
0xe8: {  	v8 =	vsel vm0, $0x3B000000, v3  }
0xe9: {  	v3 =	vmax.f32 v7, $1.000000000e+00;
	v7 =	vmul.f32 v8, v2;
	v4 =	vsub.f32 $1.500000000e+00, v4  }
0xea: {  	vm1 =	vge.f32 v3, $2.000000000e+00;
	vm2 =	vge.f32 v3, $4.000000000e+00;
	vm0 =	vge.f32 v3, $2.621440000e+05  }
0xeb: {  	v9 =	vsel vm1, $0x3F3504F3, v1;
	v7 =	vmul.f32 v7, v8;
	v4 =	vmul.f32 v4, v6  }
0xec: {  	vm1 =	vge.f32 v3, $8.000000000e+00;
	v6 =	vsel vm2, $0x3F000000, v9;
	vm2 =	vge.f32 v3, $1.600000000e+01  }
0xed: {  	v6 =	vsel vm1, $0x3EB504F3, v6;
	v7 =	vsub.f32 $1.500000000e+00, v7;
	v62 =	vmul.f32 v4, v5  }
0xee: {  	vm1 =	vge.f32 v3, $3.200000000e+01;
	v6 =	vsel vm2, $0x3E800000, v6;
	vm2 =	vge.f32 v3, $6.400000000e+01  }
0xef: {  	v6 =	vsel vm1, $0x3E3504F3, v6;
	v8 =	vmul.f32 v7, v8;
	v7 =	vmul.f32 v62, v4  }
0xf0: {  	vm1 =	vge.f32 v3, $1.280000000e+02;
	v6 =	vsel vm2, $0x3E000000, v6;
	vm2 =	vge.f32 v3, $2.560000000e+02  }
0xf1: {  	v6 =	vsel vm1, $0x3DB504F3, v6;
	v63 =	vmul.f32 v8, v2;
	v7 =	vsub.f32 $1.500000000e+00, v7  }
0xf2: {  	vm1 =	vge.f32 v3, $5.120000000e+02;
	v6 =	vsel vm2, $0x3D800000, v6;
	vm2 =	vge.f32 v3, $1.024000000e+03  }
0xf3: {  	v6 =	vsel vm1, $0x3D3504F3, v6;
	v9 =	vmul.f32 v63, v8;
	v4 =	vmul.f32 v7, v4  }
0xf4: {  	vm1 =	vge.f32 v3, $2.048000000e+03;
	v6 =	vsel vm2, $0x3D000000, v6;
	vm2 =	vge.f32 v3, $4.096000000e+03  }
0xf5: {  	v6 =	vsel vm1, $0x3CB504F3, v6;
	v9 =	vsub.f32 $1.500000000e+00, v9;
	v10 =	vmul.f32 v4, v5  }
0xf6: {  	vm1 =	vge.f32 v3, $1.638400000e+04;
	v5 =	vsel vm2, $0x3C800000, v6;
	vm2 =	vge.f32 v3, $8.192000000e+03  }
0xf7: {  	s16 =	simm.s32 $0x180;
	s1 =	simm.s32 $0x800;
	v7 =	vsel vm2, $0x3C3504F3, v5;
	v5 =	vmul.f32 v9, v8;
	v6 =	vmul.f32 v10, v4  }
.LBB2_8:
0xf8: {  	p1 =	sne.s32 s1, $0x9E00;
	v8 =	vld [tilespmem:s16+$0x18A80];
	v7 =	vsel vm1, $0x3C000000, v7;
	vm1 =	vge.f32 v3, $3.276800000e+04;
	vm2 =	vge.f32 v3, $6.553600000e+04  }
0xf9: {  	v7 =	vsel vm1, $0x3BB504F3, v7;
	v9 =	vmul.f32 v5, v2;
	v6 =	vsub.f32 $1.500000000e+00, v6  }
0xfa: {  	v10 =	vmul.f32 $5.000000000e-01, v3;
	vm1 =	vge.f32 v3, $1.310720000e+05;
	v7 =	vsel vm2, $0x3B800000, v7  }
0xfb: {  	v3 =	vsel vm1, $0x3B3504F3, v7;
	v7 =	vmul.f32 v9, v5;
	v4 =	vmul.f32 v6, v4  }
0xfc: {  	v6 =	vsel vm0, $0x3B000000, v3  }
0xfd: {  	v3 =	vmax.f32 v8, $1.000000000e+00;
	v8 =	vmul.f32 v6, v10;
	v7 =	vsub.f32 $1.500000000e+00, v7;
	[tilespmem:s8+$0x1B280] =	vst v4;
	s8 =	smov.u32 s9;
	s9 =	smov.u32 s10;
	s10 =	smov.u32 s16  }
0xfe: {  	vm1 =	vge.f32 v3, $2.000000000e+00;
	vm2 =	vge.f32 v3, $4.000000000e+00;
	vm0 =	vge.f32 v3, $2.621440000e+05  }
0xff: {  	v4 =	vsel vm1, $0x3F3504F3, v1;
	v8 =	vmul.f32 v8, v6;
	v5 =	vmul.f32 v7, v5  }
0x100: {  	vm1 =	vge.f32 v3, $8.000000000e+00;
	v4 =	vsel vm2, $0x3F000000, v4;
	vm2 =	vge.f32 v3, $1.600000000e+01  }
0x101: {  	v4 =	vsel vm1, $0x3EB504F3, v4;
	v7 =	vsub.f32 $1.500000000e+00, v8;
	v8 =	vmul.f32 v5, v2  }
0x102: {  	vm1 =	vge.f32 v3, $3.200000000e+01;
	v4 =	vsel vm2, $0x3E800000, v4;
	vm2 =	vge.f32 v3, $6.400000000e+01  }
0x103: {  	v4 =	vsel vm1, $0x3E3504F3, v4;
	v6 =	vmul.f32 v7, v6;
	v7 =	vmul.f32 v8, v5  }
0x104: {  	vm1 =	vge.f32 v3, $1.280000000e+02;
	v4 =	vsel vm2, $0x3E000000, v4;
	vm2 =	vge.f32 v3, $2.560000000e+02  }
0x105: {  	v4 =	vsel vm1, $0x3DB504F3, v4;
	v8 =	vmul.f32 v6, v10;
	v7 =	vsub.f32 $1.500000000e+00, v7  }
0x106: {  	vm1 =	vge.f32 v3, $5.120000000e+02;
	v4 =	vsel vm2, $0x3D800000, v4;
	vm2 =	vge.f32 v3, $1.024000000e+03  }
.Ltmp7:
0x107: {  	v9 =	vsel vm1, $0x3D3504F3, v4;
	v8 =	vmul.f32 v8, v6;
	v4 =	vmul.f32 v7, v5;
	(pc) =	sbr.rel @p1 .LBB2_8-.Ltmp7, $4  }
0x108: {  	vm1 =	vge.f32 v3, $2.048000000e+03;
	v5 =	vsel vm2, $0x3D000000, v9;
	vm2 =	vge.f32 v3, $4.096000000e+03  }
0x109: {  	v5 =	vsel vm1, $0x3CB504F3, v5;
	v8 =	vsub.f32 $1.500000000e+00, v8;
	v9 =	vmul.f32 v4, v2;
	v2 =	vmovc v10  }
0x10a: {  	vm1 =	vge.f32 v3, $1.638400000e+04;
	v5 =	vsel vm2, $0x3C800000, v5;
	vm2 =	vge.f32 v3, $8.192000000e+03  }
0x10b: {  	s16 =	sshra.s32 s1, $0x2;
	s1 =	sadd.s32 $0x200, s1;
	v7 =	vsel vm2, $0x3C3504F3, v5;
	v5 =	vmul.f32 v8, v6;
	v6 =	vmul.f32 v9, v4  }
0x10c: {  	v8 =	vld [tilespmem:s16+$0x18A80];
	_ =	sdelay $0x4  }
0x10d: {  	v8 =	vmax.f32 v8, $1.000000000e+00  }
0x10e: {  	vm2 =	vge.f32 v8, $2.000000000e+00  }
0x10f: {  	vm8 =	vge.f32 v8, $4.000000000e+00;
	v9 =	vsel vm2, $0x3F3504F3, v1  }
0x110: {  	vm9 =	vge.f32 v8, $8.000000000e+00;
	v9 =	vsel vm8, $0x3F000000, v9  }
0x111: {  	vm10 =	vge.f32 v8, $1.600000000e+01;
	v9 =	vsel vm9, $0x3EB504F3, v9  }
0x112: {  	vm11 =	vge.f32 v8, $3.200000000e+01;
	v9 =	vsel vm10, $0x3E800000, v9  }
0x113: {  	vm12 =	vge.f32 v8, $6.400000000e+01;
	v9 =	vsel vm11, $0x3E3504F3, v9  }
0x114: {  	vm13 =	vge.f32 v8, $1.280000000e+02;
	v9 =	vsel vm12, $0x3E000000, v9  }
0x115: {  	vm14 =	vge.f32 v8, $2.560000000e+02;
	v9 =	vsel vm13, $0x3DB504F3, v9  }
0x116: {  	v7 =	vsel vm1, $0x3C000000, v7;
	vm15 =	vge.f32 v8, $5.120000000e+02;
	v9 =	vsel vm14, $0x3D800000, v9  }
0x117: {  	vm4 =	vge.f32 v3, $3.276800000e+04;
	vm5 =	vge.f32 v8, $1.024000000e+03;
	v9 =	vsel vm15, $0x3D3504F3, v9  }
0x118: {  	vm7 =	vge.f32 v3, $6.553600000e+04;
	vm6 =	vge.f32 v8, $2.048000000e+03;
	v9 =	vsel vm5, $0x3D000000, v9  }
0x119: {  	v7 =	vsel vm4, $0x3BB504F3, v7;
	vm8 =	vge.f32 v8, $4.096000000e+03;
	v9 =	vsel vm6, $0x3CB504F3, v9  }
0x11a: {  	v7 =	vsel vm7, $0x3B800000, v7;
	vm9 =	vge.f32 v8, $8.192000000e+03;
	v9 =	vsel vm8, $0x3C800000, v9  }
0x11b: {  	vm10 =	vge.f32 v3, $1.310720000e+05;
	vm11 =	vge.f32 v8, $1.638400000e+04;
	v9 =	vsel vm9, $0x3C3504F3, v9  }
0x11c: {  	v3 =	vmul.f32 $5.000000000e-01, v3;
	vm12 =	vge.f32 v8, $3.276800000e+04;
	v9 =	vsel vm11, $0x3C000000, v9  }
0x11d: {  	v7 =	vsel vm10, $0x3B3504F3, v7;
	vm13 =	vge.f32 v8, $6.553600000e+04;
	v9 =	vsel vm12, $0x3BB504F3, v9  }
0x11e: {  	v7 =	vsel vm0, $0x3B000000, v7;
	vm14 =	vge.f32 v8, $1.310720000e+05;
	v9 =	vsel vm13, $0x3B800000, v9  }
0x11f: {  	vm15 =	vge.f32 v8, $2.621440000e+05;
	v8 =	vmul.f32 $5.000000000e-01, v8;
	v9 =	vsel vm14, $0x3B3504F3, v9  }
0x120: {  	v10 =	vmul.f32 v7, v3;
	v9 =	vsel vm15, $0x3B000000, v9  }
0x121: {  	v11 =	vmul.f32 v9, v8  }
0x122: {  	v10 =	vmul.f32 v10, v7  }
0x123: {  	v11 =	vmul.f32 v11, v9  }
0x124: {  	v10 =	vsub.f32 $1.500000000e+00, v10  }
0x125: {  	v11 =	vsub.f32 $1.500000000e+00, v11  }
0x126: {  	v7 =	vmul.f32 v10, v7  }
0x127: {  	v9 =	vmul.f32 v11, v9  }
0x128: {  	v10 =	vmul.f32 v7, v3  }
0x129: {  	v11 =	vmul.f32 v9, v8  }
0x12a: {  	v10 =	vmul.f32 v10, v7  }
0x12b: {  	v11 =	vmul.f32 v11, v9  }
0x12c: {  	v10 =	vsub.f32 $1.500000000e+00, v10  }
0x12d: {  	v11 =	vsub.f32 $1.500000000e+00, v11  }
0x12e: {  	v7 =	vmul.f32 v10, v7  }
0x12f: {  	v55 =	vmul.f32 v5, v2;
	v9 =	vmul.f32 v11, v9  }
0x130: {  	v56 =	vmul.f32 v7, v3  }
0x131: {  	v10 =	vmul.f32 v55, v5;
	v12 =	vmul.f32 v9, v8  }
0x132: {  	v11 =	vmul.f32 v56, v7  }
0x133: {  	v10 =	vsub.f32 $1.500000000e+00, v10;
	v12 =	vmul.f32 v12, v9  }
0x134: {  	v11 =	vsub.f32 $1.500000000e+00, v11  }
0x135: {  	v57 =	vmul.f32 v10, v5;
	v58 =	vsub.f32 $1.500000000e+00, v12  }
0x136: {  	v7 =	vmul.f32 v11, v7  }
0x137: {  	v59 =	vmul.f32 v57, v2;
	v9 =	vmul.f32 v58, v9  }
0x138: {  	v60 =	vmul.f32 v7, v3  }
0x139: {  	v11 =	vmul.f32 v59, v57;
	v61 =	vmul.f32 v9, v8  }
0x13a: {  	v10 =	vmul.f32 v60, v7  }
0x13b: {  	v11 =	vsub.f32 $1.500000000e+00, v11;
	v12 =	vmul.f32 v61, v9  }
0x13c: {  	v10 =	vsub.f32 $1.500000000e+00, v10  }
0x13d: {  	v5 =	vmul.f32 v11, v57;
	v62 =	vsub.f32 $1.500000000e+00, v12  }
0x13e: {  	v7 =	vmul.f32 v10, v7  }
0x13f: {  	v2 =	vmul.f32 v5, v2;
	v9 =	vmul.f32 v62, v9  }
0x140: {  	v3 =	vmul.f32 v7, v3  }
0x141: {  	v2 =	vmul.f32 v2, v5;
	v8 =	vmul.f32 v9, v8  }
0x142: {  	v6 =	vsub.f32 $1.500000000e+00, v6;
	v3 =	vmul.f32 v3, v7  }
0x143: {  	v2 =	vsub.f32 $1.500000000e+00, v2;
	v8 =	vmul.f32 v8, v9  }
0x144: {  	v4 =	vmul.f32 v6, v4;
	v3 =	vsub.f32 $1.500000000e+00, v3  }
0x145: {  	v2 =	vmul.f32 v2, v5;
	v63 =	vsub.f32 $1.500000000e+00, v8  }
0x146: {  	[tilespmem:s8+$0x1B280] =	vst v4;
	v3 =	vmul.f32 v3, v7  }
0x147: {  	s1 =	smul.u32 $0x500, s4;
	[tilespmem:s9+$0x1B280] =	vst v2;
	v2 =	vmul.f32 v63, v9  }
0x148: {  	[tilespmem:s10+$0x1B280] =	vst v3;
	s10 =	rddreg [dreg:$0x1]  }
0x149: {  	s1 =	sadd.s32 s10, s1;
	[tilespmem:s16+$0x1B280] =	vst v2;
	s16 =	simm.s32 $0x0  }
0x14a: {  	[hbm4b:s1+s16] =	stream.linear.scatter [tilespmem:s15], [sflag:$0x4], $0x2800, $0x38;
	[tilespmem:$0x1DA80] =	vst v63  }
0x14b: {  	_ =	swait.ge [sflag:s18], $0x2800  }
0x14c: {  	[sflag:s18] =	ssyncset.done $0x0  }
0x14d: {  	s4 =	simm.s32 $0x200;
	s1 =	simm.s32 $0x0;
	[sflag:s18] =	ssyncadd.s32 $0xFFFFD800  }
.LBB2_10:
0x14e: {  	p1 =	sne.s32 s4, $0x9E00;
	[tilespmem:s1+$0x18AF0] =	vst v0  }
0x14f: {  	[tilespmem:s1+$0x18A80] =	vst v0  }
0x150: {  	[tilespmem:s1+$0x18A90] =	vst v0  }
.Ltmp8:
0x151: {  	[tilespmem:s1+$0x18AA0] =	vst v0;
	(pc) =	sbr.rel @p1 .LBB2_10-.Ltmp8, $4  }
0x152: {  	[tilespmem:s1+$0x18AB0] =	vst v0  }
0x153: {  	[tilespmem:s1+$0x18AC0] =	vst v0  }
0x154: {  	[tilespmem:s1+$0x18AD0] =	vst v0  }
0x155: {  	[tilespmem:s1+$0x18AE0] =	vst v0;
	s1 =	sshra.s32 s4, $0x2;
	s4 =	sadd.s32 $0x200, s4  }
0x156: {  	[tilespmem:s1+$0x18AF0] =	vst v0  }
0x157: {  	[tilespmem:s1+$0x18A80] =	vst v0  }
0x158: {  	[tilespmem:s1+$0x18A90] =	vst v0  }
0x159: {  	[tilespmem:s1+$0x18AA0] =	vst v0  }
0x15a: {  	[tilespmem:s1+$0x18AB0] =	vst v0  }
0x15b: {  	[tilespmem:s1+$0x18AC0] =	vst v0  }
0x15c: {  	[tilespmem:s1+$0x18AD0] =	vst v0  }
.Ltmp9:
0x15d: {  	[tilespmem:s1+$0x18AE0] =	vst v0;
	(pc) =	sbr.rel .LBB2_12-.Ltmp9, $4  }
0x15e: {  	[spmem:s21] =	stream.linear.scatter [tilespmem:s17], [sflag:$0x3], $0x2800, $0x38;
	[tilespmem:$0x1DA80] =	vst v63  }
0x15f: {  	_ =	swait.ge [sflag:s19], $0x2800  }
0x160: {  	[sflag:s19] =	ssyncset.done $0x0  }
0x161: {  	[sflag:s19] =	ssyncadd.s32 $0xFFFFD800  }
.LBB2_13:
0x162: {  	[bflag:$0x0] =	sbarrier.arrive $0xFFFF  }
0x163: {  	s1 =	rddreg [dreg:$0x9]  }
0x164: {  	[tilespmem:s20], [sflag:$0x3] =	stream.linear.gather [hbm4b:s1+s3], $0x50, $0x38;
	[tilespmem:$0x1DA80] =	vst v63  }
0x165: {  	_ =	swait.ge [sflag:s19], $0x50  }
0x166: {  	[sflag:s19] =	ssyncset.done $0x0  }
0x167: {  	s25 =	sadd.s32 $0xFFFFF650, s23;
	[sflag:s19] =	ssyncadd.s32 $0xFFFFFFB0  }
0x168: {  	[spmem:s2] =	stream.indirect.scatter.add.f32 [tilespmem:s29], [sflag:$0x1], $0x80, s20, s28, $0xb8;
	[tilespmem:$0x1DA80] =	vst v63  }
0x169: {  	s4 =	sadd.s32 $0x9BA, s25  }
0x16a: {  	[tilespmem:s30], [sflag:$0x3] =	stream.linear.gather [hbm4b:s4+s3], $0x50, $0x38;
	[tilespmem:$0x1DA80] =	vst v63  }
0x16b: {  	_ =	swait.ge [sflag:s19], $0x50  }
0x16c: {  	[sflag:s19] =	ssyncset.done $0x0  }
0x16d: {  	[sflag:s19] =	ssyncadd.s32 $0xFFFFFFB0  }
0x16e: {  	[spmem:s2] =	stream.indirect.scatter.add.f32 [tilespmem:s31], [sflag:$0x2], $0x80, s30, s28, $0xb8;
	[tilespmem:$0x1DA80] =	vst v63  }
0x16f: {  	_ =	swait.ge [sflag:s0], $0x2800  }
0x170: {  	[sflag:s0] =	ssyncset.done $0x0  }
0x171: {  	s1 =	sadd.s32 $0x9C4, s25;
	[sflag:s0] =	ssyncadd.s32 $0xFFFFD800  }
0x172: {  	[tilespmem:s20], [sflag:$0x3] =	stream.linear.gather [hbm4b:s1+s3], $0x50, $0x38;
	[tilespmem:$0x1DA80] =	vst v63  }
0x173: {  	_ =	swait.ge [sflag:s19], $0x50  }
0x174: {  	[sflag:s19] =	ssyncset.done $0x0  }
0x175: {  	[sflag:s19] =	ssyncadd.s32 $0xFFFFFFB0  }
0x176: {  	_ =	swait.ge [sflag:s12], $0x2800  }
0x177: {  	s1 =	simm.s32 $0xFFFFF664;
	[sflag:s12] =	ssyncset.done $0x0  }
.LBB2_14:
0x178: {  	s8 =	smov.u32 s1  }
0x179: {  	s4 =	sadd.s32 s1, s23;
	[sflag:s12] =	ssyncadd.s32 $0xFFFFD800;
	s8 =	sadd.s32 $0x14, s1  }
0x17a: {  	[spmem:s2] =	stream.indirect.scatter.add.f32 [tilespmem:s29], [sflag:$0x1], $0x80, s20, s28, $0xb8;
	[tilespmem:$0x1DA80] =	vst v63  }
0x17b: {  	p1 =	sne.s32 s1, $0xFFFFFFEC;
	s9 =	sadd.s32 $0x9BA, s4  }
0x17c: {  	[tilespmem:s30], [sflag:$0x3] =	stream.linear.gather [hbm4b:s9+s3], $0x50, $0x38;
	[tilespmem:$0x1DA80] =	vst v63  }
0x17d: {  	_ =	swait.ge [sflag:s19], $0x50  }
0x17e: {  	[sflag:s19] =	ssyncset.done $0x0  }
0x17f: {  	[sflag:s19] =	ssyncadd.s32 $0xFFFFFFB0  }
0x180: {  	[spmem:s2] =	stream.indirect.scatter.add.f32 [tilespmem:s31], [sflag:$0x2], $0x80, s30, s28, $0xb8;
	[tilespmem:$0x1DA80] =	vst v63  }
0x181: {  	_ =	swait.ge [sflag:s0], $0x2800  }
0x182: {  	[sflag:s0] =	ssyncset.done $0x0  }
0x183: {  	s1 =	sadd.s32 $0x9C4, s4;
	[sflag:s0] =	ssyncadd.s32 $0xFFFFD800  }
0x184: {  	[tilespmem:s20], [sflag:$0x3] =	stream.linear.gather [hbm4b:s1+s3], $0x50, $0x38;
	[tilespmem:$0x1DA80] =	vst v63  }
.Ltmp10:
0x185: {  	_ =	swait.ge [sflag:s19], $0x50;
	(pc) =	sbr.rel @p1 .LBB2_14-.Ltmp10, $4  }
0x186: {  	[sflag:s19] =	ssyncset.done $0x0  }
0x187: {  	[sflag:s19] =	ssyncadd.s32 $0xFFFFFFB0  }
0x188: {  	_ =	swait.ge [sflag:s12], $0x2800  }
0x189: {  	s1 =	smov.u32 s8;
	[sflag:s12] =	ssyncset.done $0x0  }
0x18a: {  	[sflag:s12] =	ssyncadd.s32 $0xFFFFD800  }
0x18b: {  	[spmem:s2] =	stream.indirect.scatter.add.f32 [tilespmem:s29], [sflag:$0x1], $0x80, s20, s28, $0xb8;
	[tilespmem:$0x1DA80] =	vst v63  }
0x18c: {  	s25 =	simm.s32 $0x0;
	s1 =	rddreg [dreg:$0x10]  }
0x18d: {  	[tilespmem:s30], [sflag:$0x3] =	stream.linear.gather [hbm4b:s1+s25], $0x50, $0x38;
	[tilespmem:$0x1DA80] =	vst v63  }
0x18e: {  	_ =	swait.ge [sflag:s19], $0x50  }
0x18f: {  	[sflag:s19] =	ssyncset.done $0x0  }
0x190: {  	[sflag:s19] =	ssyncadd.s32 $0xFFFFFFB0  }
0x191: {  	[spmem:s2] =	stream.indirect.scatter.add.f32 [tilespmem:s31], [sflag:$0x2], $0x80, s30, s28, $0xb8;
	[tilespmem:$0x1DA80] =	vst v63  }
0x192: {  	_ =	swait.ge [sflag:s0], $0x2800  }
0x193: {  	[sflag:s0] =	ssyncset.done $0x0  }
0x194: {  	[sflag:s0] =	ssyncadd.s32 $0xFFFFD800  }
.Ltmp11:
0x195: {  	_ =	swait.ge [sflag:s12], $0x2800;
	(pc) =	sbr.rel .LBB2_16-.Ltmp11, $3  }
0x196: {  	[sflag:s12] =	ssyncset.done $0x0  }
0x197: {  	[sflag:s12] =	ssyncadd.s32 $0xFFFFD800  }
0x198: {  	[bflag:$0x0] =	sbarrier.arrive $0xFFFF;
	_ =	sdelay $0x1  }
.LBB2_22:
0x199: {  	s25 =	sadd.s32 $0x1, s25  }
0x19a: {  	p1 =	sne.s32 s25, $0x8  }
.Ltmp12:
0x19b: {  	_ = 	snop;
	(pc) =	sbr.rel @!p1 .LBB2_23-.Ltmp12, $1  }
0x19c: {  	_ =	sdelay $0x3  }
.LBB2_16:
0x19d: {  	s1 =	sshll.u32 s25, $0x4  }
0x19e: {  	s4 =	sor.u32 s6, s1  }
0x19f: {  	p1 =	sgt.u32 s4, $0x7C  }
.Ltmp13:
0x1a0: {  	_ = 	snop;
	(pc) =	sbr.rel @p1 .LBB2_22-.Ltmp13, $1  }
0x1a1: {  	_ =	sdelay $0x3  }
0x1a2: {  	s1 =	smul.u32 $0xA000, s4;
	_ =	sdelay $0x1  }
0x1a3: {  	s1 =	sshra.s32 s1, $0x2  }
0x1a4: {  	s21 =	sadd.s32 s1, s2  }
0x1a5: {  	[tilespmem:s17], [sflag:$0x4] =	stream.linear.gather [spmem:s21], $0x2800, $0x38;
	[tilespmem:$0x1DA80] =	vst v63  }
0x1a6: {  	_ =	swait.ge [sflag:s18], $0x2800  }
0x1a7: {  	[sflag:s18] =	ssyncset.done $0x0  }
0x1a8: {  	s8 =	simm.s32 $0x0;
	[sflag:s18] =	ssyncadd.s32 $0xFFFFD800  }
0x1a9: {  	v2 =	vld [tilespmem:s8+$0x18A80];
	_ =	sdelay $0x4  }
0x1aa: {  	v2 =	vmax.f32 v2, $1.000000000e+00  }
0x1ab: {  	vm0 =	vge.f32 v2, $2.000000000e+00  }
0x1ac: {  	vm1 =	vge.f32 v2, $4.000000000e+00;
	v3 =	vsel vm0, $0x3F3504F3, v1  }
0x1ad: {  	vm0 =	vge.f32 v2, $8.000000000e+00;
	v3 =	vsel vm1, $0x3F000000, v3  }
0x1ae: {  	vm1 =	vge.f32 v2, $1.600000000e+01;
	v3 =	vsel vm0, $0x3EB504F3, v3  }
0x1af: {  	vm0 =	vge.f32 v2, $3.200000000e+01;
	v3 =	vsel vm1, $0x3E800000, v3  }
0x1b0: {  	vm1 =	vge.f32 v2, $6.400000000e+01;
	v3 =	vsel vm0, $0x3E3504F3, v3  }
0x1b1: {  	vm0 =	vge.f32 v2, $1.280000000e+02;
	v3 =	vsel vm1, $0x3E000000, v3  }
0x1b2: {  	vm1 =	vge.f32 v2, $2.560000000e+02;
	v3 =	vsel vm0, $0x3DB504F3, v3  }
0x1b3: {  	vm0 =	vge.f32 v2, $5.120000000e+02;
	v3 =	vsel vm1, $0x3D800000, v3  }
0x1b4: {  	vm1 =	vge.f32 v2, $1.024000000e+03;
	v3 =	vsel vm0, $0x3D3504F3, v3  }
0x1b5: {  	vm0 =	vge.f32 v2, $2.048000000e+03;
	v3 =	vsel vm1, $0x3D000000, v3  }
0x1b6: {  	vm1 =	vge.f32 v2, $4.096000000e+03;
	v3 =	vsel vm0, $0x3CB504F3, v3  }
0x1b7: {  	vm0 =	vge.f32 v2, $8.192000000e+03;
	v3 =	vsel vm1, $0x3C800000, v3  }
0x1b8: {  	s9 =	simm.s32 $0x80;
	vm1 =	vge.f32 v2, $1.638400000e+04;
	v3 =	vsel vm0, $0x3C3504F3, v3  }
0x1b9: {  	v4 =	vld [tilespmem:s9+$0x18A80];
	vm0 =	vge.f32 v2, $3.276800000e+04;
	v3 =	vsel vm1, $0x3C000000, v3  }
0x1ba: {  	vm1 =	vge.f32 v2, $6.553600000e+04;
	v3 =	vsel vm0, $0x3BB504F3, v3  }
0x1bb: {  	vm0 =	vge.f32 v2, $1.310720000e+05;
	v3 =	vsel vm1, $0x3B800000, v3  }
0x1bc: {  	v5 =	vmul.f32 $5.000000000e-01, v2;
	vm1 =	vge.f32 v2, $2.621440000e+05;
	v2 =	vsel vm0, $0x3B3504F3, v3  }
0x1bd: {  	v2 =	vsel vm1, $0x3B000000, v2  }
0x1be: {  	v3 =	vmax.f32 v4, $1.000000000e+00;
	v4 =	vmul.f32 v2, v5  }
0x1bf: {  	vm0 =	vge.f32 v3, $2.000000000e+00  }
0x1c0: {  	vm1 =	vge.f32 v3, $4.000000000e+00;
	v6 =	vsel vm0, $0x3F3504F3, v1;
	v4 =	vmul.f32 v4, v2  }
0x1c1: {  	vm0 =	vge.f32 v3, $8.000000000e+00;
	v6 =	vsel vm1, $0x3F000000, v6  }
0x1c2: {  	vm1 =	vge.f32 v3, $1.600000000e+01;
	v6 =	vsel vm0, $0x3EB504F3, v6;
	v4 =	vsub.f32 $1.500000000e+00, v4  }
0x1c3: {  	vm0 =	vge.f32 v3, $3.200000000e+01;
	v6 =	vsel vm1, $0x3E800000, v6  }
0x1c4: {  	vm1 =	vge.f32 v3, $6.400000000e+01;
	v6 =	vsel vm0, $0x3E3504F3, v6;
	v2 =	vmul.f32 v4, v2  }
0x1c5: {  	vm0 =	vge.f32 v3, $1.280000000e+02;
	v4 =	vsel vm1, $0x3E000000, v6  }
0x1c6: {  	vm1 =	vge.f32 v3, $2.560000000e+02;
	v4 =	vsel vm0, $0x3DB504F3, v4;
	v6 =	vmul.f32 v2, v5  }
0x1c7: {  	vm0 =	vge.f32 v3, $5.120000000e+02;
	v4 =	vsel vm1, $0x3D800000, v4  }
0x1c8: {  	vm1 =	vge.f32 v3, $1.024000000e+03;
	v4 =	vsel vm0, $0x3D3504F3, v4;
	v6 =	vmul.f32 v6, v2  }
0x1c9: {  	vm0 =	vge.f32 v3, $2.048000000e+03;
	v4 =	vsel vm1, $0x3D000000, v4  }
0x1ca: {  	vm1 =	vge.f32 v3, $4.096000000e+03;
	v4 =	vsel vm0, $0x3CB504F3, v4;
	v6 =	vsub.f32 $1.500000000e+00, v6  }
0x1cb: {  	vm0 =	vge.f32 v3, $8.192000000e+03;
	v4 =	vsel vm1, $0x3C800000, v4  }
0x1cc: {  	s10 =	simm.s32 $0x100;
	vm1 =	vge.f32 v3, $1.638400000e+04;
	v4 =	vsel vm0, $0x3C3504F3, v4;
	v6 =	vmul.f32 v6, v2  }
0x1cd: {  	v7 =	vld [tilespmem:s10+$0x18A80];
	vm0 =	vge.f32 v3, $3.276800000e+04;
	v2 =	vsel vm1, $0x3C000000, v4  }
0x1ce: {  	vm1 =	vge.f32 v3, $6.553600000e+04;
	v2 =	vsel vm0, $0x3BB504F3, v2;
	v4 =	vmul.f32 v6, v5  }
0x1cf: {  	vm0 =	vge.f32 v3, $2.621440000e+05;
	v8 =	vsel vm1, $0x3B800000, v2;
	vm1 =	vge.f32 v3, $1.310720000e+05  }
0x1d0: {  	v2 =	vmul.f32 $5.000000000e-01, v3;
	v3 =	vsel vm1, $0x3B3504F3, v8;
	v4 =	vmul.f32 v4, v6  }
0x1d1: {  	v8 =	vsel vm0, $0x3B000000, v3  }
0x1d2: {  	v3 =	vmax.f32 v7, $1.000000000e+00;
	v7 =	vmul.f32 v8, v2;
	v4 =	vsub.f32 $1.500000000e+00, v4  }
0x1d3: {  	vm1 =	vge.f32 v3, $2.000000000e+00;
	vm2 =	vge.f32 v3, $4.000000000e+00;
	vm0 =	vge.f32 v3, $2.621440000e+05  }
0x1d4: {  	v9 =	vsel vm1, $0x3F3504F3, v1;
	v7 =	vmul.f32 v7, v8;
	v4 =	vmul.f32 v4, v6  }
0x1d5: {  	vm1 =	vge.f32 v3, $8.000000000e+00;
	v6 =	vsel vm2, $0x3F000000, v9;
	vm2 =	vge.f32 v3, $1.600000000e+01  }
0x1d6: {  	v6 =	vsel vm1, $0x3EB504F3, v6;
	v7 =	vsub.f32 $1.500000000e+00, v7;
	v62 =	vmul.f32 v4, v5  }
0x1d7: {  	vm1 =	vge.f32 v3, $3.200000000e+01;
	v6 =	vsel vm2, $0x3E800000, v6;
	vm2 =	vge.f32 v3, $6.400000000e+01  }
0x1d8: {  	v6 =	vsel vm1, $0x3E3504F3, v6;
	v8 =	vmul.f32 v7, v8;
	v7 =	vmul.f32 v62, v4  }
0x1d9: {  	vm1 =	vge.f32 v3, $1.280000000e+02;
	v6 =	vsel vm2, $0x3E000000, v6;
	vm2 =	vge.f32 v3, $2.560000000e+02  }
0x1da: {  	v6 =	vsel vm1, $0x3DB504F3, v6;
	v63 =	vmul.f32 v8, v2;
	v7 =	vsub.f32 $1.500000000e+00, v7  }
0x1db: {  	vm1 =	vge.f32 v3, $5.120000000e+02;
	v6 =	vsel vm2, $0x3D800000, v6;
	vm2 =	vge.f32 v3, $1.024000000e+03  }
0x1dc: {  	v6 =	vsel vm1, $0x3D3504F3, v6;
	v9 =	vmul.f32 v63, v8;
	v4 =	vmul.f32 v7, v4  }
0x1dd: {  	vm1 =	vge.f32 v3, $2.048000000e+03;
	v6 =	vsel vm2, $0x3D000000, v6;
	vm2 =	vge.f32 v3, $4.096000000e+03  }
0x1de: {  	v6 =	vsel vm1, $0x3CB504F3, v6;
	v9 =	vsub.f32 $1.500000000e+00, v9;
	v10 =	vmul.f32 v4, v5  }
0x1df: {  	vm1 =	vge.f32 v3, $1.638400000e+04;
	v5 =	vsel vm2, $0x3C800000, v6;
	vm2 =	vge.f32 v3, $8.192000000e+03  }
0x1e0: {  	s16 =	simm.s32 $0x180;
	s1 =	simm.s32 $0x800;
	v7 =	vsel vm2, $0x3C3504F3, v5;
	v5 =	vmul.f32 v9, v8;
	v6 =	vmul.f32 v10, v4  }
.LBB2_18:
0x1e1: {  	p1 =	sne.s32 s1, $0x9E00;
	v8 =	vld [tilespmem:s16+$0x18A80];
	v7 =	vsel vm1, $0x3C000000, v7;
	vm1 =	vge.f32 v3, $3.276800000e+04;
	vm2 =	vge.f32 v3, $6.553600000e+04  }
0x1e2: {  	v7 =	vsel vm1, $0x3BB504F3, v7;
	v9 =	vmul.f32 v5, v2;
	v6 =	vsub.f32 $1.500000000e+00, v6  }
0x1e3: {  	v10 =	vmul.f32 $5.000000000e-01, v3;
	vm1 =	vge.f32 v3, $1.310720000e+05;
	v7 =	vsel vm2, $0x3B800000, v7  }
0x1e4: {  	v3 =	vsel vm1, $0x3B3504F3, v7;
	v7 =	vmul.f32 v9, v5;
	v4 =	vmul.f32 v6, v4  }
0x1e5: {  	v6 =	vsel vm0, $0x3B000000, v3  }
0x1e6: {  	v3 =	vmax.f32 v8, $1.000000000e+00;
	v8 =	vmul.f32 v6, v10;
	v7 =	vsub.f32 $1.500000000e+00, v7;
	[tilespmem:s8+$0x1B280] =	vst v4;
	s8 =	smov.u32 s9;
	s9 =	smov.u32 s10;
	s10 =	smov.u32 s16  }
0x1e7: {  	vm1 =	vge.f32 v3, $2.000000000e+00;
	vm2 =	vge.f32 v3, $4.000000000e+00;
	vm0 =	vge.f32 v3, $2.621440000e+05  }
0x1e8: {  	v4 =	vsel vm1, $0x3F3504F3, v1;
	v8 =	vmul.f32 v8, v6;
	v5 =	vmul.f32 v7, v5  }
0x1e9: {  	vm1 =	vge.f32 v3, $8.000000000e+00;
	v4 =	vsel vm2, $0x3F000000, v4;
	vm2 =	vge.f32 v3, $1.600000000e+01  }
0x1ea: {  	v4 =	vsel vm1, $0x3EB504F3, v4;
	v7 =	vsub.f32 $1.500000000e+00, v8;
	v8 =	vmul.f32 v5, v2  }
0x1eb: {  	vm1 =	vge.f32 v3, $3.200000000e+01;
	v4 =	vsel vm2, $0x3E800000, v4;
	vm2 =	vge.f32 v3, $6.400000000e+01  }
0x1ec: {  	v4 =	vsel vm1, $0x3E3504F3, v4;
	v6 =	vmul.f32 v7, v6;
	v7 =	vmul.f32 v8, v5  }
0x1ed: {  	vm1 =	vge.f32 v3, $1.280000000e+02;
	v4 =	vsel vm2, $0x3E000000, v4;
	vm2 =	vge.f32 v3, $2.560000000e+02  }
0x1ee: {  	v4 =	vsel vm1, $0x3DB504F3, v4;
	v8 =	vmul.f32 v6, v10;
	v7 =	vsub.f32 $1.500000000e+00, v7  }
0x1ef: {  	vm1 =	vge.f32 v3, $5.120000000e+02;
	v4 =	vsel vm2, $0x3D800000, v4;
	vm2 =	vge.f32 v3, $1.024000000e+03  }
.Ltmp14:
0x1f0: {  	v9 =	vsel vm1, $0x3D3504F3, v4;
	v8 =	vmul.f32 v8, v6;
	v4 =	vmul.f32 v7, v5;
	(pc) =	sbr.rel @p1 .LBB2_18-.Ltmp14, $4  }
0x1f1: {  	vm1 =	vge.f32 v3, $2.048000000e+03;
	v5 =	vsel vm2, $0x3D000000, v9;
	vm2 =	vge.f32 v3, $4.096000000e+03  }
0x1f2: {  	v5 =	vsel vm1, $0x3CB504F3, v5;
	v8 =	vsub.f32 $1.500000000e+00, v8;
	v9 =	vmul.f32 v4, v2;
	v2 =	vmovc v10  }
0x1f3: {  	vm1 =	vge.f32 v3, $1.638400000e+04;
	v5 =	vsel vm2, $0x3C800000, v5;
	vm2 =	vge.f32 v3, $8.192000000e+03  }
0x1f4: {  	s16 =	sshra.s32 s1, $0x2;
	s1 =	sadd.s32 $0x200, s1;
	v7 =	vsel vm2, $0x3C3504F3, v5;
	v5 =	vmul.f32 v8, v6;
	v6 =	vmul.f32 v9, v4  }
0x1f5: {  	v8 =	vld [tilespmem:s16+$0x18A80];
	_ =	sdelay $0x4  }
0x1f6: {  	v8 =	vmax.f32 v8, $1.000000000e+00  }
0x1f7: {  	vm2 =	vge.f32 v8, $2.000000000e+00  }
0x1f8: {  	vm8 =	vge.f32 v8, $4.000000000e+00;
	v9 =	vsel vm2, $0x3F3504F3, v1  }
0x1f9: {  	vm9 =	vge.f32 v8, $8.000000000e+00;
	v9 =	vsel vm8, $0x3F000000, v9  }
0x1fa: {  	vm10 =	vge.f32 v8, $1.600000000e+01;
	v9 =	vsel vm9, $0x3EB504F3, v9  }
0x1fb: {  	vm11 =	vge.f32 v8, $3.200000000e+01;
	v9 =	vsel vm10, $0x3E800000, v9  }
0x1fc: {  	vm12 =	vge.f32 v8, $6.400000000e+01;
	v9 =	vsel vm11, $0x3E3504F3, v9  }
0x1fd: {  	vm13 =	vge.f32 v8, $1.280000000e+02;
	v9 =	vsel vm12, $0x3E000000, v9  }
0x1fe: {  	vm14 =	vge.f32 v8, $2.560000000e+02;
	v9 =	vsel vm13, $0x3DB504F3, v9  }
0x1ff: {  	v7 =	vsel vm1, $0x3C000000, v7;
	vm15 =	vge.f32 v8, $5.120000000e+02;
	v9 =	vsel vm14, $0x3D800000, v9  }
0x200: {  	vm4 =	vge.f32 v3, $3.276800000e+04;
	vm5 =	vge.f32 v8, $1.024000000e+03;
	v9 =	vsel vm15, $0x3D3504F3, v9  }
0x201: {  	vm7 =	vge.f32 v3, $6.553600000e+04;
	vm6 =	vge.f32 v8, $2.048000000e+03;
	v9 =	vsel vm5, $0x3D000000, v9  }
0x202: {  	v7 =	vsel vm4, $0x3BB504F3, v7;
	vm8 =	vge.f32 v8, $4.096000000e+03;
	v9 =	vsel vm6, $0x3CB504F3, v9  }
0x203: {  	v7 =	vsel vm7, $0x3B800000, v7;
	vm9 =	vge.f32 v8, $8.192000000e+03;
	v9 =	vsel vm8, $0x3C800000, v9  }
0x204: {  	vm10 =	vge.f32 v3, $1.310720000e+05;
	vm11 =	vge.f32 v8, $1.638400000e+04;
	v9 =	vsel vm9, $0x3C3504F3, v9  }
0x205: {  	v3 =	vmul.f32 $5.000000000e-01, v3;
	vm12 =	vge.f32 v8, $3.276800000e+04;
	v9 =	vsel vm11, $0x3C000000, v9  }
0x206: {  	v7 =	vsel vm10, $0x3B3504F3, v7;
	vm13 =	vge.f32 v8, $6.553600000e+04;
	v9 =	vsel vm12, $0x3BB504F3, v9  }
0x207: {  	v7 =	vsel vm0, $0x3B000000, v7;
	vm14 =	vge.f32 v8, $1.310720000e+05;
	v9 =	vsel vm13, $0x3B800000, v9  }
0x208: {  	vm15 =	vge.f32 v8, $2.621440000e+05;
	v8 =	vmul.f32 $5.000000000e-01, v8;
	v9 =	vsel vm14, $0x3B3504F3, v9  }
0x209: {  	v10 =	vmul.f32 v7, v3;
	v9 =	vsel vm15, $0x3B000000, v9  }
0x20a: {  	v11 =	vmul.f32 v9, v8  }
0x20b: {  	v10 =	vmul.f32 v10, v7  }
0x20c: {  	v11 =	vmul.f32 v11, v9  }
0x20d: {  	v10 =	vsub.f32 $1.500000000e+00, v10  }
0x20e: {  	v11 =	vsub.f32 $1.500000000e+00, v11  }
0x20f: {  	v7 =	vmul.f32 v10, v7  }
0x210: {  	v9 =	vmul.f32 v11, v9  }
0x211: {  	v10 =	vmul.f32 v7, v3  }
0x212: {  	v11 =	vmul.f32 v9, v8  }
0x213: {  	v10 =	vmul.f32 v10, v7  }
0x214: {  	v11 =	vmul.f32 v11, v9  }
0x215: {  	v10 =	vsub.f32 $1.500000000e+00, v10  }
0x216: {  	v11 =	vsub.f32 $1.500000000e+00, v11  }
0x217: {  	v7 =	vmul.f32 v10, v7  }
0x218: {  	v55 =	vmul.f32 v5, v2;
	v9 =	vmul.f32 v11, v9  }
0x219: {  	v56 =	vmul.f32 v7, v3  }
0x21a: {  	v10 =	vmul.f32 v55, v5;
	v12 =	vmul.f32 v9, v8  }
0x21b: {  	v11 =	vmul.f32 v56, v7  }
0x21c: {  	v10 =	vsub.f32 $1.500000000e+00, v10;
	v12 =	vmul.f32 v12, v9  }
0x21d: {  	v11 =	vsub.f32 $1.500000000e+00, v11  }
0x21e: {  	v57 =	vmul.f32 v10, v5;
	v58 =	vsub.f32 $1.500000000e+00, v12  }
0x21f: {  	v7 =	vmul.f32 v11, v7  }
0x220: {  	v59 =	vmul.f32 v57, v2;
	v9 =	vmul.f32 v58, v9  }
0x221: {  	v60 =	vmul.f32 v7, v3  }
0x222: {  	v11 =	vmul.f32 v59, v57;
	v61 =	vmul.f32 v9, v8  }
0x223: {  	v10 =	vmul.f32 v60, v7  }
0x224: {  	v11 =	vsub.f32 $1.500000000e+00, v11;
	v12 =	vmul.f32 v61, v9  }
0x225: {  	v10 =	vsub.f32 $1.500000000e+00, v10  }
0x226: {  	v5 =	vmul.f32 v11, v57;
	v62 =	vsub.f32 $1.500000000e+00, v12  }
0x227: {  	v7 =	vmul.f32 v10, v7  }
0x228: {  	v2 =	vmul.f32 v5, v2;
	v9 =	vmul.f32 v62, v9  }
0x229: {  	v3 =	vmul.f32 v7, v3  }
0x22a: {  	v2 =	vmul.f32 v2, v5;
	v8 =	vmul.f32 v9, v8  }
0x22b: {  	v6 =	vsub.f32 $1.500000000e+00, v6;
	v3 =	vmul.f32 v3, v7  }
0x22c: {  	v2 =	vsub.f32 $1.500000000e+00, v2;
	v8 =	vmul.f32 v8, v9  }
0x22d: {  	v4 =	vmul.f32 v6, v4;
	v3 =	vsub.f32 $1.500000000e+00, v3  }
0x22e: {  	v2 =	vmul.f32 v2, v5;
	v63 =	vsub.f32 $1.500000000e+00, v8  }
0x22f: {  	[tilespmem:s8+$0x1B280] =	vst v4;
	v3 =	vmul.f32 v3, v7  }
0x230: {  	s1 =	smul.u32 $0x500, s4;
	[tilespmem:s9+$0x1B280] =	vst v2;
	v2 =	vmul.f32 v63, v9  }
0x231: {  	[tilespmem:s10+$0x1B280] =	vst v3  }
0x232: {  	s1 =	sadd.s32 s11, s1;
	[tilespmem:s16+$0x1B280] =	vst v2;
	s16 =	simm.s32 $0x0  }
0x233: {  	[hbm4b:s1+s16] =	stream.linear.scatter [tilespmem:s15], [sflag:$0x4], $0x2800, $0x38;
	[tilespmem:$0x1DA80] =	vst v63  }
0x234: {  	_ =	swait.ge [sflag:s18], $0x2800  }
0x235: {  	[sflag:s18] =	ssyncset.done $0x0  }
0x236: {  	s4 =	simm.s32 $0x200;
	s1 =	simm.s32 $0x0;
	[sflag:s18] =	ssyncadd.s32 $0xFFFFD800  }
.LBB2_20:
0x237: {  	p1 =	sne.s32 s4, $0x9E00;
	[tilespmem:s1+$0x18AF0] =	vst v0  }
0x238: {  	[tilespmem:s1+$0x18A80] =	vst v0  }
0x239: {  	[tilespmem:s1+$0x18A90] =	vst v0  }
.Ltmp15:
0x23a: {  	[tilespmem:s1+$0x18AA0] =	vst v0;
	(pc) =	sbr.rel @p1 .LBB2_20-.Ltmp15, $4  }
0x23b: {  	[tilespmem:s1+$0x18AB0] =	vst v0  }
0x23c: {  	[tilespmem:s1+$0x18AC0] =	vst v0  }
0x23d: {  	[tilespmem:s1+$0x18AD0] =	vst v0  }
0x23e: {  	[tilespmem:s1+$0x18AE0] =	vst v0;
	s1 =	sshra.s32 s4, $0x2;
	s4 =	sadd.s32 $0x200, s4  }
0x23f: {  	[tilespmem:s1+$0x18AF0] =	vst v0  }
0x240: {  	[tilespmem:s1+$0x18A80] =	vst v0  }
0x241: {  	[tilespmem:s1+$0x18A90] =	vst v0  }
0x242: {  	[tilespmem:s1+$0x18AA0] =	vst v0  }
0x243: {  	[tilespmem:s1+$0x18AB0] =	vst v0  }
0x244: {  	[tilespmem:s1+$0x18AC0] =	vst v0  }
0x245: {  	[tilespmem:s1+$0x18AD0] =	vst v0  }
.Ltmp16:
0x246: {  	[tilespmem:s1+$0x18AE0] =	vst v0;
	(pc) =	sbr.rel .LBB2_22-.Ltmp16, $4  }
0x247: {  	[spmem:s21] =	stream.linear.scatter [tilespmem:s17], [sflag:$0x3], $0x2800, $0x38;
	[tilespmem:$0x1DA80] =	vst v63  }
0x248: {  	_ =	swait.ge [sflag:s19], $0x2800  }
0x249: {  	[sflag:s19] =	ssyncset.done $0x0  }
0x24a: {  	[sflag:s19] =	ssyncadd.s32 $0xFFFFD800  }
.LBB2_23:
.Ltmp17:
0x24b: {  	(pc) =	sbr.rel .LBB2_24-.Ltmp17, $3  }
0x24c: {  	_ =	sdelay $0x1  }
0x24d: {  	[bflag:$0x0] =	sbarrier.arrive $0xFFFF  }
0x24e: {  	s4 =	simm.s32 $0x0;
	s16 =	rddreg [dreg:$0x4]  }
.LBB2_28:
0x24f: {  	s4 =	sadd.s32 $0x1, s4  }
0x250: {  	p1 =	sne.s32 s4, $0x8  }
.Ltmp18:
0x251: {  	_ = 	snop;
	(pc) =	sbr.rel @!p1 .LBB2_29-.Ltmp18, $1  }
0x252: {  	_ =	sdelay $0x3  }
.LBB2_24:
0x253: {  	s1 =	sshll.u32 s4, $0x4  }
0x254: {  	s1 =	sor.u32 s6, s1  }
0x255: {  	p1 =	sgt.u32 s1, $0x7C  }
.Ltmp19:
0x256: {  	_ = 	snop;
	(pc) =	sbr.rel @p1 .LBB2_28-.Ltmp19, $1  }
0x257: {  	_ =	sdelay $0x3  }
0x258: {  	s8 =	smul.u32 $0x500, s1  }
0x259: {  	s9 =	rddreg [dreg:$0x1]  }
0x25a: {  	s10 =	smul.u32 $0x50, s1;
	s21 =	simm.s32 $0x0;
	s8 =	sadd.s32 s9, s8  }
0x25b: {  	[tilespmem:s15], [sflag:$0x4] =	stream.linear.gather [hbm4b:s8+s21], $0x2800, $0x38;
	[tilespmem:$0x1DA80] =	vst v63  }
0x25c: {  	s1 =	sadd.s32 s13, s10;
	_ =	swait.ge [sflag:s18], $0x2800  }
0x25d: {  	s1 =	sshll.u32 s1, $0x4;
	[sflag:s18] =	ssyncset.done $0x0  }
0x25e: {  	s25 =	sadd.s32 s16, s1;
	[sflag:s18] =	ssyncadd.s32 $0xFFFFD800  }
0x25f: {  	[tilespmem:s17], [sflag:$0x4] =	stream.linear.gather [hbm4b:s25+s21], $0x2800, $0x38;
	[tilespmem:$0x1DA80] =	vst v63  }
0x260: {  	_ =	swait.ge [sflag:s18], $0x2800  }
0x261: {  	[sflag:s18] =	ssyncset.done $0x0  }
0x262: {  	s8 =	simm.s32 $0x0;
	[sflag:s18] =	ssyncadd.s32 $0xFFFFD800  }
0x263: {  	v2 =	vld [tilespmem:s8+$0x1B280]  }
0x264: {  	v6 =	vld [tilespmem:s8+$0x18A80]  }
0x265: {  	v8 =	vld [tilespmem:s8+$0x18A90]  }
0x266: {  	v7 =	vld [tilespmem:s8+$0x18AA0]  }
0x267: {  	v5 =	vld [tilespmem:s8+$0x18AB0]  }
0x268: {  	v3 =	vld [tilespmem:s8+$0x18AC0]  }
0x269: {  	v4 =	vld [tilespmem:s8+$0x18AD0];
	v9 =	vmul.f32 v6, v2  }
0x26a: {  	s9 =	simm.s32 $0x200;
	v8 =	vmul.f32 v8, v2;
	v6 =	vld [tilespmem:s8+$0x18AE0]  }
.LBB2_26:
0x26b: {  	s10 =	sshra.s32 s9, $0x2;
	p1 =	sne.s32 s9, $0x9E00;
	[tilespmem:s8+$0x18A80] =	vst v9;
	v7 =	vmul.f32 v7, v2;
	v9 =	vld [tilespmem:s8+$0x18AF0]  }
0x26c: {  	v10 =	vld [tilespmem:s10+$0x1B280];
	[tilespmem:s8+$0x18A90] =	vst v8;
	v5 =	vmul.f32 v5, v2  }
0x26d: {  	v8 =	vld [tilespmem:s10+$0x18A80];
	[tilespmem:s8+$0x18AA0] =	vst v7;
	v3 =	vmul.f32 v3, v2  }
0x26e: {  	v11 =	vld [tilespmem:s10+$0x18A90];
	[tilespmem:s8+$0x18AB0] =	vst v5;
	v4 =	vmul.f32 v4, v2  }
.Ltmp20:
0x26f: {  	v7 =	vld [tilespmem:s10+$0x18AA0];
	[tilespmem:s8+$0x18AC0] =	vst v3;
	v6 =	vmul.f32 v6, v2;
	(pc) =	sbr.rel @p1 .LBB2_26-.Ltmp20, $4  }
0x270: {  	v5 =	vld [tilespmem:s10+$0x18AB0];
	[tilespmem:s8+$0x18AD0] =	vst v4;
	v12 =	vmul.f32 v9, v2  }
0x271: {  	v3 =	vld [tilespmem:s10+$0x18AC0];
	[tilespmem:s8+$0x18AE0] =	vst v6;
	v2 =	vmov v10  }
0x272: {  	v9 =	vmul.f32 v8, v2;
	v4 =	vld [tilespmem:s10+$0x18AD0];
	[tilespmem:s8+$0x18AF0] =	vst v12;
	s8 =	smov.u32 s10  }
0x273: {  	s9 =	sadd.s32 $0x200, s9;
	v8 =	vmul.f32 v11, v2;
	v6 =	vld [tilespmem:s8+$0x18AE0]  }
0x274: {  	[tilespmem:s8+$0x18A80] =	vst v9;
	v7 =	vmul.f32 v7, v2;
	v63 =	vld [tilespmem:s8+$0x18AF0]  }
0x275: {  	[tilespmem:s8+$0x18A90] =	vst v8;
	v5 =	vmul.f32 v5, v2  }
0x276: {  	[tilespmem:s8+$0x18AA0] =	vst v7;
	v3 =	vmul.f32 v3, v2  }
0x277: {  	[tilespmem:s8+$0x18AB0] =	vst v5;
	v4 =	vmul.f32 v4, v2  }
0x278: {  	[tilespmem:s8+$0x18AC0] =	vst v3;
	v3 =	vmul.f32 v6, v2  }
0x279: {  	[tilespmem:s8+$0x18AD0] =	vst v4;
	v2 =	vmul.f32 v63, v2  }
0x27a: {  	[tilespmem:s8+$0x18AE0] =	vst v3  }
.Ltmp21:
0x27b: {  	s1 =	sadd.s32 s7, s1;
	[tilespmem:s8+$0x18AF0] =	vst v2;
	(pc) =	sbr.rel .LBB2_28-.Ltmp21, $4  }
0x27c: {  	[hbm4b:s1+s3] =	stream.linear.scatter [tilespmem:s17], [sflag:$0x3], $0x2800, $0x38;
	[tilespmem:$0x1DA80] =	vst v63  }
0x27d: {  	_ =	swait.ge [sflag:s19], $0x2800  }
0x27e: {  	[sflag:s19] =	ssyncset.done $0x0  }
0x27f: {  	[sflag:s19] =	ssyncadd.s32 $0xFFFFD800  }
.LBB2_29:
0x280: {  	[bflag:$0x0] =	sbarrier.arrive $0xFFFF  }
0x281: {  	s1 =	simm.s32 $0x0;
	s4 =	rddreg [dreg:$0xa]  }
0x282: {  	[tilespmem:s20], [sflag:$0x3] =	stream.linear.gather [hbm4b:s4+s1], $0x50, $0x38;
	[tilespmem:$0x1DA80] =	vst v63  }
0x283: {  	_ =	swait.ge [sflag:s19], $0x50  }
0x284: {  	[sflag:s19] =	ssyncset.done $0x0  }
0x285: {  	s9 =	rddreg [dreg:$0x9];
	[sflag:s19] =	ssyncadd.s32 $0xFFFFFFB0  }
0x286: {  	[tilespmem:s22], [sflag:$0x3] =	stream.linear.gather [hbm4b:s9+s1], $0x50, $0x38;
	[tilespmem:$0x1DA80] =	vst v63  }
0x287: {  	_ =	swait.ge [sflag:s19], $0x50  }
0x288: {  	[sflag:s19] =	ssyncset.done $0x0  }
0x289: {  	[sflag:s19] =	ssyncadd.s32 $0xFFFFFFB0  }
0x28a: {  	[tilespmem:s29], [sflag:$0x1] =	stream.indirect.gather [hbm4b:s7+s28], $0x80, s20, s28, $0xb8;
	[tilespmem:$0x1DA80] =	vst v63  }
0x28b: {  	s10 =	sadd.s32 $0x0, s26  }
0x28c: {  	[tilespmem:s30], [sflag:$0x3] =	stream.linear.gather [hbm4b:s10+s3], $0x50, $0x38;
	[tilespmem:$0x1DA80] =	vst v63  }
0x28d: {  	_ =	swait.ge [sflag:s19], $0x50  }
0x28e: {  	s16 =	sadd.s32 $0x0, s23;
	[sflag:s19] =	ssyncset.done $0x0  }
0x28f: {  	s21 =	sadd.s32 $0xA, s16;
	[sflag:s19] =	ssyncadd.s32 $0xFFFFFFB0  }
0x290: {  	[tilespmem:s14], [sflag:$0x3] =	stream.linear.gather [hbm4b:s21+s3], $0x50, $0x38;
	[tilespmem:$0x1DA80] =	vst v63  }
0x291: {  	_ =	swait.ge [sflag:s19], $0x50  }
0x292: {  	[sflag:s19] =	ssyncset.done $0x0  }
0x293: {  	[sflag:s19] =	ssyncadd.s32 $0xFFFFFFB0  }
0x294: {  	[tilespmem:s31], [sflag:$0x2] =	stream.indirect.gather [hbm4b:s7+s28], $0x80, s30, s28, $0xb8;
	[tilespmem:$0x1DA80] =	vst v63  }
0x295: {  	_ =	swait.ge [sflag:s0], $0x2800  }
0x296: {  	[sflag:s0] =	ssyncset.done $0x0  }
0x297: {  	[sflag:s0] =	ssyncadd.s32 $0xFFFFD800  }
0x298: {  	[spmem:s2] =	stream.indirect.scatter.add.f32 [tilespmem:s29], [sflag:$0x3], $0x80, s22, s28, $0xb8;
	[tilespmem:$0x1DA80] =	vst v63  }
0x299: {  	_ =	swait.ge [sflag:s19], $0x2800  }
0x29a: {  	s8 =	rddreg [dreg:$0x12]  }
0x29b: {  	[sflag:s19] =	ssyncset.done $0x0;
	s25 =	sshrl.u32 s8, $0x3  }
0x29c: {  	[sflag:s19] =	ssyncadd.s32 $0xFFFFD800;
	s25 =	sadd.s32 s5, s25  }
0x29d: {  	[tilespmem:s20], [sflag:$0x3] =	stream.linear.gather [hbm4b:s25+s3], $0x50, $0x38;
	[tilespmem:$0x1DA80] =	vst v63  }
0x29e: {  	_ =	swait.ge [sflag:s19], $0x50  }
0x29f: {  	[sflag:s19] =	ssyncset.done $0x0  }
0x2a0: {  	s1 =	sadd.s32 $0x14, s16;
	[sflag:s19] =	ssyncadd.s32 $0xFFFFFFB0  }
0x2a1: {  	[tilespmem:s22], [sflag:$0x3] =	stream.linear.gather [hbm4b:s1+s3], $0x50, $0x38;
	[tilespmem:$0x1DA80] =	vst v63  }
0x2a2: {  	_ =	swait.ge [sflag:s19], $0x50  }
0x2a3: {  	[sflag:s19] =	ssyncset.done $0x0  }
0x2a4: {  	[sflag:s19] =	ssyncadd.s32 $0xFFFFFFB0  }
0x2a5: {  	[tilespmem:s29], [sflag:$0x1] =	stream.indirect.gather [hbm4b:s7+s28], $0x80, s20, s28, $0xb8;
	[tilespmem:$0x1DA80] =	vst v63  }
0x2a6: {  	_ =	swait.ge [sflag:s12], $0x2800  }
0x2a7: {  	[sflag:s12] =	ssyncset.done $0x0  }
0x2a8: {  	[sflag:s12] =	ssyncadd.s32 $0xFFFFD800  }
0x2a9: {  	[spmem:s2] =	stream.indirect.scatter.add.f32 [tilespmem:s31], [sflag:$0x3], $0x80, s14, s28, $0xb8;
	[tilespmem:$0x1DA80] =	vst v63  }
0x2aa: {  	s9 =	simm.s32 $0x28;
	_ =	swait.ge [sflag:s19], $0x2800  }
0x2ab: {  	s4 =	sadd.s32 $0xA0, s8;
	s1 =	simm.s32 $0x14;
	[sflag:s19] =	ssyncset.done $0x0  }
.LBB2_30:
0x2ac: {  	s10 =	sadd.s32 s1, s26  }
0x2ad: {  	[sflag:s19] =	ssyncadd.s32 $0xFFFFD800;
	s16 =	smov.u32 s9;
	s8 =	sadd.s32 $0x14, s9  }
0x2ae: {  	[tilespmem:s30], [sflag:$0x3] =	stream.linear.gather [hbm4b:s10+s3], $0x50, $0x38;
	[tilespmem:$0x1DA80] =	vst v63  }
0x2af: {  	p1 =	sne.s32 s9, $0x99C;
	_ =	swait.ge [sflag:s19], $0x50  }
0x2b0: {  	s9 =	sadd.s32 s1, s23;
	s1 =	smov.u32 s16;
	[sflag:s19] =	ssyncset.done $0x0  }
0x2b1: {  	s10 =	sadd.s32 $0xA, s9;
	[sflag:s19] =	ssyncadd.s32 $0xFFFFFFB0  }
0x2b2: {  	[tilespmem:s14], [sflag:$0x3] =	stream.linear.gather [hbm4b:s10+s3], $0x50, $0x38;
	[tilespmem:$0x1DA80] =	vst v63  }
0x2b3: {  	_ =	swait.ge [sflag:s19], $0x50  }
0x2b4: {  	[sflag:s19] =	ssyncset.done $0x0  }
0x2b5: {  	[sflag:s19] =	ssyncadd.s32 $0xFFFFFFB0  }
0x2b6: {  	[tilespmem:s31], [sflag:$0x2] =	stream.indirect.gather [hbm4b:s7+s28], $0x80, s30, s28, $0xb8;
	[tilespmem:$0x1DA80] =	vst v63  }
0x2b7: {  	_ =	swait.ge [sflag:s0], $0x2800  }
0x2b8: {  	[sflag:s0] =	ssyncset.done $0x0  }
0x2b9: {  	[sflag:s0] =	ssyncadd.s32 $0xFFFFD800  }
0x2ba: {  	[spmem:s2] =	stream.indirect.scatter.add.f32 [tilespmem:s29], [sflag:$0x3], $0x80, s22, s28, $0xb8;
	[tilespmem:$0x1DA80] =	vst v63  }
0x2bb: {  	_ =	swait.ge [sflag:s19], $0x2800  }
0x2bc: {  	s10 =	sshrl.u32 s4, $0x3;
	[sflag:s19] =	ssyncset.done $0x0  }
0x2bd: {  	s10 =	sadd.s32 s5, s10;
	[sflag:s19] =	ssyncadd.s32 $0xFFFFD800  }
0x2be: {  	[tilespmem:s20], [sflag:$0x3] =	stream.linear.gather [hbm4b:s10+s3], $0x50, $0x38;
	[tilespmem:$0x1DA80] =	vst v63  }
0x2bf: {  	_ =	swait.ge [sflag:s19], $0x50  }
0x2c0: {  	[sflag:s19] =	ssyncset.done $0x0  }
0x2c1: {  	s9 =	sadd.s32 $0x14, s9;
	[sflag:s19] =	ssyncadd.s32 $0xFFFFFFB0  }
0x2c2: {  	[tilespmem:s22], [sflag:$0x3] =	stream.linear.gather [hbm4b:s9+s3], $0x50, $0x38;
	[tilespmem:$0x1DA80] =	vst v63  }
0x2c3: {  	_ =	swait.ge [sflag:s19], $0x50  }
0x2c4: {  	[sflag:s19] =	ssyncset.done $0x0  }
0x2c5: {  	[sflag:s19] =	ssyncadd.s32 $0xFFFFFFB0  }
0x2c6: {  	[tilespmem:s29], [sflag:$0x1] =	stream.indirect.gather [hbm4b:s7+s28], $0x80, s20, s28, $0xb8;
	[tilespmem:$0x1DA80] =	vst v63  }
0x2c7: {  	_ =	swait.ge [sflag:s12], $0x2800  }
.Ltmp22:
0x2c8: {  	[sflag:s12] =	ssyncset.done $0x0;
	(pc) =	sbr.rel @p1 .LBB2_30-.Ltmp22, $4  }
0x2c9: {  	[sflag:s12] =	ssyncadd.s32 $0xFFFFD800  }
0x2ca: {  	[spmem:s2] =	stream.indirect.scatter.add.f32 [tilespmem:s31], [sflag:$0x3], $0x80, s14, s28, $0xb8;
	[tilespmem:$0x1DA80] =	vst v63  }
0x2cb: {  	_ =	swait.ge [sflag:s19], $0x2800  }
0x2cc: {  	s4 =	sadd.s32 $0xA0, s4;
	s9 =	smov.u32 s8;
	[sflag:s19] =	ssyncset.done $0x0  }
0x2cd: {  	s8 =	sadd.s32 s1, s26;
	[sflag:s19] =	ssyncadd.s32 $0xFFFFD800  }
0x2ce: {  	[tilespmem:s30], [sflag:$0x3] =	stream.linear.gather [hbm4b:s8+s3], $0x50, $0x38;
	[tilespmem:$0x1DA80] =	vst v63  }
0x2cf: {  	_ =	swait.ge [sflag:s19], $0x50  }
0x2d0: {  	s9 =	sadd.s32 s1, s23;
	[sflag:s19] =	ssyncset.done $0x0  }
0x2d1: {  	s10 =	sadd.s32 $0xA, s9;
	[sflag:s19] =	ssyncadd.s32 $0xFFFFFFB0  }
0x2d2: {  	[tilespmem:s14], [sflag:$0x3] =	stream.linear.gather [hbm4b:s10+s3], $0x50, $0x38;
	[tilespmem:$0x1DA80] =	vst v63  }
0x2d3: {  	_ =	swait.ge [sflag:s19], $0x50  }
0x2d4: {  	[sflag:s19] =	ssyncset.done $0x0  }
0x2d5: {  	[sflag:s19] =	ssyncadd.s32 $0xFFFFFFB0  }
0x2d6: {  	[tilespmem:s31], [sflag:$0x2] =	stream.indirect.gather [hbm4b:s7+s28], $0x80, s30, s28, $0xb8;
	[tilespmem:$0x1DA80] =	vst v63  }
0x2d7: {  	_ =	swait.ge [sflag:s0], $0x2800  }
0x2d8: {  	[sflag:s0] =	ssyncset.done $0x0  }
0x2d9: {  	[sflag:s0] =	ssyncadd.s32 $0xFFFFD800  }
0x2da: {  	[spmem:s2] =	stream.indirect.scatter.add.f32 [tilespmem:s29], [sflag:$0x3], $0x80, s22, s28, $0xb8;
	[tilespmem:$0x1DA80] =	vst v63  }
0x2db: {  	_ =	swait.ge [sflag:s19], $0x2800  }
0x2dc: {  	s4 =	sshrl.u32 s4, $0x3;
	[sflag:s19] =	ssyncset.done $0x0  }
0x2dd: {  	s4 =	sadd.s32 s5, s4;
	[sflag:s19] =	ssyncadd.s32 $0xFFFFD800  }
0x2de: {  	[tilespmem:s20], [sflag:$0x3] =	stream.linear.gather [hbm4b:s4+s3], $0x50, $0x38;
	[tilespmem:$0x1DA80] =	vst v63  }
0x2df: {  	_ =	swait.ge [sflag:s19], $0x50  }
0x2e0: {  	[sflag:s19] =	ssyncset.done $0x0  }
0x2e1: {  	s1 =	sadd.s32 $0x14, s9;
	[sflag:s19] =	ssyncadd.s32 $0xFFFFFFB0  }
0x2e2: {  	[tilespmem:s22], [sflag:$0x3] =	stream.linear.gather [hbm4b:s1+s3], $0x50, $0x38;
	[tilespmem:$0x1DA80] =	vst v63  }
0x2e3: {  	_ =	swait.ge [sflag:s19], $0x50  }
0x2e4: {  	[sflag:s19] =	ssyncset.done $0x0  }
0x2e5: {  	[sflag:s19] =	ssyncadd.s32 $0xFFFFFFB0  }
0x2e6: {  	[tilespmem:s29], [sflag:$0x1] =	stream.indirect.gather [hbm4b:s7+s28], $0x80, s20, s28, $0xb8;
	[tilespmem:$0x1DA80] =	vst v63  }
0x2e7: {  	_ =	swait.ge [sflag:s12], $0x2800  }
0x2e8: {  	[sflag:s12] =	ssyncset.done $0x0  }
0x2e9: {  	[sflag:s12] =	ssyncadd.s32 $0xFFFFD800  }
0x2ea: {  	[spmem:s2] =	stream.indirect.scatter.add.f32 [tilespmem:s31], [sflag:$0x3], $0x80, s14, s28, $0xb8;
	[tilespmem:$0x1DA80] =	vst v63  }
0x2eb: {  	_ =	swait.ge [sflag:s19], $0x2800  }
0x2ec: {  	[sflag:s19] =	ssyncset.done $0x0  }
0x2ed: {  	s4 =	simm.s32 $0x0;
	s16 =	rddreg [dreg:$0x11];
	[sflag:s19] =	ssyncadd.s32 $0xFFFFD800  }
0x2ee: {  	[tilespmem:s30], [sflag:$0x3] =	stream.linear.gather [hbm4b:s16+s4], $0x50, $0x38;
	[tilespmem:$0x1DA80] =	vst v63  }
0x2ef: {  	_ =	swait.ge [sflag:s19], $0x50  }
0x2f0: {  	[sflag:s19] =	ssyncset.done $0x0  }
0x2f1: {  	s21 =	rddreg [dreg:$0x10];
	[sflag:s19] =	ssyncadd.s32 $0xFFFFFFB0  }
0x2f2: {  	[tilespmem:s14], [sflag:$0x3] =	stream.linear.gather [hbm4b:s21+s4], $0x50, $0x38;
	[tilespmem:$0x1DA80] =	vst v63  }
0x2f3: {  	_ =	swait.ge [sflag:s19], $0x50  }
0x2f4: {  	[sflag:s19] =	ssyncset.done $0x0  }
0x2f5: {  	[sflag:s19] =	ssyncadd.s32 $0xFFFFFFB0  }
0x2f6: {  	[tilespmem:s31], [sflag:$0x2] =	stream.indirect.gather [hbm4b:s7+s28], $0x80, s30, s28, $0xb8;
	[tilespmem:$0x1DA80] =	vst v63  }
0x2f7: {  	_ =	swait.ge [sflag:s0], $0x2800  }
0x2f8: {  	[sflag:s0] =	ssyncset.done $0x0  }
0x2f9: {  	[sflag:s0] =	ssyncadd.s32 $0xFFFFD800  }
0x2fa: {  	[spmem:s2] =	stream.indirect.scatter.add.f32 [tilespmem:s29], [sflag:$0x3], $0x80, s22, s28, $0xb8;
	[tilespmem:$0x1DA80] =	vst v63  }
0x2fb: {  	_ =	swait.ge [sflag:s19], $0x2800  }
0x2fc: {  	[sflag:s19] =	ssyncset.done $0x0  }
0x2fd: {  	[sflag:s19] =	ssyncadd.s32 $0xFFFFD800  }
0x2fe: {  	_ =	swait.ge [sflag:s12], $0x2800  }
0x2ff: {  	[sflag:s12] =	ssyncset.done $0x0  }
0x300: {  	[sflag:s12] =	ssyncadd.s32 $0xFFFFD800  }
0x301: {  	[spmem:s2] =	stream.indirect.scatter.add.f32 [tilespmem:s31], [sflag:$0x3], $0x80, s14, s28, $0xb8;
	[tilespmem:$0x1DA80] =	vst v63  }
.Ltmp23:
0x302: {  	_ =	swait.ge [sflag:s19], $0x2800;
	(pc) =	sbr.rel .LBB2_32-.Ltmp23, $3  }
0x303: {  	[sflag:s19] =	ssyncset.done $0x0  }
0x304: {  	[sflag:s19] =	ssyncadd.s32 $0xFFFFD800  }
0x305: {  	[bflag:$0x0] =	sbarrier.arrive $0xFFFF;
	_ =	sdelay $0x1  }
.LBB2_40:
0x306: {  	s4 =	sadd.s32 $0x1, s4  }
0x307: {  	p1 =	sne.s32 s4, $0x8  }
.Ltmp24:
0x308: {  	_ = 	snop;
	(pc) =	sbr.rel @!p1 .LBB2_41-.Ltmp24, $1  }
0x309: {  	_ =	sdelay $0x3  }
.LBB2_32:
0x30a: {  	s1 =	sshll.u32 s4, $0x4  }
0x30b: {  	s9 =	sor.u32 s6, s1  }
0x30c: {  	p1 =	sgt.u32 s9, $0x7C  }
.Ltmp25:
0x30d: {  	_ = 	snop;
	(pc) =	sbr.rel @p1 .LBB2_40-.Ltmp25, $1  }
0x30e: {  	_ =	sdelay $0x3  }
0x30f: {  	s1 =	smul.u32 $0xA000, s9;
	_ =	sdelay $0x1  }
0x310: {  	s1 =	sshra.s32 s1, $0x2  }
0x311: {  	s8 =	sadd.s32 s1, s2  }
0x312: {  	[tilespmem:s17], [sflag:$0x4] =	stream.linear.gather [spmem:s8], $0x2800, $0x38;
	[tilespmem:$0x1DA80] =	vst v63  }
0x313: {  	s1 =	smul.u32 $0x500, s9;
	_ =	swait.ge [sflag:s18], $0x2800  }
0x314: {  	[sflag:s18] =	ssyncset.done $0x0  }
0x315: {  	s16 =	simm.s32 $0x0;
	s10 =	sadd.s32 s11, s1;
	[sflag:s18] =	ssyncadd.s32 $0xFFFFD800  }
0x316: {  	[tilespmem:s15], [sflag:$0x4] =	stream.linear.gather [hbm4b:s10+s16], $0x2800, $0x38;
	[tilespmem:$0x1DA80] =	vst v63  }
0x317: {  	_ =	swait.ge [sflag:s18], $0x2800  }
0x318: {  	[sflag:s18] =	ssyncset.done $0x0  }
0x319: {  	s10 =	simm.s32 $0x0;
	[sflag:s18] =	ssyncadd.s32 $0xFFFFD800  }
0x31a: {  	v2 =	vld [tilespmem:s10+$0x1B280]  }
0x31b: {  	v6 =	vld [tilespmem:s10+$0x18A80]  }
0x31c: {  	v8 =	vld [tilespmem:s10+$0x18A90]  }
0x31d: {  	v7 =	vld [tilespmem:s10+$0x18AA0]  }
0x31e: {  	v5 =	vld [tilespmem:s10+$0x18AB0]  }
0x31f: {  	v3 =	vld [tilespmem:s10+$0x18AC0]  }
0x320: {  	v4 =	vld [tilespmem:s10+$0x18AD0];
	v9 =	vmul.f32 v6, v2  }
0x321: {  	s16 =	simm.s32 $0x200;
	v8 =	vmul.f32 v8, v2;
	v6 =	vld [tilespmem:s10+$0x18AE0]  }
.LBB2_34:
0x322: {  	s21 =	sshra.s32 s16, $0x2;
	p1 =	sne.s32 s16, $0x9E00;
	[tilespmem:s10+$0x18A80] =	vst v9;
	v7 =	vmul.f32 v7, v2;
	v9 =	vld [tilespmem:s10+$0x18AF0]  }
0x323: {  	v10 =	vld [tilespmem:s21+$0x1B280];
	[tilespmem:s10+$0x18A90] =	vst v8;
	v5 =	vmul.f32 v5, v2  }
0x324: {  	v8 =	vld [tilespmem:s21+$0x18A80];
	[tilespmem:s10+$0x18AA0] =	vst v7;
	v3 =	vmul.f32 v3, v2  }
0x325: {  	v11 =	vld [tilespmem:s21+$0x18A90];
	[tilespmem:s10+$0x18AB0] =	vst v5;
	v4 =	vmul.f32 v4, v2  }
.Ltmp26:
0x326: {  	v7 =	vld [tilespmem:s21+$0x18AA0];
	[tilespmem:s10+$0x18AC0] =	vst v3;
	v6 =	vmul.f32 v6, v2;
	(pc) =	sbr.rel @p1 .LBB2_34-.Ltmp26, $4  }
0x327: {  	v5 =	vld [tilespmem:s21+$0x18AB0];
	[tilespmem:s10+$0x18AD0] =	vst v4;
	v12 =	vmul.f32 v9, v2  }
0x328: {  	v3 =	vld [tilespmem:s21+$0x18AC0];
	[tilespmem:s10+$0x18AE0] =	vst v6;
	v2 =	vmov v10  }
0x329: {  	v9 =	vmul.f32 v8, v2;
	v4 =	vld [tilespmem:s21+$0x18AD0];
	[tilespmem:s10+$0x18AF0] =	vst v12;
	s10 =	smov.u32 s21  }
0x32a: {  	s16 =	sadd.s32 $0x200, s16;
	v8 =	vmul.f32 v11, v2;
	v6 =	vld [tilespmem:s10+$0x18AE0]  }
0x32b: {  	[tilespmem:s10+$0x18A80] =	vst v9;
	v7 =	vmul.f32 v7, v2;
	v9 =	vld [tilespmem:s10+$0x18AF0]  }
0x32c: {  	[tilespmem:s10+$0x18A90] =	vst v8;
	v5 =	vmul.f32 v5, v2  }
0x32d: {  	[tilespmem:s10+$0x18AA0] =	vst v7;
	v3 =	vmul.f32 v3, v2  }
0x32e: {  	s9 =	smul.u32 $0x50, s9;
	[tilespmem:s10+$0x18AB0] =	vst v5;
	v4 =	vmul.f32 v4, v2  }
0x32f: {  	[tilespmem:s10+$0x18AC0] =	vst v3;
	v3 =	vmul.f32 v6, v2  }
0x330: {  	s9 =	sadd.s32 s13, s9;
	[tilespmem:s10+$0x18AD0] =	vst v4;
	v2 =	vmul.f32 v9, v2  }
0x331: {  	s16 =	rddreg [dreg:$0x5];
	s9 =	sshll.u32 s9, $0x4;
	[tilespmem:s10+$0x18AE0] =	vst v3  }
0x332: {  	[tilespmem:s10+$0x18AF0] =	vst v2;
	s10 =	sadd.s32 s16, s9;
	s16 =	simm.s32 $0x0  }
0x333: {  	[hbm4b:s10+s16] =	stream.linear.scatter [tilespmem:s17], [sflag:$0x4], $0x2800, $0x38;
	[tilespmem:$0x1DA80] =	vst v63  }
0x334: {  	_ =	swait.ge [sflag:s18], $0x2800  }
0x335: {  	[sflag:s18] =	ssyncset.done $0x0  }
0x336: {  	[sflag:s18] =	ssyncadd.s32 $0xFFFFD800  }
0x337: {  	s21 =	rddreg [dreg:$0x1]  }
0x338: {  	s1 =	sadd.s32 s21, s1  }
0x339: {  	[tilespmem:s15], [sflag:$0x4] =	stream.linear.gather [hbm4b:s1+s16], $0x2800, $0x38;
	[tilespmem:$0x1DA80] =	vst v63  }
0x33a: {  	_ =	swait.ge [sflag:s18], $0x2800  }
0x33b: {  	[sflag:s18] =	ssyncset.done $0x0  }
0x33c: {  	s1 =	simm.s32 $0x0;
	[sflag:s18] =	ssyncadd.s32 $0xFFFFD800  }
0x33d: {  	v2 =	vld [tilespmem:s1+$0x1B280]  }
0x33e: {  	v6 =	vld [tilespmem:s1+$0x18A80]  }
0x33f: {  	v8 =	vld [tilespmem:s1+$0x18A90]  }
0x340: {  	v7 =	vld [tilespmem:s1+$0x18AA0]  }
0x341: {  	v5 =	vld [tilespmem:s1+$0x18AB0]  }
0x342: {  	v3 =	vld [tilespmem:s1+$0x18AC0]  }
0x343: {  	v4 =	vld [tilespmem:s1+$0x18AD0];
	v9 =	vmul.f32 v6, v2  }
0x344: {  	s10 =	simm.s32 $0x200;
	v8 =	vmul.f32 v8, v2;
	v6 =	vld [tilespmem:s1+$0x18AE0]  }
.LBB2_36:
0x345: {  	s16 =	sshra.s32 s10, $0x2;
	p1 =	sne.s32 s10, $0x9E00;
	[tilespmem:s1+$0x18A80] =	vst v9;
	v7 =	vmul.f32 v7, v2;
	v9 =	vld [tilespmem:s1+$0x18AF0]  }
0x346: {  	v10 =	vld [tilespmem:s16+$0x1B280];
	[tilespmem:s1+$0x18A90] =	vst v8;
	v5 =	vmul.f32 v5, v2  }
0x347: {  	v8 =	vld [tilespmem:s16+$0x18A80];
	[tilespmem:s1+$0x18AA0] =	vst v7;
	v3 =	vmul.f32 v3, v2  }
0x348: {  	v11 =	vld [tilespmem:s16+$0x18A90];
	[tilespmem:s1+$0x18AB0] =	vst v5;
	v4 =	vmul.f32 v4, v2  }
.Ltmp27:
0x349: {  	v7 =	vld [tilespmem:s16+$0x18AA0];
	[tilespmem:s1+$0x18AC0] =	vst v3;
	v6 =	vmul.f32 v6, v2;
	(pc) =	sbr.rel @p1 .LBB2_36-.Ltmp27, $4  }
0x34a: {  	v5 =	vld [tilespmem:s16+$0x18AB0];
	[tilespmem:s1+$0x18AD0] =	vst v4;
	v12 =	vmul.f32 v9, v2  }
0x34b: {  	v3 =	vld [tilespmem:s16+$0x18AC0];
	[tilespmem:s1+$0x18AE0] =	vst v6;
	v2 =	vmov v10  }
0x34c: {  	v9 =	vmul.f32 v8, v2;
	v4 =	vld [tilespmem:s16+$0x18AD0];
	[tilespmem:s1+$0x18AF0] =	vst v12;
	s1 =	smov.u32 s16  }
0x34d: {  	s10 =	sadd.s32 $0x200, s10;
	v8 =	vmul.f32 v11, v2;
	v6 =	vld [tilespmem:s1+$0x18AE0]  }
0x34e: {  	[tilespmem:s1+$0x18A80] =	vst v9;
	v7 =	vmul.f32 v7, v2;
	v63 =	vld [tilespmem:s1+$0x18AF0]  }
0x34f: {  	[tilespmem:s1+$0x18A90] =	vst v8;
	v5 =	vmul.f32 v5, v2  }
0x350: {  	[tilespmem:s1+$0x18AA0] =	vst v7;
	v3 =	vmul.f32 v3, v2  }
0x351: {  	[tilespmem:s1+$0x18AB0] =	vst v5;
	v4 =	vmul.f32 v4, v2  }
0x352: {  	[tilespmem:s1+$0x18AC0] =	vst v3;
	v3 =	vmul.f32 v6, v2  }
0x353: {  	[tilespmem:s1+$0x18AD0] =	vst v4;
	v2 =	vmul.f32 v63, v2  }
0x354: {  	[tilespmem:s1+$0x18AE0] =	vst v3  }
0x355: {  	s16 =	sadd.s32 s7, s9;
	s21 =	simm.s32 $0x0;
	[tilespmem:s1+$0x18AF0] =	vst v2  }
0x356: {  	[hbm4b:s16+s21] =	stream.linear.scatter [tilespmem:s17], [sflag:$0x4], $0x2800, $0x38;
	[tilespmem:$0x1DA80] =	vst v63  }
0x357: {  	_ =	swait.ge [sflag:s18], $0x2800  }
0x358: {  	[sflag:s18] =	ssyncset.done $0x0  }
0x359: {  	s9 =	simm.s32 $0x200;
	s1 =	simm.s32 $0x0;
	[sflag:s18] =	ssyncadd.s32 $0xFFFFD800  }
.LBB2_38:
0x35a: {  	p1 =	sne.s32 s9, $0x9E00;
	[tilespmem:s1+$0x18AF0] =	vst v0  }
0x35b: {  	[tilespmem:s1+$0x18A80] =	vst v0  }
0x35c: {  	[tilespmem:s1+$0x18A90] =	vst v0  }
.Ltmp28:
0x35d: {  	[tilespmem:s1+$0x18AA0] =	vst v0;
	(pc) =	sbr.rel @p1 .LBB2_38-.Ltmp28, $4  }
0x35e: {  	[tilespmem:s1+$0x18AB0] =	vst v0  }
0x35f: {  	[tilespmem:s1+$0x18AC0] =	vst v0  }
0x360: {  	[tilespmem:s1+$0x18AD0] =	vst v0  }
0x361: {  	[tilespmem:s1+$0x18AE0] =	vst v0;
	s1 =	sshra.s32 s9, $0x2;
	s9 =	sadd.s32 $0x200, s9  }
0x362: {  	[tilespmem:s1+$0x18AF0] =	vst v0  }
0x363: {  	[tilespmem:s1+$0x18A80] =	vst v0  }
0x364: {  	[tilespmem:s1+$0x18A90] =	vst v0  }
0x365: {  	[tilespmem:s1+$0x18AA0] =	vst v0  }
0x366: {  	[tilespmem:s1+$0x18AB0] =	vst v0  }
0x367: {  	[tilespmem:s1+$0x18AC0] =	vst v0  }
0x368: {  	[tilespmem:s1+$0x18AD0] =	vst v0  }
.Ltmp29:
0x369: {  	[tilespmem:s1+$0x18AE0] =	vst v0;
	(pc) =	sbr.rel .LBB2_40-.Ltmp29, $4  }
0x36a: {  	[spmem:s8] =	stream.linear.scatter [tilespmem:s17], [sflag:$0x3], $0x2800, $0x38;
	[tilespmem:$0x1DA80] =	vst v63  }
0x36b: {  	_ =	swait.ge [sflag:s19], $0x2800  }
0x36c: {  	[sflag:s19] =	ssyncset.done $0x0  }
0x36d: {  	[sflag:s19] =	ssyncadd.s32 $0xFFFFD800  }
.LBB2_41:
0x36e: {  	[bflag:$0x0] =	sbarrier.arrive $0xFFFF  }
0x36f: {  	s1 =	simm.s32 $0x0;
	s4 =	rddreg [dreg:$0xa]  }
0x370: {  	[tilespmem:s20], [sflag:$0x3] =	stream.linear.gather [hbm4b:s4+s1], $0x50, $0x38;
	[tilespmem:$0x1DA80] =	vst v63  }
0x371: {  	_ =	swait.ge [sflag:s19], $0x50  }
0x372: {  	[sflag:s19] =	ssyncset.done $0x0  }
0x373: {  	s8 =	rddreg [dreg:$0x9];
	[sflag:s19] =	ssyncadd.s32 $0xFFFFFFB0  }
0x374: {  	[tilespmem:s22], [sflag:$0x3] =	stream.linear.gather [hbm4b:s8+s1], $0x50, $0x38;
	[tilespmem:$0x1DA80] =	vst v63  }
0x375: {  	_ =	swait.ge [sflag:s19], $0x50  }
0x376: {  	[sflag:s19] =	ssyncset.done $0x0  }
0x377: {  	[sflag:s19] =	ssyncadd.s32 $0xFFFFFFB0  }
0x378: {  	[tilespmem:s29], [sflag:$0x1] =	stream.indirect.gather [hbm4b:s7+s28], $0x80, s20, s28, $0xb8;
	[tilespmem:$0x1DA80] =	vst v63  }
0x379: {  	s9 =	sadd.s32 $0x0, s26  }
0x37a: {  	[tilespmem:s30], [sflag:$0x3] =	stream.linear.gather [hbm4b:s9+s3], $0x50, $0x38;
	[tilespmem:$0x1DA80] =	vst v63  }
0x37b: {  	_ =	swait.ge [sflag:s19], $0x50  }
0x37c: {  	s10 =	sadd.s32 $0x0, s23;
	[sflag:s19] =	ssyncset.done $0x0  }
0x37d: {  	s16 =	sadd.s32 $0xA, s10;
	[sflag:s19] =	ssyncadd.s32 $0xFFFFFFB0  }
0x37e: {  	[tilespmem:s14], [sflag:$0x3] =	stream.linear.gather [hbm4b:s16+s3], $0x50, $0x38;
	[tilespmem:$0x1DA80] =	vst v63  }
0x37f: {  	_ =	swait.ge [sflag:s19], $0x50  }
0x380: {  	[sflag:s19] =	ssyncset.done $0x0  }
0x381: {  	[sflag:s19] =	ssyncadd.s32 $0xFFFFFFB0  }
0x382: {  	[tilespmem:s31], [sflag:$0x2] =	stream.indirect.gather [hbm4b:s7+s28], $0x80, s30, s28, $0xb8;
	[tilespmem:$0x1DA80] =	vst v63  }
0x383: {  	_ =	swait.ge [sflag:s0], $0x2800  }
0x384: {  	[sflag:s0] =	ssyncset.done $0x0  }
0x385: {  	[sflag:s0] =	ssyncadd.s32 $0xFFFFD800  }
0x386: {  	[spmem:s2] =	stream.indirect.scatter.add.f32 [tilespmem:s29], [sflag:$0x3], $0x80, s22, s28, $0xb8;
	[tilespmem:$0x1DA80] =	vst v63  }
0x387: {  	_ =	swait.ge [sflag:s19], $0x2800  }
0x388: {  	[sflag:s19] =	ssyncset.done $0x0  }
0x389: {  	[sflag:s19] =	ssyncadd.s32 $0xFFFFD800  }
0x38a: {  	[tilespmem:s20], [sflag:$0x3] =	stream.linear.gather [hbm4b:s25+s3], $0x50, $0x38;
	[tilespmem:$0x1DA80] =	vst v63  }
0x38b: {  	_ =	swait.ge [sflag:s19], $0x50  }
0x38c: {  	[sflag:s19] =	ssyncset.done $0x0  }
0x38d: {  	s1 =	sadd.s32 $0x14, s10;
	[sflag:s19] =	ssyncadd.s32 $0xFFFFFFB0  }
0x38e: {  	[tilespmem:s22], [sflag:$0x3] =	stream.linear.gather [hbm4b:s1+s3], $0x50, $0x38;
	[tilespmem:$0x1DA80] =	vst v63  }
0x38f: {  	_ =	swait.ge [sflag:s19], $0x50  }
0x390: {  	[sflag:s19] =	ssyncset.done $0x0  }
0x391: {  	[sflag:s19] =	ssyncadd.s32 $0xFFFFFFB0  }
0x392: {  	[tilespmem:s29], [sflag:$0x1] =	stream.indirect.gather [hbm4b:s7+s28], $0x80, s20, s28, $0xb8;
	[tilespmem:$0x1DA80] =	vst v63  }
0x393: {  	_ =	swait.ge [sflag:s12], $0x2800  }
0x394: {  	[sflag:s12] =	ssyncset.done $0x0  }
0x395: {  	[sflag:s12] =	ssyncadd.s32 $0xFFFFD800  }
0x396: {  	[spmem:s2] =	stream.indirect.scatter.add.f32 [tilespmem:s31], [sflag:$0x3], $0x80, s14, s28, $0xb8;
	[tilespmem:$0x1DA80] =	vst v63  }
0x397: {  	_ =	swait.ge [sflag:s19], $0x2800  }
0x398: {  	s9 =	simm.s32 $0x28;
	s21 =	rddreg [dreg:$0x12]  }
0x399: {  	s1 =	simm.s32 $0x14;
	[sflag:s19] =	ssyncset.done $0x0;
	s4 =	sadd.s32 $0xA0, s21  }
.LBB2_42:
0x39a: {  	s10 =	sadd.s32 s1, s26  }
0x39b: {  	[sflag:s19] =	ssyncadd.s32 $0xFFFFD800;
	s16 =	smov.u32 s9;
	s8 =	sadd.s32 $0x14, s9  }
0x39c: {  	[tilespmem:s30], [sflag:$0x3] =	stream.linear.gather [hbm4b:s10+s3], $0x50, $0x38;
	[tilespmem:$0x1DA80] =	vst v63  }
0x39d: {  	p1 =	sne.s32 s9, $0x99C;
	_ =	swait.ge [sflag:s19], $0x50  }
0x39e: {  	s9 =	sadd.s32 s1, s23;
	s1 =	smov.u32 s16;
	[sflag:s19] =	ssyncset.done $0x0  }
0x39f: {  	s10 =	sadd.s32 $0xA, s9;
	[sflag:s19] =	ssyncadd.s32 $0xFFFFFFB0  }
0x3a0: {  	[tilespmem:s14], [sflag:$0x3] =	stream.linear.gather [hbm4b:s10+s3], $0x50, $0x38;
	[tilespmem:$0x1DA80] =	vst v63  }
0x3a1: {  	_ =	swait.ge [sflag:s19], $0x50  }
0x3a2: {  	[sflag:s19] =	ssyncset.done $0x0  }
0x3a3: {  	[sflag:s19] =	ssyncadd.s32 $0xFFFFFFB0  }
0x3a4: {  	[tilespmem:s31], [sflag:$0x2] =	stream.indirect.gather [hbm4b:s7+s28], $0x80, s30, s28, $0xb8;
	[tilespmem:$0x1DA80] =	vst v63  }
0x3a5: {  	_ =	swait.ge [sflag:s0], $0x2800  }
0x3a6: {  	[sflag:s0] =	ssyncset.done $0x0  }
0x3a7: {  	[sflag:s0] =	ssyncadd.s32 $0xFFFFD800  }
0x3a8: {  	[spmem:s2] =	stream.indirect.scatter.add.f32 [tilespmem:s29], [sflag:$0x3], $0x80, s22, s28, $0xb8;
	[tilespmem:$0x1DA80] =	vst v63  }
0x3a9: {  	_ =	swait.ge [sflag:s19], $0x2800  }
0x3aa: {  	s10 =	sshrl.u32 s4, $0x3;
	[sflag:s19] =	ssyncset.done $0x0  }
0x3ab: {  	s10 =	sadd.s32 s5, s10;
	[sflag:s19] =	ssyncadd.s32 $0xFFFFD800  }
0x3ac: {  	[tilespmem:s20], [sflag:$0x3] =	stream.linear.gather [hbm4b:s10+s3], $0x50, $0x38;
	[tilespmem:$0x1DA80] =	vst v63  }
0x3ad: {  	_ =	swait.ge [sflag:s19], $0x50  }
0x3ae: {  	[sflag:s19] =	ssyncset.done $0x0  }
0x3af: {  	s9 =	sadd.s32 $0x14, s9;
	[sflag:s19] =	ssyncadd.s32 $0xFFFFFFB0  }
0x3b0: {  	[tilespmem:s22], [sflag:$0x3] =	stream.linear.gather [hbm4b:s9+s3], $0x50, $0x38;
	[tilespmem:$0x1DA80] =	vst v63  }
0x3b1: {  	_ =	swait.ge [sflag:s19], $0x50  }
0x3b2: {  	[sflag:s19] =	ssyncset.done $0x0  }
0x3b3: {  	[sflag:s19] =	ssyncadd.s32 $0xFFFFFFB0  }
0x3b4: {  	[tilespmem:s29], [sflag:$0x1] =	stream.indirect.gather [hbm4b:s7+s28], $0x80, s20, s28, $0xb8;
	[tilespmem:$0x1DA80] =	vst v63  }
0x3b5: {  	_ =	swait.ge [sflag:s12], $0x2800  }
.Ltmp30:
0x3b6: {  	[sflag:s12] =	ssyncset.done $0x0;
	(pc) =	sbr.rel @p1 .LBB2_42-.Ltmp30, $4  }
0x3b7: {  	[sflag:s12] =	ssyncadd.s32 $0xFFFFD800  }
0x3b8: {  	[spmem:s2] =	stream.indirect.scatter.add.f32 [tilespmem:s31], [sflag:$0x3], $0x80, s14, s28, $0xb8;
	[tilespmem:$0x1DA80] =	vst v63  }
0x3b9: {  	_ =	swait.ge [sflag:s19], $0x2800  }
0x3ba: {  	s4 =	sadd.s32 $0xA0, s4;
	s9 =	smov.u32 s8;
	[sflag:s19] =	ssyncset.done $0x0  }
0x3bb: {  	s8 =	sadd.s32 s1, s26;
	[sflag:s19] =	ssyncadd.s32 $0xFFFFD800  }
0x3bc: {  	[tilespmem:s30], [sflag:$0x3] =	stream.linear.gather [hbm4b:s8+s3], $0x50, $0x38;
	[tilespmem:$0x1DA80] =	vst v63  }
0x3bd: {  	_ =	swait.ge [sflag:s19], $0x50  }
0x3be: {  	s9 =	sadd.s32 s1, s23;
	[sflag:s19] =	ssyncset.done $0x0  }
0x3bf: {  	s10 =	sadd.s32 $0xA, s9;
	[sflag:s19] =	ssyncadd.s32 $0xFFFFFFB0  }
0x3c0: {  	[tilespmem:s14], [sflag:$0x3] =	stream.linear.gather [hbm4b:s10+s3], $0x50, $0x38;
	[tilespmem:$0x1DA80] =	vst v63  }
0x3c1: {  	_ =	swait.ge [sflag:s19], $0x50  }
0x3c2: {  	[sflag:s19] =	ssyncset.done $0x0  }
0x3c3: {  	[sflag:s19] =	ssyncadd.s32 $0xFFFFFFB0  }
0x3c4: {  	[tilespmem:s31], [sflag:$0x2] =	stream.indirect.gather [hbm4b:s7+s28], $0x80, s30, s28, $0xb8;
	[tilespmem:$0x1DA80] =	vst v63  }
0x3c5: {  	_ =	swait.ge [sflag:s0], $0x2800  }
0x3c6: {  	[sflag:s0] =	ssyncset.done $0x0  }
0x3c7: {  	[sflag:s0] =	ssyncadd.s32 $0xFFFFD800  }
0x3c8: {  	[spmem:s2] =	stream.indirect.scatter.add.f32 [tilespmem:s29], [sflag:$0x3], $0x80, s22, s28, $0xb8;
	[tilespmem:$0x1DA80] =	vst v63  }
0x3c9: {  	_ =	swait.ge [sflag:s19], $0x2800  }
0x3ca: {  	s4 =	sshrl.u32 s4, $0x3;
	[sflag:s19] =	ssyncset.done $0x0  }
0x3cb: {  	s4 =	sadd.s32 s5, s4;
	[sflag:s19] =	ssyncadd.s32 $0xFFFFD800  }
0x3cc: {  	[tilespmem:s20], [sflag:$0x3] =	stream.linear.gather [hbm4b:s4+s3], $0x50, $0x38;
	[tilespmem:$0x1DA80] =	vst v63  }
0x3cd: {  	_ =	swait.ge [sflag:s19], $0x50  }
0x3ce: {  	[sflag:s19] =	ssyncset.done $0x0  }
0x3cf: {  	s1 =	sadd.s32 $0x14, s9;
	[sflag:s19] =	ssyncadd.s32 $0xFFFFFFB0  }
0x3d0: {  	[tilespmem:s22], [sflag:$0x3] =	stream.linear.gather [hbm4b:s1+s3], $0x50, $0x38;
	[tilespmem:$0x1DA80] =	vst v63  }
0x3d1: {  	_ =	swait.ge [sflag:s19], $0x50  }
0x3d2: {  	[sflag:s19] =	ssyncset.done $0x0  }
0x3d3: {  	[sflag:s19] =	ssyncadd.s32 $0xFFFFFFB0  }
0x3d4: {  	[tilespmem:s29], [sflag:$0x1] =	stream.indirect.gather [hbm4b:s7+s28], $0x80, s20, s28, $0xb8;
	[tilespmem:$0x1DA80] =	vst v63  }
0x3d5: {  	_ =	swait.ge [sflag:s12], $0x2800  }
0x3d6: {  	[sflag:s12] =	ssyncset.done $0x0  }
0x3d7: {  	[sflag:s12] =	ssyncadd.s32 $0xFFFFD800  }
0x3d8: {  	[spmem:s2] =	stream.indirect.scatter.add.f32 [tilespmem:s31], [sflag:$0x3], $0x80, s14, s28, $0xb8;
	[tilespmem:$0x1DA80] =	vst v63  }
0x3d9: {  	_ =	swait.ge [sflag:s19], $0x2800  }
0x3da: {  	[sflag:s19] =	ssyncset.done $0x0  }
0x3db: {  	s4 =	simm.s32 $0x0;
	s16 =	rddreg [dreg:$0x11];
	[sflag:s19] =	ssyncadd.s32 $0xFFFFD800  }
0x3dc: {  	[tilespmem:s30], [sflag:$0x3] =	stream.linear.gather [hbm4b:s16+s4], $0x50, $0x38;
	[tilespmem:$0x1DA80] =	vst v63  }
0x3dd: {  	_ =	swait.ge [sflag:s19], $0x50  }
0x3de: {  	[sflag:s19] =	ssyncset.done $0x0  }
0x3df: {  	s21 =	rddreg [dreg:$0x10];
	[sflag:s19] =	ssyncadd.s32 $0xFFFFFFB0  }
0x3e0: {  	[tilespmem:s14], [sflag:$0x3] =	stream.linear.gather [hbm4b:s21+s4], $0x50, $0x38;
	[tilespmem:$0x1DA80] =	vst v63  }
0x3e1: {  	_ =	swait.ge [sflag:s19], $0x50  }
0x3e2: {  	[sflag:s19] =	ssyncset.done $0x0  }
0x3e3: {  	[sflag:s19] =	ssyncadd.s32 $0xFFFFFFB0  }
0x3e4: {  	[tilespmem:s31], [sflag:$0x2] =	stream.indirect.gather [hbm4b:s7+s28], $0x80, s30, s28, $0xb8;
	[tilespmem:$0x1DA80] =	vst v63  }
0x3e5: {  	_ =	swait.ge [sflag:s0], $0x2800  }
0x3e6: {  	[sflag:s0] =	ssyncset.done $0x0  }
0x3e7: {  	[sflag:s0] =	ssyncadd.s32 $0xFFFFD800  }
0x3e8: {  	[spmem:s2] =	stream.indirect.scatter.add.f32 [tilespmem:s29], [sflag:$0x3], $0x80, s22, s28, $0xb8;
	[tilespmem:$0x1DA80] =	vst v63  }
0x3e9: {  	_ =	swait.ge [sflag:s19], $0x2800  }
0x3ea: {  	[sflag:s19] =	ssyncset.done $0x0  }
0x3eb: {  	[sflag:s19] =	ssyncadd.s32 $0xFFFFD800  }
0x3ec: {  	_ =	swait.ge [sflag:s12], $0x2800  }
0x3ed: {  	[sflag:s12] =	ssyncset.done $0x0  }
0x3ee: {  	[sflag:s12] =	ssyncadd.s32 $0xFFFFD800  }
0x3ef: {  	[spmem:s2] =	stream.indirect.scatter.add.f32 [tilespmem:s31], [sflag:$0x3], $0x80, s14, s28, $0xb8;
	[tilespmem:$0x1DA80] =	vst v63  }
.Ltmp31:
0x3f0: {  	_ =	swait.ge [sflag:s19], $0x2800;
	(pc) =	sbr.rel .LBB2_44-.Ltmp31, $3  }
0x3f1: {  	[sflag:s19] =	ssyncset.done $0x0  }
0x3f2: {  	[sflag:s19] =	ssyncadd.s32 $0xFFFFD800  }
0x3f3: {  	[bflag:$0x0] =	sbarrier.arrive $0xFFFF;
	_ =	sdelay $0x1  }
.LBB2_52:
0x3f4: {  	s4 =	sadd.s32 $0x1, s4  }
0x3f5: {  	p1 =	sne.s32 s4, $0x8  }
.Ltmp32:
0x3f6: {  	_ = 	snop;
	(pc) =	sbr.rel @!p1 .LBB2_53-.Ltmp32, $1  }
0x3f7: {  	_ =	sdelay $0x3  }
.LBB2_44:
0x3f8: {  	s1 =	sshll.u32 s4, $0x4  }
0x3f9: {  	s9 =	sor.u32 s6, s1  }
0x3fa: {  	p1 =	sgt.u32 s9, $0x7C  }
.Ltmp33:
0x3fb: {  	_ = 	snop;
	(pc) =	sbr.rel @p1 .LBB2_52-.Ltmp33, $1  }
0x3fc: {  	_ =	sdelay $0x3  }
0x3fd: {  	s1 =	smul.u32 $0xA000, s9;
	_ =	sdelay $0x1  }
0x3fe: {  	s1 =	sshra.s32 s1, $0x2  }
0x3ff: {  	s8 =	sadd.s32 s1, s2  }
0x400: {  	[tilespmem:s17], [sflag:$0x4] =	stream.linear.gather [spmem:s8], $0x2800, $0x38;
	[tilespmem:$0x1DA80] =	vst v63  }
0x401: {  	s1 =	smul.u32 $0x500, s9;
	_ =	swait.ge [sflag:s18], $0x2800  }
0x402: {  	[sflag:s18] =	ssyncset.done $0x0  }
0x403: {  	s16 =	simm.s32 $0x0;
	s10 =	sadd.s32 s11, s1;
	[sflag:s18] =	ssyncadd.s32 $0xFFFFD800  }
0x404: {  	[tilespmem:s15], [sflag:$0x4] =	stream.linear.gather [hbm4b:s10+s16], $0x2800, $0x38;
	[tilespmem:$0x1DA80] =	vst v63  }
0x405: {  	_ =	swait.ge [sflag:s18], $0x2800  }
0x406: {  	[sflag:s18] =	ssyncset.done $0x0  }
0x407: {  	s10 =	simm.s32 $0x0;
	[sflag:s18] =	ssyncadd.s32 $0xFFFFD800  }
0x408: {  	v2 =	vld [tilespmem:s10+$0x1B280]  }
0x409: {  	v6 =	vld [tilespmem:s10+$0x18A80]  }
0x40a: {  	v8 =	vld [tilespmem:s10+$0x18A90]  }
0x40b: {  	v7 =	vld [tilespmem:s10+$0x18AA0]  }
0x40c: {  	v5 =	vld [tilespmem:s10+$0x18AB0]  }
0x40d: {  	v3 =	vld [tilespmem:s10+$0x18AC0]  }
0x40e: {  	v4 =	vld [tilespmem:s10+$0x18AD0];
	v9 =	vmul.f32 v6, v2  }
0x40f: {  	s16 =	simm.s32 $0x200;
	v8 =	vmul.f32 v8, v2;
	v6 =	vld [tilespmem:s10+$0x18AE0]  }
.LBB2_46:
0x410: {  	s21 =	sshra.s32 s16, $0x2;
	p1 =	sne.s32 s16, $0x9E00;
	[tilespmem:s10+$0x18A80] =	vst v9;
	v7 =	vmul.f32 v7, v2;
	v9 =	vld [tilespmem:s10+$0x18AF0]  }
0x411: {  	v10 =	vld [tilespmem:s21+$0x1B280];
	[tilespmem:s10+$0x18A90] =	vst v8;
	v5 =	vmul.f32 v5, v2  }
0x412: {  	v8 =	vld [tilespmem:s21+$0x18A80];
	[tilespmem:s10+$0x18AA0] =	vst v7;
	v3 =	vmul.f32 v3, v2  }
0x413: {  	v11 =	vld [tilespmem:s21+$0x18A90];
	[tilespmem:s10+$0x18AB0] =	vst v5;
	v4 =	vmul.f32 v4, v2  }
.Ltmp34:
0x414: {  	v7 =	vld [tilespmem:s21+$0x18AA0];
	[tilespmem:s10+$0x18AC0] =	vst v3;
	v6 =	vmul.f32 v6, v2;
	(pc) =	sbr.rel @p1 .LBB2_46-.Ltmp34, $4  }
0x415: {  	v5 =	vld [tilespmem:s21+$0x18AB0];
	[tilespmem:s10+$0x18AD0] =	vst v4;
	v12 =	vmul.f32 v9, v2  }
0x416: {  	v3 =	vld [tilespmem:s21+$0x18AC0];
	[tilespmem:s10+$0x18AE0] =	vst v6;
	v2 =	vmov v10  }
0x417: {  	v9 =	vmul.f32 v8, v2;
	v4 =	vld [tilespmem:s21+$0x18AD0];
	[tilespmem:s10+$0x18AF0] =	vst v12;
	s10 =	smov.u32 s21  }
0x418: {  	s16 =	sadd.s32 $0x200, s16;
	v8 =	vmul.f32 v11, v2;
	v6 =	vld [tilespmem:s10+$0x18AE0]  }
0x419: {  	[tilespmem:s10+$0x18A80] =	vst v9;
	v7 =	vmul.f32 v7, v2;
	v9 =	vld [tilespmem:s10+$0x18AF0]  }
0x41a: {  	[tilespmem:s10+$0x18A90] =	vst v8;
	v5 =	vmul.f32 v5, v2  }
0x41b: {  	[tilespmem:s10+$0x18AA0] =	vst v7;
	v3 =	vmul.f32 v3, v2  }
0x41c: {  	s9 =	smul.u32 $0x50, s9;
	[tilespmem:s10+$0x18AB0] =	vst v5;
	v4 =	vmul.f32 v4, v2  }
0x41d: {  	[tilespmem:s10+$0x18AC0] =	vst v3;
	v3 =	vmul.f32 v6, v2  }
0x41e: {  	s9 =	sadd.s32 s13, s9;
	[tilespmem:s10+$0x18AD0] =	vst v4;
	v2 =	vmul.f32 v9, v2  }
0x41f: {  	s16 =	rddreg [dreg:$0x6];
	s9 =	sshll.u32 s9, $0x4;
	[tilespmem:s10+$0x18AE0] =	vst v3  }
0x420: {  	[tilespmem:s10+$0x18AF0] =	vst v2;
	s10 =	sadd.s32 s16, s9;
	s16 =	simm.s32 $0x0  }
0x421: {  	[hbm4b:s10+s16] =	stream.linear.scatter [tilespmem:s17], [sflag:$0x4], $0x2800, $0x38;
	[tilespmem:$0x1DA80] =	vst v63  }
0x422: {  	_ =	swait.ge [sflag:s18], $0x2800  }
0x423: {  	[sflag:s18] =	ssyncset.done $0x0  }
0x424: {  	[sflag:s18] =	ssyncadd.s32 $0xFFFFD800  }
0x425: {  	s21 =	rddreg [dreg:$0x1]  }
0x426: {  	s1 =	sadd.s32 s21, s1  }
0x427: {  	[tilespmem:s15], [sflag:$0x4] =	stream.linear.gather [hbm4b:s1+s16], $0x2800, $0x38;
	[tilespmem:$0x1DA80] =	vst v63  }
0x428: {  	_ =	swait.ge [sflag:s18], $0x2800  }
0x429: {  	[sflag:s18] =	ssyncset.done $0x0  }
0x42a: {  	s1 =	simm.s32 $0x0;
	[sflag:s18] =	ssyncadd.s32 $0xFFFFD800  }
0x42b: {  	v2 =	vld [tilespmem:s1+$0x1B280]  }
0x42c: {  	v6 =	vld [tilespmem:s1+$0x18A80]  }
0x42d: {  	v8 =	vld [tilespmem:s1+$0x18A90]  }
0x42e: {  	v7 =	vld [tilespmem:s1+$0x18AA0]  }
0x42f: {  	v5 =	vld [tilespmem:s1+$0x18AB0]  }
0x430: {  	v3 =	vld [tilespmem:s1+$0x18AC0]  }
0x431: {  	v4 =	vld [tilespmem:s1+$0x18AD0];
	v9 =	vmul.f32 v6, v2  }
0x432: {  	s10 =	simm.s32 $0x200;
	v8 =	vmul.f32 v8, v2;
	v6 =	vld [tilespmem:s1+$0x18AE0]  }
.LBB2_48:
0x433: {  	s16 =	sshra.s32 s10, $0x2;
	p1 =	sne.s32 s10, $0x9E00;
	[tilespmem:s1+$0x18A80] =	vst v9;
	v7 =	vmul.f32 v7, v2;
	v9 =	vld [tilespmem:s1+$0x18AF0]  }
0x434: {  	v10 =	vld [tilespmem:s16+$0x1B280];
	[tilespmem:s1+$0x18A90] =	vst v8;
	v5 =	vmul.f32 v5, v2  }
0x435: {  	v8 =	vld [tilespmem:s16+$0x18A80];
	[tilespmem:s1+$0x18AA0] =	vst v7;
	v3 =	vmul.f32 v3, v2  }
0x436: {  	v11 =	vld [tilespmem:s16+$0x18A90];
	[tilespmem:s1+$0x18AB0] =	vst v5;
	v4 =	vmul.f32 v4, v2  }
.Ltmp35:
0x437: {  	v7 =	vld [tilespmem:s16+$0x18AA0];
	[tilespmem:s1+$0x18AC0] =	vst v3;
	v6 =	vmul.f32 v6, v2;
	(pc) =	sbr.rel @p1 .LBB2_48-.Ltmp35, $4  }
0x438: {  	v5 =	vld [tilespmem:s16+$0x18AB0];
	[tilespmem:s1+$0x18AD0] =	vst v4;
	v12 =	vmul.f32 v9, v2  }
0x439: {  	v3 =	vld [tilespmem:s16+$0x18AC0];
	[tilespmem:s1+$0x18AE0] =	vst v6;
	v2 =	vmov v10  }
0x43a: {  	v9 =	vmul.f32 v8, v2;
	v4 =	vld [tilespmem:s16+$0x18AD0];
	[tilespmem:s1+$0x18AF0] =	vst v12;
	s1 =	smov.u32 s16  }
0x43b: {  	s10 =	sadd.s32 $0x200, s10;
	v8 =	vmul.f32 v11, v2;
	v6 =	vld [tilespmem:s1+$0x18AE0]  }
0x43c: {  	[tilespmem:s1+$0x18A80] =	vst v9;
	v7 =	vmul.f32 v7, v2;
	v63 =	vld [tilespmem:s1+$0x18AF0]  }
0x43d: {  	[tilespmem:s1+$0x18A90] =	vst v8;
	v5 =	vmul.f32 v5, v2  }
0x43e: {  	[tilespmem:s1+$0x18AA0] =	vst v7;
	v3 =	vmul.f32 v3, v2  }
0x43f: {  	[tilespmem:s1+$0x18AB0] =	vst v5;
	v4 =	vmul.f32 v4, v2  }
0x440: {  	[tilespmem:s1+$0x18AC0] =	vst v3;
	v3 =	vmul.f32 v6, v2  }
0x441: {  	[tilespmem:s1+$0x18AD0] =	vst v4;
	v2 =	vmul.f32 v63, v2  }
0x442: {  	[tilespmem:s1+$0x18AE0] =	vst v3  }
0x443: {  	s16 =	sadd.s32 s7, s9;
	s21 =	simm.s32 $0x0;
	[tilespmem:s1+$0x18AF0] =	vst v2  }
0x444: {  	[hbm4b:s16+s21] =	stream.linear.scatter [tilespmem:s17], [sflag:$0x4], $0x2800, $0x38;
	[tilespmem:$0x1DA80] =	vst v63  }
0x445: {  	_ =	swait.ge [sflag:s18], $0x2800  }
0x446: {  	[sflag:s18] =	ssyncset.done $0x0  }
0x447: {  	s9 =	simm.s32 $0x200;
	s1 =	simm.s32 $0x0;
	[sflag:s18] =	ssyncadd.s32 $0xFFFFD800  }
.LBB2_50:
0x448: {  	p1 =	sne.s32 s9, $0x9E00;
	[tilespmem:s1+$0x18AF0] =	vst v0  }
0x449: {  	[tilespmem:s1+$0x18A80] =	vst v0  }
0x44a: {  	[tilespmem:s1+$0x18A90] =	vst v0  }
.Ltmp36:
0x44b: {  	[tilespmem:s1+$0x18AA0] =	vst v0;
	(pc) =	sbr.rel @p1 .LBB2_50-.Ltmp36, $4  }
0x44c: {  	[tilespmem:s1+$0x18AB0] =	vst v0  }
0x44d: {  	[tilespmem:s1+$0x18AC0] =	vst v0  }
0x44e: {  	[tilespmem:s1+$0x18AD0] =	vst v0  }
0x44f: {  	[tilespmem:s1+$0x18AE0] =	vst v0;
	s1 =	sshra.s32 s9, $0x2;
	s9 =	sadd.s32 $0x200, s9  }
0x450: {  	[tilespmem:s1+$0x18AF0] =	vst v0  }
0x451: {  	[tilespmem:s1+$0x18A80] =	vst v0  }
0x452: {  	[tilespmem:s1+$0x18A90] =	vst v0  }
0x453: {  	[tilespmem:s1+$0x18AA0] =	vst v0  }
0x454: {  	[tilespmem:s1+$0x18AB0] =	vst v0  }
0x455: {  	[tilespmem:s1+$0x18AC0] =	vst v0  }
0x456: {  	[tilespmem:s1+$0x18AD0] =	vst v0  }
.Ltmp37:
0x457: {  	[tilespmem:s1+$0x18AE0] =	vst v0;
	(pc) =	sbr.rel .LBB2_52-.Ltmp37, $4  }
0x458: {  	[spmem:s8] =	stream.linear.scatter [tilespmem:s17], [sflag:$0x3], $0x2800, $0x38;
	[tilespmem:$0x1DA80] =	vst v63  }
0x459: {  	_ =	swait.ge [sflag:s19], $0x2800  }
0x45a: {  	[sflag:s19] =	ssyncset.done $0x0  }
0x45b: {  	[sflag:s19] =	ssyncadd.s32 $0xFFFFD800  }
.LBB2_53:
0x45c: {  	[bflag:$0x0] =	sbarrier.arrive $0xFFFF  }
0x45d: {  	s1 =	simm.s32 $0x0;
	s4 =	rddreg [dreg:$0xa]  }
0x45e: {  	[tilespmem:s20], [sflag:$0x3] =	stream.linear.gather [hbm4b:s4+s1], $0x50, $0x38;
	[tilespmem:$0x1DA80] =	vst v63  }
0x45f: {  	_ =	swait.ge [sflag:s19], $0x50  }
0x460: {  	[sflag:s19] =	ssyncset.done $0x0  }
0x461: {  	s8 =	rddreg [dreg:$0x9];
	[sflag:s19] =	ssyncadd.s32 $0xFFFFFFB0  }
0x462: {  	[tilespmem:s22], [sflag:$0x3] =	stream.linear.gather [hbm4b:s8+s1], $0x50, $0x38;
	[tilespmem:$0x1DA80] =	vst v63  }
0x463: {  	_ =	swait.ge [sflag:s19], $0x50  }
0x464: {  	[sflag:s19] =	ssyncset.done $0x0  }
0x465: {  	[sflag:s19] =	ssyncadd.s32 $0xFFFFFFB0  }
0x466: {  	[tilespmem:s29], [sflag:$0x1] =	stream.indirect.gather [hbm4b:s7+s28], $0x80, s20, s28, $0xb8;
	[tilespmem:$0x1DA80] =	vst v63  }
0x467: {  	s9 =	sadd.s32 $0x0, s26  }
0x468: {  	[tilespmem:s30], [sflag:$0x3] =	stream.linear.gather [hbm4b:s9+s3], $0x50, $0x38;
	[tilespmem:$0x1DA80] =	vst v63  }
0x469: {  	_ =	swait.ge [sflag:s19], $0x50  }
0x46a: {  	s10 =	sadd.s32 $0x0, s23;
	[sflag:s19] =	ssyncset.done $0x0  }
0x46b: {  	s16 =	sadd.s32 $0xA, s10;
	[sflag:s19] =	ssyncadd.s32 $0xFFFFFFB0  }
0x46c: {  	[tilespmem:s14], [sflag:$0x3] =	stream.linear.gather [hbm4b:s16+s3], $0x50, $0x38;
	[tilespmem:$0x1DA80] =	vst v63  }
0x46d: {  	_ =	swait.ge [sflag:s19], $0x50  }
0x46e: {  	[sflag:s19] =	ssyncset.done $0x0  }
0x46f: {  	[sflag:s19] =	ssyncadd.s32 $0xFFFFFFB0  }
0x470: {  	[tilespmem:s31], [sflag:$0x2] =	stream.indirect.gather [hbm4b:s7+s28], $0x80, s30, s28, $0xb8;
	[tilespmem:$0x1DA80] =	vst v63  }
0x471: {  	_ =	swait.ge [sflag:s0], $0x2800  }
0x472: {  	[sflag:s0] =	ssyncset.done $0x0  }
0x473: {  	[sflag:s0] =	ssyncadd.s32 $0xFFFFD800  }
0x474: {  	[spmem:s2] =	stream.indirect.scatter.add.f32 [tilespmem:s29], [sflag:$0x3], $0x80, s22, s28, $0xb8;
	[tilespmem:$0x1DA80] =	vst v63  }
0x475: {  	_ =	swait.ge [sflag:s19], $0x2800  }
0x476: {  	[sflag:s19] =	ssyncset.done $0x0  }
0x477: {  	[sflag:s19] =	ssyncadd.s32 $0xFFFFD800  }
0x478: {  	[tilespmem:s20], [sflag:$0x3] =	stream.linear.gather [hbm4b:s25+s3], $0x50, $0x38;
	[tilespmem:$0x1DA80] =	vst v63  }
0x479: {  	_ =	swait.ge [sflag:s19], $0x50  }
0x47a: {  	[sflag:s19] =	ssyncset.done $0x0  }
0x47b: {  	s1 =	sadd.s32 $0x14, s10;
	[sflag:s19] =	ssyncadd.s32 $0xFFFFFFB0  }
0x47c: {  	[tilespmem:s22], [sflag:$0x3] =	stream.linear.gather [hbm4b:s1+s3], $0x50, $0x38;
	[tilespmem:$0x1DA80] =	vst v63  }
0x47d: {  	_ =	swait.ge [sflag:s19], $0x50  }
0x47e: {  	[sflag:s19] =	ssyncset.done $0x0  }
0x47f: {  	[sflag:s19] =	ssyncadd.s32 $0xFFFFFFB0  }
0x480: {  	[tilespmem:s29], [sflag:$0x1] =	stream.indirect.gather [hbm4b:s7+s28], $0x80, s20, s28, $0xb8;
	[tilespmem:$0x1DA80] =	vst v63  }
0x481: {  	_ =	swait.ge [sflag:s12], $0x2800  }
0x482: {  	[sflag:s12] =	ssyncset.done $0x0  }
0x483: {  	[sflag:s12] =	ssyncadd.s32 $0xFFFFD800  }
0x484: {  	[spmem:s2] =	stream.indirect.scatter.add.f32 [tilespmem:s31], [sflag:$0x3], $0x80, s14, s28, $0xb8;
	[tilespmem:$0x1DA80] =	vst v63  }
0x485: {  	_ =	swait.ge [sflag:s19], $0x2800  }
0x486: {  	s9 =	simm.s32 $0x28;
	s21 =	rddreg [dreg:$0x12]  }
0x487: {  	s1 =	simm.s32 $0x14;
	[sflag:s19] =	ssyncset.done $0x0;
	s4 =	sadd.s32 $0xA0, s21  }
.LBB2_54:
0x488: {  	s10 =	sadd.s32 s1, s26  }
0x489: {  	[sflag:s19] =	ssyncadd.s32 $0xFFFFD800;
	s16 =	smov.u32 s9;
	s8 =	sadd.s32 $0x14, s9  }
0x48a: {  	[tilespmem:s30], [sflag:$0x3] =	stream.linear.gather [hbm4b:s10+s3], $0x50, $0x38;
	[tilespmem:$0x1DA80] =	vst v63  }
0x48b: {  	p1 =	sne.s32 s9, $0x99C;
	_ =	swait.ge [sflag:s19], $0x50  }
0x48c: {  	s9 =	sadd.s32 s1, s23;
	s1 =	smov.u32 s16;
	[sflag:s19] =	ssyncset.done $0x0  }
0x48d: {  	s10 =	sadd.s32 $0xA, s9;
	[sflag:s19] =	ssyncadd.s32 $0xFFFFFFB0  }
0x48e: {  	[tilespmem:s14], [sflag:$0x3] =	stream.linear.gather [hbm4b:s10+s3], $0x50, $0x38;
	[tilespmem:$0x1DA80] =	vst v63  }
0x48f: {  	_ =	swait.ge [sflag:s19], $0x50  }
0x490: {  	[sflag:s19] =	ssyncset.done $0x0  }
0x491: {  	[sflag:s19] =	ssyncadd.s32 $0xFFFFFFB0  }
0x492: {  	[tilespmem:s31], [sflag:$0x2] =	stream.indirect.gather [hbm4b:s7+s28], $0x80, s30, s28, $0xb8;
	[tilespmem:$0x1DA80] =	vst v63  }
0x493: {  	_ =	swait.ge [sflag:s0], $0x2800  }
0x494: {  	[sflag:s0] =	ssyncset.done $0x0  }
0x495: {  	[sflag:s0] =	ssyncadd.s32 $0xFFFFD800  }
0x496: {  	[spmem:s2] =	stream.indirect.scatter.add.f32 [tilespmem:s29], [sflag:$0x3], $0x80, s22, s28, $0xb8;
	[tilespmem:$0x1DA80] =	vst v63  }
0x497: {  	_ =	swait.ge [sflag:s19], $0x2800  }
0x498: {  	s10 =	sshrl.u32 s4, $0x3;
	[sflag:s19] =	ssyncset.done $0x0  }
0x499: {  	s10 =	sadd.s32 s5, s10;
	[sflag:s19] =	ssyncadd.s32 $0xFFFFD800  }
0x49a: {  	[tilespmem:s20], [sflag:$0x3] =	stream.linear.gather [hbm4b:s10+s3], $0x50, $0x38;
	[tilespmem:$0x1DA80] =	vst v63  }
0x49b: {  	_ =	swait.ge [sflag:s19], $0x50  }
0x49c: {  	[sflag:s19] =	ssyncset.done $0x0  }
0x49d: {  	s9 =	sadd.s32 $0x14, s9;
	[sflag:s19] =	ssyncadd.s32 $0xFFFFFFB0  }
0x49e: {  	[tilespmem:s22], [sflag:$0x3] =	stream.linear.gather [hbm4b:s9+s3], $0x50, $0x38;
	[tilespmem:$0x1DA80] =	vst v63  }
0x49f: {  	_ =	swait.ge [sflag:s19], $0x50  }
0x4a0: {  	[sflag:s19] =	ssyncset.done $0x0  }
0x4a1: {  	[sflag:s19] =	ssyncadd.s32 $0xFFFFFFB0  }
0x4a2: {  	[tilespmem:s29], [sflag:$0x1] =	stream.indirect.gather [hbm4b:s7+s28], $0x80, s20, s28, $0xb8;
	[tilespmem:$0x1DA80] =	vst v63  }
0x4a3: {  	_ =	swait.ge [sflag:s12], $0x2800  }
.Ltmp38:
0x4a4: {  	[sflag:s12] =	ssyncset.done $0x0;
	(pc) =	sbr.rel @p1 .LBB2_54-.Ltmp38, $4  }
0x4a5: {  	[sflag:s12] =	ssyncadd.s32 $0xFFFFD800  }
0x4a6: {  	[spmem:s2] =	stream.indirect.scatter.add.f32 [tilespmem:s31], [sflag:$0x3], $0x80, s14, s28, $0xb8;
	[tilespmem:$0x1DA80] =	vst v63  }
0x4a7: {  	_ =	swait.ge [sflag:s19], $0x2800  }
0x4a8: {  	s4 =	sadd.s32 $0xA0, s4;
	s9 =	smov.u32 s8;
	[sflag:s19] =	ssyncset.done $0x0  }
0x4a9: {  	s8 =	sadd.s32 s1, s26;
	[sflag:s19] =	ssyncadd.s32 $0xFFFFD800  }
0x4aa: {  	[tilespmem:s30], [sflag:$0x3] =	stream.linear.gather [hbm4b:s8+s3], $0x50, $0x38;
	[tilespmem:$0x1DA80] =	vst v63  }
0x4ab: {  	_ =	swait.ge [sflag:s19], $0x50  }
0x4ac: {  	s9 =	sadd.s32 s1, s23;
	[sflag:s19] =	ssyncset.done $0x0  }
0x4ad: {  	s10 =	sadd.s32 $0xA, s9;
	[sflag:s19] =	ssyncadd.s32 $0xFFFFFFB0  }
0x4ae: {  	[tilespmem:s14], [sflag:$0x3] =	stream.linear.gather [hbm4b:s10+s3], $0x50, $0x38;
	[tilespmem:$0x1DA80] =	vst v63  }
0x4af: {  	_ =	swait.ge [sflag:s19], $0x50  }
0x4b0: {  	[sflag:s19] =	ssyncset.done $0x0  }
0x4b1: {  	[sflag:s19] =	ssyncadd.s32 $0xFFFFFFB0  }
0x4b2: {  	[tilespmem:s31], [sflag:$0x2] =	stream.indirect.gather [hbm4b:s7+s28], $0x80, s30, s28, $0xb8;
	[tilespmem:$0x1DA80] =	vst v63  }
0x4b3: {  	_ =	swait.ge [sflag:s0], $0x2800  }
0x4b4: {  	[sflag:s0] =	ssyncset.done $0x0  }
0x4b5: {  	[sflag:s0] =	ssyncadd.s32 $0xFFFFD800  }
0x4b6: {  	[spmem:s2] =	stream.indirect.scatter.add.f32 [tilespmem:s29], [sflag:$0x3], $0x80, s22, s28, $0xb8;
	[tilespmem:$0x1DA80] =	vst v63  }
0x4b7: {  	_ =	swait.ge [sflag:s19], $0x2800  }
0x4b8: {  	s4 =	sshrl.u32 s4, $0x3;
	[sflag:s19] =	ssyncset.done $0x0  }
0x4b9: {  	s4 =	sadd.s32 s5, s4;
	[sflag:s19] =	ssyncadd.s32 $0xFFFFD800  }
0x4ba: {  	[tilespmem:s20], [sflag:$0x3] =	stream.linear.gather [hbm4b:s4+s3], $0x50, $0x38;
	[tilespmem:$0x1DA80] =	vst v63  }
0x4bb: {  	_ =	swait.ge [sflag:s19], $0x50  }
0x4bc: {  	[sflag:s19] =	ssyncset.done $0x0  }
0x4bd: {  	s1 =	sadd.s32 $0x14, s9;
	[sflag:s19] =	ssyncadd.s32 $0xFFFFFFB0  }
0x4be: {  	[tilespmem:s22], [sflag:$0x3] =	stream.linear.gather [hbm4b:s1+s3], $0x50, $0x38;
	[tilespmem:$0x1DA80] =	vst v63  }
0x4bf: {  	_ =	swait.ge [sflag:s19], $0x50  }
0x4c0: {  	[sflag:s19] =	ssyncset.done $0x0  }
0x4c1: {  	[sflag:s19] =	ssyncadd.s32 $0xFFFFFFB0  }
0x4c2: {  	[tilespmem:s29], [sflag:$0x1] =	stream.indirect.gather [hbm4b:s7+s28], $0x80, s20, s28, $0xb8;
	[tilespmem:$0x1DA80] =	vst v63  }
0x4c3: {  	_ =	swait.ge [sflag:s12], $0x2800  }
0x4c4: {  	[sflag:s12] =	ssyncset.done $0x0  }
0x4c5: {  	[sflag:s12] =	ssyncadd.s32 $0xFFFFD800  }
0x4c6: {  	[spmem:s2] =	stream.indirect.scatter.add.f32 [tilespmem:s31], [sflag:$0x3], $0x80, s14, s28, $0xb8;
	[tilespmem:$0x1DA80] =	vst v63  }
0x4c7: {  	_ =	swait.ge [sflag:s19], $0x2800  }
0x4c8: {  	[sflag:s19] =	ssyncset.done $0x0  }
0x4c9: {  	s4 =	simm.s32 $0x0;
	s16 =	rddreg [dreg:$0x11];
	[sflag:s19] =	ssyncadd.s32 $0xFFFFD800  }
0x4ca: {  	[tilespmem:s30], [sflag:$0x3] =	stream.linear.gather [hbm4b:s16+s4], $0x50, $0x38;
	[tilespmem:$0x1DA80] =	vst v63  }
0x4cb: {  	_ =	swait.ge [sflag:s19], $0x50  }
0x4cc: {  	[sflag:s19] =	ssyncset.done $0x0  }
0x4cd: {  	s21 =	rddreg [dreg:$0x10];
	[sflag:s19] =	ssyncadd.s32 $0xFFFFFFB0  }
0x4ce: {  	[tilespmem:s14], [sflag:$0x3] =	stream.linear.gather [hbm4b:s21+s4], $0x50, $0x38;
	[tilespmem:$0x1DA80] =	vst v63  }
0x4cf: {  	_ =	swait.ge [sflag:s19], $0x50  }
0x4d0: {  	[sflag:s19] =	ssyncset.done $0x0  }
0x4d1: {  	[sflag:s19] =	ssyncadd.s32 $0xFFFFFFB0  }
0x4d2: {  	[tilespmem:s31], [sflag:$0x2] =	stream.indirect.gather [hbm4b:s7+s28], $0x80, s30, s28, $0xb8;
	[tilespmem:$0x1DA80] =	vst v63  }
0x4d3: {  	_ =	swait.ge [sflag:s0], $0x2800  }
0x4d4: {  	[sflag:s0] =	ssyncset.done $0x0  }
0x4d5: {  	[sflag:s0] =	ssyncadd.s32 $0xFFFFD800  }
0x4d6: {  	[spmem:s2] =	stream.indirect.scatter.add.f32 [tilespmem:s29], [sflag:$0x3], $0x80, s22, s28, $0xb8;
	[tilespmem:$0x1DA80] =	vst v63  }
0x4d7: {  	_ =	swait.ge [sflag:s19], $0x2800  }
0x4d8: {  	[sflag:s19] =	ssyncset.done $0x0  }
0x4d9: {  	[sflag:s19] =	ssyncadd.s32 $0xFFFFD800  }
0x4da: {  	_ =	swait.ge [sflag:s12], $0x2800  }
0x4db: {  	[sflag:s12] =	ssyncset.done $0x0  }
0x4dc: {  	[sflag:s12] =	ssyncadd.s32 $0xFFFFD800  }
0x4dd: {  	[spmem:s2] =	stream.indirect.scatter.add.f32 [tilespmem:s31], [sflag:$0x3], $0x80, s14, s28, $0xb8;
	[tilespmem:$0x1DA80] =	vst v63  }
.Ltmp39:
0x4de: {  	_ =	swait.ge [sflag:s19], $0x2800;
	(pc) =	sbr.rel .LBB2_56-.Ltmp39, $3  }
0x4df: {  	[sflag:s19] =	ssyncset.done $0x0  }
0x4e0: {  	[sflag:s19] =	ssyncadd.s32 $0xFFFFD800  }
0x4e1: {  	[bflag:$0x0] =	sbarrier.arrive $0xFFFF;
	_ =	sdelay $0x1  }
.LBB2_64:
0x4e2: {  	s4 =	sadd.s32 $0x1, s4  }
0x4e3: {  	p1 =	sne.s32 s4, $0x8  }
.Ltmp40:
0x4e4: {  	_ = 	snop;
	(pc) =	sbr.rel @!p1 .LBB2_65-.Ltmp40, $1  }
0x4e5: {  	_ =	sdelay $0x3  }
.LBB2_56:
0x4e6: {  	s1 =	sshll.u32 s4, $0x4  }
0x4e7: {  	s9 =	sor.u32 s6, s1  }
0x4e8: {  	p1 =	sgt.u32 s9, $0x7C  }
.Ltmp41:
0x4e9: {  	_ = 	snop;
	(pc) =	sbr.rel @p1 .LBB2_64-.Ltmp41, $1  }
0x4ea: {  	_ =	sdelay $0x3  }
0x4eb: {  	s1 =	smul.u32 $0xA000, s9;
	_ =	sdelay $0x1  }
0x4ec: {  	s1 =	sshra.s32 s1, $0x2  }
0x4ed: {  	s8 =	sadd.s32 s1, s2  }
0x4ee: {  	[tilespmem:s17], [sflag:$0x4] =	stream.linear.gather [spmem:s8], $0x2800, $0x38;
	[tilespmem:$0x1DA80] =	vst v63  }
0x4ef: {  	s1 =	smul.u32 $0x500, s9;
	_ =	swait.ge [sflag:s18], $0x2800  }
0x4f0: {  	[sflag:s18] =	ssyncset.done $0x0  }
0x4f1: {  	s16 =	simm.s32 $0x0;
	s10 =	sadd.s32 s11, s1;
	[sflag:s18] =	ssyncadd.s32 $0xFFFFD800  }
0x4f2: {  	[tilespmem:s15], [sflag:$0x4] =	stream.linear.gather [hbm4b:s10+s16], $0x2800, $0x38;
	[tilespmem:$0x1DA80] =	vst v63  }
0x4f3: {  	_ =	swait.ge [sflag:s18], $0x2800  }
0x4f4: {  	[sflag:s18] =	ssyncset.done $0x0  }
0x4f5: {  	s10 =	simm.s32 $0x0;
	[sflag:s18] =	ssyncadd.s32 $0xFFFFD800  }
0x4f6: {  	v2 =	vld [tilespmem:s10+$0x1B280]  }
0x4f7: {  	v6 =	vld [tilespmem:s10+$0x18A80]  }
0x4f8: {  	v8 =	vld [tilespmem:s10+$0x18A90]  }
0x4f9: {  	v7 =	vld [tilespmem:s10+$0x18AA0]  }
0x4fa: {  	v5 =	vld [tilespmem:s10+$0x18AB0]  }
0x4fb: {  	v3 =	vld [tilespmem:s10+$0x18AC0]  }
0x4fc: {  	v4 =	vld [tilespmem:s10+$0x18AD0];
	v9 =	vmul.f32 v6, v2  }
0x4fd: {  	s16 =	simm.s32 $0x200;
	v8 =	vmul.f32 v8, v2;
	v6 =	vld [tilespmem:s10+$0x18AE0]  }
.LBB2_58:
0x4fe: {  	s21 =	sshra.s32 s16, $0x2;
	p1 =	sne.s32 s16, $0x9E00;
	[tilespmem:s10+$0x18A80] =	vst v9;
	v7 =	vmul.f32 v7, v2;
	v9 =	vld [tilespmem:s10+$0x18AF0]  }
0x4ff: {  	v10 =	vld [tilespmem:s21+$0x1B280];
	[tilespmem:s10+$0x18A90] =	vst v8;
	v5 =	vmul.f32 v5, v2  }
0x500: {  	v8 =	vld [tilespmem:s21+$0x18A80];
	[tilespmem:s10+$0x18AA0] =	vst v7;
	v3 =	vmul.f32 v3, v2  }
0x501: {  	v11 =	vld [tilespmem:s21+$0x18A90];
	[tilespmem:s10+$0x18AB0] =	vst v5;
	v4 =	vmul.f32 v4, v2  }
.Ltmp42:
0x502: {  	v7 =	vld [tilespmem:s21+$0x18AA0];
	[tilespmem:s10+$0x18AC0] =	vst v3;
	v6 =	vmul.f32 v6, v2;
	(pc) =	sbr.rel @p1 .LBB2_58-.Ltmp42, $4  }
0x503: {  	v5 =	vld [tilespmem:s21+$0x18AB0];
	[tilespmem:s10+$0x18AD0] =	vst v4;
	v12 =	vmul.f32 v9, v2  }
0x504: {  	v3 =	vld [tilespmem:s21+$0x18AC0];
	[tilespmem:s10+$0x18AE0] =	vst v6;
	v2 =	vmov v10  }
0x505: {  	v9 =	vmul.f32 v8, v2;
	v4 =	vld [tilespmem:s21+$0x18AD0];
	[tilespmem:s10+$0x18AF0] =	vst v12;
	s10 =	smov.u32 s21  }
0x506: {  	s16 =	sadd.s32 $0x200, s16;
	v8 =	vmul.f32 v11, v2;
	v6 =	vld [tilespmem:s10+$0x18AE0]  }
0x507: {  	[tilespmem:s10+$0x18A80] =	vst v9;
	v7 =	vmul.f32 v7, v2;
	v9 =	vld [tilespmem:s10+$0x18AF0]  }
0x508: {  	[tilespmem:s10+$0x18A90] =	vst v8;
	v5 =	vmul.f32 v5, v2  }
0x509: {  	[tilespmem:s10+$0x18AA0] =	vst v7;
	v3 =	vmul.f32 v3, v2  }
0x50a: {  	s9 =	smul.u32 $0x50, s9;
	[tilespmem:s10+$0x18AB0] =	vst v5;
	v4 =	vmul.f32 v4, v2  }
0x50b: {  	[tilespmem:s10+$0x18AC0] =	vst v3;
	v3 =	vmul.f32 v6, v2  }
0x50c: {  	s9 =	sadd.s32 s13, s9;
	[tilespmem:s10+$0x18AD0] =	vst v4;
	v2 =	vmul.f32 v9, v2  }
0x50d: {  	s16 =	rddreg [dreg:$0x7];
	s9 =	sshll.u32 s9, $0x4;
	[tilespmem:s10+$0x18AE0] =	vst v3  }
0x50e: {  	[tilespmem:s10+$0x18AF0] =	vst v2;
	s10 =	sadd.s32 s16, s9;
	s16 =	simm.s32 $0x0  }
0x50f: {  	[hbm4b:s10+s16] =	stream.linear.scatter [tilespmem:s17], [sflag:$0x4], $0x2800, $0x38;
	[tilespmem:$0x1DA80] =	vst v63  }
0x510: {  	_ =	swait.ge [sflag:s18], $0x2800  }
0x511: {  	[sflag:s18] =	ssyncset.done $0x0  }
0x512: {  	[sflag:s18] =	ssyncadd.s32 $0xFFFFD800  }
0x513: {  	s21 =	rddreg [dreg:$0x1]  }
0x514: {  	s1 =	sadd.s32 s21, s1  }
0x515: {  	[tilespmem:s15], [sflag:$0x4] =	stream.linear.gather [hbm4b:s1+s16], $0x2800, $0x38;
	[tilespmem:$0x1DA80] =	vst v63  }
0x516: {  	_ =	swait.ge [sflag:s18], $0x2800  }
0x517: {  	[sflag:s18] =	ssyncset.done $0x0  }
0x518: {  	s1 =	simm.s32 $0x0;
	[sflag:s18] =	ssyncadd.s32 $0xFFFFD800  }
0x519: {  	v2 =	vld [tilespmem:s1+$0x1B280]  }
0x51a: {  	v6 =	vld [tilespmem:s1+$0x18A80]  }
0x51b: {  	v8 =	vld [tilespmem:s1+$0x18A90]  }
0x51c: {  	v7 =	vld [tilespmem:s1+$0x18AA0]  }
0x51d: {  	v5 =	vld [tilespmem:s1+$0x18AB0]  }
0x51e: {  	v3 =	vld [tilespmem:s1+$0x18AC0]  }
0x51f: {  	v4 =	vld [tilespmem:s1+$0x18AD0];
	v9 =	vmul.f32 v6, v2  }
0x520: {  	s10 =	simm.s32 $0x200;
	v8 =	vmul.f32 v8, v2;
	v6 =	vld [tilespmem:s1+$0x18AE0]  }
.LBB2_60:
0x521: {  	s16 =	sshra.s32 s10, $0x2;
	p1 =	sne.s32 s10, $0x9E00;
	[tilespmem:s1+$0x18A80] =	vst v9;
	v7 =	vmul.f32 v7, v2;
	v9 =	vld [tilespmem:s1+$0x18AF0]  }
0x522: {  	v10 =	vld [tilespmem:s16+$0x1B280];
	[tilespmem:s1+$0x18A90] =	vst v8;
	v5 =	vmul.f32 v5, v2  }
0x523: {  	v8 =	vld [tilespmem:s16+$0x18A80];
	[tilespmem:s1+$0x18AA0] =	vst v7;
	v3 =	vmul.f32 v3, v2  }
0x524: {  	v11 =	vld [tilespmem:s16+$0x18A90];
	[tilespmem:s1+$0x18AB0] =	vst v5;
	v4 =	vmul.f32 v4, v2  }
.Ltmp43:
0x525: {  	v7 =	vld [tilespmem:s16+$0x18AA0];
	[tilespmem:s1+$0x18AC0] =	vst v3;
	v6 =	vmul.f32 v6, v2;
	(pc) =	sbr.rel @p1 .LBB2_60-.Ltmp43, $4  }
0x526: {  	v5 =	vld [tilespmem:s16+$0x18AB0];
	[tilespmem:s1+$0x18AD0] =	vst v4;
	v12 =	vmul.f32 v9, v2  }
0x527: {  	v3 =	vld [tilespmem:s16+$0x18AC0];
	[tilespmem:s1+$0x18AE0] =	vst v6;
	v2 =	vmov v10  }
0x528: {  	v9 =	vmul.f32 v8, v2;
	v4 =	vld [tilespmem:s16+$0x18AD0];
	[tilespmem:s1+$0x18AF0] =	vst v12;
	s1 =	smov.u32 s16  }
0x529: {  	s10 =	sadd.s32 $0x200, s10;
	v8 =	vmul.f32 v11, v2;
	v6 =	vld [tilespmem:s1+$0x18AE0]  }
0x52a: {  	[tilespmem:s1+$0x18A80] =	vst v9;
	v7 =	vmul.f32 v7, v2;
	v63 =	vld [tilespmem:s1+$0x18AF0]  }
0x52b: {  	[tilespmem:s1+$0x18A90] =	vst v8;
	v5 =	vmul.f32 v5, v2  }
0x52c: {  	[tilespmem:s1+$0x18AA0] =	vst v7;
	v3 =	vmul.f32 v3, v2  }
0x52d: {  	[tilespmem:s1+$0x18AB0] =	vst v5;
	v4 =	vmul.f32 v4, v2  }
0x52e: {  	[tilespmem:s1+$0x18AC0] =	vst v3;
	v3 =	vmul.f32 v6, v2  }
0x52f: {  	[tilespmem:s1+$0x18AD0] =	vst v4;
	v2 =	vmul.f32 v63, v2  }
0x530: {  	[tilespmem:s1+$0x18AE0] =	vst v3  }
0x531: {  	s16 =	sadd.s32 s7, s9;
	s21 =	simm.s32 $0x0;
	[tilespmem:s1+$0x18AF0] =	vst v2  }
0x532: {  	[hbm4b:s16+s21] =	stream.linear.scatter [tilespmem:s17], [sflag:$0x4], $0x2800, $0x38;
	[tilespmem:$0x1DA80] =	vst v63  }
0x533: {  	_ =	swait.ge [sflag:s18], $0x2800  }
0x534: {  	[sflag:s18] =	ssyncset.done $0x0  }
0x535: {  	s9 =	simm.s32 $0x200;
	s1 =	simm.s32 $0x0;
	[sflag:s18] =	ssyncadd.s32 $0xFFFFD800  }
.LBB2_62:
0x536: {  	p1 =	sne.s32 s9, $0x9E00;
	[tilespmem:s1+$0x18AF0] =	vst v0  }
0x537: {  	[tilespmem:s1+$0x18A80] =	vst v0  }
0x538: {  	[tilespmem:s1+$0x18A90] =	vst v0  }
.Ltmp44:
0x539: {  	[tilespmem:s1+$0x18AA0] =	vst v0;
	(pc) =	sbr.rel @p1 .LBB2_62-.Ltmp44, $4  }
0x53a: {  	[tilespmem:s1+$0x18AB0] =	vst v0  }
0x53b: {  	[tilespmem:s1+$0x18AC0] =	vst v0  }
0x53c: {  	[tilespmem:s1+$0x18AD0] =	vst v0  }
0x53d: {  	[tilespmem:s1+$0x18AE0] =	vst v0;
	s1 =	sshra.s32 s9, $0x2;
	s9 =	sadd.s32 $0x200, s9  }
0x53e: {  	[tilespmem:s1+$0x18AF0] =	vst v0  }
0x53f: {  	[tilespmem:s1+$0x18A80] =	vst v0  }
0x540: {  	[tilespmem:s1+$0x18A90] =	vst v0  }
0x541: {  	[tilespmem:s1+$0x18AA0] =	vst v0  }
0x542: {  	[tilespmem:s1+$0x18AB0] =	vst v0  }
0x543: {  	[tilespmem:s1+$0x18AC0] =	vst v0  }
0x544: {  	[tilespmem:s1+$0x18AD0] =	vst v0  }
.Ltmp45:
0x545: {  	[tilespmem:s1+$0x18AE0] =	vst v0;
	(pc) =	sbr.rel .LBB2_64-.Ltmp45, $4  }
0x546: {  	[spmem:s8] =	stream.linear.scatter [tilespmem:s17], [sflag:$0x3], $0x2800, $0x38;
	[tilespmem:$0x1DA80] =	vst v63  }
0x547: {  	_ =	swait.ge [sflag:s19], $0x2800  }
0x548: {  	[sflag:s19] =	ssyncset.done $0x0  }
0x549: {  	[sflag:s19] =	ssyncadd.s32 $0xFFFFD800  }
.LBB2_65:
0x54a: {  	[bflag:$0x0] =	sbarrier.arrive $0xFFFF  }
0x54b: {  	s1 =	simm.s32 $0x0;
	s4 =	rddreg [dreg:$0xa]  }
0x54c: {  	[tilespmem:s20], [sflag:$0x3] =	stream.linear.gather [hbm4b:s4+s1], $0x50, $0x38;
	[tilespmem:$0x1DA80] =	vst v63  }
0x54d: {  	_ =	swait.ge [sflag:s19], $0x50  }
0x54e: {  	[sflag:s19] =	ssyncset.done $0x0  }
0x54f: {  	s9 =	rddreg [dreg:$0x9];
	[sflag:s19] =	ssyncadd.s32 $0xFFFFFFB0  }
0x550: {  	[tilespmem:s22], [sflag:$0x3] =	stream.linear.gather [hbm4b:s9+s1], $0x50, $0x38;
	[tilespmem:$0x1DA80] =	vst v63  }
0x551: {  	_ =	swait.ge [sflag:s19], $0x50  }
0x552: {  	[sflag:s19] =	ssyncset.done $0x0  }
0x553: {  	[sflag:s19] =	ssyncadd.s32 $0xFFFFFFB0  }
0x554: {  	[tilespmem:s29], [sflag:$0x1] =	stream.indirect.gather [hbm4b:s7+s28], $0x80, s20, s28, $0xb8;
	[tilespmem:$0x1DA80] =	vst v63  }
0x555: {  	s10 =	sadd.s32 $0x0, s26  }
0x556: {  	[tilespmem:s30], [sflag:$0x3] =	stream.linear.gather [hbm4b:s10+s3], $0x50, $0x38;
	[tilespmem:$0x1DA80] =	vst v63  }
0x557: {  	_ =	swait.ge [sflag:s19], $0x50  }
0x558: {  	s16 =	sadd.s32 $0x0, s23;
	[sflag:s19] =	ssyncset.done $0x0  }
0x559: {  	s21 =	sadd.s32 $0xA, s16;
	[sflag:s19] =	ssyncadd.s32 $0xFFFFFFB0  }
0x55a: {  	[tilespmem:s14], [sflag:$0x3] =	stream.linear.gather [hbm4b:s21+s3], $0x50, $0x38;
	[tilespmem:$0x1DA80] =	vst v63  }
0x55b: {  	_ =	swait.ge [sflag:s19], $0x50  }
0x55c: {  	[sflag:s19] =	ssyncset.done $0x0  }
0x55d: {  	[sflag:s19] =	ssyncadd.s32 $0xFFFFFFB0  }
0x55e: {  	[tilespmem:s31], [sflag:$0x2] =	stream.indirect.gather [hbm4b:s7+s28], $0x80, s30, s28, $0xb8;
	[tilespmem:$0x1DA80] =	vst v63  }
0x55f: {  	_ =	swait.ge [sflag:s0], $0x2800  }
0x560: {  	[sflag:s0] =	ssyncset.done $0x0  }
0x561: {  	[sflag:s0] =	ssyncadd.s32 $0xFFFFD800  }
0x562: {  	[spmem:s2] =	stream.indirect.scatter.add.f32 [tilespmem:s29], [sflag:$0x3], $0x80, s22, s28, $0xb8;
	[tilespmem:$0x1DA80] =	vst v63  }
0x563: {  	_ =	swait.ge [sflag:s19], $0x2800  }
0x564: {  	[sflag:s19] =	ssyncset.done $0x0  }
0x565: {  	[sflag:s19] =	ssyncadd.s32 $0xFFFFD800  }
0x566: {  	[tilespmem:s20], [sflag:$0x3] =	stream.linear.gather [hbm4b:s25+s3], $0x50, $0x38;
	[tilespmem:$0x1DA80] =	vst v63  }
0x567: {  	_ =	swait.ge [sflag:s19], $0x50  }
0x568: {  	[sflag:s19] =	ssyncset.done $0x0  }
0x569: {  	s1 =	sadd.s32 $0x14, s16;
	[sflag:s19] =	ssyncadd.s32 $0xFFFFFFB0  }
0x56a: {  	[tilespmem:s22], [sflag:$0x3] =	stream.linear.gather [hbm4b:s1+s3], $0x50, $0x38;
	[tilespmem:$0x1DA80] =	vst v63  }
0x56b: {  	_ =	swait.ge [sflag:s19], $0x50  }
0x56c: {  	[sflag:s19] =	ssyncset.done $0x0  }
0x56d: {  	[sflag:s19] =	ssyncadd.s32 $0xFFFFFFB0  }
0x56e: {  	[tilespmem:s29], [sflag:$0x1] =	stream.indirect.gather [hbm4b:s7+s28], $0x80, s20, s28, $0xb8;
	[tilespmem:$0x1DA80] =	vst v63  }
0x56f: {  	_ =	swait.ge [sflag:s12], $0x2800  }
0x570: {  	[sflag:s12] =	ssyncset.done $0x0  }
0x571: {  	[sflag:s12] =	ssyncadd.s32 $0xFFFFD800  }
0x572: {  	[spmem:s2] =	stream.indirect.scatter.add.f32 [tilespmem:s31], [sflag:$0x3], $0x80, s14, s28, $0xb8;
	[tilespmem:$0x1DA80] =	vst v63  }
0x573: {  	_ =	swait.ge [sflag:s19], $0x2800  }
0x574: {  	s9 =	simm.s32 $0x28;
	s25 =	rddreg [dreg:$0x12]  }
0x575: {  	s1 =	simm.s32 $0x14;
	[sflag:s19] =	ssyncset.done $0x0;
	s4 =	sadd.s32 $0xA0, s25  }
.LBB2_66:
0x576: {  	s10 =	sadd.s32 s1, s26  }
0x577: {  	[sflag:s19] =	ssyncadd.s32 $0xFFFFD800;
	s16 =	smov.u32 s9;
	s8 =	sadd.s32 $0x14, s9  }
0x578: {  	[tilespmem:s30], [sflag:$0x3] =	stream.linear.gather [hbm4b:s10+s3], $0x50, $0x38;
	[tilespmem:$0x1DA80] =	vst v63  }
0x579: {  	p1 =	sne.s32 s9, $0x99C;
	_ =	swait.ge [sflag:s19], $0x50  }
0x57a: {  	s9 =	sadd.s32 s1, s23;
	s1 =	smov.u32 s16;
	[sflag:s19] =	ssyncset.done $0x0  }
0x57b: {  	s10 =	sadd.s32 $0xA, s9;
	[sflag:s19] =	ssyncadd.s32 $0xFFFFFFB0  }
0x57c: {  	[tilespmem:s14], [sflag:$0x3] =	stream.linear.gather [hbm4b:s10+s3], $0x50, $0x38;
	[tilespmem:$0x1DA80] =	vst v63  }
0x57d: {  	_ =	swait.ge [sflag:s19], $0x50  }
0x57e: {  	[sflag:s19] =	ssyncset.done $0x0  }
0x57f: {  	[sflag:s19] =	ssyncadd.s32 $0xFFFFFFB0  }
0x580: {  	[tilespmem:s31], [sflag:$0x2] =	stream.indirect.gather [hbm4b:s7+s28], $0x80, s30, s28, $0xb8;
	[tilespmem:$0x1DA80] =	vst v63  }
0x581: {  	_ =	swait.ge [sflag:s0], $0x2800  }
0x582: {  	[sflag:s0] =	ssyncset.done $0x0  }
0x583: {  	[sflag:s0] =	ssyncadd.s32 $0xFFFFD800  }
0x584: {  	[spmem:s2] =	stream.indirect.scatter.add.f32 [tilespmem:s29], [sflag:$0x3], $0x80, s22, s28, $0xb8;
	[tilespmem:$0x1DA80] =	vst v63  }
0x585: {  	_ =	swait.ge [sflag:s19], $0x2800  }
0x586: {  	s10 =	sshrl.u32 s4, $0x3;
	[sflag:s19] =	ssyncset.done $0x0  }
0x587: {  	s10 =	sadd.s32 s5, s10;
	[sflag:s19] =	ssyncadd.s32 $0xFFFFD800  }
0x588: {  	[tilespmem:s20], [sflag:$0x3] =	stream.linear.gather [hbm4b:s10+s3], $0x50, $0x38;
	[tilespmem:$0x1DA80] =	vst v63  }
0x589: {  	_ =	swait.ge [sflag:s19], $0x50  }
0x58a: {  	[sflag:s19] =	ssyncset.done $0x0  }
0x58b: {  	s9 =	sadd.s32 $0x14, s9;
	[sflag:s19] =	ssyncadd.s32 $0xFFFFFFB0  }
0x58c: {  	[tilespmem:s22], [sflag:$0x3] =	stream.linear.gather [hbm4b:s9+s3], $0x50, $0x38;
	[tilespmem:$0x1DA80] =	vst v63  }
0x58d: {  	_ =	swait.ge [sflag:s19], $0x50  }
0x58e: {  	[sflag:s19] =	ssyncset.done $0x0  }
0x58f: {  	[sflag:s19] =	ssyncadd.s32 $0xFFFFFFB0  }
0x590: {  	[tilespmem:s29], [sflag:$0x1] =	stream.indirect.gather [hbm4b:s7+s28], $0x80, s20, s28, $0xb8;
	[tilespmem:$0x1DA80] =	vst v63  }
0x591: {  	_ =	swait.ge [sflag:s12], $0x2800  }
.Ltmp46:
0x592: {  	[sflag:s12] =	ssyncset.done $0x0;
	(pc) =	sbr.rel @p1 .LBB2_66-.Ltmp46, $4  }
0x593: {  	[sflag:s12] =	ssyncadd.s32 $0xFFFFD800  }
0x594: {  	[spmem:s2] =	stream.indirect.scatter.add.f32 [tilespmem:s31], [sflag:$0x3], $0x80, s14, s28, $0xb8;
	[tilespmem:$0x1DA80] =	vst v63  }
0x595: {  	_ =	swait.ge [sflag:s19], $0x2800  }
0x596: {  	s4 =	sadd.s32 $0xA0, s4;
	s9 =	smov.u32 s8;
	[sflag:s19] =	ssyncset.done $0x0  }
0x597: {  	s8 =	sadd.s32 s1, s26;
	[sflag:s19] =	ssyncadd.s32 $0xFFFFD800  }
0x598: {  	[tilespmem:s30], [sflag:$0x3] =	stream.linear.gather [hbm4b:s8+s3], $0x50, $0x38;
	[tilespmem:$0x1DA80] =	vst v63  }
0x599: {  	_ =	swait.ge [sflag:s19], $0x50  }
0x59a: {  	s10 =	sadd.s32 s1, s23;
	[sflag:s19] =	ssyncset.done $0x0  }
0x59b: {  	s16 =	sadd.s32 $0xA, s10;
	[sflag:s19] =	ssyncadd.s32 $0xFFFFFFB0  }
0x59c: {  	[tilespmem:s14], [sflag:$0x3] =	stream.linear.gather [hbm4b:s16+s3], $0x50, $0x38;
	[tilespmem:$0x1DA80] =	vst v63  }
0x59d: {  	_ =	swait.ge [sflag:s19], $0x50  }
0x59e: {  	[sflag:s19] =	ssyncset.done $0x0  }
0x59f: {  	[sflag:s19] =	ssyncadd.s32 $0xFFFFFFB0  }
0x5a0: {  	[tilespmem:s31], [sflag:$0x2] =	stream.indirect.gather [hbm4b:s7+s28], $0x80, s30, s28, $0xb8;
	[tilespmem:$0x1DA80] =	vst v63  }
0x5a1: {  	_ =	swait.ge [sflag:s0], $0x2800  }
0x5a2: {  	[sflag:s0] =	ssyncset.done $0x0  }
0x5a3: {  	[sflag:s0] =	ssyncadd.s32 $0xFFFFD800  }
0x5a4: {  	[spmem:s2] =	stream.indirect.scatter.add.f32 [tilespmem:s29], [sflag:$0x3], $0x80, s22, s28, $0xb8;
	[tilespmem:$0x1DA80] =	vst v63  }
0x5a5: {  	_ =	swait.ge [sflag:s19], $0x2800  }
0x5a6: {  	s4 =	sshrl.u32 s4, $0x3;
	[sflag:s19] =	ssyncset.done $0x0  }
0x5a7: {  	s4 =	sadd.s32 s5, s4;
	[sflag:s19] =	ssyncadd.s32 $0xFFFFD800  }
0x5a8: {  	[tilespmem:s20], [sflag:$0x3] =	stream.linear.gather [hbm4b:s4+s3], $0x50, $0x38;
	[tilespmem:$0x1DA80] =	vst v63  }
0x5a9: {  	_ =	swait.ge [sflag:s19], $0x50  }
0x5aa: {  	[sflag:s19] =	ssyncset.done $0x0  }
0x5ab: {  	s1 =	sadd.s32 $0x14, s10;
	[sflag:s19] =	ssyncadd.s32 $0xFFFFFFB0  }
0x5ac: {  	[tilespmem:s22], [sflag:$0x3] =	stream.linear.gather [hbm4b:s1+s3], $0x50, $0x38;
	[tilespmem:$0x1DA80] =	vst v63  }
0x5ad: {  	_ =	swait.ge [sflag:s19], $0x50  }
0x5ae: {  	[sflag:s19] =	ssyncset.done $0x0  }
0x5af: {  	[sflag:s19] =	ssyncadd.s32 $0xFFFFFFB0  }
0x5b0: {  	[tilespmem:s29], [sflag:$0x1] =	stream.indirect.gather [hbm4b:s7+s28], $0x80, s20, s28, $0xb8;
	[tilespmem:$0x1DA80] =	vst v63  }
0x5b1: {  	_ =	swait.ge [sflag:s12], $0x2800  }
0x5b2: {  	[sflag:s12] =	ssyncset.done $0x0  }
0x5b3: {  	[sflag:s12] =	ssyncadd.s32 $0xFFFFD800  }
0x5b4: {  	[spmem:s2] =	stream.indirect.scatter.add.f32 [tilespmem:s31], [sflag:$0x3], $0x80, s14, s28, $0xb8;
	[tilespmem:$0x1DA80] =	vst v63  }
0x5b5: {  	_ =	swait.ge [sflag:s19], $0x2800  }
0x5b6: {  	[sflag:s19] =	ssyncset.done $0x0  }
0x5b7: {  	s4 =	simm.s32 $0x0;
	s21 =	rddreg [dreg:$0x11];
	[sflag:s19] =	ssyncadd.s32 $0xFFFFD800  }
0x5b8: {  	[tilespmem:s30], [sflag:$0x3] =	stream.linear.gather [hbm4b:s21+s4], $0x50, $0x38;
	[tilespmem:$0x1DA80] =	vst v63  }
0x5b9: {  	_ =	swait.ge [sflag:s19], $0x50  }
0x5ba: {  	[sflag:s19] =	ssyncset.done $0x0  }
0x5bb: {  	s25 =	rddreg [dreg:$0x10];
	[sflag:s19] =	ssyncadd.s32 $0xFFFFFFB0  }
0x5bc: {  	[tilespmem:s14], [sflag:$0x3] =	stream.linear.gather [hbm4b:s25+s4], $0x50, $0x38;
	[tilespmem:$0x1DA80] =	vst v63  }
0x5bd: {  	_ =	swait.ge [sflag:s19], $0x50  }
0x5be: {  	[sflag:s19] =	ssyncset.done $0x0  }
0x5bf: {  	[sflag:s19] =	ssyncadd.s32 $0xFFFFFFB0  }
0x5c0: {  	[tilespmem:s31], [sflag:$0x2] =	stream.indirect.gather [hbm4b:s7+s28], $0x80, s30, s28, $0xb8;
	[tilespmem:$0x1DA80] =	vst v63  }
0x5c1: {  	_ =	swait.ge [sflag:s0], $0x2800  }
0x5c2: {  	[sflag:s0] =	ssyncset.done $0x0  }
0x5c3: {  	[sflag:s0] =	ssyncadd.s32 $0xFFFFD800  }
0x5c4: {  	[spmem:s2] =	stream.indirect.scatter.add.f32 [tilespmem:s29], [sflag:$0x3], $0x80, s22, s28, $0xb8;
	[tilespmem:$0x1DA80] =	vst v63  }
0x5c5: {  	_ =	swait.ge [sflag:s19], $0x2800  }
0x5c6: {  	[sflag:s19] =	ssyncset.done $0x0  }
0x5c7: {  	[sflag:s19] =	ssyncadd.s32 $0xFFFFD800  }
0x5c8: {  	_ =	swait.ge [sflag:s12], $0x2800  }
0x5c9: {  	[sflag:s12] =	ssyncset.done $0x0  }
0x5ca: {  	[sflag:s12] =	ssyncadd.s32 $0xFFFFD800  }
0x5cb: {  	[spmem:s2] =	stream.indirect.scatter.add.f32 [tilespmem:s31], [sflag:$0x3], $0x80, s14, s28, $0xb8;
	[tilespmem:$0x1DA80] =	vst v63  }
.Ltmp47:
0x5cc: {  	_ =	swait.ge [sflag:s19], $0x2800;
	(pc) =	sbr.rel .LBB2_68-.Ltmp47, $4  }
0x5cd: {  	[sflag:s19] =	ssyncset.done $0x0  }
0x5ce: {  	[sflag:s19] =	ssyncadd.s32 $0xFFFFD800  }
0x5cf: {  	[bflag:$0x0] =	sbarrier.arrive $0xFFFF  }
0x5d0: {  	s25 =	rddreg [dreg:$0xb]  }
.LBB2_72:
0x5d1: {  	s4 =	sadd.s32 $0x1, s4  }
0x5d2: {  	p1 =	sne.s32 s4, $0x8  }
.Ltmp48:
0x5d3: {  	_ = 	snop;
	(pc) =	sbr.rel @!p1 .LBB2_73-.Ltmp48, $1  }
0x5d4: {  	_ =	sdelay $0x3  }
.LBB2_68:
0x5d5: {  	s1 =	sshll.u32 s4, $0x4  }
0x5d6: {  	s1 =	sor.u32 s6, s1  }
0x5d7: {  	p1 =	sgt.u32 s1, $0x7C  }
.Ltmp49:
0x5d8: {  	_ = 	snop;
	(pc) =	sbr.rel @p1 .LBB2_72-.Ltmp49, $1  }
0x5d9: {  	_ =	sdelay $0x3  }
0x5da: {  	s8 =	smul.u32 $0xA000, s1;
	_ =	sdelay $0x1  }
0x5db: {  	s8 =	sshra.s32 s8, $0x2  }
0x5dc: {  	s8 =	sadd.s32 s8, s2  }
0x5dd: {  	[tilespmem:s17], [sflag:$0x4] =	stream.linear.gather [spmem:s8], $0x2800, $0x38;
	[tilespmem:$0x1DA80] =	vst v63  }
0x5de: {  	s1 =	smul.u32 $0x500, s1;
	_ =	swait.ge [sflag:s18], $0x2800  }
0x5df: {  	[sflag:s18] =	ssyncset.done $0x0  }
0x5e0: {  	s9 =	simm.s32 $0x0;
	s21 =	sadd.s32 s11, s1;
	[sflag:s18] =	ssyncadd.s32 $0xFFFFD800  }
0x5e1: {  	[tilespmem:s15], [sflag:$0x4] =	stream.linear.gather [hbm4b:s21+s9], $0x2800, $0x38;
	[tilespmem:$0x1DA80] =	vst v63  }
0x5e2: {  	_ =	swait.ge [sflag:s18], $0x2800  }
0x5e3: {  	[sflag:s18] =	ssyncset.done $0x0  }
0x5e4: {  	s8 =	simm.s32 $0x0;
	[sflag:s18] =	ssyncadd.s32 $0xFFFFD800  }
0x5e5: {  	v2 =	vld [tilespmem:s8+$0x1B280]  }
0x5e6: {  	v6 =	vld [tilespmem:s8+$0x18A80]  }
0x5e7: {  	v8 =	vld [tilespmem:s8+$0x18A90]  }
0x5e8: {  	v7 =	vld [tilespmem:s8+$0x18AA0]  }
0x5e9: {  	v5 =	vld [tilespmem:s8+$0x18AB0]  }
0x5ea: {  	v3 =	vld [tilespmem:s8+$0x18AC0]  }
0x5eb: {  	v4 =	vld [tilespmem:s8+$0x18AD0];
	v9 =	vmul.f32 v6, v2  }
0x5ec: {  	s9 =	simm.s32 $0x200;
	v8 =	vmul.f32 v8, v2;
	v6 =	vld [tilespmem:s8+$0x18AE0]  }
.LBB2_70:
0x5ed: {  	s10 =	sshra.s32 s9, $0x2;
	p1 =	sne.s32 s9, $0x9E00;
	[tilespmem:s8+$0x18A80] =	vst v9;
	v7 =	vmul.f32 v7, v2;
	v9 =	vld [tilespmem:s8+$0x18AF0]  }
0x5ee: {  	v10 =	vld [tilespmem:s10+$0x1B280];
	[tilespmem:s8+$0x18A90] =	vst v8;
	v5 =	vmul.f32 v5, v2  }
0x5ef: {  	v8 =	vld [tilespmem:s10+$0x18A80];
	[tilespmem:s8+$0x18AA0] =	vst v7;
	v3 =	vmul.f32 v3, v2  }
0x5f0: {  	v11 =	vld [tilespmem:s10+$0x18A90];
	[tilespmem:s8+$0x18AB0] =	vst v5;
	v4 =	vmul.f32 v4, v2  }
.Ltmp50:
0x5f1: {  	v7 =	vld [tilespmem:s10+$0x18AA0];
	[tilespmem:s8+$0x18AC0] =	vst v3;
	v6 =	vmul.f32 v6, v2;
	(pc) =	sbr.rel @p1 .LBB2_70-.Ltmp50, $4  }
0x5f2: {  	v5 =	vld [tilespmem:s10+$0x18AB0];
	[tilespmem:s8+$0x18AD0] =	vst v4;
	v12 =	vmul.f32 v9, v2  }
0x5f3: {  	v3 =	vld [tilespmem:s10+$0x18AC0];
	[tilespmem:s8+$0x18AE0] =	vst v6;
	v2 =	vmov v10  }
0x5f4: {  	v9 =	vmul.f32 v8, v2;
	v4 =	vld [tilespmem:s10+$0x18AD0];
	[tilespmem:s8+$0x18AF0] =	vst v12;
	s8 =	smov.u32 s10  }
0x5f5: {  	s9 =	sadd.s32 $0x200, s9;
	v8 =	vmul.f32 v11, v2;
	v6 =	vld [tilespmem:s8+$0x18AE0]  }
0x5f6: {  	[tilespmem:s8+$0x18A80] =	vst v9;
	v7 =	vmul.f32 v7, v2;
	v63 =	vld [tilespmem:s8+$0x18AF0]  }
0x5f7: {  	[tilespmem:s8+$0x18A90] =	vst v8;
	v5 =	vmul.f32 v5, v2  }
0x5f8: {  	[tilespmem:s8+$0x18AA0] =	vst v7;
	v3 =	vmul.f32 v3, v2  }
0x5f9: {  	[tilespmem:s8+$0x18AB0] =	vst v5;
	v4 =	vmul.f32 v4, v2  }
0x5fa: {  	[tilespmem:s8+$0x18AC0] =	vst v3;
	v3 =	vmul.f32 v6, v2  }
0x5fb: {  	[tilespmem:s8+$0x18AD0] =	vst v4;
	v2 =	vmul.f32 v63, v2  }
0x5fc: {  	[tilespmem:s8+$0x18AE0] =	vst v3  }
.Ltmp51:
0x5fd: {  	s1 =	sadd.s32 s25, s1;
	[tilespmem:s8+$0x18AF0] =	vst v2;
	(pc) =	sbr.rel .LBB2_72-.Ltmp51, $4  }
0x5fe: {  	[hbm4b:s1+s3] =	stream.linear.scatter [tilespmem:s17], [sflag:$0x3], $0x2800, $0x38;
	[tilespmem:$0x1DA80] =	vst v63  }
0x5ff: {  	_ =	swait.ge [sflag:s19], $0x2800  }
0x600: {  	[sflag:s19] =	ssyncset.done $0x0  }
0x601: {  	[sflag:s19] =	ssyncadd.s32 $0xFFFFD800  }
.LBB2_74:
0x602: {  	_ =	sfence.sel $0x180000  }
0x603: {  	[bflag:$0x0] =	sbarrier.arrive $0xFFFF  }
0x604: {  	_ =	strace $0x90000047  }
0x605: {  	[bflag:$0x2] =	sbarrier.arrive $0xFFFF  }
0x606: {  	p0 =	sne.s32 s6, $0x0;
	s0 =	rddreg [dreg:$0x3]  }
0x607: {  	s0 =	sadd.s32 @!p0 $0x100000, s0  }
0x608: {  	[sflag:s0] =	ssyncadd.tile.s32 @!p0 $0x1;
	_ =	shalt  }
.Lfunc_end2:
_tile_overlayer_lowered:
.L_overlay_start_2:
0x609: {  	(tag) =	ssettag $0x2  }
0x60a: {  	s0 =	rddreg [dreg:$0x0];
	s2 =	stileid.u32  }
0x60b: {  	s1 =	rddreg [dreg:$0x1];
	p0 =	sne.s32 s2, $0x0  }
0x60c: {  	s3 =	rddreg [dreg:$0x2];
	[bflag:$0x3] =	sbarrier.arrive $0xFFFF;
	s2 =	simm.s32 @!p0 $0x1C03  }
0x60d: {  	[timem:s3], [sflag:s2] =	dma.local @!p0 [hbm:s0], s1  }
0x60e: {  	s0 =	simm.s32 @!p0 $0x3  }
0x60f: {  	_ =	swait.ge @!p0 [sflag:s0], s1  }
0x610: {  	s1 =	ssub.s32 @!p0 $0x0, s1;
	[sflag:s0] =	ssyncset.done @!p0 $0x0  }
0x611: {  	[sflag:s0] =	ssyncadd.s32 @!p0 s1  }
0x612: {  	[bflag:$0x3] =	sbarrier.arrive $0xFFFF  }
0x613: {  	_ =	shalt  }

</sc_bundles>
